<compile_context>
chip_gen: v7x
topology: tpu7x:2x2x1
jax: 0.10.2.dev20260603
libtpu: 0.0.44.dev20260713+nightly
codegen_flags: <defaults>
</compile_context>

<pallas_src>
import functools

import jax
import jax.numpy as jnp
from jax import lax
from jax.experimental import pallas as pl
from jax.experimental.pallas import tpu as pltpu
from jax.experimental.pallas import tpu_sc as plsc

B, S, D = 8, 4096, 1024
NC, NS = 2, 16
NW = NC * NS
ROWS_PER_W = S // NW
CH = 32
NCHUNK = ROWS_PER_W // CH
ZH = 16
PH = 16
SSTRIP = 512
NSTRIP = S // SSTRIP
L = 16


def _body(seg_hbm, table_hbm, out_hbm,
          t0_v, t1_v, z_v, p0_v, p1_v, sg0_v, sg1_v,
          idx0_v, idx1_v, pidx0_v, pidx1_v,
          sem_l, sem_s, sem_w, sem_p, sem_b):
    wid = lax.axis_index("s") * NC + lax.axis_index("c")
    tbufs = [t0_v, t1_v]
    idxbufs = [idx0_v, idx1_v]
    sgbufs = [sg0_v, sg1_v]
    lane = lax.iota(jnp.int32, L)

    def chunk_j0(q):
        return (q * NW + wid) * CH

    def build_idx(ref, j0):
        ref[pl.ds(0, L)] = lane + (j0 + 2)
        ref[pl.ds(L, L)] = lane + (j0 + 2 + L)

    build_idx(idx0_v, chunk_j0(0))
    pltpu.async_copy(table_hbm.at[idx0_v], t0_v, sem_l)
    pltpu.async_copy(seg_hbm.at[:, pl.ds(0, SSTRIP)], sg0_v, sem_s)

    zvec = jnp.zeros((L,), jnp.float32)

    def zrow(r, _):
        def zcol(k, _):
            z_v[r, pl.ds(k * 4 * L, L)] = zvec
            z_v[r, pl.ds((k * 4 + 1) * L, L)] = zvec
            z_v[r, pl.ds((k * 4 + 2) * L, L)] = zvec
            z_v[r, pl.ds((k * 4 + 3) * L, L)] = zvec
            return 0
        return lax.fori_loop(0, D // L // 4, zcol, 0)

    lax.fori_loop(0, ZH, zrow, 0)

    accs = tuple(jnp.zeros((L,), jnp.int32) for _ in range(B))
    for k in range(NSTRIP):
        sg = sgbufs[k % 2]
        pltpu.make_async_copy(
            seg_hbm.at[:, pl.ds(k * SSTRIP, SSTRIP)], sg, sem_s).wait()
        if k + 1 < NSTRIP:
            pltpu.async_copy(
                seg_hbm.at[:, pl.ds((k + 1) * SSTRIP, SSTRIP)],
                sgbufs[(k + 1) % 2], sem_s)

        def red(t, acc):
            return tuple(acc[i] + sg[i, pl.ds(t * L, L)] for i in range(B))

        accs = lax.fori_loop(0, SSTRIP // L, red, accs)
    counts = [jnp.sum(a) for a in accs]

    def drain_bnd(n):
        def w(_, carry):
            pltpu.make_async_copy(p0_v, out_hbm.at[0, pl.ds(0, PH)],
                                  sem_b).wait()
            return carry
        lax.fori_loop(0, n, w, 0)

    bfired = jnp.int32(0)
    for i in range(B):
        c = counts[i]
        g = c // CH
        mine = jnp.logical_and(c % CH != 0, wid == i)

        @pl.when(mine)
        def _():
            j0b = g * CH
            jv0 = lane + j0b
            pidx0_v[pl.ds(0, L)] = jnp.where(jv0 < c, jv0 + 2, 0)
            jv1 = lane + (j0b + PH)
            pidx1_v[pl.ds(0, L)] = jnp.where(jv1 < c, jv1 + 2, 0)
            cp0 = pltpu.async_copy(table_hbm.at[pidx0_v], p0_v, sem_p)
            cp1 = pltpu.async_copy(table_hbm.at[pidx1_v], p1_v, sem_p)
            cp0.wait()
            cp1.wait()
            pltpu.async_copy(p0_v, out_hbm.at[i, pl.ds(j0b, PH)], sem_b)
            pltpu.async_copy(p1_v, out_hbm.at[i, pl.ds(j0b + PH, PH)],
                             sem_b)

        bfired = bfired + jnp.where(mine, 2, 0).astype(jnp.int32)

    def drain_writes(n):
        def w(_, carry):
            pltpu.make_async_copy(z_v, out_hbm.at[0, pl.ds(0, ZH)],
                                  sem_w).wait()
            return carry
        lax.fori_loop(0, n, w, 0)

    fired = jnp.int32(0)
    drained = jnp.int32(0)

    def steal(g, carry):
        f, dr = carry
        j0 = g * CH
        for i in range(B):
            c = counts[i]
            m = (g * B + i) % 144
            zown = jnp.where(m < 64, 2 * (m % 16), 2 * ((m - 64) % 16) + 1)
            cond = jnp.logical_and(j0 >= c, zown == wid)

            @pl.when(cond)
            def _():
                pltpu.async_copy(z_v, out_hbm.at[i, pl.ds(j0, ZH)], sem_w)
                pltpu.async_copy(z_v, out_hbm.at[i, pl.ds(j0 + ZH, ZH)],
                                 sem_w)

            f = f + jnp.where(cond, 2, 0).astype(jnp.int32)
        over = jnp.maximum(f - dr - 40, 0)
        drain_writes(over)
        return (f, dr + over)

    fired, drained = lax.fori_loop(0, S // CH, steal, (fired, drained))

    for q in range(NCHUNK):
        t_v = tbufs[q % 2]
        j0 = chunk_j0(q)
        pltpu.make_async_copy(table_hbm.at[idxbufs[q % 2]], t_v,
                              sem_l).wait()
        if q + 1 < NCHUNK:
            drain_writes(fired - drained)
            drained = fired
            build_idx(idxbufs[(q + 1) % 2], chunk_j0(q + 1))
            pltpu.async_copy(table_hbm.at[idxbufs[(q + 1) % 2]],
                             tbufs[(q + 1) % 2], sem_l)

        for i in range(B):
            c = counts[i]
            full = (j0 + CH) <= c

            @pl.when(full)
            def _():
                pltpu.async_copy(t_v, out_hbm.at[i, pl.ds(j0, CH)], sem_w)

            fired = fired + jnp.where(full, 2, 0).astype(jnp.int32)

    drain_writes(fired - drained)
    drain_bnd(bfired)


@functools.partial(jax.jit, static_argnames=())
def _run(seg, emb_table):
    mesh = plsc.VectorSubcoreMesh(core_axis_name="c", subcore_axis_name="s")
    f = pl.kernel(
        _body,
        out_type=jax.ShapeDtypeStruct((B, S, D), jnp.float32),
        mesh=mesh,
        scratch_types=[
            pltpu.VMEM((CH, D), jnp.float32),
            pltpu.VMEM((CH, D), jnp.float32),
            pltpu.VMEM((ZH, D), jnp.float32),
            pltpu.VMEM((PH, D), jnp.float32),
            pltpu.VMEM((PH, D), jnp.float32),
            pltpu.VMEM((B, SSTRIP), jnp.int32),
            pltpu.VMEM((B, SSTRIP), jnp.int32),
            pltpu.VMEM((CH,), jnp.int32),
            pltpu.VMEM((CH,), jnp.int32),
            pltpu.VMEM((PH,), jnp.int32),
            pltpu.VMEM((PH,), jnp.int32),
            pltpu.SemaphoreType.DMA,
            pltpu.SemaphoreType.DMA,
            pltpu.SemaphoreType.DMA,
            pltpu.SemaphoreType.DMA,
            pltpu.SemaphoreType.DMA,
        ],
        compiler_params=pltpu.CompilerParams(needs_layout_passes=False),
    )
    return f(seg, emb_table)


def kernel(src, seg, emb_table):
    del src
    return _run(seg, emb_table)

# --- scband reference (transcript-rebuilt; emitter-appended) ---
"""Pipeline reference for scband-sinusoidalpos-embedding-76811195122437 (READ-ONLY COPY).

The authoritative reference and input builder live on the scoring server;
editing this copy changes nothing except your own understanding.
"""

import math
import jax, jax.numpy as jnp
import numpy as np

MAX_SEQ_LENGTH = 8192
EMB_SIZE = 1024
PAD_IDX = 0


def _make_table(max_len, emb_size, pad_idx):
    half = emb_size // 2
    value = math.log(10000.0) / (half - 1)
    half_exp = jnp.exp(jnp.arange(half, dtype=jnp.float32) * (-value))
    half_mat = jnp.arange(max_len, dtype=jnp.float32)[:, None] * half_exp[None, :]
    # arrange_sincos_cross = True (non-speech): interleave sin/cos
    emb = jnp.zeros((max_len, emb_size), dtype=jnp.float32)
    emb = emb.at[:, 0::2].set(jnp.sin(half_mat))
    emb = emb.at[:, 1::2].set(jnp.cos(half_mat))
    emb = emb.at[pad_idx, :].set(0.0)
    return emb


def setup_inputs(seed: int = 0) -> dict:
    key = jax.random.key(seed)
    k1, k2 = jax.random.split(key)
    src = jax.random.randint(k1, (8, 4096), 0, 32000, dtype=jnp.int32)
    seg = jax.random.randint(k2, (8, 4096), 0, 2, dtype=jnp.int32)
    emb_table = _make_table(MAX_SEQ_LENGTH, EMB_SIZE, PAD_IDX)
    return {"src": src, "seg": seg, "emb_table": emb_table}


def reference(src, seg, emb_table):
    # seg is not None branch: no_pad_num = seg.sum(dim=-1)
    batch_size, seq_length = seg.shape
    no_pad_num = jnp.sum(seg, axis=-1)  # [B]
    pos = jnp.arange(seq_length, dtype=jnp.int32)  # [S]
    # emb[i, j, :] = emb_table[j + 2] if j < no_pad_num[i] else 0
    gathered = jnp.take(emb_table, pos + 2, axis=0)  # [S, D]
    mask = pos[None, :] < no_pad_num[:, None]  # [B, S]
    out = jnp.where(mask[:, :, None], gathered[None, :, :], 0.0)
    return out

if __name__ == "__main__":
    import jax
    _d = setup_inputs()
    print(jax.jit(kernel)(*tuple(_d.values())))

</pallas_src>

<mosaic_0001>
#map = affine_map<(d0, d1) -> (0, 0)>
#map1 = affine_map<(d0, d1) -> (0, 0, 0)>
module attributes {stable_mosaic.version = 14 : i64} {
  func.func @_body(%arg0: i32, %arg1: i32, %arg2: memref<8x4096xi32, #tpu.memory_space<hbm>>, %arg3: memref<8192x1024xf32, #tpu.memory_space<hbm>>, %arg4: memref<8x4096x1024xf32, #tpu.memory_space<hbm>>, %arg5: memref<32x1024xf32, #tpu.memory_space<vmem>>, %arg6: memref<32x1024xf32, #tpu.memory_space<vmem>>, %arg7: memref<16x1024xf32, #tpu.memory_space<vmem>>, %arg8: memref<16x1024xf32, #tpu.memory_space<vmem>>, %arg9: memref<16x1024xf32, #tpu.memory_space<vmem>>, %arg10: memref<8x512xi32, #tpu.memory_space<vmem>>, %arg11: memref<8x512xi32, #tpu.memory_space<vmem>>, %arg12: memref<32xi32, #tpu.memory_space<vmem>>, %arg13: memref<32xi32, #tpu.memory_space<vmem>>, %arg14: memref<16xi32, #tpu.memory_space<vmem>>, %arg15: memref<16xi32, #tpu.memory_space<vmem>>, %arg16: memref<!tpu.dma_semaphore, #tpu.memory_space<semaphore_mem>>, %arg17: memref<!tpu.dma_semaphore, #tpu.memory_space<semaphore_mem>>, %arg18: memref<!tpu.dma_semaphore, #tpu.memory_space<semaphore_mem>>, %arg19: memref<!tpu.dma_semaphore, #tpu.memory_space<semaphore_mem>>, %arg20: memref<!tpu.dma_semaphore, #tpu.memory_space<semaphore_mem>>) attributes {dimension_semantics = [#tpu.dimension_semantics<core_parallel>, #tpu.dimension_semantics<subcore_parallel>], iteration_bounds = array<i64: 2, 16>, scalar_prefetch = 0 : i64, scratch_operands = 16 : i64, tpu.core_type = #tpu.core_type<sc_vector_subcore>, window_params = [{transform_indices = #map}, {transform_indices = #map}, {transform_indices = #map1}]} {
    %mul3A = arith.constant 2 : i32
    %mul3A_0 = arith.muli %arg1, %mul3A : i32
    %add3A = arith.addi %mul3A_0, %arg0 : i32
    %iota3A = tpu.iota {dimensions = array<i32: 0>} : vector<16xi32>
    %add3A_1 = arith.constant 0 : i32
    %add3A_2 = arith.addi %add3A_1, %add3A : i32
    %mul3A_3 = arith.constant 32 : i32
    %mul3A_4 = arith.muli %add3A_2, %mul3A_3 : i32
    %add3A_5 = arith.constant 2 : i32
    %add3A_6 = arith.addi %mul3A_4, %add3A_5 : i32
    %add3A_7 = vector.broadcast %add3A_6 : i32 to vector<16xi32>
    %add3A_8 = arith.addi %iota3A, %add3A_7 : vector<16xi32>
    %swap3A = arith.constant 0 : index
    %swap3A_9 = tpu.vector_load %arg12[%swap3A] {strides = array<i32>} : memref<32xi32, #tpu.memory_space<vmem>>, vector<16xi32>,
    tpu.vector_store %arg12[%swap3A], %add3A_8 {strides = array<i32>} : memref<32xi32, #tpu.memory_space<vmem>>, vector<16xi32>,
    %add3A_10 = arith.constant 2 : i32
    %add3A_11 = arith.addi %mul3A_4, %add3A_10 : i32
    %add3A_12 = arith.constant 16 : i32
    %add3A_13 = arith.addi %add3A_11, %add3A_12 : i32
    %add3A_14 = vector.broadcast %add3A_13 : i32 to vector<16xi32>
    %add3A_15 = arith.addi %iota3A, %add3A_14 : vector<16xi32>
    %swap3A_16 = arith.constant 16 : index
    %swap3A_17 = tpu.vector_load %arg12[%swap3A_16] {strides = array<i32>} : memref<32xi32, #tpu.memory_space<vmem>>, vector<16xi32>,
    tpu.vector_store %arg12[%swap3A_16], %add3A_15 {strides = array<i32>} : memref<32xi32, #tpu.memory_space<vmem>>, vector<16xi32>,
    %dma_start3A = arith.constant 0 : i32
    %dma_start3A_18 = arith.constant 0 : i32
    %dma_start3A_19 = tpu.memref_slice %arg3[%dma_start3A, %dma_start3A_18] : memref<8192x1024xf32, #tpu.memory_space<hbm>> -> memref<8192x1024xf32, #tpu.memory_space<hbm>>
    tpu.enqueue_indirect_dma source(%dma_start3A_19 : memref<8192x1024xf32, #tpu.memory_space<hbm>>) target(%arg5 : memref<32x1024xf32, #tpu.memory_space<vmem>>) offsets(%arg12 : memref<32xi32, #tpu.memory_space<vmem>>) semaphore(%arg16 : memref<!tpu.dma_semaphore, #tpu.memory_space<semaphore_mem>>)
    %dma_start3A_20 = arith.constant 0 : i32
    %dma_start3A_21 = arith.constant 0 : i32
    %dma_start3A_22 = tpu.memref_slice %arg2[%dma_start3A_20, %dma_start3A_21] : memref<8x4096xi32, #tpu.memory_space<hbm>> -> memref<8x512xi32, #tpu.memory_space<hbm>>
    %dma_start3A_23 = arith.constant 0 : i32
    %dma_start3A_24 = arith.constant 0 : i32
    %dma_start3A_25 = tpu.memref_slice %arg2[%dma_start3A_23, %dma_start3A_24] : memref<8x4096xi32, #tpu.memory_space<hbm>> -> memref<8x512xi32, #tpu.memory_space<hbm>>
    tpu.enqueue_dma source(%dma_start3A_25 : memref<8x512xi32, #tpu.memory_space<hbm>>) target(%arg10 : memref<8x512xi32, #tpu.memory_space<vmem>>) target_semaphore(%arg17 : memref<!tpu.dma_semaphore, #tpu.memory_space<semaphore_mem>>)
    %broadcast_in_dim3A = arith.constant 0.000000e+00 : f32
    %broadcast_in_dim3A_26 = vector.broadcast %broadcast_in_dim3A : f32 to vector<16xf32>
    %scan3A = arith.constant 0 : i32
    %scan3A_27 = arith.constant 0 : i32
    %scan3A_28 = arith.constant 16 : i32
    %scan3A_29 = arith.addi %scan3A_27, %scan3A_28 : i32
    %scan3A_30 = arith.constant 1 : i32
    %scan3A_31 = scf.for %scan3A_1093 = %scan3A_27 to %scan3A_29 step %scan3A_30 iter_args(%scan3A_1094 = %scan3A) -> (i32)  : i32 {
      %scan3A_1095 = arith.constant 0 : i32
      %scan3A_1096 = arith.constant 0 : i32
      %scan3A_1097 = arith.constant 16 : i32
      %scan3A_1098 = arith.addi %scan3A_1096, %scan3A_1097 : i32
      %scan3A_1099 = arith.constant 1 : i32
      %scan3A_1100 = scf.for %scan3A_1102 = %scan3A_1096 to %scan3A_1098 step %scan3A_1099 iter_args(%scan3A_1103 = %scan3A_1095) -> (i32)  : i32 {
        %mul3A_1104 = arith.constant 4 : i32
        %mul3A_1105 = arith.muli %scan3A_1102, %mul3A_1104 : i32
        %mul3A_1106 = arith.constant 16 : i32
        %mul3A_1107 = arith.muli %mul3A_1105, %mul3A_1106 : i32
        %swap3A_1108 = arith.index_cast %scan3A_1093 : i32 to index
        %swap3A_1109 = arith.index_cast %mul3A_1107 : i32 to index
        %swap3A_1110 = tpu.vector_load %arg7[%swap3A_1108, %swap3A_1109] {strides = array<i32>} : memref<16x1024xf32, #tpu.memory_space<vmem>>, vector<16xf32>,
        tpu.vector_store %arg7[%swap3A_1108, %swap3A_1109], %broadcast_in_dim3A_26 {strides = array<i32>} : memref<16x1024xf32, #tpu.memory_space<vmem>>, vector<16xf32>,
        %mul3A_1111 = arith.constant 4 : i32
        %mul3A_1112 = arith.muli %scan3A_1102, %mul3A_1111 : i32
        %add3A_1113 = arith.constant 1 : i32
        %add3A_1114 = arith.addi %mul3A_1112, %add3A_1113 : i32
        %mul3A_1115 = arith.constant 16 : i32
        %mul3A_1116 = arith.muli %add3A_1114, %mul3A_1115 : i32
        %swap3A_1117 = arith.index_cast %scan3A_1093 : i32 to index
        %swap3A_1118 = arith.index_cast %mul3A_1116 : i32 to index
        %swap3A_1119 = tpu.vector_load %arg7[%swap3A_1117, %swap3A_1118] {strides = array<i32>} : memref<16x1024xf32, #tpu.memory_space<vmem>>, vector<16xf32>,
        tpu.vector_store %arg7[%swap3A_1117, %swap3A_1118], %broadcast_in_dim3A_26 {strides = array<i32>} : memref<16x1024xf32, #tpu.memory_space<vmem>>, vector<16xf32>,
        %mul3A_1120 = arith.constant 4 : i32
        %mul3A_1121 = arith.muli %scan3A_1102, %mul3A_1120 : i32
        %add3A_1122 = arith.constant 2 : i32
        %add3A_1123 = arith.addi %mul3A_1121, %add3A_1122 : i32
        %mul3A_1124 = arith.constant 16 : i32
        %mul3A_1125 = arith.muli %add3A_1123, %mul3A_1124 : i32
        %swap3A_1126 = arith.index_cast %scan3A_1093 : i32 to index
        %swap3A_1127 = arith.index_cast %mul3A_1125 : i32 to index
        %swap3A_1128 = tpu.vector_load %arg7[%swap3A_1126, %swap3A_1127] {strides = array<i32>} : memref<16x1024xf32, #tpu.memory_space<vmem>>, vector<16xf32>,
        tpu.vector_store %arg7[%swap3A_1126, %swap3A_1127], %broadcast_in_dim3A_26 {strides = array<i32>} : memref<16x1024xf32, #tpu.memory_space<vmem>>, vector<16xf32>,
        %mul3A_1129 = arith.constant 4 : i32
        %mul3A_1130 = arith.muli %scan3A_1102, %mul3A_1129 : i32
        %add3A_1131 = arith.constant 3 : i32
        %add3A_1132 = arith.addi %mul3A_1130, %add3A_1131 : i32
        %mul3A_1133 = arith.constant 16 : i32
        %mul3A_1134 = arith.muli %add3A_1132, %mul3A_1133 : i32
        %swap3A_1135 = arith.index_cast %scan3A_1093 : i32 to index
        %swap3A_1136 = arith.index_cast %mul3A_1134 : i32 to index
        %swap3A_1137 = tpu.vector_load %arg7[%swap3A_1135, %swap3A_1136] {strides = array<i32>} : memref<16x1024xf32, #tpu.memory_space<vmem>>, vector<16xf32>,
        tpu.vector_store %arg7[%swap3A_1135, %swap3A_1136], %broadcast_in_dim3A_26 {strides = array<i32>} : memref<16x1024xf32, #tpu.memory_space<vmem>>, vector<16xf32>,
        %scan3A_1138 = arith.constant 0 : i32
        scf.yield %scan3A_1138 : i32
      }
      %scan3A_1101 = arith.constant 16 : i32
      scf.yield %scan3A_1100 : i32
    }
    %scan3A_32 = arith.constant 16 : i32
    %broadcast_in_dim3A_33 = arith.constant 0 : i32
    %broadcast_in_dim3A_34 = vector.broadcast %broadcast_in_dim3A_33 : i32 to vector<16xi32>
    %broadcast_in_dim3A_35 = arith.constant 0 : i32
    %broadcast_in_dim3A_36 = vector.broadcast %broadcast_in_dim3A_35 : i32 to vector<16xi32>
    %broadcast_in_dim3A_37 = arith.constant 0 : i32
    %broadcast_in_dim3A_38 = vector.broadcast %broadcast_in_dim3A_37 : i32 to vector<16xi32>
    %broadcast_in_dim3A_39 = arith.constant 0 : i32
    %broadcast_in_dim3A_40 = vector.broadcast %broadcast_in_dim3A_39 : i32 to vector<16xi32>
    %broadcast_in_dim3A_41 = arith.constant 0 : i32
    %broadcast_in_dim3A_42 = vector.broadcast %broadcast_in_dim3A_41 : i32 to vector<16xi32>
    %broadcast_in_dim3A_43 = arith.constant 0 : i32
    %broadcast_in_dim3A_44 = vector.broadcast %broadcast_in_dim3A_43 : i32 to vector<16xi32>
    %broadcast_in_dim3A_45 = arith.constant 0 : i32
    %broadcast_in_dim3A_46 = vector.broadcast %broadcast_in_dim3A_45 : i32 to vector<16xi32>
    %broadcast_in_dim3A_47 = arith.constant 0 : i32
    %broadcast_in_dim3A_48 = vector.broadcast %broadcast_in_dim3A_47 : i32 to vector<16xi32>
    %dma_wait3A = arith.constant 0 : i32
    %dma_wait3A_49 = arith.constant 0 : i32
    %dma_wait3A_50 = tpu.memref_slice %arg2[%dma_wait3A, %dma_wait3A_49] : memref<8x4096xi32, #tpu.memory_space<hbm>> -> memref<8x512xi32, #tpu.memory_space<hbm>>
    %dma_wait3A_51 = arith.constant 0 : i32
    %dma_wait3A_52 = arith.constant 0 : i32
    %dma_wait3A_53 = tpu.memref_slice %arg2[%dma_wait3A_51, %dma_wait3A_52] : memref<8x4096xi32, #tpu.memory_space<hbm>> -> memref<8x512xi32, #tpu.memory_space<hbm>>
    tpu.wait_dma2 semaphore(%arg17 : memref<!tpu.dma_semaphore, #tpu.memory_space<semaphore_mem>>) src(%dma_wait3A_53 : memref<8x512xi32, #tpu.memory_space<hbm>>) dst(%arg10 : memref<8x512xi32, #tpu.memory_space<vmem>>)
    %dma_start3A_54 = arith.constant 0 : i32
    %dma_start3A_55 = arith.constant 512 : i32
    %dma_start3A_56 = tpu.memref_slice %arg2[%dma_start3A_54, %dma_start3A_55] : memref<8x4096xi32, #tpu.memory_space<hbm>> -> memref<8x512xi32, #tpu.memory_space<hbm>>
    %dma_start3A_57 = arith.constant 0 : i32
    %dma_start3A_58 = arith.constant 512 : i32
    %dma_start3A_59 = tpu.memref_slice %arg2[%dma_start3A_57, %dma_start3A_58] : memref<8x4096xi32, #tpu.memory_space<hbm>> -> memref<8x512xi32, #tpu.memory_space<hbm>>
    tpu.enqueue_dma source(%dma_start3A_59 : memref<8x512xi32, #tpu.memory_space<hbm>>) target(%arg11 : memref<8x512xi32, #tpu.memory_space<vmem>>) target_semaphore(%arg17 : memref<!tpu.dma_semaphore, #tpu.memory_space<semaphore_mem>>)
    %scan3A_60 = arith.constant 0 : i32
    %scan3A_61 = arith.constant 32 : i32
    %scan3A_62 = arith.addi %scan3A_60, %scan3A_61 : i32
    %scan3A_63 = arith.constant 1 : i32
    %scan3A_64:8 = scf.for %scan3A_1093 = %scan3A_60 to %scan3A_62 step %scan3A_63 iter_args(%scan3A_1094 = %broadcast_in_dim3A_34, %scan3A_1095 = %broadcast_in_dim3A_36, %scan3A_1096 = %broadcast_in_dim3A_38, %scan3A_1097 = %broadcast_in_dim3A_40, %scan3A_1098 = %broadcast_in_dim3A_42, %scan3A_1099 = %broadcast_in_dim3A_44, %scan3A_1100 = %broadcast_in_dim3A_46, %scan3A_1101 = %broadcast_in_dim3A_48) -> (vector<16xi32>, vector<16xi32>, vector<16xi32>, vector<16xi32>, vector<16xi32>, vector<16xi32>, vector<16xi32>, vector<16xi32>)  : i32 {
      %mul3A_1102 = arith.constant 16 : i32
      %mul3A_1103 = arith.muli %scan3A_1093, %mul3A_1102 : i32
      %get3A = arith.constant 0 : i32
      %get3A_1104 = arith.index_cast %get3A : i32 to index
      %get3A_1105 = arith.index_cast %mul3A_1103 : i32 to index
      %get3A_1106 = tpu.vector_load %arg10[%get3A_1104, %get3A_1105] {strides = array<i32>} : memref<8x512xi32, #tpu.memory_space<vmem>>, vector<16xi32>,
      %add3A_1107 = arith.addi %scan3A_1094, %get3A_1106 : vector<16xi32>
      %mul3A_1108 = arith.constant 16 : i32
      %mul3A_1109 = arith.muli %scan3A_1093, %mul3A_1108 : i32
      %get3A_1110 = arith.constant 1 : i32
      %get3A_1111 = arith.index_cast %get3A_1110 : i32 to index
      %get3A_1112 = arith.index_cast %mul3A_1109 : i32 to index
      %get3A_1113 = tpu.vector_load %arg10[%get3A_1111, %get3A_1112] {strides = array<i32>} : memref<8x512xi32, #tpu.memory_space<vmem>>, vector<16xi32>,
      %add3A_1114 = arith.addi %scan3A_1095, %get3A_1113 : vector<16xi32>
      %mul3A_1115 = arith.constant 16 : i32
      %mul3A_1116 = arith.muli %scan3A_1093, %mul3A_1115 : i32
      %get3A_1117 = arith.constant 2 : i32
      %get3A_1118 = arith.index_cast %get3A_1117 : i32 to index
      %get3A_1119 = arith.index_cast %mul3A_1116 : i32 to index
      %get3A_1120 = tpu.vector_load %arg10[%get3A_1118, %get3A_1119] {strides = array<i32>} : memref<8x512xi32, #tpu.memory_space<vmem>>, vector<16xi32>,
      %add3A_1121 = arith.addi %scan3A_1096, %get3A_1120 : vector<16xi32>
      %mul3A_1122 = arith.constant 16 : i32
      %mul3A_1123 = arith.muli %scan3A_1093, %mul3A_1122 : i32
      %get3A_1124 = arith.constant 3 : i32
      %get3A_1125 = arith.index_cast %get3A_1124 : i32 to index
      %get3A_1126 = arith.index_cast %mul3A_1123 : i32 to index
      %get3A_1127 = tpu.vector_load %arg10[%get3A_1125, %get3A_1126] {strides = array<i32>} : memref<8x512xi32, #tpu.memory_space<vmem>>, vector<16xi32>,
      %add3A_1128 = arith.addi %scan3A_1097, %get3A_1127 : vector<16xi32>
      %mul3A_1129 = arith.constant 16 : i32
      %mul3A_1130 = arith.muli %scan3A_1093, %mul3A_1129 : i32
      %get3A_1131 = arith.constant 4 : i32
      %get3A_1132 = arith.index_cast %get3A_1131 : i32 to index
      %get3A_1133 = arith.index_cast %mul3A_1130 : i32 to index
      %get3A_1134 = tpu.vector_load %arg10[%get3A_1132, %get3A_1133] {strides = array<i32>} : memref<8x512xi32, #tpu.memory_space<vmem>>, vector<16xi32>,
      %add3A_1135 = arith.addi %scan3A_1098, %get3A_1134 : vector<16xi32>
      %mul3A_1136 = arith.constant 16 : i32
      %mul3A_1137 = arith.muli %scan3A_1093, %mul3A_1136 : i32
      %get3A_1138 = arith.constant 5 : i32
      %get3A_1139 = arith.index_cast %get3A_1138 : i32 to index
      %get3A_1140 = arith.index_cast %mul3A_1137 : i32 to index
      %get3A_1141 = tpu.vector_load %arg10[%get3A_1139, %get3A_1140] {strides = array<i32>} : memref<8x512xi32, #tpu.memory_space<vmem>>, vector<16xi32>,
      %add3A_1142 = arith.addi %scan3A_1099, %get3A_1141 : vector<16xi32>
      %mul3A_1143 = arith.constant 16 : i32
      %mul3A_1144 = arith.muli %scan3A_1093, %mul3A_1143 : i32
      %get3A_1145 = arith.constant 6 : i32
      %get3A_1146 = arith.index_cast %get3A_1145 : i32 to index
      %get3A_1147 = arith.index_cast %mul3A_1144 : i32 to index
      %get3A_1148 = tpu.vector_load %arg10[%get3A_1146, %get3A_1147] {strides = array<i32>} : memref<8x512xi32, #tpu.memory_space<vmem>>, vector<16xi32>,
      %add3A_1149 = arith.addi %scan3A_1100, %get3A_1148 : vector<16xi32>
      %mul3A_1150 = arith.constant 16 : i32
      %mul3A_1151 = arith.muli %scan3A_1093, %mul3A_1150 : i32
      %get3A_1152 = arith.constant 7 : i32
      %get3A_1153 = arith.index_cast %get3A_1152 : i32 to index
      %get3A_1154 = arith.index_cast %mul3A_1151 : i32 to index
      %get3A_1155 = tpu.vector_load %arg10[%get3A_1153, %get3A_1154] {strides = array<i32>} : memref<8x512xi32, #tpu.memory_space<vmem>>, vector<16xi32>,
      %add3A_1156 = arith.addi %scan3A_1101, %get3A_1155 : vector<16xi32>
      scf.yield %add3A_1107, %add3A_1114, %add3A_1121, %add3A_1128, %add3A_1135, %add3A_1142, %add3A_1149, %add3A_1156 : vector<16xi32>, vector<16xi32>, vector<16xi32>, vector<16xi32>, vector<16xi32>, vector<16xi32>, vector<16xi32>, vector<16xi32>
    }
    %scan3A_65 = arith.constant 32 : i32
    %dma_wait3A_66 = arith.constant 0 : i32
    %dma_wait3A_67 = arith.constant 512 : i32
    %dma_wait3A_68 = tpu.memref_slice %arg2[%dma_wait3A_66, %dma_wait3A_67] : memref<8x4096xi32, #tpu.memory_space<hbm>> -> memref<8x512xi32, #tpu.memory_space<hbm>>
    %dma_wait3A_69 = arith.constant 0 : i32
    %dma_wait3A_70 = arith.constant 512 : i32
    %dma_wait3A_71 = tpu.memref_slice %arg2[%dma_wait3A_69, %dma_wait3A_70] : memref<8x4096xi32, #tpu.memory_space<hbm>> -> memref<8x512xi32, #tpu.memory_space<hbm>>
    tpu.wait_dma2 semaphore(%arg17 : memref<!tpu.dma_semaphore, #tpu.memory_space<semaphore_mem>>) src(%dma_wait3A_71 : memref<8x512xi32, #tpu.memory_space<hbm>>) dst(%arg11 : memref<8x512xi32, #tpu.memory_space<vmem>>)
    %dma_start3A_72 = arith.constant 0 : i32
    %dma_start3A_73 = arith.constant 1024 : i32
    %dma_start3A_74 = tpu.memref_slice %arg2[%dma_start3A_72, %dma_start3A_73] : memref<8x4096xi32, #tpu.memory_space<hbm>> -> memref<8x512xi32, #tpu.memory_space<hbm>>
    %dma_start3A_75 = arith.constant 0 : i32
    %dma_start3A_76 = arith.constant 1024 : i32
    %dma_start3A_77 = tpu.memref_slice %arg2[%dma_start3A_75, %dma_start3A_76] : memref<8x4096xi32, #tpu.memory_space<hbm>> -> memref<8x512xi32, #tpu.memory_space<hbm>>
    tpu.enqueue_dma source(%dma_start3A_77 : memref<8x512xi32, #tpu.memory_space<hbm>>) target(%arg10 : memref<8x512xi32, #tpu.memory_space<vmem>>) target_semaphore(%arg17 : memref<!tpu.dma_semaphore, #tpu.memory_space<semaphore_mem>>)
    %scan3A_78 = arith.constant 0 : i32
    %scan3A_79 = arith.constant 32 : i32
    %scan3A_80 = arith.addi %scan3A_78, %scan3A_79 : i32
    %scan3A_81 = arith.constant 1 : i32
    %scan3A_82:8 = scf.for %scan3A_1093 = %scan3A_78 to %scan3A_80 step %scan3A_81 iter_args(%scan3A_1094 = %scan3A_64#0, %scan3A_1095 = %scan3A_64#1, %scan3A_1096 = %scan3A_64#2, %scan3A_1097 = %scan3A_64#3, %scan3A_1098 = %scan3A_64#4, %scan3A_1099 = %scan3A_64#5, %scan3A_1100 = %scan3A_64#6, %scan3A_1101 = %scan3A_64#7) -> (vector<16xi32>, vector<16xi32>, vector<16xi32>, vector<16xi32>, vector<16xi32>, vector<16xi32>, vector<16xi32>, vector<16xi32>)  : i32 {
      %mul3A_1102 = arith.constant 16 : i32
      %mul3A_1103 = arith.muli %scan3A_1093, %mul3A_1102 : i32
      %get3A = arith.constant 0 : i32
      %get3A_1104 = arith.index_cast %get3A : i32 to index
      %get3A_1105 = arith.index_cast %mul3A_1103 : i32 to index
      %get3A_1106 = tpu.vector_load %arg11[%get3A_1104, %get3A_1105] {strides = array<i32>} : memref<8x512xi32, #tpu.memory_space<vmem>>, vector<16xi32>,
      %add3A_1107 = arith.addi %scan3A_1094, %get3A_1106 : vector<16xi32>
      %mul3A_1108 = arith.constant 16 : i32
      %mul3A_1109 = arith.muli %scan3A_1093, %mul3A_1108 : i32
      %get3A_1110 = arith.constant 1 : i32
      %get3A_1111 = arith.index_cast %get3A_1110 : i32 to index
      %get3A_1112 = arith.index_cast %mul3A_1109 : i32 to index
      %get3A_1113 = tpu.vector_load %arg11[%get3A_1111, %get3A_1112] {strides = array<i32>} : memref<8x512xi32, #tpu.memory_space<vmem>>, vector<16xi32>,
      %add3A_1114 = arith.addi %scan3A_1095, %get3A_1113 : vector<16xi32>
      %mul3A_1115 = arith.constant 16 : i32
      %mul3A_1116 = arith.muli %scan3A_1093, %mul3A_1115 : i32
      %get3A_1117 = arith.constant 2 : i32
      %get3A_1118 = arith.index_cast %get3A_1117 : i32 to index
      %get3A_1119 = arith.index_cast %mul3A_1116 : i32 to index
      %get3A_1120 = tpu.vector_load %arg11[%get3A_1118, %get3A_1119] {strides = array<i32>} : memref<8x512xi32, #tpu.memory_space<vmem>>, vector<16xi32>,
      %add3A_1121 = arith.addi %scan3A_1096, %get3A_1120 : vector<16xi32>
      %mul3A_1122 = arith.constant 16 : i32
      %mul3A_1123 = arith.muli %scan3A_1093, %mul3A_1122 : i32
      %get3A_1124 = arith.constant 3 : i32
      %get3A_1125 = arith.index_cast %get3A_1124 : i32 to index
      %get3A_1126 = arith.index_cast %mul3A_1123 : i32 to index
      %get3A_1127 = tpu.vector_load %arg11[%get3A_1125, %get3A_1126] {strides = array<i32>} : memref<8x512xi32, #tpu.memory_space<vmem>>, vector<16xi32>,
      %add3A_1128 = arith.addi %scan3A_1097, %get3A_1127 : vector<16xi32>
      %mul3A_1129 = arith.constant 16 : i32
      %mul3A_1130 = arith.muli %scan3A_1093, %mul3A_1129 : i32
      %get3A_1131 = arith.constant 4 : i32
      %get3A_1132 = arith.index_cast %get3A_1131 : i32 to index
      %get3A_1133 = arith.index_cast %mul3A_1130 : i32 to index
      %get3A_1134 = tpu.vector_load %arg11[%get3A_1132, %get3A_1133] {strides = array<i32>} : memref<8x512xi32, #tpu.memory_space<vmem>>, vector<16xi32>,
      %add3A_1135 = arith.addi %scan3A_1098, %get3A_1134 : vector<16xi32>
      %mul3A_1136 = arith.constant 16 : i32
      %mul3A_1137 = arith.muli %scan3A_1093, %mul3A_1136 : i32
      %get3A_1138 = arith.constant 5 : i32
      %get3A_1139 = arith.index_cast %get3A_1138 : i32 to index
      %get3A_1140 = arith.index_cast %mul3A_1137 : i32 to index
      %get3A_1141 = tpu.vector_load %arg11[%get3A_1139, %get3A_1140] {strides = array<i32>} : memref<8x512xi32, #tpu.memory_space<vmem>>, vector<16xi32>,
      %add3A_1142 = arith.addi %scan3A_1099, %get3A_1141 : vector<16xi32>
      %mul3A_1143 = arith.constant 16 : i32
      %mul3A_1144 = arith.muli %scan3A_1093, %mul3A_1143 : i32
      %get3A_1145 = arith.constant 6 : i32
      %get3A_1146 = arith.index_cast %get3A_1145 : i32 to index
      %get3A_1147 = arith.index_cast %mul3A_1144 : i32 to index
      %get3A_1148 = tpu.vector_load %arg11[%get3A_1146, %get3A_1147] {strides = array<i32>} : memref<8x512xi32, #tpu.memory_space<vmem>>, vector<16xi32>,
      %add3A_1149 = arith.addi %scan3A_1100, %get3A_1148 : vector<16xi32>
      %mul3A_1150 = arith.constant 16 : i32
      %mul3A_1151 = arith.muli %scan3A_1093, %mul3A_1150 : i32
      %get3A_1152 = arith.constant 7 : i32
      %get3A_1153 = arith.index_cast %get3A_1152 : i32 to index
      %get3A_1154 = arith.index_cast %mul3A_1151 : i32 to index
      %get3A_1155 = tpu.vector_load %arg11[%get3A_1153, %get3A_1154] {strides = array<i32>} : memref<8x512xi32, #tpu.memory_space<vmem>>, vector<16xi32>,
      %add3A_1156 = arith.addi %scan3A_1101, %get3A_1155 : vector<16xi32>
      scf.yield %add3A_1107, %add3A_1114, %add3A_1121, %add3A_1128, %add3A_1135, %add3A_1142, %add3A_1149, %add3A_1156 : vector<16xi32>, vector<16xi32>, vector<16xi32>, vector<16xi32>, vector<16xi32>, vector<16xi32>, vector<16xi32>, vector<16xi32>
    }
    %scan3A_83 = arith.constant 32 : i32
    %dma_wait3A_84 = arith.constant 0 : i32
    %dma_wait3A_85 = arith.constant 1024 : i32
    %dma_wait3A_86 = tpu.memref_slice %arg2[%dma_wait3A_84, %dma_wait3A_85] : memref<8x4096xi32, #tpu.memory_space<hbm>> -> memref<8x512xi32, #tpu.memory_space<hbm>>
    %dma_wait3A_87 = arith.constant 0 : i32
    %dma_wait3A_88 = arith.constant 1024 : i32
    %dma_wait3A_89 = tpu.memref_slice %arg2[%dma_wait3A_87, %dma_wait3A_88] : memref<8x4096xi32, #tpu.memory_space<hbm>> -> memref<8x512xi32, #tpu.memory_space<hbm>>
    tpu.wait_dma2 semaphore(%arg17 : memref<!tpu.dma_semaphore, #tpu.memory_space<semaphore_mem>>) src(%dma_wait3A_89 : memref<8x512xi32, #tpu.memory_space<hbm>>) dst(%arg10 : memref<8x512xi32, #tpu.memory_space<vmem>>)
    %dma_start3A_90 = arith.constant 0 : i32
    %dma_start3A_91 = arith.constant 1536 : i32
    %dma_start3A_92 = tpu.memref_slice %arg2[%dma_start3A_90, %dma_start3A_91] : memref<8x4096xi32, #tpu.memory_space<hbm>> -> memref<8x512xi32, #tpu.memory_space<hbm>>
    %dma_start3A_93 = arith.constant 0 : i32
    %dma_start3A_94 = arith.constant 1536 : i32
    %dma_start3A_95 = tpu.memref_slice %arg2[%dma_start3A_93, %dma_start3A_94] : memref<8x4096xi32, #tpu.memory_space<hbm>> -> memref<8x512xi32, #tpu.memory_space<hbm>>
    tpu.enqueue_dma source(%dma_start3A_95 : memref<8x512xi32, #tpu.memory_space<hbm>>) target(%arg11 : memref<8x512xi32, #tpu.memory_space<vmem>>) target_semaphore(%arg17 : memref<!tpu.dma_semaphore, #tpu.memory_space<semaphore_mem>>)
    %scan3A_96 = arith.constant 0 : i32
    %scan3A_97 = arith.constant 32 : i32
    %scan3A_98 = arith.addi %scan3A_96, %scan3A_97 : i32
    %scan3A_99 = arith.constant 1 : i32
    %scan3A_100:8 = scf.for %scan3A_1093 = %scan3A_96 to %scan3A_98 step %scan3A_99 iter_args(%scan3A_1094 = %scan3A_82#0, %scan3A_1095 = %scan3A_82#1, %scan3A_1096 = %scan3A_82#2, %scan3A_1097 = %scan3A_82#3, %scan3A_1098 = %scan3A_82#4, %scan3A_1099 = %scan3A_82#5, %scan3A_1100 = %scan3A_82#6, %scan3A_1101 = %scan3A_82#7) -> (vector<16xi32>, vector<16xi32>, vector<16xi32>, vector<16xi32>, vector<16xi32>, vector<16xi32>, vector<16xi32>, vector<16xi32>)  : i32 {
      %mul3A_1102 = arith.constant 16 : i32
      %mul3A_1103 = arith.muli %scan3A_1093, %mul3A_1102 : i32
      %get3A = arith.constant 0 : i32
      %get3A_1104 = arith.index_cast %get3A : i32 to index
      %get3A_1105 = arith.index_cast %mul3A_1103 : i32 to index
      %get3A_1106 = tpu.vector_load %arg10[%get3A_1104, %get3A_1105] {strides = array<i32>} : memref<8x512xi32, #tpu.memory_space<vmem>>, vector<16xi32>,
      %add3A_1107 = arith.addi %scan3A_1094, %get3A_1106 : vector<16xi32>
      %mul3A_1108 = arith.constant 16 : i32
      %mul3A_1109 = arith.muli %scan3A_1093, %mul3A_1108 : i32
      %get3A_1110 = arith.constant 1 : i32
      %get3A_1111 = arith.index_cast %get3A_1110 : i32 to index
      %get3A_1112 = arith.index_cast %mul3A_1109 : i32 to index
      %get3A_1113 = tpu.vector_load %arg10[%get3A_1111, %get3A_1112] {strides = array<i32>} : memref<8x512xi32, #tpu.memory_space<vmem>>, vector<16xi32>,
      %add3A_1114 = arith.addi %scan3A_1095, %get3A_1113 : vector<16xi32>
      %mul3A_1115 = arith.constant 16 : i32
      %mul3A_1116 = arith.muli %scan3A_1093, %mul3A_1115 : i32
      %get3A_1117 = arith.constant 2 : i32
      %get3A_1118 = arith.index_cast %get3A_1117 : i32 to index
      %get3A_1119 = arith.index_cast %mul3A_1116 : i32 to index
      %get3A_1120 = tpu.vector_load %arg10[%get3A_1118, %get3A_1119] {strides = array<i32>} : memref<8x512xi32, #tpu.memory_space<vmem>>, vector<16xi32>,
      %add3A_1121 = arith.addi %scan3A_1096, %get3A_1120 : vector<16xi32>
      %mul3A_1122 = arith.constant 16 : i32
      %mul3A_1123 = arith.muli %scan3A_1093, %mul3A_1122 : i32
      %get3A_1124 = arith.constant 3 : i32
      %get3A_1125 = arith.index_cast %get3A_1124 : i32 to index
      %get3A_1126 = arith.index_cast %mul3A_1123 : i32 to index
      %get3A_1127 = tpu.vector_load %arg10[%get3A_1125, %get3A_1126] {strides = array<i32>} : memref<8x512xi32, #tpu.memory_space<vmem>>, vector<16xi32>,
      %add3A_1128 = arith.addi %scan3A_1097, %get3A_1127 : vector<16xi32>
      %mul3A_1129 = arith.constant 16 : i32
      %mul3A_1130 = arith.muli %scan3A_1093, %mul3A_1129 : i32
      %get3A_1131 = arith.constant 4 : i32
      %get3A_1132 = arith.index_cast %get3A_1131 : i32 to index
      %get3A_1133 = arith.index_cast %mul3A_1130 : i32 to index
      %get3A_1134 = tpu.vector_load %arg10[%get3A_1132, %get3A_1133] {strides = array<i32>} : memref<8x512xi32, #tpu.memory_space<vmem>>, vector<16xi32>,
      %add3A_1135 = arith.addi %scan3A_1098, %get3A_1134 : vector<16xi32>
      %mul3A_1136 = arith.constant 16 : i32
      %mul3A_1137 = arith.muli %scan3A_1093, %mul3A_1136 : i32
      %get3A_1138 = arith.constant 5 : i32
      %get3A_1139 = arith.index_cast %get3A_1138 : i32 to index
      %get3A_1140 = arith.index_cast %mul3A_1137 : i32 to index
      %get3A_1141 = tpu.vector_load %arg10[%get3A_1139, %get3A_1140] {strides = array<i32>} : memref<8x512xi32, #tpu.memory_space<vmem>>, vector<16xi32>,
      %add3A_1142 = arith.addi %scan3A_1099, %get3A_1141 : vector<16xi32>
      %mul3A_1143 = arith.constant 16 : i32
      %mul3A_1144 = arith.muli %scan3A_1093, %mul3A_1143 : i32
      %get3A_1145 = arith.constant 6 : i32
      %get3A_1146 = arith.index_cast %get3A_1145 : i32 to index
      %get3A_1147 = arith.index_cast %mul3A_1144 : i32 to index
      %get3A_1148 = tpu.vector_load %arg10[%get3A_1146, %get3A_1147] {strides = array<i32>} : memref<8x512xi32, #tpu.memory_space<vmem>>, vector<16xi32>,
      %add3A_1149 = arith.addi %scan3A_1100, %get3A_1148 : vector<16xi32>
      %mul3A_1150 = arith.constant 16 : i32
      %mul3A_1151 = arith.muli %scan3A_1093, %mul3A_1150 : i32
      %get3A_1152 = arith.constant 7 : i32
      %get3A_1153 = arith.index_cast %get3A_1152 : i32 to index
      %get3A_1154 = arith.index_cast %mul3A_1151 : i32 to index
      %get3A_1155 = tpu.vector_load %arg10[%get3A_1153, %get3A_1154] {strides = array<i32>} : memref<8x512xi32, #tpu.memory_space<vmem>>, vector<16xi32>,
      %add3A_1156 = arith.addi %scan3A_1101, %get3A_1155 : vector<16xi32>
      scf.yield %add3A_1107, %add3A_1114, %add3A_1121, %add3A_1128, %add3A_1135, %add3A_1142, %add3A_1149, %add3A_1156 : vector<16xi32>, vector<16xi32>, vector<16xi32>, vector<16xi32>, vector<16xi32>, vector<16xi32>, vector<16xi32>, vector<16xi32>
    }
    %scan3A_101 = arith.constant 32 : i32
    %dma_wait3A_102 = arith.constant 0 : i32
    %dma_wait3A_103 = arith.constant 1536 : i32
    %dma_wait3A_104 = tpu.memref_slice %arg2[%dma_wait3A_102, %dma_wait3A_103] : memref<8x4096xi32, #tpu.memory_space<hbm>> -> memref<8x512xi32, #tpu.memory_space<hbm>>
    %dma_wait3A_105 = arith.constant 0 : i32
    %dma_wait3A_106 = arith.constant 1536 : i32
    %dma_wait3A_107 = tpu.memref_slice %arg2[%dma_wait3A_105, %dma_wait3A_106] : memref<8x4096xi32, #tpu.memory_space<hbm>> -> memref<8x512xi32, #tpu.memory_space<hbm>>
    tpu.wait_dma2 semaphore(%arg17 : memref<!tpu.dma_semaphore, #tpu.memory_space<semaphore_mem>>) src(%dma_wait3A_107 : memref<8x512xi32, #tpu.memory_space<hbm>>) dst(%arg11 : memref<8x512xi32, #tpu.memory_space<vmem>>)
    %dma_start3A_108 = arith.constant 0 : i32
    %dma_start3A_109 = arith.constant 2048 : i32
    %dma_start3A_110 = tpu.memref_slice %arg2[%dma_start3A_108, %dma_start3A_109] : memref<8x4096xi32, #tpu.memory_space<hbm>> -> memref<8x512xi32, #tpu.memory_space<hbm>>
    %dma_start3A_111 = arith.constant 0 : i32
    %dma_start3A_112 = arith.constant 2048 : i32
    %dma_start3A_113 = tpu.memref_slice %arg2[%dma_start3A_111, %dma_start3A_112] : memref<8x4096xi32, #tpu.memory_space<hbm>> -> memref<8x512xi32, #tpu.memory_space<hbm>>
    tpu.enqueue_dma source(%dma_start3A_113 : memref<8x512xi32, #tpu.memory_space<hbm>>) target(%arg10 : memref<8x512xi32, #tpu.memory_space<vmem>>) target_semaphore(%arg17 : memref<!tpu.dma_semaphore, #tpu.memory_space<semaphore_mem>>)
    %scan3A_114 = arith.constant 0 : i32
    %scan3A_115 = arith.constant 32 : i32
    %scan3A_116 = arith.addi %scan3A_114, %scan3A_115 : i32
    %scan3A_117 = arith.constant 1 : i32
    %scan3A_118:8 = scf.for %scan3A_1093 = %scan3A_114 to %scan3A_116 step %scan3A_117 iter_args(%scan3A_1094 = %scan3A_100#0, %scan3A_1095 = %scan3A_100#1, %scan3A_1096 = %scan3A_100#2, %scan3A_1097 = %scan3A_100#3, %scan3A_1098 = %scan3A_100#4, %scan3A_1099 = %scan3A_100#5, %scan3A_1100 = %scan3A_100#6, %scan3A_1101 = %scan3A_100#7) -> (vector<16xi32>, vector<16xi32>, vector<16xi32>, vector<16xi32>, vector<16xi32>, vector<16xi32>, vector<16xi32>, vector<16xi32>)  : i32 {
      %mul3A_1102 = arith.constant 16 : i32
      %mul3A_1103 = arith.muli %scan3A_1093, %mul3A_1102 : i32
      %get3A = arith.constant 0 : i32
      %get3A_1104 = arith.index_cast %get3A : i32 to index
      %get3A_1105 = arith.index_cast %mul3A_1103 : i32 to index
      %get3A_1106 = tpu.vector_load %arg11[%get3A_1104, %get3A_1105] {strides = array<i32>} : memref<8x512xi32, #tpu.memory_space<vmem>>, vector<16xi32>,
      %add3A_1107 = arith.addi %scan3A_1094, %get3A_1106 : vector<16xi32>
      %mul3A_1108 = arith.constant 16 : i32
      %mul3A_1109 = arith.muli %scan3A_1093, %mul3A_1108 : i32
      %get3A_1110 = arith.constant 1 : i32
      %get3A_1111 = arith.index_cast %get3A_1110 : i32 to index
      %get3A_1112 = arith.index_cast %mul3A_1109 : i32 to index
      %get3A_1113 = tpu.vector_load %arg11[%get3A_1111, %get3A_1112] {strides = array<i32>} : memref<8x512xi32, #tpu.memory_space<vmem>>, vector<16xi32>,
      %add3A_1114 = arith.addi %scan3A_1095, %get3A_1113 : vector<16xi32>
      %mul3A_1115 = arith.constant 16 : i32
      %mul3A_1116 = arith.muli %scan3A_1093, %mul3A_1115 : i32
      %get3A_1117 = arith.constant 2 : i32
      %get3A_1118 = arith.index_cast %get3A_1117 : i32 to index
      %get3A_1119 = arith.index_cast %mul3A_1116 : i32 to index
      %get3A_1120 = tpu.vector_load %arg11[%get3A_1118, %get3A_1119] {strides = array<i32>} : memref<8x512xi32, #tpu.memory_space<vmem>>, vector<16xi32>,
      %add3A_1121 = arith.addi %scan3A_1096, %get3A_1120 : vector<16xi32>
      %mul3A_1122 = arith.constant 16 : i32
      %mul3A_1123 = arith.muli %scan3A_1093, %mul3A_1122 : i32
      %get3A_1124 = arith.constant 3 : i32
      %get3A_1125 = arith.index_cast %get3A_1124 : i32 to index
      %get3A_1126 = arith.index_cast %mul3A_1123 : i32 to index
      %get3A_1127 = tpu.vector_load %arg11[%get3A_1125, %get3A_1126] {strides = array<i32>} : memref<8x512xi32, #tpu.memory_space<vmem>>, vector<16xi32>,
      %add3A_1128 = arith.addi %scan3A_1097, %get3A_1127 : vector<16xi32>
      %mul3A_1129 = arith.constant 16 : i32
      %mul3A_1130 = arith.muli %scan3A_1093, %mul3A_1129 : i32
      %get3A_1131 = arith.constant 4 : i32
      %get3A_1132 = arith.index_cast %get3A_1131 : i32 to index
      %get3A_1133 = arith.index_cast %mul3A_1130 : i32 to index
      %get3A_1134 = tpu.vector_load %arg11[%get3A_1132, %get3A_1133] {strides = array<i32>} : memref<8x512xi32, #tpu.memory_space<vmem>>, vector<16xi32>,
      %add3A_1135 = arith.addi %scan3A_1098, %get3A_1134 : vector<16xi32>
      %mul3A_1136 = arith.constant 16 : i32
      %mul3A_1137 = arith.muli %scan3A_1093, %mul3A_1136 : i32
      %get3A_1138 = arith.constant 5 : i32
      %get3A_1139 = arith.index_cast %get3A_1138 : i32 to index
      %get3A_1140 = arith.index_cast %mul3A_1137 : i32 to index
      %get3A_1141 = tpu.vector_load %arg11[%get3A_1139, %get3A_1140] {strides = array<i32>} : memref<8x512xi32, #tpu.memory_space<vmem>>, vector<16xi32>,
      %add3A_1142 = arith.addi %scan3A_1099, %get3A_1141 : vector<16xi32>
      %mul3A_1143 = arith.constant 16 : i32
      %mul3A_1144 = arith.muli %scan3A_1093, %mul3A_1143 : i32
      %get3A_1145 = arith.constant 6 : i32
      %get3A_1146 = arith.index_cast %get3A_1145 : i32 to index
      %get3A_1147 = arith.index_cast %mul3A_1144 : i32 to index
      %get3A_1148 = tpu.vector_load %arg11[%get3A_1146, %get3A_1147] {strides = array<i32>} : memref<8x512xi32, #tpu.memory_space<vmem>>, vector<16xi32>,
      %add3A_1149 = arith.addi %scan3A_1100, %get3A_1148 : vector<16xi32>
      %mul3A_1150 = arith.constant 16 : i32
      %mul3A_1151 = arith.muli %scan3A_1093, %mul3A_1150 : i32
      %get3A_1152 = arith.constant 7 : i32
      %get3A_1153 = arith.index_cast %get3A_1152 : i32 to index
      %get3A_1154 = arith.index_cast %mul3A_1151 : i32 to index
      %get3A_1155 = tpu.vector_load %arg11[%get3A_1153, %get3A_1154] {strides = array<i32>} : memref<8x512xi32, #tpu.memory_space<vmem>>, vector<16xi32>,
      %add3A_1156 = arith.addi %scan3A_1101, %get3A_1155 : vector<16xi32>
      scf.yield %add3A_1107, %add3A_1114, %add3A_1121, %add3A_1128, %add3A_1135, %add3A_1142, %add3A_1149, %add3A_1156 : vector<16xi32>, vector<16xi32>, vector<16xi32>, vector<16xi32>, vector<16xi32>, vector<16xi32>, vector<16xi32>, vector<16xi32>
    }
    %scan3A_119 = arith.constant 32 : i32
    %dma_wait3A_120 = arith.constant 0 : i32
    %dma_wait3A_121 = arith.constant 2048 : i32
    %dma_wait3A_122 = tpu.memref_slice %arg2[%dma_wait3A_120, %dma_wait3A_121] : memref<8x4096xi32, #tpu.memory_space<hbm>> -> memref<8x512xi32, #tpu.memory_space<hbm>>
    %dma_wait3A_123 = arith.constant 0 : i32
    %dma_wait3A_124 = arith.constant 2048 : i32
    %dma_wait3A_125 = tpu.memref_slice %arg2[%dma_wait3A_123, %dma_wait3A_124] : memref<8x4096xi32, #tpu.memory_space<hbm>> -> memref<8x512xi32, #tpu.memory_space<hbm>>
    tpu.wait_dma2 semaphore(%arg17 : memref<!tpu.dma_semaphore, #tpu.memory_space<semaphore_mem>>) src(%dma_wait3A_125 : memref<8x512xi32, #tpu.memory_space<hbm>>) dst(%arg10 : memref<8x512xi32, #tpu.memory_space<vmem>>)
    %dma_start3A_126 = arith.constant 0 : i32
    %dma_start3A_127 = arith.constant 2560 : i32
    %dma_start3A_128 = tpu.memref_slice %arg2[%dma_start3A_126, %dma_start3A_127] : memref<8x4096xi32, #tpu.memory_space<hbm>> -> memref<8x512xi32, #tpu.memory_space<hbm>>
    %dma_start3A_129 = arith.constant 0 : i32
    %dma_start3A_130 = arith.constant 2560 : i32
    %dma_start3A_131 = tpu.memref_slice %arg2[%dma_start3A_129, %dma_start3A_130] : memref<8x4096xi32, #tpu.memory_space<hbm>> -> memref<8x512xi32, #tpu.memory_space<hbm>>
    tpu.enqueue_dma source(%dma_start3A_131 : memref<8x512xi32, #tpu.memory_space<hbm>>) target(%arg11 : memref<8x512xi32, #tpu.memory_space<vmem>>) target_semaphore(%arg17 : memref<!tpu.dma_semaphore, #tpu.memory_space<semaphore_mem>>)
    %scan3A_132 = arith.constant 0 : i32
    %scan3A_133 = arith.constant 32 : i32
    %scan3A_134 = arith.addi %scan3A_132, %scan3A_133 : i32
    %scan3A_135 = arith.constant 1 : i32
    %scan3A_136:8 = scf.for %scan3A_1093 = %scan3A_132 to %scan3A_134 step %scan3A_135 iter_args(%scan3A_1094 = %scan3A_118#0, %scan3A_1095 = %scan3A_118#1, %scan3A_1096 = %scan3A_118#2, %scan3A_1097 = %scan3A_118#3, %scan3A_1098 = %scan3A_118#4, %scan3A_1099 = %scan3A_118#5, %scan3A_1100 = %scan3A_118#6, %scan3A_1101 = %scan3A_118#7) -> (vector<16xi32>, vector<16xi32>, vector<16xi32>, vector<16xi32>, vector<16xi32>, vector<16xi32>, vector<16xi32>, vector<16xi32>)  : i32 {
      %mul3A_1102 = arith.constant 16 : i32
      %mul3A_1103 = arith.muli %scan3A_1093, %mul3A_1102 : i32
      %get3A = arith.constant 0 : i32
      %get3A_1104 = arith.index_cast %get3A : i32 to index
      %get3A_1105 = arith.index_cast %mul3A_1103 : i32 to index
      %get3A_1106 = tpu.vector_load %arg10[%get3A_1104, %get3A_1105] {strides = array<i32>} : memref<8x512xi32, #tpu.memory_space<vmem>>, vector<16xi32>,
      %add3A_1107 = arith.addi %scan3A_1094, %get3A_1106 : vector<16xi32>
      %mul3A_1108 = arith.constant 16 : i32
      %mul3A_1109 = arith.muli %scan3A_1093, %mul3A_1108 : i32
      %get3A_1110 = arith.constant 1 : i32
      %get3A_1111 = arith.index_cast %get3A_1110 : i32 to index
      %get3A_1112 = arith.index_cast %mul3A_1109 : i32 to index
      %get3A_1113 = tpu.vector_load %arg10[%get3A_1111, %get3A_1112] {strides = array<i32>} : memref<8x512xi32, #tpu.memory_space<vmem>>, vector<16xi32>,
      %add3A_1114 = arith.addi %scan3A_1095, %get3A_1113 : vector<16xi32>
      %mul3A_1115 = arith.constant 16 : i32
      %mul3A_1116 = arith.muli %scan3A_1093, %mul3A_1115 : i32
      %get3A_1117 = arith.constant 2 : i32
      %get3A_1118 = arith.index_cast %get3A_1117 : i32 to index
      %get3A_1119 = arith.index_cast %mul3A_1116 : i32 to index
      %get3A_1120 = tpu.vector_load %arg10[%get3A_1118, %get3A_1119] {strides = array<i32>} : memref<8x512xi32, #tpu.memory_space<vmem>>, vector<16xi32>,
      %add3A_1121 = arith.addi %scan3A_1096, %get3A_1120 : vector<16xi32>
      %mul3A_1122 = arith.constant 16 : i32
      %mul3A_1123 = arith.muli %scan3A_1093, %mul3A_1122 : i32
      %get3A_1124 = arith.constant 3 : i32
      %get3A_1125 = arith.index_cast %get3A_1124 : i32 to index
      %get3A_1126 = arith.index_cast %mul3A_1123 : i32 to index
      %get3A_1127 = tpu.vector_load %arg10[%get3A_1125, %get3A_1126] {strides = array<i32>} : memref<8x512xi32, #tpu.memory_space<vmem>>, vector<16xi32>,
      %add3A_1128 = arith.addi %scan3A_1097, %get3A_1127 : vector<16xi32>
      %mul3A_1129 = arith.constant 16 : i32
      %mul3A_1130 = arith.muli %scan3A_1093, %mul3A_1129 : i32
      %get3A_1131 = arith.constant 4 : i32
      %get3A_1132 = arith.index_cast %get3A_1131 : i32 to index
      %get3A_1133 = arith.index_cast %mul3A_1130 : i32 to index
      %get3A_1134 = tpu.vector_load %arg10[%get3A_1132, %get3A_1133] {strides = array<i32>} : memref<8x512xi32, #tpu.memory_space<vmem>>, vector<16xi32>,
      %add3A_1135 = arith.addi %scan3A_1098, %get3A_1134 : vector<16xi32>
      %mul3A_1136 = arith.constant 16 : i32
      %mul3A_1137 = arith.muli %scan3A_1093, %mul3A_1136 : i32
      %get3A_1138 = arith.constant 5 : i32
      %get3A_1139 = arith.index_cast %get3A_1138 : i32 to index
      %get3A_1140 = arith.index_cast %mul3A_1137 : i32 to index
      %get3A_1141 = tpu.vector_load %arg10[%get3A_1139, %get3A_1140] {strides = array<i32>} : memref<8x512xi32, #tpu.memory_space<vmem>>, vector<16xi32>,
      %add3A_1142 = arith.addi %scan3A_1099, %get3A_1141 : vector<16xi32>
      %mul3A_1143 = arith.constant 16 : i32
      %mul3A_1144 = arith.muli %scan3A_1093, %mul3A_1143 : i32
      %get3A_1145 = arith.constant 6 : i32
      %get3A_1146 = arith.index_cast %get3A_1145 : i32 to index
      %get3A_1147 = arith.index_cast %mul3A_1144 : i32 to index
      %get3A_1148 = tpu.vector_load %arg10[%get3A_1146, %get3A_1147] {strides = array<i32>} : memref<8x512xi32, #tpu.memory_space<vmem>>, vector<16xi32>,
      %add3A_1149 = arith.addi %scan3A_1100, %get3A_1148 : vector<16xi32>
      %mul3A_1150 = arith.constant 16 : i32
      %mul3A_1151 = arith.muli %scan3A_1093, %mul3A_1150 : i32
      %get3A_1152 = arith.constant 7 : i32
      %get3A_1153 = arith.index_cast %get3A_1152 : i32 to index
      %get3A_1154 = arith.index_cast %mul3A_1151 : i32 to index
      %get3A_1155 = tpu.vector_load %arg10[%get3A_1153, %get3A_1154] {strides = array<i32>} : memref<8x512xi32, #tpu.memory_space<vmem>>, vector<16xi32>,
      %add3A_1156 = arith.addi %scan3A_1101, %get3A_1155 : vector<16xi32>
      scf.yield %add3A_1107, %add3A_1114, %add3A_1121, %add3A_1128, %add3A_1135, %add3A_1142, %add3A_1149, %add3A_1156 : vector<16xi32>, vector<16xi32>, vector<16xi32>, vector<16xi32>, vector<16xi32>, vector<16xi32>, vector<16xi32>, vector<16xi32>
    }
    %scan3A_137 = arith.constant 32 : i32
    %dma_wait3A_138 = arith.constant 0 : i32
    %dma_wait3A_139 = arith.constant 2560 : i32
    %dma_wait3A_140 = tpu.memref_slice %arg2[%dma_wait3A_138, %dma_wait3A_139] : memref<8x4096xi32, #tpu.memory_space<hbm>> -> memref<8x512xi32, #tpu.memory_space<hbm>>
    %dma_wait3A_141 = arith.constant 0 : i32
    %dma_wait3A_142 = arith.constant 2560 : i32
    %dma_wait3A_143 = tpu.memref_slice %arg2[%dma_wait3A_141, %dma_wait3A_142] : memref<8x4096xi32, #tpu.memory_space<hbm>> -> memref<8x512xi32, #tpu.memory_space<hbm>>
    tpu.wait_dma2 semaphore(%arg17 : memref<!tpu.dma_semaphore, #tpu.memory_space<semaphore_mem>>) src(%dma_wait3A_143 : memref<8x512xi32, #tpu.memory_space<hbm>>) dst(%arg11 : memref<8x512xi32, #tpu.memory_space<vmem>>)
    %dma_start3A_144 = arith.constant 0 : i32
    %dma_start3A_145 = arith.constant 3072 : i32
    %dma_start3A_146 = tpu.memref_slice %arg2[%dma_start3A_144, %dma_start3A_145] : memref<8x4096xi32, #tpu.memory_space<hbm>> -> memref<8x512xi32, #tpu.memory_space<hbm>>
    %dma_start3A_147 = arith.constant 0 : i32
    %dma_start3A_148 = arith.constant 3072 : i32
    %dma_start3A_149 = tpu.memref_slice %arg2[%dma_start3A_147, %dma_start3A_148] : memref<8x4096xi32, #tpu.memory_space<hbm>> -> memref<8x512xi32, #tpu.memory_space<hbm>>
    tpu.enqueue_dma source(%dma_start3A_149 : memref<8x512xi32, #tpu.memory_space<hbm>>) target(%arg10 : memref<8x512xi32, #tpu.memory_space<vmem>>) target_semaphore(%arg17 : memref<!tpu.dma_semaphore, #tpu.memory_space<semaphore_mem>>)
    %scan3A_150 = arith.constant 0 : i32
    %scan3A_151 = arith.constant 32 : i32
    %scan3A_152 = arith.addi %scan3A_150, %scan3A_151 : i32
    %scan3A_153 = arith.constant 1 : i32
    %scan3A_154:8 = scf.for %scan3A_1093 = %scan3A_150 to %scan3A_152 step %scan3A_153 iter_args(%scan3A_1094 = %scan3A_136#0, %scan3A_1095 = %scan3A_136#1, %scan3A_1096 = %scan3A_136#2, %scan3A_1097 = %scan3A_136#3, %scan3A_1098 = %scan3A_136#4, %scan3A_1099 = %scan3A_136#5, %scan3A_1100 = %scan3A_136#6, %scan3A_1101 = %scan3A_136#7) -> (vector<16xi32>, vector<16xi32>, vector<16xi32>, vector<16xi32>, vector<16xi32>, vector<16xi32>, vector<16xi32>, vector<16xi32>)  : i32 {
      %mul3A_1102 = arith.constant 16 : i32
      %mul3A_1103 = arith.muli %scan3A_1093, %mul3A_1102 : i32
      %get3A = arith.constant 0 : i32
      %get3A_1104 = arith.index_cast %get3A : i32 to index
      %get3A_1105 = arith.index_cast %mul3A_1103 : i32 to index
      %get3A_1106 = tpu.vector_load %arg11[%get3A_1104, %get3A_1105] {strides = array<i32>} : memref<8x512xi32, #tpu.memory_space<vmem>>, vector<16xi32>,
      %add3A_1107 = arith.addi %scan3A_1094, %get3A_1106 : vector<16xi32>
      %mul3A_1108 = arith.constant 16 : i32
      %mul3A_1109 = arith.muli %scan3A_1093, %mul3A_1108 : i32
      %get3A_1110 = arith.constant 1 : i32
      %get3A_1111 = arith.index_cast %get3A_1110 : i32 to index
      %get3A_1112 = arith.index_cast %mul3A_1109 : i32 to index
      %get3A_1113 = tpu.vector_load %arg11[%get3A_1111, %get3A_1112] {strides = array<i32>} : memref<8x512xi32, #tpu.memory_space<vmem>>, vector<16xi32>,
      %add3A_1114 = arith.addi %scan3A_1095, %get3A_1113 : vector<16xi32>
      %mul3A_1115 = arith.constant 16 : i32
      %mul3A_1116 = arith.muli %scan3A_1093, %mul3A_1115 : i32
      %get3A_1117 = arith.constant 2 : i32
      %get3A_1118 = arith.index_cast %get3A_1117 : i32 to index
      %get3A_1119 = arith.index_cast %mul3A_1116 : i32 to index
      %get3A_1120 = tpu.vector_load %arg11[%get3A_1118, %get3A_1119] {strides = array<i32>} : memref<8x512xi32, #tpu.memory_space<vmem>>, vector<16xi32>,
      %add3A_1121 = arith.addi %scan3A_1096, %get3A_1120 : vector<16xi32>
      %mul3A_1122 = arith.constant 16 : i32
      %mul3A_1123 = arith.muli %scan3A_1093, %mul3A_1122 : i32
      %get3A_1124 = arith.constant 3 : i32
      %get3A_1125 = arith.index_cast %get3A_1124 : i32 to index
      %get3A_1126 = arith.index_cast %mul3A_1123 : i32 to index
      %get3A_1127 = tpu.vector_load %arg11[%get3A_1125, %get3A_1126] {strides = array<i32>} : memref<8x512xi32, #tpu.memory_space<vmem>>, vector<16xi32>,
      %add3A_1128 = arith.addi %scan3A_1097, %get3A_1127 : vector<16xi32>
      %mul3A_1129 = arith.constant 16 : i32
      %mul3A_1130 = arith.muli %scan3A_1093, %mul3A_1129 : i32
      %get3A_1131 = arith.constant 4 : i32
      %get3A_1132 = arith.index_cast %get3A_1131 : i32 to index
      %get3A_1133 = arith.index_cast %mul3A_1130 : i32 to index
      %get3A_1134 = tpu.vector_load %arg11[%get3A_1132, %get3A_1133] {strides = array<i32>} : memref<8x512xi32, #tpu.memory_space<vmem>>, vector<16xi32>,
      %add3A_1135 = arith.addi %scan3A_1098, %get3A_1134 : vector<16xi32>
      %mul3A_1136 = arith.constant 16 : i32
      %mul3A_1137 = arith.muli %scan3A_1093, %mul3A_1136 : i32
      %get3A_1138 = arith.constant 5 : i32
      %get3A_1139 = arith.index_cast %get3A_1138 : i32 to index
      %get3A_1140 = arith.index_cast %mul3A_1137 : i32 to index
      %get3A_1141 = tpu.vector_load %arg11[%get3A_1139, %get3A_1140] {strides = array<i32>} : memref<8x512xi32, #tpu.memory_space<vmem>>, vector<16xi32>,
      %add3A_1142 = arith.addi %scan3A_1099, %get3A_1141 : vector<16xi32>
      %mul3A_1143 = arith.constant 16 : i32
      %mul3A_1144 = arith.muli %scan3A_1093, %mul3A_1143 : i32
      %get3A_1145 = arith.constant 6 : i32
      %get3A_1146 = arith.index_cast %get3A_1145 : i32 to index
      %get3A_1147 = arith.index_cast %mul3A_1144 : i32 to index
      %get3A_1148 = tpu.vector_load %arg11[%get3A_1146, %get3A_1147] {strides = array<i32>} : memref<8x512xi32, #tpu.memory_space<vmem>>, vector<16xi32>,
      %add3A_1149 = arith.addi %scan3A_1100, %get3A_1148 : vector<16xi32>
      %mul3A_1150 = arith.constant 16 : i32
      %mul3A_1151 = arith.muli %scan3A_1093, %mul3A_1150 : i32
      %get3A_1152 = arith.constant 7 : i32
      %get3A_1153 = arith.index_cast %get3A_1152 : i32 to index
      %get3A_1154 = arith.index_cast %mul3A_1151 : i32 to index
      %get3A_1155 = tpu.vector_load %arg11[%get3A_1153, %get3A_1154] {strides = array<i32>} : memref<8x512xi32, #tpu.memory_space<vmem>>, vector<16xi32>,
      %add3A_1156 = arith.addi %scan3A_1101, %get3A_1155 : vector<16xi32>
      scf.yield %add3A_1107, %add3A_1114, %add3A_1121, %add3A_1128, %add3A_1135, %add3A_1142, %add3A_1149, %add3A_1156 : vector<16xi32>, vector<16xi32>, vector<16xi32>, vector<16xi32>, vector<16xi32>, vector<16xi32>, vector<16xi32>, vector<16xi32>
    }
    %scan3A_155 = arith.constant 32 : i32
    %dma_wait3A_156 = arith.constant 0 : i32
    %dma_wait3A_157 = arith.constant 3072 : i32
    %dma_wait3A_158 = tpu.memref_slice %arg2[%dma_wait3A_156, %dma_wait3A_157] : memref<8x4096xi32, #tpu.memory_space<hbm>> -> memref<8x512xi32, #tpu.memory_space<hbm>>
    %dma_wait3A_159 = arith.constant 0 : i32
    %dma_wait3A_160 = arith.constant 3072 : i32
    %dma_wait3A_161 = tpu.memref_slice %arg2[%dma_wait3A_159, %dma_wait3A_160] : memref<8x4096xi32, #tpu.memory_space<hbm>> -> memref<8x512xi32, #tpu.memory_space<hbm>>
    tpu.wait_dma2 semaphore(%arg17 : memref<!tpu.dma_semaphore, #tpu.memory_space<semaphore_mem>>) src(%dma_wait3A_161 : memref<8x512xi32, #tpu.memory_space<hbm>>) dst(%arg10 : memref<8x512xi32, #tpu.memory_space<vmem>>)
    %dma_start3A_162 = arith.constant 0 : i32
    %dma_start3A_163 = arith.constant 3584 : i32
    %dma_start3A_164 = tpu.memref_slice %arg2[%dma_start3A_162, %dma_start3A_163] : memref<8x4096xi32, #tpu.memory_space<hbm>> -> memref<8x512xi32, #tpu.memory_space<hbm>>
    %dma_start3A_165 = arith.constant 0 : i32
    %dma_start3A_166 = arith.constant 3584 : i32
    %dma_start3A_167 = tpu.memref_slice %arg2[%dma_start3A_165, %dma_start3A_166] : memref<8x4096xi32, #tpu.memory_space<hbm>> -> memref<8x512xi32, #tpu.memory_space<hbm>>
    tpu.enqueue_dma source(%dma_start3A_167 : memref<8x512xi32, #tpu.memory_space<hbm>>) target(%arg11 : memref<8x512xi32, #tpu.memory_space<vmem>>) target_semaphore(%arg17 : memref<!tpu.dma_semaphore, #tpu.memory_space<semaphore_mem>>)
    %scan3A_168 = arith.constant 0 : i32
    %scan3A_169 = arith.constant 32 : i32
    %scan3A_170 = arith.addi %scan3A_168, %scan3A_169 : i32
    %scan3A_171 = arith.constant 1 : i32
    %scan3A_172:8 = scf.for %scan3A_1093 = %scan3A_168 to %scan3A_170 step %scan3A_171 iter_args(%scan3A_1094 = %scan3A_154#0, %scan3A_1095 = %scan3A_154#1, %scan3A_1096 = %scan3A_154#2, %scan3A_1097 = %scan3A_154#3, %scan3A_1098 = %scan3A_154#4, %scan3A_1099 = %scan3A_154#5, %scan3A_1100 = %scan3A_154#6, %scan3A_1101 = %scan3A_154#7) -> (vector<16xi32>, vector<16xi32>, vector<16xi32>, vector<16xi32>, vector<16xi32>, vector<16xi32>, vector<16xi32>, vector<16xi32>)  : i32 {
      %mul3A_1102 = arith.constant 16 : i32
      %mul3A_1103 = arith.muli %scan3A_1093, %mul3A_1102 : i32
      %get3A = arith.constant 0 : i32
      %get3A_1104 = arith.index_cast %get3A : i32 to index
      %get3A_1105 = arith.index_cast %mul3A_1103 : i32 to index
      %get3A_1106 = tpu.vector_load %arg10[%get3A_1104, %get3A_1105] {strides = array<i32>} : memref<8x512xi32, #tpu.memory_space<vmem>>, vector<16xi32>,
      %add3A_1107 = arith.addi %scan3A_1094, %get3A_1106 : vector<16xi32>
      %mul3A_1108 = arith.constant 16 : i32
      %mul3A_1109 = arith.muli %scan3A_1093, %mul3A_1108 : i32
      %get3A_1110 = arith.constant 1 : i32
      %get3A_1111 = arith.index_cast %get3A_1110 : i32 to index
      %get3A_1112 = arith.index_cast %mul3A_1109 : i32 to index
      %get3A_1113 = tpu.vector_load %arg10[%get3A_1111, %get3A_1112] {strides = array<i32>} : memref<8x512xi32, #tpu.memory_space<vmem>>, vector<16xi32>,
      %add3A_1114 = arith.addi %scan3A_1095, %get3A_1113 : vector<16xi32>
      %mul3A_1115 = arith.constant 16 : i32
      %mul3A_1116 = arith.muli %scan3A_1093, %mul3A_1115 : i32
      %get3A_1117 = arith.constant 2 : i32
      %get3A_1118 = arith.index_cast %get3A_1117 : i32 to index
      %get3A_1119 = arith.index_cast %mul3A_1116 : i32 to index
      %get3A_1120 = tpu.vector_load %arg10[%get3A_1118, %get3A_1119] {strides = array<i32>} : memref<8x512xi32, #tpu.memory_space<vmem>>, vector<16xi32>,
      %add3A_1121 = arith.addi %scan3A_1096, %get3A_1120 : vector<16xi32>
      %mul3A_1122 = arith.constant 16 : i32
      %mul3A_1123 = arith.muli %scan3A_1093, %mul3A_1122 : i32
      %get3A_1124 = arith.constant 3 : i32
      %get3A_1125 = arith.index_cast %get3A_1124 : i32 to index
      %get3A_1126 = arith.index_cast %mul3A_1123 : i32 to index
      %get3A_1127 = tpu.vector_load %arg10[%get3A_1125, %get3A_1126] {strides = array<i32>} : memref<8x512xi32, #tpu.memory_space<vmem>>, vector<16xi32>,
      %add3A_1128 = arith.addi %scan3A_1097, %get3A_1127 : vector<16xi32>
      %mul3A_1129 = arith.constant 16 : i32
      %mul3A_1130 = arith.muli %scan3A_1093, %mul3A_1129 : i32
      %get3A_1131 = arith.constant 4 : i32
      %get3A_1132 = arith.index_cast %get3A_1131 : i32 to index
      %get3A_1133 = arith.index_cast %mul3A_1130 : i32 to index
      %get3A_1134 = tpu.vector_load %arg10[%get3A_1132, %get3A_1133] {strides = array<i32>} : memref<8x512xi32, #tpu.memory_space<vmem>>, vector<16xi32>,
      %add3A_1135 = arith.addi %scan3A_1098, %get3A_1134 : vector<16xi32>
      %mul3A_1136 = arith.constant 16 : i32
      %mul3A_1137 = arith.muli %scan3A_1093, %mul3A_1136 : i32
      %get3A_1138 = arith.constant 5 : i32
      %get3A_1139 = arith.index_cast %get3A_1138 : i32 to index
      %get3A_1140 = arith.index_cast %mul3A_1137 : i32 to index
      %get3A_1141 = tpu.vector_load %arg10[%get3A_1139, %get3A_1140] {strides = array<i32>} : memref<8x512xi32, #tpu.memory_space<vmem>>, vector<16xi32>,
      %add3A_1142 = arith.addi %scan3A_1099, %get3A_1141 : vector<16xi32>
      %mul3A_1143 = arith.constant 16 : i32
      %mul3A_1144 = arith.muli %scan3A_1093, %mul3A_1143 : i32
      %get3A_1145 = arith.constant 6 : i32
      %get3A_1146 = arith.index_cast %get3A_1145 : i32 to index
      %get3A_1147 = arith.index_cast %mul3A_1144 : i32 to index
      %get3A_1148 = tpu.vector_load %arg10[%get3A_1146, %get3A_1147] {strides = array<i32>} : memref<8x512xi32, #tpu.memory_space<vmem>>, vector<16xi32>,
      %add3A_1149 = arith.addi %scan3A_1100, %get3A_1148 : vector<16xi32>
      %mul3A_1150 = arith.constant 16 : i32
      %mul3A_1151 = arith.muli %scan3A_1093, %mul3A_1150 : i32
      %get3A_1152 = arith.constant 7 : i32
      %get3A_1153 = arith.index_cast %get3A_1152 : i32 to index
      %get3A_1154 = arith.index_cast %mul3A_1151 : i32 to index
      %get3A_1155 = tpu.vector_load %arg10[%get3A_1153, %get3A_1154] {strides = array<i32>} : memref<8x512xi32, #tpu.memory_space<vmem>>, vector<16xi32>,
      %add3A_1156 = arith.addi %scan3A_1101, %get3A_1155 : vector<16xi32>
      scf.yield %add3A_1107, %add3A_1114, %add3A_1121, %add3A_1128, %add3A_1135, %add3A_1142, %add3A_1149, %add3A_1156 : vector<16xi32>, vector<16xi32>, vector<16xi32>, vector<16xi32>, vector<16xi32>, vector<16xi32>, vector<16xi32>, vector<16xi32>
    }
    %scan3A_173 = arith.constant 32 : i32
    %dma_wait3A_174 = arith.constant 0 : i32
    %dma_wait3A_175 = arith.constant 3584 : i32
    %dma_wait3A_176 = tpu.memref_slice %arg2[%dma_wait3A_174, %dma_wait3A_175] : memref<8x4096xi32, #tpu.memory_space<hbm>> -> memref<8x512xi32, #tpu.memory_space<hbm>>
    %dma_wait3A_177 = arith.constant 0 : i32
    %dma_wait3A_178 = arith.constant 3584 : i32
    %dma_wait3A_179 = tpu.memref_slice %arg2[%dma_wait3A_177, %dma_wait3A_178] : memref<8x4096xi32, #tpu.memory_space<hbm>> -> memref<8x512xi32, #tpu.memory_space<hbm>>
    tpu.wait_dma2 semaphore(%arg17 : memref<!tpu.dma_semaphore, #tpu.memory_space<semaphore_mem>>) src(%dma_wait3A_179 : memref<8x512xi32, #tpu.memory_space<hbm>>) dst(%arg11 : memref<8x512xi32, #tpu.memory_space<vmem>>)
    %scan3A_180 = arith.constant 0 : i32
    %scan3A_181 = arith.constant 32 : i32
    %scan3A_182 = arith.addi %scan3A_180, %scan3A_181 : i32
    %scan3A_183 = arith.constant 1 : i32
    %scan3A_184:8 = scf.for %scan3A_1093 = %scan3A_180 to %scan3A_182 step %scan3A_183 iter_args(%scan3A_1094 = %scan3A_172#0, %scan3A_1095 = %scan3A_172#1, %scan3A_1096 = %scan3A_172#2, %scan3A_1097 = %scan3A_172#3, %scan3A_1098 = %scan3A_172#4, %scan3A_1099 = %scan3A_172#5, %scan3A_1100 = %scan3A_172#6, %scan3A_1101 = %scan3A_172#7) -> (vector<16xi32>, vector<16xi32>, vector<16xi32>, vector<16xi32>, vector<16xi32>, vector<16xi32>, vector<16xi32>, vector<16xi32>)  : i32 {
      %mul3A_1102 = arith.constant 16 : i32
      %mul3A_1103 = arith.muli %scan3A_1093, %mul3A_1102 : i32
      %get3A = arith.constant 0 : i32
      %get3A_1104 = arith.index_cast %get3A : i32 to index
      %get3A_1105 = arith.index_cast %mul3A_1103 : i32 to index
      %get3A_1106 = tpu.vector_load %arg11[%get3A_1104, %get3A_1105] {strides = array<i32>} : memref<8x512xi32, #tpu.memory_space<vmem>>, vector<16xi32>,
      %add3A_1107 = arith.addi %scan3A_1094, %get3A_1106 : vector<16xi32>
      %mul3A_1108 = arith.constant 16 : i32
      %mul3A_1109 = arith.muli %scan3A_1093, %mul3A_1108 : i32
      %get3A_1110 = arith.constant 1 : i32
      %get3A_1111 = arith.index_cast %get3A_1110 : i32 to index
      %get3A_1112 = arith.index_cast %mul3A_1109 : i32 to index
      %get3A_1113 = tpu.vector_load %arg11[%get3A_1111, %get3A_1112] {strides = array<i32>} : memref<8x512xi32, #tpu.memory_space<vmem>>, vector<16xi32>,
      %add3A_1114 = arith.addi %scan3A_1095, %get3A_1113 : vector<16xi32>
      %mul3A_1115 = arith.constant 16 : i32
      %mul3A_1116 = arith.muli %scan3A_1093, %mul3A_1115 : i32
      %get3A_1117 = arith.constant 2 : i32
      %get3A_1118 = arith.index_cast %get3A_1117 : i32 to index
      %get3A_1119 = arith.index_cast %mul3A_1116 : i32 to index
      %get3A_1120 = tpu.vector_load %arg11[%get3A_1118, %get3A_1119] {strides = array<i32>} : memref<8x512xi32, #tpu.memory_space<vmem>>, vector<16xi32>,
      %add3A_1121 = arith.addi %scan3A_1096, %get3A_1120 : vector<16xi32>
      %mul3A_1122 = arith.constant 16 : i32
      %mul3A_1123 = arith.muli %scan3A_1093, %mul3A_1122 : i32
      %get3A_1124 = arith.constant 3 : i32
      %get3A_1125 = arith.index_cast %get3A_1124 : i32 to index
      %get3A_1126 = arith.index_cast %mul3A_1123 : i32 to index
      %get3A_1127 = tpu.vector_load %arg11[%get3A_1125, %get3A_1126] {strides = array<i32>} : memref<8x512xi32, #tpu.memory_space<vmem>>, vector<16xi32>,
      %add3A_1128 = arith.addi %scan3A_1097, %get3A_1127 : vector<16xi32>
      %mul3A_1129 = arith.constant 16 : i32
      %mul3A_1130 = arith.muli %scan3A_1093, %mul3A_1129 : i32
      %get3A_1131 = arith.constant 4 : i32
      %get3A_1132 = arith.index_cast %get3A_1131 : i32 to index
      %get3A_1133 = arith.index_cast %mul3A_1130 : i32 to index
      %get3A_1134 = tpu.vector_load %arg11[%get3A_1132, %get3A_1133] {strides = array<i32>} : memref<8x512xi32, #tpu.memory_space<vmem>>, vector<16xi32>,
      %add3A_1135 = arith.addi %scan3A_1098, %get3A_1134 : vector<16xi32>
      %mul3A_1136 = arith.constant 16 : i32
      %mul3A_1137 = arith.muli %scan3A_1093, %mul3A_1136 : i32
      %get3A_1138 = arith.constant 5 : i32
      %get3A_1139 = arith.index_cast %get3A_1138 : i32 to index
      %get3A_1140 = arith.index_cast %mul3A_1137 : i32 to index
      %get3A_1141 = tpu.vector_load %arg11[%get3A_1139, %get3A_1140] {strides = array<i32>} : memref<8x512xi32, #tpu.memory_space<vmem>>, vector<16xi32>,
      %add3A_1142 = arith.addi %scan3A_1099, %get3A_1141 : vector<16xi32>
      %mul3A_1143 = arith.constant 16 : i32
      %mul3A_1144 = arith.muli %scan3A_1093, %mul3A_1143 : i32
      %get3A_1145 = arith.constant 6 : i32
      %get3A_1146 = arith.index_cast %get3A_1145 : i32 to index
      %get3A_1147 = arith.index_cast %mul3A_1144 : i32 to index
      %get3A_1148 = tpu.vector_load %arg11[%get3A_1146, %get3A_1147] {strides = array<i32>} : memref<8x512xi32, #tpu.memory_space<vmem>>, vector<16xi32>,
      %add3A_1149 = arith.addi %scan3A_1100, %get3A_1148 : vector<16xi32>
      %mul3A_1150 = arith.constant 16 : i32
      %mul3A_1151 = arith.muli %scan3A_1093, %mul3A_1150 : i32
      %get3A_1152 = arith.constant 7 : i32
      %get3A_1153 = arith.index_cast %get3A_1152 : i32 to index
      %get3A_1154 = arith.index_cast %mul3A_1151 : i32 to index
      %get3A_1155 = tpu.vector_load %arg11[%get3A_1153, %get3A_1154] {strides = array<i32>} : memref<8x512xi32, #tpu.memory_space<vmem>>, vector<16xi32>,
      %add3A_1156 = arith.addi %scan3A_1101, %get3A_1155 : vector<16xi32>
      scf.yield %add3A_1107, %add3A_1114, %add3A_1121, %add3A_1128, %add3A_1135, %add3A_1142, %add3A_1149, %add3A_1156 : vector<16xi32>, vector<16xi32>, vector<16xi32>, vector<16xi32>, vector<16xi32>, vector<16xi32>, vector<16xi32>, vector<16xi32>
    }
    %scan3A_185 = arith.constant 32 : i32
    %reduce_sum3A = arith.constant true
    %reduce_sum3A_186 = vector.broadcast %reduce_sum3A : i1 to vector<16xi1>
    %reduce_sum3A_187 = tpu.scan <sum>, %scan3A_184#0 masked %reduce_sum3A_186 : vector<16xi32>, vector<16xi1> -> vector<16xi32>
    %reduce_sum3A_188 = vector.extract %reduce_sum3A_187[15] : i32 from vector<16xi32>
    %reduce_sum3A_189 = arith.constant true
    %reduce_sum3A_190 = vector.broadcast %reduce_sum3A_189 : i1 to vector<16xi1>
    %reduce_sum3A_191 = tpu.scan <sum>, %scan3A_184#1 masked %reduce_sum3A_190 : vector<16xi32>, vector<16xi1> -> vector<16xi32>
    %reduce_sum3A_192 = vector.extract %reduce_sum3A_191[15] : i32 from vector<16xi32>
    %reduce_sum3A_193 = arith.constant true
    %reduce_sum3A_194 = vector.broadcast %reduce_sum3A_193 : i1 to vector<16xi1>
    %reduce_sum3A_195 = tpu.scan <sum>, %scan3A_184#2 masked %reduce_sum3A_194 : vector<16xi32>, vector<16xi1> -> vector<16xi32>
    %reduce_sum3A_196 = vector.extract %reduce_sum3A_195[15] : i32 from vector<16xi32>
    %reduce_sum3A_197 = arith.constant true
    %reduce_sum3A_198 = vector.broadcast %reduce_sum3A_197 : i1 to vector<16xi1>
    %reduce_sum3A_199 = tpu.scan <sum>, %scan3A_184#3 masked %reduce_sum3A_198 : vector<16xi32>, vector<16xi1> -> vector<16xi32>
    %reduce_sum3A_200 = vector.extract %reduce_sum3A_199[15] : i32 from vector<16xi32>
    %reduce_sum3A_201 = arith.constant true
    %reduce_sum3A_202 = vector.broadcast %reduce_sum3A_201 : i1 to vector<16xi1>
    %reduce_sum3A_203 = tpu.scan <sum>, %scan3A_184#4 masked %reduce_sum3A_202 : vector<16xi32>, vector<16xi1> -> vector<16xi32>
    %reduce_sum3A_204 = vector.extract %reduce_sum3A_203[15] : i32 from vector<16xi32>
    %reduce_sum3A_205 = arith.constant true
    %reduce_sum3A_206 = vector.broadcast %reduce_sum3A_205 : i1 to vector<16xi1>
    %reduce_sum3A_207 = tpu.scan <sum>, %scan3A_184#5 masked %reduce_sum3A_206 : vector<16xi32>, vector<16xi1> -> vector<16xi32>
    %reduce_sum3A_208 = vector.extract %reduce_sum3A_207[15] : i32 from vector<16xi32>
    %reduce_sum3A_209 = arith.constant true
    %reduce_sum3A_210 = vector.broadcast %reduce_sum3A_209 : i1 to vector<16xi1>
    %reduce_sum3A_211 = tpu.scan <sum>, %scan3A_184#6 masked %reduce_sum3A_210 : vector<16xi32>, vector<16xi1> -> vector<16xi32>
    %reduce_sum3A_212 = vector.extract %reduce_sum3A_211[15] : i32 from vector<16xi32>
    %reduce_sum3A_213 = arith.constant true
    %reduce_sum3A_214 = vector.broadcast %reduce_sum3A_213 : i1 to vector<16xi1>
    %reduce_sum3A_215 = tpu.scan <sum>, %scan3A_184#7 masked %reduce_sum3A_214 : vector<16xi32>, vector<16xi1> -> vector<16xi32>
    %reduce_sum3A_216 = vector.extract %reduce_sum3A_215[15] : i32 from vector<16xi32>
    %jit3A = arith.constant 32 : i32
    %div3A = arith.divsi %reduce_sum3A_188, %jit3A : i32
    %sign3A = arith.constant 0 : i32
    %sign3A_217 = arith.cmpi sgt, %reduce_sum3A_188, %sign3A : i32
    %sign3A_218 = arith.extui %sign3A_217 : i1 to i32
    %sign3A_219 = arith.constant 0 : i32
    %sign3A_220 = arith.cmpi slt, %reduce_sum3A_188, %sign3A_219 : i32
    %sign3A_221 = arith.extui %sign3A_220 : i1 to i32
    %sign3A_222 = arith.subi %sign3A_218, %sign3A_221 : i32
    %sign3A_223 = arith.constant 0 : i32
    %sign3A_224 = arith.cmpi sgt, %jit3A, %sign3A_223 : i32
    %sign3A_225 = arith.extui %sign3A_224 : i1 to i32
    %sign3A_226 = arith.constant 0 : i32
    %sign3A_227 = arith.cmpi slt, %jit3A, %sign3A_226 : i32
    %sign3A_228 = arith.extui %sign3A_227 : i1 to i32
    %sign3A_229 = arith.subi %sign3A_225, %sign3A_228 : i32
    %ne3A = arith.cmpi ne, %sign3A_222, %sign3A_229 : i32
    %rem3A = arith.remsi %reduce_sum3A_188, %jit3A : i32
    %ne3A_230 = arith.constant 0 : i32
    %ne3A_231 = arith.cmpi ne, %rem3A, %ne3A_230 : i32
    %and3A = arith.andi %ne3A, %ne3A_231 : i1
    %sub3A = arith.constant 1 : i32
    %sub3A_232 = arith.subi %div3A, %sub3A : i32
    %select_n3A = arith.select %and3A, %sub3A_232, %div3A : i32
    %jit3A_233 = arith.constant 32 : i32
    %eq3A = arith.constant 0 : i32
    %eq3A_234 = arith.cmpi eq, %jit3A_233, %eq3A : i32
    %jit3A_235 = arith.constant 1 : i32
    %select_n3A_236 = arith.select %eq3A_234, %jit3A_235, %jit3A_233 : i32
    %rem3A_237 = arith.remsi %reduce_sum3A_188, %select_n3A_236 : i32
    %ne3A_238 = arith.constant 0 : i32
    %ne3A_239 = arith.cmpi ne, %rem3A_237, %ne3A_238 : i32
    %lt3A = arith.constant 0 : i32
    %lt3A_240 = arith.cmpi slt, %rem3A_237, %lt3A : i32
    %lt3A_241 = arith.constant 0 : i32
    %lt3A_242 = arith.cmpi slt, %select_n3A_236, %lt3A_241 : i32
    %ne3A_243 = arith.xori %lt3A_240, %lt3A_242 : i1
    %and3A_244 = arith.andi %ne3A_243, %ne3A_239 : i1
    %add3A_245 = arith.addi %rem3A_237, %select_n3A_236 : i32
    %select_n3A_246 = arith.select %and3A_244, %add3A_245, %rem3A_237 : i32
    %ne3A_247 = arith.constant 0 : i32
    %ne3A_248 = arith.cmpi ne, %select_n3A_246, %ne3A_247 : i32
    %eq3A_249 = arith.constant 0 : i32
    %eq3A_250 = arith.cmpi eq, %add3A, %eq3A_249 : i32
    %and3A_251 = arith.andi %ne3A_248, %eq3A_250 : i1
    %convert_element_type3A = arith.extui %and3A_251 : i1 to i32
    %cond3A = arith.constant 0 : i32
    %cond3A_252 = arith.cmpi ne, %convert_element_type3A, %cond3A : i32
    scf.if %cond3A_252 {
      %mul3A_1093 = arith.constant 32 : i32
      %mul3A_1094 = arith.muli %select_n3A, %mul3A_1093 : i32
      %add3A_1095 = vector.broadcast %mul3A_1094 : i32 to vector<16xi32>
      %add3A_1096 = arith.addi %iota3A, %add3A_1095 : vector<16xi32>
      %lt3A_1097 = vector.broadcast %reduce_sum3A_188 : i32 to vector<16xi32>
      %lt3A_1098 = arith.cmpi slt, %add3A_1096, %lt3A_1097 : vector<16xi32>
      %add3A_1099 = arith.constant 2 : i32
      %add3A_1100 = vector.broadcast %add3A_1099 : i32 to vector<16xi32>
      %add3A_1101 = arith.addi %add3A_1096, %add3A_1100 : vector<16xi32>
      %jit3A_1102 = arith.constant 0 : i32
      %broadcast_in_dim3A_1103 = vector.broadcast %jit3A_1102 : i32 to vector<16xi32>
      %select_n3A_1104 = arith.select %lt3A_1098, %add3A_1101, %broadcast_in_dim3A_1103 : vector<16xi1>, vector<16xi32>
      %swap3A_1105 = arith.constant 0 : index
      %swap3A_1106 = tpu.vector_load %arg14[%swap3A_1105] {strides = array<i32>} : memref<16xi32, #tpu.memory_space<vmem>>, vector<16xi32>,
      tpu.vector_store %arg14[%swap3A_1105], %select_n3A_1104 {strides = array<i32>} : memref<16xi32, #tpu.memory_space<vmem>>, vector<16xi32>,
      %add3A_1107 = arith.constant 16 : i32
      %add3A_1108 = arith.addi %mul3A_1094, %add3A_1107 : i32
      %add3A_1109 = vector.broadcast %add3A_1108 : i32 to vector<16xi32>
      %add3A_1110 = arith.addi %iota3A, %add3A_1109 : vector<16xi32>
      %lt3A_1111 = vector.broadcast %reduce_sum3A_188 : i32 to vector<16xi32>
      %lt3A_1112 = arith.cmpi slt, %add3A_1110, %lt3A_1111 : vector<16xi32>
      %add3A_1113 = arith.constant 2 : i32
      %add3A_1114 = vector.broadcast %add3A_1113 : i32 to vector<16xi32>
      %add3A_1115 = arith.addi %add3A_1110, %add3A_1114 : vector<16xi32>
      %jit3A_1116 = arith.constant 0 : i32
      %broadcast_in_dim3A_1117 = vector.broadcast %jit3A_1116 : i32 to vector<16xi32>
      %select_n3A_1118 = arith.select %lt3A_1112, %add3A_1115, %broadcast_in_dim3A_1117 : vector<16xi1>, vector<16xi32>
      %swap3A_1119 = arith.constant 0 : index
      %swap3A_1120 = tpu.vector_load %arg15[%swap3A_1119] {strides = array<i32>} : memref<16xi32, #tpu.memory_space<vmem>>, vector<16xi32>,
      tpu.vector_store %arg15[%swap3A_1119], %select_n3A_1118 {strides = array<i32>} : memref<16xi32, #tpu.memory_space<vmem>>, vector<16xi32>,
      %dma_start3A_1121 = arith.constant 0 : i32
      %dma_start3A_1122 = arith.constant 0 : i32
      %dma_start3A_1123 = tpu.memref_slice %arg3[%dma_start3A_1121, %dma_start3A_1122] : memref<8192x1024xf32, #tpu.memory_space<hbm>> -> memref<8192x1024xf32, #tpu.memory_space<hbm>>
      tpu.enqueue_indirect_dma source(%dma_start3A_1123 : memref<8192x1024xf32, #tpu.memory_space<hbm>>) target(%arg8 : memref<16x1024xf32, #tpu.memory_space<vmem>>) offsets(%arg14 : memref<16xi32, #tpu.memory_space<vmem>>) semaphore(%arg19 : memref<!tpu.dma_semaphore, #tpu.memory_space<semaphore_mem>>)
      %dma_start3A_1124 = arith.constant 0 : i32
      %dma_start3A_1125 = arith.constant 0 : i32
      %dma_start3A_1126 = tpu.memref_slice %arg3[%dma_start3A_1124, %dma_start3A_1125] : memref<8192x1024xf32, #tpu.memory_space<hbm>> -> memref<8192x1024xf32, #tpu.memory_space<hbm>>
      tpu.enqueue_indirect_dma source(%dma_start3A_1126 : memref<8192x1024xf32, #tpu.memory_space<hbm>>) target(%arg9 : memref<16x1024xf32, #tpu.memory_space<vmem>>) offsets(%arg15 : memref<16xi32, #tpu.memory_space<vmem>>) semaphore(%arg19 : memref<!tpu.dma_semaphore, #tpu.memory_space<semaphore_mem>>)
      %dma_wait3A_1127 = arith.constant 0 : i32
      %dma_wait3A_1128 = arith.constant 0 : i32
      %dma_wait3A_1129 = tpu.memref_slice %arg3[%dma_wait3A_1127, %dma_wait3A_1128] : memref<8192x1024xf32, #tpu.memory_space<hbm>> -> memref<8192x1024xf32, #tpu.memory_space<hbm>>
      tpu.wait_indirect_dma semaphore(%arg19 : memref<!tpu.dma_semaphore, #tpu.memory_space<semaphore_mem>>) src(%dma_wait3A_1129 : memref<8192x1024xf32, #tpu.memory_space<hbm>>) dst(%arg8 : memref<16x1024xf32, #tpu.memory_space<vmem>>)
      %dma_wait3A_1130 = arith.constant 0 : i32
      %dma_wait3A_1131 = arith.constant 0 : i32
      %dma_wait3A_1132 = tpu.memref_slice %arg3[%dma_wait3A_1130, %dma_wait3A_1131] : memref<8192x1024xf32, #tpu.memory_space<hbm>> -> memref<8192x1024xf32, #tpu.memory_space<hbm>>
      tpu.wait_indirect_dma semaphore(%arg19 : memref<!tpu.dma_semaphore, #tpu.memory_space<semaphore_mem>>) src(%dma_wait3A_1132 : memref<8192x1024xf32, #tpu.memory_space<hbm>>) dst(%arg9 : memref<16x1024xf32, #tpu.memory_space<vmem>>)
      %dma_start3A_1133 = arith.constant 0 : i32
      %dma_start3A_1134 = arith.constant 0 : i32
      %dma_start3A_1135 = tpu.memref_slice %arg4[%dma_start3A_1133, %mul3A_1094, %dma_start3A_1134] : memref<8x4096x1024xf32, #tpu.memory_space<hbm>> -> memref<1x16x1024xf32, #tpu.memory_space<hbm>>
      %dma_start3A_1136 = tpu.memref_squeeze %dma_start3A_1135 : memref<1x16x1024xf32, #tpu.memory_space<hbm>> -> memref<16x1024xf32, #tpu.memory_space<hbm>>
      %dma_start3A_1137 = arith.constant 0 : i32
      %dma_start3A_1138 = tpu.memref_slice %arg4[%dma_start3A_1133, %mul3A_1094, %dma_start3A_1137] : memref<8x4096x1024xf32, #tpu.memory_space<hbm>> -> memref<1x16x1024xf32, #tpu.memory_space<hbm>>
      %dma_start3A_1139 = tpu.memref_squeeze %dma_start3A_1138 : memref<1x16x1024xf32, #tpu.memory_space<hbm>> -> memref<16x1024xf32, #tpu.memory_space<hbm>>
      tpu.enqueue_dma source(%arg8 : memref<16x1024xf32, #tpu.memory_space<vmem>>) target(%dma_start3A_1139 : memref<16x1024xf32, #tpu.memory_space<hbm>>) target_semaphore(%arg20 : memref<!tpu.dma_semaphore, #tpu.memory_space<semaphore_mem>>)
      %add3A_1140 = arith.constant 16 : i32
      %add3A_1141 = arith.addi %mul3A_1094, %add3A_1140 : i32
      %dma_start3A_1142 = arith.constant 0 : i32
      %dma_start3A_1143 = arith.constant 0 : i32
      %dma_start3A_1144 = tpu.memref_slice %arg4[%dma_start3A_1142, %add3A_1141, %dma_start3A_1143] : memref<8x4096x1024xf32, #tpu.memory_space<hbm>> -> memref<1x16x1024xf32, #tpu.memory_space<hbm>>
      %dma_start3A_1145 = tpu.memref_squeeze %dma_start3A_1144 : memref<1x16x1024xf32, #tpu.memory_space<hbm>> -> memref<16x1024xf32, #tpu.memory_space<hbm>>
      %dma_start3A_1146 = arith.constant 0 : i32
      %dma_start3A_1147 = tpu.memref_slice %arg4[%dma_start3A_1142, %add3A_1141, %dma_start3A_1146] : memref<8x4096x1024xf32, #tpu.memory_space<hbm>> -> memref<1x16x1024xf32, #tpu.memory_space<hbm>>
      %dma_start3A_1148 = tpu.memref_squeeze %dma_start3A_1147 : memref<1x16x1024xf32, #tpu.memory_space<hbm>> -> memref<16x1024xf32, #tpu.memory_space<hbm>>
      tpu.enqueue_dma source(%arg9 : memref<16x1024xf32, #tpu.memory_space<vmem>>) target(%dma_start3A_1148 : memref<16x1024xf32, #tpu.memory_space<hbm>>) target_semaphore(%arg20 : memref<!tpu.dma_semaphore, #tpu.memory_space<semaphore_mem>>)
    } else {
    }
    %jit3A_253 = arith.constant 2 : i32
    %jit3A_254 = arith.constant 0 : i32
    %select_n3A_255 = arith.select %and3A_251, %jit3A_253, %jit3A_254 : i32
    %add3A_256 = arith.constant 0 : i32
    %add3A_257 = arith.addi %add3A_256, %select_n3A_255 : i32
    %jit3A_258 = arith.constant 32 : i32
    %div3A_259 = arith.divsi %reduce_sum3A_192, %jit3A_258 : i32
    %sign3A_260 = arith.constant 0 : i32
    %sign3A_261 = arith.cmpi sgt, %reduce_sum3A_192, %sign3A_260 : i32
    %sign3A_262 = arith.extui %sign3A_261 : i1 to i32
    %sign3A_263 = arith.constant 0 : i32
    %sign3A_264 = arith.cmpi slt, %reduce_sum3A_192, %sign3A_263 : i32
    %sign3A_265 = arith.extui %sign3A_264 : i1 to i32
    %sign3A_266 = arith.subi %sign3A_262, %sign3A_265 : i32
    %sign3A_267 = arith.constant 0 : i32
    %sign3A_268 = arith.cmpi sgt, %jit3A_258, %sign3A_267 : i32
    %sign3A_269 = arith.extui %sign3A_268 : i1 to i32
    %sign3A_270 = arith.constant 0 : i32
    %sign3A_271 = arith.cmpi slt, %jit3A_258, %sign3A_270 : i32
    %sign3A_272 = arith.extui %sign3A_271 : i1 to i32
    %sign3A_273 = arith.subi %sign3A_269, %sign3A_272 : i32
    %ne3A_274 = arith.cmpi ne, %sign3A_266, %sign3A_273 : i32
    %rem3A_275 = arith.remsi %reduce_sum3A_192, %jit3A_258 : i32
    %ne3A_276 = arith.constant 0 : i32
    %ne3A_277 = arith.cmpi ne, %rem3A_275, %ne3A_276 : i32
    %and3A_278 = arith.andi %ne3A_274, %ne3A_277 : i1
    %sub3A_279 = arith.constant 1 : i32
    %sub3A_280 = arith.subi %div3A_259, %sub3A_279 : i32
    %select_n3A_281 = arith.select %and3A_278, %sub3A_280, %div3A_259 : i32
    %jit3A_282 = arith.constant 32 : i32
    %eq3A_283 = arith.constant 0 : i32
    %eq3A_284 = arith.cmpi eq, %jit3A_282, %eq3A_283 : i32
    %jit3A_285 = arith.constant 1 : i32
    %select_n3A_286 = arith.select %eq3A_284, %jit3A_285, %jit3A_282 : i32
    %rem3A_287 = arith.remsi %reduce_sum3A_192, %select_n3A_286 : i32
    %ne3A_288 = arith.constant 0 : i32
    %ne3A_289 = arith.cmpi ne, %rem3A_287, %ne3A_288 : i32
    %lt3A_290 = arith.constant 0 : i32
    %lt3A_291 = arith.cmpi slt, %rem3A_287, %lt3A_290 : i32
    %lt3A_292 = arith.constant 0 : i32
    %lt3A_293 = arith.cmpi slt, %select_n3A_286, %lt3A_292 : i32
    %ne3A_294 = arith.xori %lt3A_291, %lt3A_293 : i1
    %and3A_295 = arith.andi %ne3A_294, %ne3A_289 : i1
    %add3A_296 = arith.addi %rem3A_287, %select_n3A_286 : i32
    %select_n3A_297 = arith.select %and3A_295, %add3A_296, %rem3A_287 : i32
    %ne3A_298 = arith.constant 0 : i32
    %ne3A_299 = arith.cmpi ne, %select_n3A_297, %ne3A_298 : i32
    %eq3A_300 = arith.constant 1 : i32
    %eq3A_301 = arith.cmpi eq, %add3A, %eq3A_300 : i32
    %and3A_302 = arith.andi %ne3A_299, %eq3A_301 : i1
    %convert_element_type3A_303 = arith.extui %and3A_302 : i1 to i32
    %cond3A_304 = arith.constant 0 : i32
    %cond3A_305 = arith.cmpi ne, %convert_element_type3A_303, %cond3A_304 : i32
    scf.if %cond3A_305 {
      %mul3A_1093 = arith.constant 32 : i32
      %mul3A_1094 = arith.muli %select_n3A_281, %mul3A_1093 : i32
      %add3A_1095 = vector.broadcast %mul3A_1094 : i32 to vector<16xi32>
      %add3A_1096 = arith.addi %iota3A, %add3A_1095 : vector<16xi32>
      %lt3A_1097 = vector.broadcast %reduce_sum3A_192 : i32 to vector<16xi32>
      %lt3A_1098 = arith.cmpi slt, %add3A_1096, %lt3A_1097 : vector<16xi32>
      %add3A_1099 = arith.constant 2 : i32
      %add3A_1100 = vector.broadcast %add3A_1099 : i32 to vector<16xi32>
      %add3A_1101 = arith.addi %add3A_1096, %add3A_1100 : vector<16xi32>
      %jit3A_1102 = arith.constant 0 : i32
      %broadcast_in_dim3A_1103 = vector.broadcast %jit3A_1102 : i32 to vector<16xi32>
      %select_n3A_1104 = arith.select %lt3A_1098, %add3A_1101, %broadcast_in_dim3A_1103 : vector<16xi1>, vector<16xi32>
      %swap3A_1105 = arith.constant 0 : index
      %swap3A_1106 = tpu.vector_load %arg14[%swap3A_1105] {strides = array<i32>} : memref<16xi32, #tpu.memory_space<vmem>>, vector<16xi32>,
      tpu.vector_store %arg14[%swap3A_1105], %select_n3A_1104 {strides = array<i32>} : memref<16xi32, #tpu.memory_space<vmem>>, vector<16xi32>,
      %add3A_1107 = arith.constant 16 : i32
      %add3A_1108 = arith.addi %mul3A_1094, %add3A_1107 : i32
      %add3A_1109 = vector.broadcast %add3A_1108 : i32 to vector<16xi32>
      %add3A_1110 = arith.addi %iota3A, %add3A_1109 : vector<16xi32>
      %lt3A_1111 = vector.broadcast %reduce_sum3A_192 : i32 to vector<16xi32>
      %lt3A_1112 = arith.cmpi slt, %add3A_1110, %lt3A_1111 : vector<16xi32>
      %add3A_1113 = arith.constant 2 : i32
      %add3A_1114 = vector.broadcast %add3A_1113 : i32 to vector<16xi32>
      %add3A_1115 = arith.addi %add3A_1110, %add3A_1114 : vector<16xi32>
      %jit3A_1116 = arith.constant 0 : i32
      %broadcast_in_dim3A_1117 = vector.broadcast %jit3A_1116 : i32 to vector<16xi32>
      %select_n3A_1118 = arith.select %lt3A_1112, %add3A_1115, %broadcast_in_dim3A_1117 : vector<16xi1>, vector<16xi32>
      %swap3A_1119 = arith.constant 0 : index
      %swap3A_1120 = tpu.vector_load %arg15[%swap3A_1119] {strides = array<i32>} : memref<16xi32, #tpu.memory_space<vmem>>, vector<16xi32>,
      tpu.vector_store %arg15[%swap3A_1119], %select_n3A_1118 {strides = array<i32>} : memref<16xi32, #tpu.memory_space<vmem>>, vector<16xi32>,
      %dma_start3A_1121 = arith.constant 0 : i32
      %dma_start3A_1122 = arith.constant 0 : i32
      %dma_start3A_1123 = tpu.memref_slice %arg3[%dma_start3A_1121, %dma_start3A_1122] : memref<8192x1024xf32, #tpu.memory_space<hbm>> -> memref<8192x1024xf32, #tpu.memory_space<hbm>>
      tpu.enqueue_indirect_dma source(%dma_start3A_1123 : memref<8192x1024xf32, #tpu.memory_space<hbm>>) target(%arg8 : memref<16x1024xf32, #tpu.memory_space<vmem>>) offsets(%arg14 : memref<16xi32, #tpu.memory_space<vmem>>) semaphore(%arg19 : memref<!tpu.dma_semaphore, #tpu.memory_space<semaphore_mem>>)
      %dma_start3A_1124 = arith.constant 0 : i32
      %dma_start3A_1125 = arith.constant 0 : i32
      %dma_start3A_1126 = tpu.memref_slice %arg3[%dma_start3A_1124, %dma_start3A_1125] : memref<8192x1024xf32, #tpu.memory_space<hbm>> -> memref<8192x1024xf32, #tpu.memory_space<hbm>>
      tpu.enqueue_indirect_dma source(%dma_start3A_1126 : memref<8192x1024xf32, #tpu.memory_space<hbm>>) target(%arg9 : memref<16x1024xf32, #tpu.memory_space<vmem>>) offsets(%arg15 : memref<16xi32, #tpu.memory_space<vmem>>) semaphore(%arg19 : memref<!tpu.dma_semaphore, #tpu.memory_space<semaphore_mem>>)
      %dma_wait3A_1127 = arith.constant 0 : i32
      %dma_wait3A_1128 = arith.constant 0 : i32
      %dma_wait3A_1129 = tpu.memref_slice %arg3[%dma_wait3A_1127, %dma_wait3A_1128] : memref<8192x1024xf32, #tpu.memory_space<hbm>> -> memref<8192x1024xf32, #tpu.memory_space<hbm>>
      tpu.wait_indirect_dma semaphore(%arg19 : memref<!tpu.dma_semaphore, #tpu.memory_space<semaphore_mem>>) src(%dma_wait3A_1129 : memref<8192x1024xf32, #tpu.memory_space<hbm>>) dst(%arg8 : memref<16x1024xf32, #tpu.memory_space<vmem>>)
      %dma_wait3A_1130 = arith.constant 0 : i32
      %dma_wait3A_1131 = arith.constant 0 : i32
      %dma_wait3A_1132 = tpu.memref_slice %arg3[%dma_wait3A_1130, %dma_wait3A_1131] : memref<8192x1024xf32, #tpu.memory_space<hbm>> -> memref<8192x1024xf32, #tpu.memory_space<hbm>>
      tpu.wait_indirect_dma semaphore(%arg19 : memref<!tpu.dma_semaphore, #tpu.memory_space<semaphore_mem>>) src(%dma_wait3A_1132 : memref<8192x1024xf32, #tpu.memory_space<hbm>>) dst(%arg9 : memref<16x1024xf32, #tpu.memory_space<vmem>>)
      %dma_start3A_1133 = arith.constant 1 : i32
      %dma_start3A_1134 = arith.constant 0 : i32
      %dma_start3A_1135 = tpu.memref_slice %arg4[%dma_start3A_1133, %mul3A_1094, %dma_start3A_1134] : memref<8x4096x1024xf32, #tpu.memory_space<hbm>> -> memref<1x16x1024xf32, #tpu.memory_space<hbm>>
      %dma_start3A_1136 = tpu.memref_squeeze %dma_start3A_1135 : memref<1x16x1024xf32, #tpu.memory_space<hbm>> -> memref<16x1024xf32, #tpu.memory_space<hbm>>
      %dma_start3A_1137 = arith.constant 0 : i32
      %dma_start3A_1138 = tpu.memref_slice %arg4[%dma_start3A_1133, %mul3A_1094, %dma_start3A_1137] : memref<8x4096x1024xf32, #tpu.memory_space<hbm>> -> memref<1x16x1024xf32, #tpu.memory_space<hbm>>
      %dma_start3A_1139 = tpu.memref_squeeze %dma_start3A_1138 : memref<1x16x1024xf32, #tpu.memory_space<hbm>> -> memref<16x1024xf32, #tpu.memory_space<hbm>>
      tpu.enqueue_dma source(%arg8 : memref<16x1024xf32, #tpu.memory_space<vmem>>) target(%dma_start3A_1139 : memref<16x1024xf32, #tpu.memory_space<hbm>>) target_semaphore(%arg20 : memref<!tpu.dma_semaphore, #tpu.memory_space<semaphore_mem>>)
      %add3A_1140 = arith.constant 16 : i32
      %add3A_1141 = arith.addi %mul3A_1094, %add3A_1140 : i32
      %dma_start3A_1142 = arith.constant 1 : i32
      %dma_start3A_1143 = arith.constant 0 : i32
      %dma_start3A_1144 = tpu.memref_slice %arg4[%dma_start3A_1142, %add3A_1141, %dma_start3A_1143] : memref<8x4096x1024xf32, #tpu.memory_space<hbm>> -> memref<1x16x1024xf32, #tpu.memory_space<hbm>>
      %dma_start3A_1145 = tpu.memref_squeeze %dma_start3A_1144 : memref<1x16x1024xf32, #tpu.memory_space<hbm>> -> memref<16x1024xf32, #tpu.memory_space<hbm>>
      %dma_start3A_1146 = arith.constant 0 : i32
      %dma_start3A_1147 = tpu.memref_slice %arg4[%dma_start3A_1142, %add3A_1141, %dma_start3A_1146] : memref<8x4096x1024xf32, #tpu.memory_space<hbm>> -> memref<1x16x1024xf32, #tpu.memory_space<hbm>>
      %dma_start3A_1148 = tpu.memref_squeeze %dma_start3A_1147 : memref<1x16x1024xf32, #tpu.memory_space<hbm>> -> memref<16x1024xf32, #tpu.memory_space<hbm>>
      tpu.enqueue_dma source(%arg9 : memref<16x1024xf32, #tpu.memory_space<vmem>>) target(%dma_start3A_1148 : memref<16x1024xf32, #tpu.memory_space<hbm>>) target_semaphore(%arg20 : memref<!tpu.dma_semaphore, #tpu.memory_space<semaphore_mem>>)
    } else {
    }
    %jit3A_306 = arith.constant 2 : i32
    %jit3A_307 = arith.constant 0 : i32
    %select_n3A_308 = arith.select %and3A_302, %jit3A_306, %jit3A_307 : i32
    %add3A_309 = arith.addi %add3A_257, %select_n3A_308 : i32
    %jit3A_310 = arith.constant 32 : i32
    %div3A_311 = arith.divsi %reduce_sum3A_196, %jit3A_310 : i32
    %sign3A_312 = arith.constant 0 : i32
    %sign3A_313 = arith.cmpi sgt, %reduce_sum3A_196, %sign3A_312 : i32
    %sign3A_314 = arith.extui %sign3A_313 : i1 to i32
    %sign3A_315 = arith.constant 0 : i32
    %sign3A_316 = arith.cmpi slt, %reduce_sum3A_196, %sign3A_315 : i32
    %sign3A_317 = arith.extui %sign3A_316 : i1 to i32
    %sign3A_318 = arith.subi %sign3A_314, %sign3A_317 : i32
    %sign3A_319 = arith.constant 0 : i32
    %sign3A_320 = arith.cmpi sgt, %jit3A_310, %sign3A_319 : i32
    %sign3A_321 = arith.extui %sign3A_320 : i1 to i32
    %sign3A_322 = arith.constant 0 : i32
    %sign3A_323 = arith.cmpi slt, %jit3A_310, %sign3A_322 : i32
    %sign3A_324 = arith.extui %sign3A_323 : i1 to i32
    %sign3A_325 = arith.subi %sign3A_321, %sign3A_324 : i32
    %ne3A_326 = arith.cmpi ne, %sign3A_318, %sign3A_325 : i32
    %rem3A_327 = arith.remsi %reduce_sum3A_196, %jit3A_310 : i32
    %ne3A_328 = arith.constant 0 : i32
    %ne3A_329 = arith.cmpi ne, %rem3A_327, %ne3A_328 : i32
    %and3A_330 = arith.andi %ne3A_326, %ne3A_329 : i1
    %sub3A_331 = arith.constant 1 : i32
    %sub3A_332 = arith.subi %div3A_311, %sub3A_331 : i32
    %select_n3A_333 = arith.select %and3A_330, %sub3A_332, %div3A_311 : i32
    %jit3A_334 = arith.constant 32 : i32
    %eq3A_335 = arith.constant 0 : i32
    %eq3A_336 = arith.cmpi eq, %jit3A_334, %eq3A_335 : i32
    %jit3A_337 = arith.constant 1 : i32
    %select_n3A_338 = arith.select %eq3A_336, %jit3A_337, %jit3A_334 : i32
    %rem3A_339 = arith.remsi %reduce_sum3A_196, %select_n3A_338 : i32
    %ne3A_340 = arith.constant 0 : i32
    %ne3A_341 = arith.cmpi ne, %rem3A_339, %ne3A_340 : i32
    %lt3A_342 = arith.constant 0 : i32
    %lt3A_343 = arith.cmpi slt, %rem3A_339, %lt3A_342 : i32
    %lt3A_344 = arith.constant 0 : i32
    %lt3A_345 = arith.cmpi slt, %select_n3A_338, %lt3A_344 : i32
    %ne3A_346 = arith.xori %lt3A_343, %lt3A_345 : i1
    %and3A_347 = arith.andi %ne3A_346, %ne3A_341 : i1
    %add3A_348 = arith.addi %rem3A_339, %select_n3A_338 : i32
    %select_n3A_349 = arith.select %and3A_347, %add3A_348, %rem3A_339 : i32
    %ne3A_350 = arith.constant 0 : i32
    %ne3A_351 = arith.cmpi ne, %select_n3A_349, %ne3A_350 : i32
    %eq3A_352 = arith.constant 2 : i32
    %eq3A_353 = arith.cmpi eq, %add3A, %eq3A_352 : i32
    %and3A_354 = arith.andi %ne3A_351, %eq3A_353 : i1
    %convert_element_type3A_355 = arith.extui %and3A_354 : i1 to i32
    %cond3A_356 = arith.constant 0 : i32
    %cond3A_357 = arith.cmpi ne, %convert_element_type3A_355, %cond3A_356 : i32
    scf.if %cond3A_357 {
      %mul3A_1093 = arith.constant 32 : i32
      %mul3A_1094 = arith.muli %select_n3A_333, %mul3A_1093 : i32
      %add3A_1095 = vector.broadcast %mul3A_1094 : i32 to vector<16xi32>
      %add3A_1096 = arith.addi %iota3A, %add3A_1095 : vector<16xi32>
      %lt3A_1097 = vector.broadcast %reduce_sum3A_196 : i32 to vector<16xi32>
      %lt3A_1098 = arith.cmpi slt, %add3A_1096, %lt3A_1097 : vector<16xi32>
      %add3A_1099 = arith.constant 2 : i32
      %add3A_1100 = vector.broadcast %add3A_1099 : i32 to vector<16xi32>
      %add3A_1101 = arith.addi %add3A_1096, %add3A_1100 : vector<16xi32>
      %jit3A_1102 = arith.constant 0 : i32
      %broadcast_in_dim3A_1103 = vector.broadcast %jit3A_1102 : i32 to vector<16xi32>
      %select_n3A_1104 = arith.select %lt3A_1098, %add3A_1101, %broadcast_in_dim3A_1103 : vector<16xi1>, vector<16xi32>
      %swap3A_1105 = arith.constant 0 : index
      %swap3A_1106 = tpu.vector_load %arg14[%swap3A_1105] {strides = array<i32>} : memref<16xi32, #tpu.memory_space<vmem>>, vector<16xi32>,
      tpu.vector_store %arg14[%swap3A_1105], %select_n3A_1104 {strides = array<i32>} : memref<16xi32, #tpu.memory_space<vmem>>, vector<16xi32>,
      %add3A_1107 = arith.constant 16 : i32
      %add3A_1108 = arith.addi %mul3A_1094, %add3A_1107 : i32
      %add3A_1109 = vector.broadcast %add3A_1108 : i32 to vector<16xi32>
      %add3A_1110 = arith.addi %iota3A, %add3A_1109 : vector<16xi32>
      %lt3A_1111 = vector.broadcast %reduce_sum3A_196 : i32 to vector<16xi32>
      %lt3A_1112 = arith.cmpi slt, %add3A_1110, %lt3A_1111 : vector<16xi32>
      %add3A_1113 = arith.constant 2 : i32
      %add3A_1114 = vector.broadcast %add3A_1113 : i32 to vector<16xi32>
      %add3A_1115 = arith.addi %add3A_1110, %add3A_1114 : vector<16xi32>
      %jit3A_1116 = arith.constant 0 : i32
      %broadcast_in_dim3A_1117 = vector.broadcast %jit3A_1116 : i32 to vector<16xi32>
      %select_n3A_1118 = arith.select %lt3A_1112, %add3A_1115, %broadcast_in_dim3A_1117 : vector<16xi1>, vector<16xi32>
      %swap3A_1119 = arith.constant 0 : index
      %swap3A_1120 = tpu.vector_load %arg15[%swap3A_1119] {strides = array<i32>} : memref<16xi32, #tpu.memory_space<vmem>>, vector<16xi32>,
      tpu.vector_store %arg15[%swap3A_1119], %select_n3A_1118 {strides = array<i32>} : memref<16xi32, #tpu.memory_space<vmem>>, vector<16xi32>,
      %dma_start3A_1121 = arith.constant 0 : i32
      %dma_start3A_1122 = arith.constant 0 : i32
      %dma_start3A_1123 = tpu.memref_slice %arg3[%dma_start3A_1121, %dma_start3A_1122] : memref<8192x1024xf32, #tpu.memory_space<hbm>> -> memref<8192x1024xf32, #tpu.memory_space<hbm>>
      tpu.enqueue_indirect_dma source(%dma_start3A_1123 : memref<8192x1024xf32, #tpu.memory_space<hbm>>) target(%arg8 : memref<16x1024xf32, #tpu.memory_space<vmem>>) offsets(%arg14 : memref<16xi32, #tpu.memory_space<vmem>>) semaphore(%arg19 : memref<!tpu.dma_semaphore, #tpu.memory_space<semaphore_mem>>)
      %dma_start3A_1124 = arith.constant 0 : i32
      %dma_start3A_1125 = arith.constant 0 : i32
      %dma_start3A_1126 = tpu.memref_slice %arg3[%dma_start3A_1124, %dma_start3A_1125] : memref<8192x1024xf32, #tpu.memory_space<hbm>> -> memref<8192x1024xf32, #tpu.memory_space<hbm>>
      tpu.enqueue_indirect_dma source(%dma_start3A_1126 : memref<8192x1024xf32, #tpu.memory_space<hbm>>) target(%arg9 : memref<16x1024xf32, #tpu.memory_space<vmem>>) offsets(%arg15 : memref<16xi32, #tpu.memory_space<vmem>>) semaphore(%arg19 : memref<!tpu.dma_semaphore, #tpu.memory_space<semaphore_mem>>)
      %dma_wait3A_1127 = arith.constant 0 : i32
      %dma_wait3A_1128 = arith.constant 0 : i32
      %dma_wait3A_1129 = tpu.memref_slice %arg3[%dma_wait3A_1127, %dma_wait3A_1128] : memref<8192x1024xf32, #tpu.memory_space<hbm>> -> memref<8192x1024xf32, #tpu.memory_space<hbm>>
      tpu.wait_indirect_dma semaphore(%arg19 : memref<!tpu.dma_semaphore, #tpu.memory_space<semaphore_mem>>) src(%dma_wait3A_1129 : memref<8192x1024xf32, #tpu.memory_space<hbm>>) dst(%arg8 : memref<16x1024xf32, #tpu.memory_space<vmem>>)
      %dma_wait3A_1130 = arith.constant 0 : i32
      %dma_wait3A_1131 = arith.constant 0 : i32
      %dma_wait3A_1132 = tpu.memref_slice %arg3[%dma_wait3A_1130, %dma_wait3A_1131] : memref<8192x1024xf32, #tpu.memory_space<hbm>> -> memref<8192x1024xf32, #tpu.memory_space<hbm>>
      tpu.wait_indirect_dma semaphore(%arg19 : memref<!tpu.dma_semaphore, #tpu.memory_space<semaphore_mem>>) src(%dma_wait3A_1132 : memref<8192x1024xf32, #tpu.memory_space<hbm>>) dst(%arg9 : memref<16x1024xf32, #tpu.memory_space<vmem>>)
      %dma_start3A_1133 = arith.constant 2 : i32
      %dma_start3A_1134 = arith.constant 0 : i32
      %dma_start3A_1135 = tpu.memref_slice %arg4[%dma_start3A_1133, %mul3A_1094, %dma_start3A_1134] : memref<8x4096x1024xf32, #tpu.memory_space<hbm>> -> memref<1x16x1024xf32, #tpu.memory_space<hbm>>
      %dma_start3A_1136 = tpu.memref_squeeze %dma_start3A_1135 : memref<1x16x1024xf32, #tpu.memory_space<hbm>> -> memref<16x1024xf32, #tpu.memory_space<hbm>>
      %dma_start3A_1137 = arith.constant 0 : i32
      %dma_start3A_1138 = tpu.memref_slice %arg4[%dma_start3A_1133, %mul3A_1094, %dma_start3A_1137] : memref<8x4096x1024xf32, #tpu.memory_space<hbm>> -> memref<1x16x1024xf32, #tpu.memory_space<hbm>>
      %dma_start3A_1139 = tpu.memref_squeeze %dma_start3A_1138 : memref<1x16x1024xf32, #tpu.memory_space<hbm>> -> memref<16x1024xf32, #tpu.memory_space<hbm>>
      tpu.enqueue_dma source(%arg8 : memref<16x1024xf32, #tpu.memory_space<vmem>>) target(%dma_start3A_1139 : memref<16x1024xf32, #tpu.memory_space<hbm>>) target_semaphore(%arg20 : memref<!tpu.dma_semaphore, #tpu.memory_space<semaphore_mem>>)
      %add3A_1140 = arith.constant 16 : i32
      %add3A_1141 = arith.addi %mul3A_1094, %add3A_1140 : i32
      %dma_start3A_1142 = arith.constant 2 : i32
      %dma_start3A_1143 = arith.constant 0 : i32
      %dma_start3A_1144 = tpu.memref_slice %arg4[%dma_start3A_1142, %add3A_1141, %dma_start3A_1143] : memref<8x4096x1024xf32, #tpu.memory_space<hbm>> -> memref<1x16x1024xf32, #tpu.memory_space<hbm>>
      %dma_start3A_1145 = tpu.memref_squeeze %dma_start3A_1144 : memref<1x16x1024xf32, #tpu.memory_space<hbm>> -> memref<16x1024xf32, #tpu.memory_space<hbm>>
      %dma_start3A_1146 = arith.constant 0 : i32
      %dma_start3A_1147 = tpu.memref_slice %arg4[%dma_start3A_1142, %add3A_1141, %dma_start3A_1146] : memref<8x4096x1024xf32, #tpu.memory_space<hbm>> -> memref<1x16x1024xf32, #tpu.memory_space<hbm>>
      %dma_start3A_1148 = tpu.memref_squeeze %dma_start3A_1147 : memref<1x16x1024xf32, #tpu.memory_space<hbm>> -> memref<16x1024xf32, #tpu.memory_space<hbm>>
      tpu.enqueue_dma source(%arg9 : memref<16x1024xf32, #tpu.memory_space<vmem>>) target(%dma_start3A_1148 : memref<16x1024xf32, #tpu.memory_space<hbm>>) target_semaphore(%arg20 : memref<!tpu.dma_semaphore, #tpu.memory_space<semaphore_mem>>)
    } else {
    }
    %jit3A_358 = arith.constant 2 : i32
    %jit3A_359 = arith.constant 0 : i32
    %select_n3A_360 = arith.select %and3A_354, %jit3A_358, %jit3A_359 : i32
    %add3A_361 = arith.addi %add3A_309, %select_n3A_360 : i32
    %jit3A_362 = arith.constant 32 : i32
    %div3A_363 = arith.divsi %reduce_sum3A_200, %jit3A_362 : i32
    %sign3A_364 = arith.constant 0 : i32
    %sign3A_365 = arith.cmpi sgt, %reduce_sum3A_200, %sign3A_364 : i32
    %sign3A_366 = arith.extui %sign3A_365 : i1 to i32
    %sign3A_367 = arith.constant 0 : i32
    %sign3A_368 = arith.cmpi slt, %reduce_sum3A_200, %sign3A_367 : i32
    %sign3A_369 = arith.extui %sign3A_368 : i1 to i32
    %sign3A_370 = arith.subi %sign3A_366, %sign3A_369 : i32
    %sign3A_371 = arith.constant 0 : i32
    %sign3A_372 = arith.cmpi sgt, %jit3A_362, %sign3A_371 : i32
    %sign3A_373 = arith.extui %sign3A_372 : i1 to i32
    %sign3A_374 = arith.constant 0 : i32
    %sign3A_375 = arith.cmpi slt, %jit3A_362, %sign3A_374 : i32
    %sign3A_376 = arith.extui %sign3A_375 : i1 to i32
    %sign3A_377 = arith.subi %sign3A_373, %sign3A_376 : i32
    %ne3A_378 = arith.cmpi ne, %sign3A_370, %sign3A_377 : i32
    %rem3A_379 = arith.remsi %reduce_sum3A_200, %jit3A_362 : i32
    %ne3A_380 = arith.constant 0 : i32
    %ne3A_381 = arith.cmpi ne, %rem3A_379, %ne3A_380 : i32
    %and3A_382 = arith.andi %ne3A_378, %ne3A_381 : i1
    %sub3A_383 = arith.constant 1 : i32
    %sub3A_384 = arith.subi %div3A_363, %sub3A_383 : i32
    %select_n3A_385 = arith.select %and3A_382, %sub3A_384, %div3A_363 : i32
    %jit3A_386 = arith.constant 32 : i32
    %eq3A_387 = arith.constant 0 : i32
    %eq3A_388 = arith.cmpi eq, %jit3A_386, %eq3A_387 : i32
    %jit3A_389 = arith.constant 1 : i32
    %select_n3A_390 = arith.select %eq3A_388, %jit3A_389, %jit3A_386 : i32
    %rem3A_391 = arith.remsi %reduce_sum3A_200, %select_n3A_390 : i32
    %ne3A_392 = arith.constant 0 : i32
    %ne3A_393 = arith.cmpi ne, %rem3A_391, %ne3A_392 : i32
    %lt3A_394 = arith.constant 0 : i32
    %lt3A_395 = arith.cmpi slt, %rem3A_391, %lt3A_394 : i32
    %lt3A_396 = arith.constant 0 : i32
    %lt3A_397 = arith.cmpi slt, %select_n3A_390, %lt3A_396 : i32
    %ne3A_398 = arith.xori %lt3A_395, %lt3A_397 : i1
    %and3A_399 = arith.andi %ne3A_398, %ne3A_393 : i1
    %add3A_400 = arith.addi %rem3A_391, %select_n3A_390 : i32
    %select_n3A_401 = arith.select %and3A_399, %add3A_400, %rem3A_391 : i32
    %ne3A_402 = arith.constant 0 : i32
    %ne3A_403 = arith.cmpi ne, %select_n3A_401, %ne3A_402 : i32
    %eq3A_404 = arith.constant 3 : i32
    %eq3A_405 = arith.cmpi eq, %add3A, %eq3A_404 : i32
    %and3A_406 = arith.andi %ne3A_403, %eq3A_405 : i1
    %convert_element_type3A_407 = arith.extui %and3A_406 : i1 to i32
    %cond3A_408 = arith.constant 0 : i32
    %cond3A_409 = arith.cmpi ne, %convert_element_type3A_407, %cond3A_408 : i32
    scf.if %cond3A_409 {
      %mul3A_1093 = arith.constant 32 : i32
      %mul3A_1094 = arith.muli %select_n3A_385, %mul3A_1093 : i32
      %add3A_1095 = vector.broadcast %mul3A_1094 : i32 to vector<16xi32>
      %add3A_1096 = arith.addi %iota3A, %add3A_1095 : vector<16xi32>
      %lt3A_1097 = vector.broadcast %reduce_sum3A_200 : i32 to vector<16xi32>
      %lt3A_1098 = arith.cmpi slt, %add3A_1096, %lt3A_1097 : vector<16xi32>
      %add3A_1099 = arith.constant 2 : i32
      %add3A_1100 = vector.broadcast %add3A_1099 : i32 to vector<16xi32>
      %add3A_1101 = arith.addi %add3A_1096, %add3A_1100 : vector<16xi32>
      %jit3A_1102 = arith.constant 0 : i32
      %broadcast_in_dim3A_1103 = vector.broadcast %jit3A_1102 : i32 to vector<16xi32>
      %select_n3A_1104 = arith.select %lt3A_1098, %add3A_1101, %broadcast_in_dim3A_1103 : vector<16xi1>, vector<16xi32>
      %swap3A_1105 = arith.constant 0 : index
      %swap3A_1106 = tpu.vector_load %arg14[%swap3A_1105] {strides = array<i32>} : memref<16xi32, #tpu.memory_space<vmem>>, vector<16xi32>,
      tpu.vector_store %arg14[%swap3A_1105], %select_n3A_1104 {strides = array<i32>} : memref<16xi32, #tpu.memory_space<vmem>>, vector<16xi32>,
      %add3A_1107 = arith.constant 16 : i32
      %add3A_1108 = arith.addi %mul3A_1094, %add3A_1107 : i32
      %add3A_1109 = vector.broadcast %add3A_1108 : i32 to vector<16xi32>
      %add3A_1110 = arith.addi %iota3A, %add3A_1109 : vector<16xi32>
      %lt3A_1111 = vector.broadcast %reduce_sum3A_200 : i32 to vector<16xi32>
      %lt3A_1112 = arith.cmpi slt, %add3A_1110, %lt3A_1111 : vector<16xi32>
      %add3A_1113 = arith.constant 2 : i32
      %add3A_1114 = vector.broadcast %add3A_1113 : i32 to vector<16xi32>
      %add3A_1115 = arith.addi %add3A_1110, %add3A_1114 : vector<16xi32>
      %jit3A_1116 = arith.constant 0 : i32
      %broadcast_in_dim3A_1117 = vector.broadcast %jit3A_1116 : i32 to vector<16xi32>
      %select_n3A_1118 = arith.select %lt3A_1112, %add3A_1115, %broadcast_in_dim3A_1117 : vector<16xi1>, vector<16xi32>
      %swap3A_1119 = arith.constant 0 : index
      %swap3A_1120 = tpu.vector_load %arg15[%swap3A_1119] {strides = array<i32>} : memref<16xi32, #tpu.memory_space<vmem>>, vector<16xi32>,
      tpu.vector_store %arg15[%swap3A_1119], %select_n3A_1118 {strides = array<i32>} : memref<16xi32, #tpu.memory_space<vmem>>, vector<16xi32>,
      %dma_start3A_1121 = arith.constant 0 : i32
      %dma_start3A_1122 = arith.constant 0 : i32
      %dma_start3A_1123 = tpu.memref_slice %arg3[%dma_start3A_1121, %dma_start3A_1122] : memref<8192x1024xf32, #tpu.memory_space<hbm>> -> memref<8192x1024xf32, #tpu.memory_space<hbm>>
      tpu.enqueue_indirect_dma source(%dma_start3A_1123 : memref<8192x1024xf32, #tpu.memory_space<hbm>>) target(%arg8 : memref<16x1024xf32, #tpu.memory_space<vmem>>) offsets(%arg14 : memref<16xi32, #tpu.memory_space<vmem>>) semaphore(%arg19 : memref<!tpu.dma_semaphore, #tpu.memory_space<semaphore_mem>>)
      %dma_start3A_1124 = arith.constant 0 : i32
      %dma_start3A_1125 = arith.constant 0 : i32
      %dma_start3A_1126 = tpu.memref_slice %arg3[%dma_start3A_1124, %dma_start3A_1125] : memref<8192x1024xf32, #tpu.memory_space<hbm>> -> memref<8192x1024xf32, #tpu.memory_space<hbm>>
      tpu.enqueue_indirect_dma source(%dma_start3A_1126 : memref<8192x1024xf32, #tpu.memory_space<hbm>>) target(%arg9 : memref<16x1024xf32, #tpu.memory_space<vmem>>) offsets(%arg15 : memref<16xi32, #tpu.memory_space<vmem>>) semaphore(%arg19 : memref<!tpu.dma_semaphore, #tpu.memory_space<semaphore_mem>>)
      %dma_wait3A_1127 = arith.constant 0 : i32
      %dma_wait3A_1128 = arith.constant 0 : i32
      %dma_wait3A_1129 = tpu.memref_slice %arg3[%dma_wait3A_1127, %dma_wait3A_1128] : memref<8192x1024xf32, #tpu.memory_space<hbm>> -> memref<8192x1024xf32, #tpu.memory_space<hbm>>
      tpu.wait_indirect_dma semaphore(%arg19 : memref<!tpu.dma_semaphore, #tpu.memory_space<semaphore_mem>>) src(%dma_wait3A_1129 : memref<8192x1024xf32, #tpu.memory_space<hbm>>) dst(%arg8 : memref<16x1024xf32, #tpu.memory_space<vmem>>)
      %dma_wait3A_1130 = arith.constant 0 : i32
      %dma_wait3A_1131 = arith.constant 0 : i32
      %dma_wait3A_1132 = tpu.memref_slice %arg3[%dma_wait3A_1130, %dma_wait3A_1131] : memref<8192x1024xf32, #tpu.memory_space<hbm>> -> memref<8192x1024xf32, #tpu.memory_space<hbm>>
      tpu.wait_indirect_dma semaphore(%arg19 : memref<!tpu.dma_semaphore, #tpu.memory_space<semaphore_mem>>) src(%dma_wait3A_1132 : memref<8192x1024xf32, #tpu.memory_space<hbm>>) dst(%arg9 : memref<16x1024xf32, #tpu.memory_space<vmem>>)
      %dma_start3A_1133 = arith.constant 3 : i32
      %dma_start3A_1134 = arith.constant 0 : i32
      %dma_start3A_1135 = tpu.memref_slice %arg4[%dma_start3A_1133, %mul3A_1094, %dma_start3A_1134] : memref<8x4096x1024xf32, #tpu.memory_space<hbm>> -> memref<1x16x1024xf32, #tpu.memory_space<hbm>>
      %dma_start3A_1136 = tpu.memref_squeeze %dma_start3A_1135 : memref<1x16x1024xf32, #tpu.memory_space<hbm>> -> memref<16x1024xf32, #tpu.memory_space<hbm>>
      %dma_start3A_1137 = arith.constant 0 : i32
      %dma_start3A_1138 = tpu.memref_slice %arg4[%dma_start3A_1133, %mul3A_1094, %dma_start3A_1137] : memref<8x4096x1024xf32, #tpu.memory_space<hbm>> -> memref<1x16x1024xf32, #tpu.memory_space<hbm>>
      %dma_start3A_1139 = tpu.memref_squeeze %dma_start3A_1138 : memref<1x16x1024xf32, #tpu.memory_space<hbm>> -> memref<16x1024xf32, #tpu.memory_space<hbm>>
      tpu.enqueue_dma source(%arg8 : memref<16x1024xf32, #tpu.memory_space<vmem>>) target(%dma_start3A_1139 : memref<16x1024xf32, #tpu.memory_space<hbm>>) target_semaphore(%arg20 : memref<!tpu.dma_semaphore, #tpu.memory_space<semaphore_mem>>)
      %add3A_1140 = arith.constant 16 : i32
      %add3A_1141 = arith.addi %mul3A_1094, %add3A_1140 : i32
      %dma_start3A_1142 = arith.constant 3 : i32
      %dma_start3A_1143 = arith.constant 0 : i32
      %dma_start3A_1144 = tpu.memref_slice %arg4[%dma_start3A_1142, %add3A_1141, %dma_start3A_1143] : memref<8x4096x1024xf32, #tpu.memory_space<hbm>> -> memref<1x16x1024xf32, #tpu.memory_space<hbm>>
      %dma_start3A_1145 = tpu.memref_squeeze %dma_start3A_1144 : memref<1x16x1024xf32, #tpu.memory_space<hbm>> -> memref<16x1024xf32, #tpu.memory_space<hbm>>
      %dma_start3A_1146 = arith.constant 0 : i32
      %dma_start3A_1147 = tpu.memref_slice %arg4[%dma_start3A_1142, %add3A_1141, %dma_start3A_1146] : memref<8x4096x1024xf32, #tpu.memory_space<hbm>> -> memref<1x16x1024xf32, #tpu.memory_space<hbm>>
      %dma_start3A_1148 = tpu.memref_squeeze %dma_start3A_1147 : memref<1x16x1024xf32, #tpu.memory_space<hbm>> -> memref<16x1024xf32, #tpu.memory_space<hbm>>
      tpu.enqueue_dma source(%arg9 : memref<16x1024xf32, #tpu.memory_space<vmem>>) target(%dma_start3A_1148 : memref<16x1024xf32, #tpu.memory_space<hbm>>) target_semaphore(%arg20 : memref<!tpu.dma_semaphore, #tpu.memory_space<semaphore_mem>>)
    } else {
    }
    %jit3A_410 = arith.constant 2 : i32
    %jit3A_411 = arith.constant 0 : i32
    %select_n3A_412 = arith.select %and3A_406, %jit3A_410, %jit3A_411 : i32
    %add3A_413 = arith.addi %add3A_361, %select_n3A_412 : i32
    %jit3A_414 = arith.constant 32 : i32
    %div3A_415 = arith.divsi %reduce_sum3A_204, %jit3A_414 : i32
    %sign3A_416 = arith.constant 0 : i32
    %sign3A_417 = arith.cmpi sgt, %reduce_sum3A_204, %sign3A_416 : i32
    %sign3A_418 = arith.extui %sign3A_417 : i1 to i32
    %sign3A_419 = arith.constant 0 : i32
    %sign3A_420 = arith.cmpi slt, %reduce_sum3A_204, %sign3A_419 : i32
    %sign3A_421 = arith.extui %sign3A_420 : i1 to i32
    %sign3A_422 = arith.subi %sign3A_418, %sign3A_421 : i32
    %sign3A_423 = arith.constant 0 : i32
    %sign3A_424 = arith.cmpi sgt, %jit3A_414, %sign3A_423 : i32
    %sign3A_425 = arith.extui %sign3A_424 : i1 to i32
    %sign3A_426 = arith.constant 0 : i32
    %sign3A_427 = arith.cmpi slt, %jit3A_414, %sign3A_426 : i32
    %sign3A_428 = arith.extui %sign3A_427 : i1 to i32
    %sign3A_429 = arith.subi %sign3A_425, %sign3A_428 : i32
    %ne3A_430 = arith.cmpi ne, %sign3A_422, %sign3A_429 : i32
    %rem3A_431 = arith.remsi %reduce_sum3A_204, %jit3A_414 : i32
    %ne3A_432 = arith.constant 0 : i32
    %ne3A_433 = arith.cmpi ne, %rem3A_431, %ne3A_432 : i32
    %and3A_434 = arith.andi %ne3A_430, %ne3A_433 : i1
    %sub3A_435 = arith.constant 1 : i32
    %sub3A_436 = arith.subi %div3A_415, %sub3A_435 : i32
    %select_n3A_437 = arith.select %and3A_434, %sub3A_436, %div3A_415 : i32
    %jit3A_438 = arith.constant 32 : i32
    %eq3A_439 = arith.constant 0 : i32
    %eq3A_440 = arith.cmpi eq, %jit3A_438, %eq3A_439 : i32
    %jit3A_441 = arith.constant 1 : i32
    %select_n3A_442 = arith.select %eq3A_440, %jit3A_441, %jit3A_438 : i32
    %rem3A_443 = arith.remsi %reduce_sum3A_204, %select_n3A_442 : i32
    %ne3A_444 = arith.constant 0 : i32
    %ne3A_445 = arith.cmpi ne, %rem3A_443, %ne3A_444 : i32
    %lt3A_446 = arith.constant 0 : i32
    %lt3A_447 = arith.cmpi slt, %rem3A_443, %lt3A_446 : i32
    %lt3A_448 = arith.constant 0 : i32
    %lt3A_449 = arith.cmpi slt, %select_n3A_442, %lt3A_448 : i32
    %ne3A_450 = arith.xori %lt3A_447, %lt3A_449 : i1
    %and3A_451 = arith.andi %ne3A_450, %ne3A_445 : i1
    %add3A_452 = arith.addi %rem3A_443, %select_n3A_442 : i32
    %select_n3A_453 = arith.select %and3A_451, %add3A_452, %rem3A_443 : i32
    %ne3A_454 = arith.constant 0 : i32
    %ne3A_455 = arith.cmpi ne, %select_n3A_453, %ne3A_454 : i32
    %eq3A_456 = arith.constant 4 : i32
    %eq3A_457 = arith.cmpi eq, %add3A, %eq3A_456 : i32
    %and3A_458 = arith.andi %ne3A_455, %eq3A_457 : i1
    %convert_element_type3A_459 = arith.extui %and3A_458 : i1 to i32
    %cond3A_460 = arith.constant 0 : i32
    %cond3A_461 = arith.cmpi ne, %convert_element_type3A_459, %cond3A_460 : i32
    scf.if %cond3A_461 {
      %mul3A_1093 = arith.constant 32 : i32
      %mul3A_1094 = arith.muli %select_n3A_437, %mul3A_1093 : i32
      %add3A_1095 = vector.broadcast %mul3A_1094 : i32 to vector<16xi32>
      %add3A_1096 = arith.addi %iota3A, %add3A_1095 : vector<16xi32>
      %lt3A_1097 = vector.broadcast %reduce_sum3A_204 : i32 to vector<16xi32>
      %lt3A_1098 = arith.cmpi slt, %add3A_1096, %lt3A_1097 : vector<16xi32>
      %add3A_1099 = arith.constant 2 : i32
      %add3A_1100 = vector.broadcast %add3A_1099 : i32 to vector<16xi32>
      %add3A_1101 = arith.addi %add3A_1096, %add3A_1100 : vector<16xi32>
      %jit3A_1102 = arith.constant 0 : i32
      %broadcast_in_dim3A_1103 = vector.broadcast %jit3A_1102 : i32 to vector<16xi32>
      %select_n3A_1104 = arith.select %lt3A_1098, %add3A_1101, %broadcast_in_dim3A_1103 : vector<16xi1>, vector<16xi32>
      %swap3A_1105 = arith.constant 0 : index
      %swap3A_1106 = tpu.vector_load %arg14[%swap3A_1105] {strides = array<i32>} : memref<16xi32, #tpu.memory_space<vmem>>, vector<16xi32>,
      tpu.vector_store %arg14[%swap3A_1105], %select_n3A_1104 {strides = array<i32>} : memref<16xi32, #tpu.memory_space<vmem>>, vector<16xi32>,
      %add3A_1107 = arith.constant 16 : i32
      %add3A_1108 = arith.addi %mul3A_1094, %add3A_1107 : i32
      %add3A_1109 = vector.broadcast %add3A_1108 : i32 to vector<16xi32>
      %add3A_1110 = arith.addi %iota3A, %add3A_1109 : vector<16xi32>
      %lt3A_1111 = vector.broadcast %reduce_sum3A_204 : i32 to vector<16xi32>
      %lt3A_1112 = arith.cmpi slt, %add3A_1110, %lt3A_1111 : vector<16xi32>
      %add3A_1113 = arith.constant 2 : i32
      %add3A_1114 = vector.broadcast %add3A_1113 : i32 to vector<16xi32>
      %add3A_1115 = arith.addi %add3A_1110, %add3A_1114 : vector<16xi32>
      %jit3A_1116 = arith.constant 0 : i32
      %broadcast_in_dim3A_1117 = vector.broadcast %jit3A_1116 : i32 to vector<16xi32>
      %select_n3A_1118 = arith.select %lt3A_1112, %add3A_1115, %broadcast_in_dim3A_1117 : vector<16xi1>, vector<16xi32>
      %swap3A_1119 = arith.constant 0 : index
      %swap3A_1120 = tpu.vector_load %arg15[%swap3A_1119] {strides = array<i32>} : memref<16xi32, #tpu.memory_space<vmem>>, vector<16xi32>,
      tpu.vector_store %arg15[%swap3A_1119], %select_n3A_1118 {strides = array<i32>} : memref<16xi32, #tpu.memory_space<vmem>>, vector<16xi32>,
      %dma_start3A_1121 = arith.constant 0 : i32
      %dma_start3A_1122 = arith.constant 0 : i32
      %dma_start3A_1123 = tpu.memref_slice %arg3[%dma_start3A_1121, %dma_start3A_1122] : memref<8192x1024xf32, #tpu.memory_space<hbm>> -> memref<8192x1024xf32, #tpu.memory_space<hbm>>
      tpu.enqueue_indirect_dma source(%dma_start3A_1123 : memref<8192x1024xf32, #tpu.memory_space<hbm>>) target(%arg8 : memref<16x1024xf32, #tpu.memory_space<vmem>>) offsets(%arg14 : memref<16xi32, #tpu.memory_space<vmem>>) semaphore(%arg19 : memref<!tpu.dma_semaphore, #tpu.memory_space<semaphore_mem>>)
      %dma_start3A_1124 = arith.constant 0 : i32
      %dma_start3A_1125 = arith.constant 0 : i32
      %dma_start3A_1126 = tpu.memref_slice %arg3[%dma_start3A_1124, %dma_start3A_1125] : memref<8192x1024xf32, #tpu.memory_space<hbm>> -> memref<8192x1024xf32, #tpu.memory_space<hbm>>
      tpu.enqueue_indirect_dma source(%dma_start3A_1126 : memref<8192x1024xf32, #tpu.memory_space<hbm>>) target(%arg9 : memref<16x1024xf32, #tpu.memory_space<vmem>>) offsets(%arg15 : memref<16xi32, #tpu.memory_space<vmem>>) semaphore(%arg19 : memref<!tpu.dma_semaphore, #tpu.memory_space<semaphore_mem>>)
      %dma_wait3A_1127 = arith.constant 0 : i32
      %dma_wait3A_1128 = arith.constant 0 : i32
      %dma_wait3A_1129 = tpu.memref_slice %arg3[%dma_wait3A_1127, %dma_wait3A_1128] : memref<8192x1024xf32, #tpu.memory_space<hbm>> -> memref<8192x1024xf32, #tpu.memory_space<hbm>>
      tpu.wait_indirect_dma semaphore(%arg19 : memref<!tpu.dma_semaphore, #tpu.memory_space<semaphore_mem>>) src(%dma_wait3A_1129 : memref<8192x1024xf32, #tpu.memory_space<hbm>>) dst(%arg8 : memref<16x1024xf32, #tpu.memory_space<vmem>>)
      %dma_wait3A_1130 = arith.constant 0 : i32
      %dma_wait3A_1131 = arith.constant 0 : i32
      %dma_wait3A_1132 = tpu.memref_slice %arg3[%dma_wait3A_1130, %dma_wait3A_1131] : memref<8192x1024xf32, #tpu.memory_space<hbm>> -> memref<8192x1024xf32, #tpu.memory_space<hbm>>
      tpu.wait_indirect_dma semaphore(%arg19 : memref<!tpu.dma_semaphore, #tpu.memory_space<semaphore_mem>>) src(%dma_wait3A_1132 : memref<8192x1024xf32, #tpu.memory_space<hbm>>) dst(%arg9 : memref<16x1024xf32, #tpu.memory_space<vmem>>)
      %dma_start3A_1133 = arith.constant 4 : i32
      %dma_start3A_1134 = arith.constant 0 : i32
      %dma_start3A_1135 = tpu.memref_slice %arg4[%dma_start3A_1133, %mul3A_1094, %dma_start3A_1134] : memref<8x4096x1024xf32, #tpu.memory_space<hbm>> -> memref<1x16x1024xf32, #tpu.memory_space<hbm>>
      %dma_start3A_1136 = tpu.memref_squeeze %dma_start3A_1135 : memref<1x16x1024xf32, #tpu.memory_space<hbm>> -> memref<16x1024xf32, #tpu.memory_space<hbm>>
      %dma_start3A_1137 = arith.constant 0 : i32
      %dma_start3A_1138 = tpu.memref_slice %arg4[%dma_start3A_1133, %mul3A_1094, %dma_start3A_1137] : memref<8x4096x1024xf32, #tpu.memory_space<hbm>> -> memref<1x16x1024xf32, #tpu.memory_space<hbm>>
      %dma_start3A_1139 = tpu.memref_squeeze %dma_start3A_1138 : memref<1x16x1024xf32, #tpu.memory_space<hbm>> -> memref<16x1024xf32, #tpu.memory_space<hbm>>
      tpu.enqueue_dma source(%arg8 : memref<16x1024xf32, #tpu.memory_space<vmem>>) target(%dma_start3A_1139 : memref<16x1024xf32, #tpu.memory_space<hbm>>) target_semaphore(%arg20 : memref<!tpu.dma_semaphore, #tpu.memory_space<semaphore_mem>>)
      %add3A_1140 = arith.constant 16 : i32
      %add3A_1141 = arith.addi %mul3A_1094, %add3A_1140 : i32
      %dma_start3A_1142 = arith.constant 4 : i32
      %dma_start3A_1143 = arith.constant 0 : i32
      %dma_start3A_1144 = tpu.memref_slice %arg4[%dma_start3A_1142, %add3A_1141, %dma_start3A_1143] : memref<8x4096x1024xf32, #tpu.memory_space<hbm>> -> memref<1x16x1024xf32, #tpu.memory_space<hbm>>
      %dma_start3A_1145 = tpu.memref_squeeze %dma_start3A_1144 : memref<1x16x1024xf32, #tpu.memory_space<hbm>> -> memref<16x1024xf32, #tpu.memory_space<hbm>>
      %dma_start3A_1146 = arith.constant 0 : i32
      %dma_start3A_1147 = tpu.memref_slice %arg4[%dma_start3A_1142, %add3A_1141, %dma_start3A_1146] : memref<8x4096x1024xf32, #tpu.memory_space<hbm>> -> memref<1x16x1024xf32, #tpu.memory_space<hbm>>
      %dma_start3A_1148 = tpu.memref_squeeze %dma_start3A_1147 : memref<1x16x1024xf32, #tpu.memory_space<hbm>> -> memref<16x1024xf32, #tpu.memory_space<hbm>>
      tpu.enqueue_dma source(%arg9 : memref<16x1024xf32, #tpu.memory_space<vmem>>) target(%dma_start3A_1148 : memref<16x1024xf32, #tpu.memory_space<hbm>>) target_semaphore(%arg20 : memref<!tpu.dma_semaphore, #tpu.memory_space<semaphore_mem>>)
    } else {
    }
    %jit3A_462 = arith.constant 2 : i32
    %jit3A_463 = arith.constant 0 : i32
    %select_n3A_464 = arith.select %and3A_458, %jit3A_462, %jit3A_463 : i32
    %add3A_465 = arith.addi %add3A_413, %select_n3A_464 : i32
    %jit3A_466 = arith.constant 32 : i32
    %div3A_467 = arith.divsi %reduce_sum3A_208, %jit3A_466 : i32
    %sign3A_468 = arith.constant 0 : i32
    %sign3A_469 = arith.cmpi sgt, %reduce_sum3A_208, %sign3A_468 : i32
    %sign3A_470 = arith.extui %sign3A_469 : i1 to i32
    %sign3A_471 = arith.constant 0 : i32
    %sign3A_472 = arith.cmpi slt, %reduce_sum3A_208, %sign3A_471 : i32
    %sign3A_473 = arith.extui %sign3A_472 : i1 to i32
    %sign3A_474 = arith.subi %sign3A_470, %sign3A_473 : i32
    %sign3A_475 = arith.constant 0 : i32
    %sign3A_476 = arith.cmpi sgt, %jit3A_466, %sign3A_475 : i32
    %sign3A_477 = arith.extui %sign3A_476 : i1 to i32
    %sign3A_478 = arith.constant 0 : i32
    %sign3A_479 = arith.cmpi slt, %jit3A_466, %sign3A_478 : i32
    %sign3A_480 = arith.extui %sign3A_479 : i1 to i32
    %sign3A_481 = arith.subi %sign3A_477, %sign3A_480 : i32
    %ne3A_482 = arith.cmpi ne, %sign3A_474, %sign3A_481 : i32
    %rem3A_483 = arith.remsi %reduce_sum3A_208, %jit3A_466 : i32
    %ne3A_484 = arith.constant 0 : i32
    %ne3A_485 = arith.cmpi ne, %rem3A_483, %ne3A_484 : i32
    %and3A_486 = arith.andi %ne3A_482, %ne3A_485 : i1
    %sub3A_487 = arith.constant 1 : i32
    %sub3A_488 = arith.subi %div3A_467, %sub3A_487 : i32
    %select_n3A_489 = arith.select %and3A_486, %sub3A_488, %div3A_467 : i32
    %jit3A_490 = arith.constant 32 : i32
    %eq3A_491 = arith.constant 0 : i32
    %eq3A_492 = arith.cmpi eq, %jit3A_490, %eq3A_491 : i32
    %jit3A_493 = arith.constant 1 : i32
    %select_n3A_494 = arith.select %eq3A_492, %jit3A_493, %jit3A_490 : i32
    %rem3A_495 = arith.remsi %reduce_sum3A_208, %select_n3A_494 : i32
    %ne3A_496 = arith.constant 0 : i32
    %ne3A_497 = arith.cmpi ne, %rem3A_495, %ne3A_496 : i32
    %lt3A_498 = arith.constant 0 : i32
    %lt3A_499 = arith.cmpi slt, %rem3A_495, %lt3A_498 : i32
    %lt3A_500 = arith.constant 0 : i32
    %lt3A_501 = arith.cmpi slt, %select_n3A_494, %lt3A_500 : i32
    %ne3A_502 = arith.xori %lt3A_499, %lt3A_501 : i1
    %and3A_503 = arith.andi %ne3A_502, %ne3A_497 : i1
    %add3A_504 = arith.addi %rem3A_495, %select_n3A_494 : i32
    %select_n3A_505 = arith.select %and3A_503, %add3A_504, %rem3A_495 : i32
    %ne3A_506 = arith.constant 0 : i32
    %ne3A_507 = arith.cmpi ne, %select_n3A_505, %ne3A_506 : i32
    %eq3A_508 = arith.constant 5 : i32
    %eq3A_509 = arith.cmpi eq, %add3A, %eq3A_508 : i32
    %and3A_510 = arith.andi %ne3A_507, %eq3A_509 : i1
    %convert_element_type3A_511 = arith.extui %and3A_510 : i1 to i32
    %cond3A_512 = arith.constant 0 : i32
    %cond3A_513 = arith.cmpi ne, %convert_element_type3A_511, %cond3A_512 : i32
    scf.if %cond3A_513 {
      %mul3A_1093 = arith.constant 32 : i32
      %mul3A_1094 = arith.muli %select_n3A_489, %mul3A_1093 : i32
      %add3A_1095 = vector.broadcast %mul3A_1094 : i32 to vector<16xi32>
      %add3A_1096 = arith.addi %iota3A, %add3A_1095 : vector<16xi32>
      %lt3A_1097 = vector.broadcast %reduce_sum3A_208 : i32 to vector<16xi32>
      %lt3A_1098 = arith.cmpi slt, %add3A_1096, %lt3A_1097 : vector<16xi32>
      %add3A_1099 = arith.constant 2 : i32
      %add3A_1100 = vector.broadcast %add3A_1099 : i32 to vector<16xi32>
      %add3A_1101 = arith.addi %add3A_1096, %add3A_1100 : vector<16xi32>
      %jit3A_1102 = arith.constant 0 : i32
      %broadcast_in_dim3A_1103 = vector.broadcast %jit3A_1102 : i32 to vector<16xi32>
      %select_n3A_1104 = arith.select %lt3A_1098, %add3A_1101, %broadcast_in_dim3A_1103 : vector<16xi1>, vector<16xi32>
      %swap3A_1105 = arith.constant 0 : index
      %swap3A_1106 = tpu.vector_load %arg14[%swap3A_1105] {strides = array<i32>} : memref<16xi32, #tpu.memory_space<vmem>>, vector<16xi32>,
      tpu.vector_store %arg14[%swap3A_1105], %select_n3A_1104 {strides = array<i32>} : memref<16xi32, #tpu.memory_space<vmem>>, vector<16xi32>,
      %add3A_1107 = arith.constant 16 : i32
      %add3A_1108 = arith.addi %mul3A_1094, %add3A_1107 : i32
      %add3A_1109 = vector.broadcast %add3A_1108 : i32 to vector<16xi32>
      %add3A_1110 = arith.addi %iota3A, %add3A_1109 : vector<16xi32>
      %lt3A_1111 = vector.broadcast %reduce_sum3A_208 : i32 to vector<16xi32>
      %lt3A_1112 = arith.cmpi slt, %add3A_1110, %lt3A_1111 : vector<16xi32>
      %add3A_1113 = arith.constant 2 : i32
      %add3A_1114 = vector.broadcast %add3A_1113 : i32 to vector<16xi32>
      %add3A_1115 = arith.addi %add3A_1110, %add3A_1114 : vector<16xi32>
      %jit3A_1116 = arith.constant 0 : i32
      %broadcast_in_dim3A_1117 = vector.broadcast %jit3A_1116 : i32 to vector<16xi32>
      %select_n3A_1118 = arith.select %lt3A_1112, %add3A_1115, %broadcast_in_dim3A_1117 : vector<16xi1>, vector<16xi32>
      %swap3A_1119 = arith.constant 0 : index
      %swap3A_1120 = tpu.vector_load %arg15[%swap3A_1119] {strides = array<i32>} : memref<16xi32, #tpu.memory_space<vmem>>, vector<16xi32>,
      tpu.vector_store %arg15[%swap3A_1119], %select_n3A_1118 {strides = array<i32>} : memref<16xi32, #tpu.memory_space<vmem>>, vector<16xi32>,
      %dma_start3A_1121 = arith.constant 0 : i32
      %dma_start3A_1122 = arith.constant 0 : i32
      %dma_start3A_1123 = tpu.memref_slice %arg3[%dma_start3A_1121, %dma_start3A_1122] : memref<8192x1024xf32, #tpu.memory_space<hbm>> -> memref<8192x1024xf32, #tpu.memory_space<hbm>>
      tpu.enqueue_indirect_dma source(%dma_start3A_1123 : memref<8192x1024xf32, #tpu.memory_space<hbm>>) target(%arg8 : memref<16x1024xf32, #tpu.memory_space<vmem>>) offsets(%arg14 : memref<16xi32, #tpu.memory_space<vmem>>) semaphore(%arg19 : memref<!tpu.dma_semaphore, #tpu.memory_space<semaphore_mem>>)
      %dma_start3A_1124 = arith.constant 0 : i32
      %dma_start3A_1125 = arith.constant 0 : i32
      %dma_start3A_1126 = tpu.memref_slice %arg3[%dma_start3A_1124, %dma_start3A_1125] : memref<8192x1024xf32, #tpu.memory_space<hbm>> -> memref<8192x1024xf32, #tpu.memory_space<hbm>>
      tpu.enqueue_indirect_dma source(%dma_start3A_1126 : memref<8192x1024xf32, #tpu.memory_space<hbm>>) target(%arg9 : memref<16x1024xf32, #tpu.memory_space<vmem>>) offsets(%arg15 : memref<16xi32, #tpu.memory_space<vmem>>) semaphore(%arg19 : memref<!tpu.dma_semaphore, #tpu.memory_space<semaphore_mem>>)
      %dma_wait3A_1127 = arith.constant 0 : i32
      %dma_wait3A_1128 = arith.constant 0 : i32
      %dma_wait3A_1129 = tpu.memref_slice %arg3[%dma_wait3A_1127, %dma_wait3A_1128] : memref<8192x1024xf32, #tpu.memory_space<hbm>> -> memref<8192x1024xf32, #tpu.memory_space<hbm>>
      tpu.wait_indirect_dma semaphore(%arg19 : memref<!tpu.dma_semaphore, #tpu.memory_space<semaphore_mem>>) src(%dma_wait3A_1129 : memref<8192x1024xf32, #tpu.memory_space<hbm>>) dst(%arg8 : memref<16x1024xf32, #tpu.memory_space<vmem>>)
      %dma_wait3A_1130 = arith.constant 0 : i32
      %dma_wait3A_1131 = arith.constant 0 : i32
      %dma_wait3A_1132 = tpu.memref_slice %arg3[%dma_wait3A_1130, %dma_wait3A_1131] : memref<8192x1024xf32, #tpu.memory_space<hbm>> -> memref<8192x1024xf32, #tpu.memory_space<hbm>>
      tpu.wait_indirect_dma semaphore(%arg19 : memref<!tpu.dma_semaphore, #tpu.memory_space<semaphore_mem>>) src(%dma_wait3A_1132 : memref<8192x1024xf32, #tpu.memory_space<hbm>>) dst(%arg9 : memref<16x1024xf32, #tpu.memory_space<vmem>>)
      %dma_start3A_1133 = arith.constant 5 : i32
      %dma_start3A_1134 = arith.constant 0 : i32
      %dma_start3A_1135 = tpu.memref_slice %arg4[%dma_start3A_1133, %mul3A_1094, %dma_start3A_1134] : memref<8x4096x1024xf32, #tpu.memory_space<hbm>> -> memref<1x16x1024xf32, #tpu.memory_space<hbm>>
      %dma_start3A_1136 = tpu.memref_squeeze %dma_start3A_1135 : memref<1x16x1024xf32, #tpu.memory_space<hbm>> -> memref<16x1024xf32, #tpu.memory_space<hbm>>
      %dma_start3A_1137 = arith.constant 0 : i32
      %dma_start3A_1138 = tpu.memref_slice %arg4[%dma_start3A_1133, %mul3A_1094, %dma_start3A_1137] : memref<8x4096x1024xf32, #tpu.memory_space<hbm>> -> memref<1x16x1024xf32, #tpu.memory_space<hbm>>
      %dma_start3A_1139 = tpu.memref_squeeze %dma_start3A_1138 : memref<1x16x1024xf32, #tpu.memory_space<hbm>> -> memref<16x1024xf32, #tpu.memory_space<hbm>>
      tpu.enqueue_dma source(%arg8 : memref<16x1024xf32, #tpu.memory_space<vmem>>) target(%dma_start3A_1139 : memref<16x1024xf32, #tpu.memory_space<hbm>>) target_semaphore(%arg20 : memref<!tpu.dma_semaphore, #tpu.memory_space<semaphore_mem>>)
      %add3A_1140 = arith.constant 16 : i32
      %add3A_1141 = arith.addi %mul3A_1094, %add3A_1140 : i32
      %dma_start3A_1142 = arith.constant 5 : i32
      %dma_start3A_1143 = arith.constant 0 : i32
      %dma_start3A_1144 = tpu.memref_slice %arg4[%dma_start3A_1142, %add3A_1141, %dma_start3A_1143] : memref<8x4096x1024xf32, #tpu.memory_space<hbm>> -> memref<1x16x1024xf32, #tpu.memory_space<hbm>>
      %dma_start3A_1145 = tpu.memref_squeeze %dma_start3A_1144 : memref<1x16x1024xf32, #tpu.memory_space<hbm>> -> memref<16x1024xf32, #tpu.memory_space<hbm>>
      %dma_start3A_1146 = arith.constant 0 : i32
      %dma_start3A_1147 = tpu.memref_slice %arg4[%dma_start3A_1142, %add3A_1141, %dma_start3A_1146] : memref<8x4096x1024xf32, #tpu.memory_space<hbm>> -> memref<1x16x1024xf32, #tpu.memory_space<hbm>>
      %dma_start3A_1148 = tpu.memref_squeeze %dma_start3A_1147 : memref<1x16x1024xf32, #tpu.memory_space<hbm>> -> memref<16x1024xf32, #tpu.memory_space<hbm>>
      tpu.enqueue_dma source(%arg9 : memref<16x1024xf32, #tpu.memory_space<vmem>>) target(%dma_start3A_1148 : memref<16x1024xf32, #tpu.memory_space<hbm>>) target_semaphore(%arg20 : memref<!tpu.dma_semaphore, #tpu.memory_space<semaphore_mem>>)
    } else {
    }
    %jit3A_514 = arith.constant 2 : i32
    %jit3A_515 = arith.constant 0 : i32
    %select_n3A_516 = arith.select %and3A_510, %jit3A_514, %jit3A_515 : i32
    %add3A_517 = arith.addi %add3A_465, %select_n3A_516 : i32
    %jit3A_518 = arith.constant 32 : i32
    %div3A_519 = arith.divsi %reduce_sum3A_212, %jit3A_518 : i32
    %sign3A_520 = arith.constant 0 : i32
    %sign3A_521 = arith.cmpi sgt, %reduce_sum3A_212, %sign3A_520 : i32
    %sign3A_522 = arith.extui %sign3A_521 : i1 to i32
    %sign3A_523 = arith.constant 0 : i32
    %sign3A_524 = arith.cmpi slt, %reduce_sum3A_212, %sign3A_523 : i32
    %sign3A_525 = arith.extui %sign3A_524 : i1 to i32
    %sign3A_526 = arith.subi %sign3A_522, %sign3A_525 : i32
    %sign3A_527 = arith.constant 0 : i32
    %sign3A_528 = arith.cmpi sgt, %jit3A_518, %sign3A_527 : i32
    %sign3A_529 = arith.extui %sign3A_528 : i1 to i32
    %sign3A_530 = arith.constant 0 : i32
    %sign3A_531 = arith.cmpi slt, %jit3A_518, %sign3A_530 : i32
    %sign3A_532 = arith.extui %sign3A_531 : i1 to i32
    %sign3A_533 = arith.subi %sign3A_529, %sign3A_532 : i32
    %ne3A_534 = arith.cmpi ne, %sign3A_526, %sign3A_533 : i32
    %rem3A_535 = arith.remsi %reduce_sum3A_212, %jit3A_518 : i32
    %ne3A_536 = arith.constant 0 : i32
    %ne3A_537 = arith.cmpi ne, %rem3A_535, %ne3A_536 : i32
    %and3A_538 = arith.andi %ne3A_534, %ne3A_537 : i1
    %sub3A_539 = arith.constant 1 : i32
    %sub3A_540 = arith.subi %div3A_519, %sub3A_539 : i32
    %select_n3A_541 = arith.select %and3A_538, %sub3A_540, %div3A_519 : i32
    %jit3A_542 = arith.constant 32 : i32
    %eq3A_543 = arith.constant 0 : i32
    %eq3A_544 = arith.cmpi eq, %jit3A_542, %eq3A_543 : i32
    %jit3A_545 = arith.constant 1 : i32
    %select_n3A_546 = arith.select %eq3A_544, %jit3A_545, %jit3A_542 : i32
    %rem3A_547 = arith.remsi %reduce_sum3A_212, %select_n3A_546 : i32
    %ne3A_548 = arith.constant 0 : i32
    %ne3A_549 = arith.cmpi ne, %rem3A_547, %ne3A_548 : i32
    %lt3A_550 = arith.constant 0 : i32
    %lt3A_551 = arith.cmpi slt, %rem3A_547, %lt3A_550 : i32
    %lt3A_552 = arith.constant 0 : i32
    %lt3A_553 = arith.cmpi slt, %select_n3A_546, %lt3A_552 : i32
    %ne3A_554 = arith.xori %lt3A_551, %lt3A_553 : i1
    %and3A_555 = arith.andi %ne3A_554, %ne3A_549 : i1
    %add3A_556 = arith.addi %rem3A_547, %select_n3A_546 : i32
    %select_n3A_557 = arith.select %and3A_555, %add3A_556, %rem3A_547 : i32
    %ne3A_558 = arith.constant 0 : i32
    %ne3A_559 = arith.cmpi ne, %select_n3A_557, %ne3A_558 : i32
    %eq3A_560 = arith.constant 6 : i32
    %eq3A_561 = arith.cmpi eq, %add3A, %eq3A_560 : i32
    %and3A_562 = arith.andi %ne3A_559, %eq3A_561 : i1
    %convert_element_type3A_563 = arith.extui %and3A_562 : i1 to i32
    %cond3A_564 = arith.constant 0 : i32
    %cond3A_565 = arith.cmpi ne, %convert_element_type3A_563, %cond3A_564 : i32
    scf.if %cond3A_565 {
      %mul3A_1093 = arith.constant 32 : i32
      %mul3A_1094 = arith.muli %select_n3A_541, %mul3A_1093 : i32
      %add3A_1095 = vector.broadcast %mul3A_1094 : i32 to vector<16xi32>
      %add3A_1096 = arith.addi %iota3A, %add3A_1095 : vector<16xi32>
      %lt3A_1097 = vector.broadcast %reduce_sum3A_212 : i32 to vector<16xi32>
      %lt3A_1098 = arith.cmpi slt, %add3A_1096, %lt3A_1097 : vector<16xi32>
      %add3A_1099 = arith.constant 2 : i32
      %add3A_1100 = vector.broadcast %add3A_1099 : i32 to vector<16xi32>
      %add3A_1101 = arith.addi %add3A_1096, %add3A_1100 : vector<16xi32>
      %jit3A_1102 = arith.constant 0 : i32
      %broadcast_in_dim3A_1103 = vector.broadcast %jit3A_1102 : i32 to vector<16xi32>
      %select_n3A_1104 = arith.select %lt3A_1098, %add3A_1101, %broadcast_in_dim3A_1103 : vector<16xi1>, vector<16xi32>
      %swap3A_1105 = arith.constant 0 : index
      %swap3A_1106 = tpu.vector_load %arg14[%swap3A_1105] {strides = array<i32>} : memref<16xi32, #tpu.memory_space<vmem>>, vector<16xi32>,
      tpu.vector_store %arg14[%swap3A_1105], %select_n3A_1104 {strides = array<i32>} : memref<16xi32, #tpu.memory_space<vmem>>, vector<16xi32>,
      %add3A_1107 = arith.constant 16 : i32
      %add3A_1108 = arith.addi %mul3A_1094, %add3A_1107 : i32
      %add3A_1109 = vector.broadcast %add3A_1108 : i32 to vector<16xi32>
      %add3A_1110 = arith.addi %iota3A, %add3A_1109 : vector<16xi32>
      %lt3A_1111 = vector.broadcast %reduce_sum3A_212 : i32 to vector<16xi32>
      %lt3A_1112 = arith.cmpi slt, %add3A_1110, %lt3A_1111 : vector<16xi32>
      %add3A_1113 = arith.constant 2 : i32
      %add3A_1114 = vector.broadcast %add3A_1113 : i32 to vector<16xi32>
      %add3A_1115 = arith.addi %add3A_1110, %add3A_1114 : vector<16xi32>
      %jit3A_1116 = arith.constant 0 : i32
      %broadcast_in_dim3A_1117 = vector.broadcast %jit3A_1116 : i32 to vector<16xi32>
      %select_n3A_1118 = arith.select %lt3A_1112, %add3A_1115, %broadcast_in_dim3A_1117 : vector<16xi1>, vector<16xi32>
      %swap3A_1119 = arith.constant 0 : index
      %swap3A_1120 = tpu.vector_load %arg15[%swap3A_1119] {strides = array<i32>} : memref<16xi32, #tpu.memory_space<vmem>>, vector<16xi32>,
      tpu.vector_store %arg15[%swap3A_1119], %select_n3A_1118 {strides = array<i32>} : memref<16xi32, #tpu.memory_space<vmem>>, vector<16xi32>,
      %dma_start3A_1121 = arith.constant 0 : i32
      %dma_start3A_1122 = arith.constant 0 : i32
      %dma_start3A_1123 = tpu.memref_slice %arg3[%dma_start3A_1121, %dma_start3A_1122] : memref<8192x1024xf32, #tpu.memory_space<hbm>> -> memref<8192x1024xf32, #tpu.memory_space<hbm>>
      tpu.enqueue_indirect_dma source(%dma_start3A_1123 : memref<8192x1024xf32, #tpu.memory_space<hbm>>) target(%arg8 : memref<16x1024xf32, #tpu.memory_space<vmem>>) offsets(%arg14 : memref<16xi32, #tpu.memory_space<vmem>>) semaphore(%arg19 : memref<!tpu.dma_semaphore, #tpu.memory_space<semaphore_mem>>)
      %dma_start3A_1124 = arith.constant 0 : i32
      %dma_start3A_1125 = arith.constant 0 : i32
      %dma_start3A_1126 = tpu.memref_slice %arg3[%dma_start3A_1124, %dma_start3A_1125] : memref<8192x1024xf32, #tpu.memory_space<hbm>> -> memref<8192x1024xf32, #tpu.memory_space<hbm>>
      tpu.enqueue_indirect_dma source(%dma_start3A_1126 : memref<8192x1024xf32, #tpu.memory_space<hbm>>) target(%arg9 : memref<16x1024xf32, #tpu.memory_space<vmem>>) offsets(%arg15 : memref<16xi32, #tpu.memory_space<vmem>>) semaphore(%arg19 : memref<!tpu.dma_semaphore, #tpu.memory_space<semaphore_mem>>)
      %dma_wait3A_1127 = arith.constant 0 : i32
      %dma_wait3A_1128 = arith.constant 0 : i32
      %dma_wait3A_1129 = tpu.memref_slice %arg3[%dma_wait3A_1127, %dma_wait3A_1128] : memref<8192x1024xf32, #tpu.memory_space<hbm>> -> memref<8192x1024xf32, #tpu.memory_space<hbm>>
      tpu.wait_indirect_dma semaphore(%arg19 : memref<!tpu.dma_semaphore, #tpu.memory_space<semaphore_mem>>) src(%dma_wait3A_1129 : memref<8192x1024xf32, #tpu.memory_space<hbm>>) dst(%arg8 : memref<16x1024xf32, #tpu.memory_space<vmem>>)
      %dma_wait3A_1130 = arith.constant 0 : i32
      %dma_wait3A_1131 = arith.constant 0 : i32
      %dma_wait3A_1132 = tpu.memref_slice %arg3[%dma_wait3A_1130, %dma_wait3A_1131] : memref<8192x1024xf32, #tpu.memory_space<hbm>> -> memref<8192x1024xf32, #tpu.memory_space<hbm>>
      tpu.wait_indirect_dma semaphore(%arg19 : memref<!tpu.dma_semaphore, #tpu.memory_space<semaphore_mem>>) src(%dma_wait3A_1132 : memref<8192x1024xf32, #tpu.memory_space<hbm>>) dst(%arg9 : memref<16x1024xf32, #tpu.memory_space<vmem>>)
      %dma_start3A_1133 = arith.constant 6 : i32
      %dma_start3A_1134 = arith.constant 0 : i32
      %dma_start3A_1135 = tpu.memref_slice %arg4[%dma_start3A_1133, %mul3A_1094, %dma_start3A_1134] : memref<8x4096x1024xf32, #tpu.memory_space<hbm>> -> memref<1x16x1024xf32, #tpu.memory_space<hbm>>
      %dma_start3A_1136 = tpu.memref_squeeze %dma_start3A_1135 : memref<1x16x1024xf32, #tpu.memory_space<hbm>> -> memref<16x1024xf32, #tpu.memory_space<hbm>>
      %dma_start3A_1137 = arith.constant 0 : i32
      %dma_start3A_1138 = tpu.memref_slice %arg4[%dma_start3A_1133, %mul3A_1094, %dma_start3A_1137] : memref<8x4096x1024xf32, #tpu.memory_space<hbm>> -> memref<1x16x1024xf32, #tpu.memory_space<hbm>>
      %dma_start3A_1139 = tpu.memref_squeeze %dma_start3A_1138 : memref<1x16x1024xf32, #tpu.memory_space<hbm>> -> memref<16x1024xf32, #tpu.memory_space<hbm>>
      tpu.enqueue_dma source(%arg8 : memref<16x1024xf32, #tpu.memory_space<vmem>>) target(%dma_start3A_1139 : memref<16x1024xf32, #tpu.memory_space<hbm>>) target_semaphore(%arg20 : memref<!tpu.dma_semaphore, #tpu.memory_space<semaphore_mem>>)
      %add3A_1140 = arith.constant 16 : i32
      %add3A_1141 = arith.addi %mul3A_1094, %add3A_1140 : i32
      %dma_start3A_1142 = arith.constant 6 : i32
      %dma_start3A_1143 = arith.constant 0 : i32
      %dma_start3A_1144 = tpu.memref_slice %arg4[%dma_start3A_1142, %add3A_1141, %dma_start3A_1143] : memref<8x4096x1024xf32, #tpu.memory_space<hbm>> -> memref<1x16x1024xf32, #tpu.memory_space<hbm>>
      %dma_start3A_1145 = tpu.memref_squeeze %dma_start3A_1144 : memref<1x16x1024xf32, #tpu.memory_space<hbm>> -> memref<16x1024xf32, #tpu.memory_space<hbm>>
      %dma_start3A_1146 = arith.constant 0 : i32
      %dma_start3A_1147 = tpu.memref_slice %arg4[%dma_start3A_1142, %add3A_1141, %dma_start3A_1146] : memref<8x4096x1024xf32, #tpu.memory_space<hbm>> -> memref<1x16x1024xf32, #tpu.memory_space<hbm>>
      %dma_start3A_1148 = tpu.memref_squeeze %dma_start3A_1147 : memref<1x16x1024xf32, #tpu.memory_space<hbm>> -> memref<16x1024xf32, #tpu.memory_space<hbm>>
      tpu.enqueue_dma source(%arg9 : memref<16x1024xf32, #tpu.memory_space<vmem>>) target(%dma_start3A_1148 : memref<16x1024xf32, #tpu.memory_space<hbm>>) target_semaphore(%arg20 : memref<!tpu.dma_semaphore, #tpu.memory_space<semaphore_mem>>)
    } else {
    }
    %jit3A_566 = arith.constant 2 : i32
    %jit3A_567 = arith.constant 0 : i32
    %select_n3A_568 = arith.select %and3A_562, %jit3A_566, %jit3A_567 : i32
    %add3A_569 = arith.addi %add3A_517, %select_n3A_568 : i32
    %jit3A_570 = arith.constant 32 : i32
    %div3A_571 = arith.divsi %reduce_sum3A_216, %jit3A_570 : i32
    %sign3A_572 = arith.constant 0 : i32
    %sign3A_573 = arith.cmpi sgt, %reduce_sum3A_216, %sign3A_572 : i32
    %sign3A_574 = arith.extui %sign3A_573 : i1 to i32
    %sign3A_575 = arith.constant 0 : i32
    %sign3A_576 = arith.cmpi slt, %reduce_sum3A_216, %sign3A_575 : i32
    %sign3A_577 = arith.extui %sign3A_576 : i1 to i32
    %sign3A_578 = arith.subi %sign3A_574, %sign3A_577 : i32
    %sign3A_579 = arith.constant 0 : i32
    %sign3A_580 = arith.cmpi sgt, %jit3A_570, %sign3A_579 : i32
    %sign3A_581 = arith.extui %sign3A_580 : i1 to i32
    %sign3A_582 = arith.constant 0 : i32
    %sign3A_583 = arith.cmpi slt, %jit3A_570, %sign3A_582 : i32
    %sign3A_584 = arith.extui %sign3A_583 : i1 to i32
    %sign3A_585 = arith.subi %sign3A_581, %sign3A_584 : i32
    %ne3A_586 = arith.cmpi ne, %sign3A_578, %sign3A_585 : i32
    %rem3A_587 = arith.remsi %reduce_sum3A_216, %jit3A_570 : i32
    %ne3A_588 = arith.constant 0 : i32
    %ne3A_589 = arith.cmpi ne, %rem3A_587, %ne3A_588 : i32
    %and3A_590 = arith.andi %ne3A_586, %ne3A_589 : i1
    %sub3A_591 = arith.constant 1 : i32
    %sub3A_592 = arith.subi %div3A_571, %sub3A_591 : i32
    %select_n3A_593 = arith.select %and3A_590, %sub3A_592, %div3A_571 : i32
    %jit3A_594 = arith.constant 32 : i32
    %eq3A_595 = arith.constant 0 : i32
    %eq3A_596 = arith.cmpi eq, %jit3A_594, %eq3A_595 : i32
    %jit3A_597 = arith.constant 1 : i32
    %select_n3A_598 = arith.select %eq3A_596, %jit3A_597, %jit3A_594 : i32
    %rem3A_599 = arith.remsi %reduce_sum3A_216, %select_n3A_598 : i32
    %ne3A_600 = arith.constant 0 : i32
    %ne3A_601 = arith.cmpi ne, %rem3A_599, %ne3A_600 : i32
    %lt3A_602 = arith.constant 0 : i32
    %lt3A_603 = arith.cmpi slt, %rem3A_599, %lt3A_602 : i32
    %lt3A_604 = arith.constant 0 : i32
    %lt3A_605 = arith.cmpi slt, %select_n3A_598, %lt3A_604 : i32
    %ne3A_606 = arith.xori %lt3A_603, %lt3A_605 : i1
    %and3A_607 = arith.andi %ne3A_606, %ne3A_601 : i1
    %add3A_608 = arith.addi %rem3A_599, %select_n3A_598 : i32
    %select_n3A_609 = arith.select %and3A_607, %add3A_608, %rem3A_599 : i32
    %ne3A_610 = arith.constant 0 : i32
    %ne3A_611 = arith.cmpi ne, %select_n3A_609, %ne3A_610 : i32
    %eq3A_612 = arith.constant 7 : i32
    %eq3A_613 = arith.cmpi eq, %add3A, %eq3A_612 : i32
    %and3A_614 = arith.andi %ne3A_611, %eq3A_613 : i1
    %convert_element_type3A_615 = arith.extui %and3A_614 : i1 to i32
    %cond3A_616 = arith.constant 0 : i32
    %cond3A_617 = arith.cmpi ne, %convert_element_type3A_615, %cond3A_616 : i32
    scf.if %cond3A_617 {
      %mul3A_1093 = arith.constant 32 : i32
      %mul3A_1094 = arith.muli %select_n3A_593, %mul3A_1093 : i32
      %add3A_1095 = vector.broadcast %mul3A_1094 : i32 to vector<16xi32>
      %add3A_1096 = arith.addi %iota3A, %add3A_1095 : vector<16xi32>
      %lt3A_1097 = vector.broadcast %reduce_sum3A_216 : i32 to vector<16xi32>
      %lt3A_1098 = arith.cmpi slt, %add3A_1096, %lt3A_1097 : vector<16xi32>
      %add3A_1099 = arith.constant 2 : i32
      %add3A_1100 = vector.broadcast %add3A_1099 : i32 to vector<16xi32>
      %add3A_1101 = arith.addi %add3A_1096, %add3A_1100 : vector<16xi32>
      %jit3A_1102 = arith.constant 0 : i32
      %broadcast_in_dim3A_1103 = vector.broadcast %jit3A_1102 : i32 to vector<16xi32>
      %select_n3A_1104 = arith.select %lt3A_1098, %add3A_1101, %broadcast_in_dim3A_1103 : vector<16xi1>, vector<16xi32>
      %swap3A_1105 = arith.constant 0 : index
      %swap3A_1106 = tpu.vector_load %arg14[%swap3A_1105] {strides = array<i32>} : memref<16xi32, #tpu.memory_space<vmem>>, vector<16xi32>,
      tpu.vector_store %arg14[%swap3A_1105], %select_n3A_1104 {strides = array<i32>} : memref<16xi32, #tpu.memory_space<vmem>>, vector<16xi32>,
      %add3A_1107 = arith.constant 16 : i32
      %add3A_1108 = arith.addi %mul3A_1094, %add3A_1107 : i32
      %add3A_1109 = vector.broadcast %add3A_1108 : i32 to vector<16xi32>
      %add3A_1110 = arith.addi %iota3A, %add3A_1109 : vector<16xi32>
      %lt3A_1111 = vector.broadcast %reduce_sum3A_216 : i32 to vector<16xi32>
      %lt3A_1112 = arith.cmpi slt, %add3A_1110, %lt3A_1111 : vector<16xi32>
      %add3A_1113 = arith.constant 2 : i32
      %add3A_1114 = vector.broadcast %add3A_1113 : i32 to vector<16xi32>
      %add3A_1115 = arith.addi %add3A_1110, %add3A_1114 : vector<16xi32>
      %jit3A_1116 = arith.constant 0 : i32
      %broadcast_in_dim3A_1117 = vector.broadcast %jit3A_1116 : i32 to vector<16xi32>
      %select_n3A_1118 = arith.select %lt3A_1112, %add3A_1115, %broadcast_in_dim3A_1117 : vector<16xi1>, vector<16xi32>
      %swap3A_1119 = arith.constant 0 : index
      %swap3A_1120 = tpu.vector_load %arg15[%swap3A_1119] {strides = array<i32>} : memref<16xi32, #tpu.memory_space<vmem>>, vector<16xi32>,
      tpu.vector_store %arg15[%swap3A_1119], %select_n3A_1118 {strides = array<i32>} : memref<16xi32, #tpu.memory_space<vmem>>, vector<16xi32>,
      %dma_start3A_1121 = arith.constant 0 : i32
      %dma_start3A_1122 = arith.constant 0 : i32
      %dma_start3A_1123 = tpu.memref_slice %arg3[%dma_start3A_1121, %dma_start3A_1122] : memref<8192x1024xf32, #tpu.memory_space<hbm>> -> memref<8192x1024xf32, #tpu.memory_space<hbm>>
      tpu.enqueue_indirect_dma source(%dma_start3A_1123 : memref<8192x1024xf32, #tpu.memory_space<hbm>>) target(%arg8 : memref<16x1024xf32, #tpu.memory_space<vmem>>) offsets(%arg14 : memref<16xi32, #tpu.memory_space<vmem>>) semaphore(%arg19 : memref<!tpu.dma_semaphore, #tpu.memory_space<semaphore_mem>>)
      %dma_start3A_1124 = arith.constant 0 : i32
      %dma_start3A_1125 = arith.constant 0 : i32
      %dma_start3A_1126 = tpu.memref_slice %arg3[%dma_start3A_1124, %dma_start3A_1125] : memref<8192x1024xf32, #tpu.memory_space<hbm>> -> memref<8192x1024xf32, #tpu.memory_space<hbm>>
      tpu.enqueue_indirect_dma source(%dma_start3A_1126 : memref<8192x1024xf32, #tpu.memory_space<hbm>>) target(%arg9 : memref<16x1024xf32, #tpu.memory_space<vmem>>) offsets(%arg15 : memref<16xi32, #tpu.memory_space<vmem>>) semaphore(%arg19 : memref<!tpu.dma_semaphore, #tpu.memory_space<semaphore_mem>>)
      %dma_wait3A_1127 = arith.constant 0 : i32
      %dma_wait3A_1128 = arith.constant 0 : i32
      %dma_wait3A_1129 = tpu.memref_slice %arg3[%dma_wait3A_1127, %dma_wait3A_1128] : memref<8192x1024xf32, #tpu.memory_space<hbm>> -> memref<8192x1024xf32, #tpu.memory_space<hbm>>
      tpu.wait_indirect_dma semaphore(%arg19 : memref<!tpu.dma_semaphore, #tpu.memory_space<semaphore_mem>>) src(%dma_wait3A_1129 : memref<8192x1024xf32, #tpu.memory_space<hbm>>) dst(%arg8 : memref<16x1024xf32, #tpu.memory_space<vmem>>)
      %dma_wait3A_1130 = arith.constant 0 : i32
      %dma_wait3A_1131 = arith.constant 0 : i32
      %dma_wait3A_1132 = tpu.memref_slice %arg3[%dma_wait3A_1130, %dma_wait3A_1131] : memref<8192x1024xf32, #tpu.memory_space<hbm>> -> memref<8192x1024xf32, #tpu.memory_space<hbm>>
      tpu.wait_indirect_dma semaphore(%arg19 : memref<!tpu.dma_semaphore, #tpu.memory_space<semaphore_mem>>) src(%dma_wait3A_1132 : memref<8192x1024xf32, #tpu.memory_space<hbm>>) dst(%arg9 : memref<16x1024xf32, #tpu.memory_space<vmem>>)
      %dma_start3A_1133 = arith.constant 7 : i32
      %dma_start3A_1134 = arith.constant 0 : i32
      %dma_start3A_1135 = tpu.memref_slice %arg4[%dma_start3A_1133, %mul3A_1094, %dma_start3A_1134] : memref<8x4096x1024xf32, #tpu.memory_space<hbm>> -> memref<1x16x1024xf32, #tpu.memory_space<hbm>>
      %dma_start3A_1136 = tpu.memref_squeeze %dma_start3A_1135 : memref<1x16x1024xf32, #tpu.memory_space<hbm>> -> memref<16x1024xf32, #tpu.memory_space<hbm>>
      %dma_start3A_1137 = arith.constant 0 : i32
      %dma_start3A_1138 = tpu.memref_slice %arg4[%dma_start3A_1133, %mul3A_1094, %dma_start3A_1137] : memref<8x4096x1024xf32, #tpu.memory_space<hbm>> -> memref<1x16x1024xf32, #tpu.memory_space<hbm>>
      %dma_start3A_1139 = tpu.memref_squeeze %dma_start3A_1138 : memref<1x16x1024xf32, #tpu.memory_space<hbm>> -> memref<16x1024xf32, #tpu.memory_space<hbm>>
      tpu.enqueue_dma source(%arg8 : memref<16x1024xf32, #tpu.memory_space<vmem>>) target(%dma_start3A_1139 : memref<16x1024xf32, #tpu.memory_space<hbm>>) target_semaphore(%arg20 : memref<!tpu.dma_semaphore, #tpu.memory_space<semaphore_mem>>)
      %add3A_1140 = arith.constant 16 : i32
      %add3A_1141 = arith.addi %mul3A_1094, %add3A_1140 : i32
      %dma_start3A_1142 = arith.constant 7 : i32
      %dma_start3A_1143 = arith.constant 0 : i32
      %dma_start3A_1144 = tpu.memref_slice %arg4[%dma_start3A_1142, %add3A_1141, %dma_start3A_1143] : memref<8x4096x1024xf32, #tpu.memory_space<hbm>> -> memref<1x16x1024xf32, #tpu.memory_space<hbm>>
      %dma_start3A_1145 = tpu.memref_squeeze %dma_start3A_1144 : memref<1x16x1024xf32, #tpu.memory_space<hbm>> -> memref<16x1024xf32, #tpu.memory_space<hbm>>
      %dma_start3A_1146 = arith.constant 0 : i32
      %dma_start3A_1147 = tpu.memref_slice %arg4[%dma_start3A_1142, %add3A_1141, %dma_start3A_1146] : memref<8x4096x1024xf32, #tpu.memory_space<hbm>> -> memref<1x16x1024xf32, #tpu.memory_space<hbm>>
      %dma_start3A_1148 = tpu.memref_squeeze %dma_start3A_1147 : memref<1x16x1024xf32, #tpu.memory_space<hbm>> -> memref<16x1024xf32, #tpu.memory_space<hbm>>
      tpu.enqueue_dma source(%arg9 : memref<16x1024xf32, #tpu.memory_space<vmem>>) target(%dma_start3A_1148 : memref<16x1024xf32, #tpu.memory_space<hbm>>) target_semaphore(%arg20 : memref<!tpu.dma_semaphore, #tpu.memory_space<semaphore_mem>>)
    } else {
    }
    %jit3A_618 = arith.constant 2 : i32
    %jit3A_619 = arith.constant 0 : i32
    %select_n3A_620 = arith.select %and3A_614, %jit3A_618, %jit3A_619 : i32
    %add3A_621 = arith.addi %add3A_569, %select_n3A_620 : i32
    %scan3A_622 = arith.constant 0 : i32
    %scan3A_623 = arith.constant 0 : i32
    %scan3A_624 = arith.constant 0 : i32
    %scan3A_625 = arith.constant 128 : i32
    %scan3A_626 = arith.addi %scan3A_624, %scan3A_625 : i32
    %scan3A_627 = arith.constant 1 : i32
    %scan3A_628:2 = scf.for %scan3A_1093 = %scan3A_624 to %scan3A_626 step %scan3A_627 iter_args(%scan3A_1094 = %scan3A_622, %scan3A_1095 = %scan3A_623) -> (i32, i32)  : i32 {
      %mul3A_1096 = arith.constant 32 : i32
      %mul3A_1097 = arith.muli %scan3A_1093, %mul3A_1096 : i32
      %mul3A_1098 = arith.constant 8 : i32
      %mul3A_1099 = arith.muli %scan3A_1093, %mul3A_1098 : i32
      %add3A_1100 = arith.constant 0 : i32
      %add3A_1101 = arith.addi %mul3A_1099, %add3A_1100 : i32
      %jit3A_1102 = arith.constant 144 : i32
      %eq3A_1103 = arith.constant 0 : i32
      %eq3A_1104 = arith.cmpi eq, %jit3A_1102, %eq3A_1103 : i32
      %jit3A_1105 = arith.constant 1 : i32
      %select_n3A_1106 = arith.select %eq3A_1104, %jit3A_1105, %jit3A_1102 : i32
      %rem3A_1107 = arith.remsi %add3A_1101, %select_n3A_1106 : i32
      %ne3A_1108 = arith.constant 0 : i32
      %ne3A_1109 = arith.cmpi ne, %rem3A_1107, %ne3A_1108 : i32
      %lt3A_1110 = arith.constant 0 : i32
      %lt3A_1111 = arith.cmpi slt, %rem3A_1107, %lt3A_1110 : i32
      %lt3A_1112 = arith.constant 0 : i32
      %lt3A_1113 = arith.cmpi slt, %select_n3A_1106, %lt3A_1112 : i32
      %ne3A_1114 = arith.xori %lt3A_1111, %lt3A_1113 : i1
      %and3A_1115 = arith.andi %ne3A_1114, %ne3A_1109 : i1
      %add3A_1116 = arith.addi %rem3A_1107, %select_n3A_1106 : i32
      %select_n3A_1117 = arith.select %and3A_1115, %add3A_1116, %rem3A_1107 : i32
      %lt3A_1118 = arith.constant 64 : i32
      %lt3A_1119 = arith.cmpi slt, %select_n3A_1117, %lt3A_1118 : i32
      %jit3A_1120 = arith.constant 16 : i32
      %eq3A_1121 = arith.constant 0 : i32
      %eq3A_1122 = arith.cmpi eq, %jit3A_1120, %eq3A_1121 : i32
      %jit3A_1123 = arith.constant 1 : i32
      %select_n3A_1124 = arith.select %eq3A_1122, %jit3A_1123, %jit3A_1120 : i32
      %rem3A_1125 = arith.remsi %select_n3A_1117, %select_n3A_1124 : i32
      %ne3A_1126 = arith.constant 0 : i32
      %ne3A_1127 = arith.cmpi ne, %rem3A_1125, %ne3A_1126 : i32
      %lt3A_1128 = arith.constant 0 : i32
      %lt3A_1129 = arith.cmpi slt, %rem3A_1125, %lt3A_1128 : i32
      %lt3A_1130 = arith.constant 0 : i32
      %lt3A_1131 = arith.cmpi slt, %select_n3A_1124, %lt3A_1130 : i32
      %ne3A_1132 = arith.xori %lt3A_1129, %lt3A_1131 : i1
      %and3A_1133 = arith.andi %ne3A_1132, %ne3A_1127 : i1
      %add3A_1134 = arith.addi %rem3A_1125, %select_n3A_1124 : i32
      %select_n3A_1135 = arith.select %and3A_1133, %add3A_1134, %rem3A_1125 : i32
      %mul3A_1136 = arith.constant 2 : i32
      %mul3A_1137 = arith.muli %mul3A_1136, %select_n3A_1135 : i32
      %sub3A_1138 = arith.constant 64 : i32
      %sub3A_1139 = arith.subi %select_n3A_1117, %sub3A_1138 : i32
      %jit3A_1140 = arith.constant 16 : i32
      %eq3A_1141 = arith.constant 0 : i32
      %eq3A_1142 = arith.cmpi eq, %jit3A_1140, %eq3A_1141 : i32
      %jit3A_1143 = arith.constant 1 : i32
      %select_n3A_1144 = arith.select %eq3A_1142, %jit3A_1143, %jit3A_1140 : i32
      %rem3A_1145 = arith.remsi %sub3A_1139, %select_n3A_1144 : i32
      %ne3A_1146 = arith.constant 0 : i32
      %ne3A_1147 = arith.cmpi ne, %rem3A_1145, %ne3A_1146 : i32
      %lt3A_1148 = arith.constant 0 : i32
      %lt3A_1149 = arith.cmpi slt, %rem3A_1145, %lt3A_1148 : i32
      %lt3A_1150 = arith.constant 0 : i32
      %lt3A_1151 = arith.cmpi slt, %select_n3A_1144, %lt3A_1150 : i32
      %ne3A_1152 = arith.xori %lt3A_1149, %lt3A_1151 : i1
      %and3A_1153 = arith.andi %ne3A_1152, %ne3A_1147 : i1
      %add3A_1154 = arith.addi %rem3A_1145, %select_n3A_1144 : i32
      %select_n3A_1155 = arith.select %and3A_1153, %add3A_1154, %rem3A_1145 : i32
      %mul3A_1156 = arith.constant 2 : i32
      %mul3A_1157 = arith.muli %mul3A_1156, %select_n3A_1155 : i32
      %add3A_1158 = arith.constant 1 : i32
      %add3A_1159 = arith.addi %mul3A_1157, %add3A_1158 : i32
      %select_n3A_1160 = arith.select %lt3A_1119, %mul3A_1137, %add3A_1159 : i32
      %ge3A = arith.cmpi sge, %mul3A_1097, %reduce_sum3A_188 : i32
      %eq3A_1161 = arith.cmpi eq, %select_n3A_1160, %add3A : i32
      %and3A_1162 = arith.andi %ge3A, %eq3A_1161 : i1
      %convert_element_type3A_1163 = arith.extui %and3A_1162 : i1 to i32
      %cond3A_1164 = arith.constant 0 : i32
      %cond3A_1165 = arith.cmpi ne, %convert_element_type3A_1163, %cond3A_1164 : i32
      scf.if %cond3A_1165 {
        %dma_start3A_1696 = arith.constant 0 : i32
        %dma_start3A_1697 = arith.constant 0 : i32
        %dma_start3A_1698 = tpu.memref_slice %arg4[%dma_start3A_1696, %mul3A_1097, %dma_start3A_1697] : memref<8x4096x1024xf32, #tpu.memory_space<hbm>> -> memref<1x16x1024xf32, #tpu.memory_space<hbm>>
        %dma_start3A_1699 = tpu.memref_squeeze %dma_start3A_1698 : memref<1x16x1024xf32, #tpu.memory_space<hbm>> -> memref<16x1024xf32, #tpu.memory_space<hbm>>
        %dma_start3A_1700 = arith.constant 0 : i32
        %dma_start3A_1701 = tpu.memref_slice %arg4[%dma_start3A_1696, %mul3A_1097, %dma_start3A_1700] : memref<8x4096x1024xf32, #tpu.memory_space<hbm>> -> memref<1x16x1024xf32, #tpu.memory_space<hbm>>
        %dma_start3A_1702 = tpu.memref_squeeze %dma_start3A_1701 : memref<1x16x1024xf32, #tpu.memory_space<hbm>> -> memref<16x1024xf32, #tpu.memory_space<hbm>>
        tpu.enqueue_dma source(%arg7 : memref<16x1024xf32, #tpu.memory_space<vmem>>) target(%dma_start3A_1702 : memref<16x1024xf32, #tpu.memory_space<hbm>>) target_semaphore(%arg18 : memref<!tpu.dma_semaphore, #tpu.memory_space<semaphore_mem>>)
        %add3A_1703 = arith.constant 16 : i32
        %add3A_1704 = arith.addi %mul3A_1097, %add3A_1703 : i32
        %dma_start3A_1705 = arith.constant 0 : i32
        %dma_start3A_1706 = arith.constant 0 : i32
        %dma_start3A_1707 = tpu.memref_slice %arg4[%dma_start3A_1705, %add3A_1704, %dma_start3A_1706] : memref<8x4096x1024xf32, #tpu.memory_space<hbm>> -> memref<1x16x1024xf32, #tpu.memory_space<hbm>>
        %dma_start3A_1708 = tpu.memref_squeeze %dma_start3A_1707 : memref<1x16x1024xf32, #tpu.memory_space<hbm>> -> memref<16x1024xf32, #tpu.memory_space<hbm>>
        %dma_start3A_1709 = arith.constant 0 : i32
        %dma_start3A_1710 = tpu.memref_slice %arg4[%dma_start3A_1705, %add3A_1704, %dma_start3A_1709] : memref<8x4096x1024xf32, #tpu.memory_space<hbm>> -> memref<1x16x1024xf32, #tpu.memory_space<hbm>>
        %dma_start3A_1711 = tpu.memref_squeeze %dma_start3A_1710 : memref<1x16x1024xf32, #tpu.memory_space<hbm>> -> memref<16x1024xf32, #tpu.memory_space<hbm>>
        tpu.enqueue_dma source(%arg7 : memref<16x1024xf32, #tpu.memory_space<vmem>>) target(%dma_start3A_1711 : memref<16x1024xf32, #tpu.memory_space<hbm>>) target_semaphore(%arg18 : memref<!tpu.dma_semaphore, #tpu.memory_space<semaphore_mem>>)
      } else {
      }
      %jit3A_1166 = arith.constant 2 : i32
      %jit3A_1167 = arith.constant 0 : i32
      %select_n3A_1168 = arith.select %and3A_1162, %jit3A_1166, %jit3A_1167 : i32
      %add3A_1169 = arith.addi %scan3A_1094, %select_n3A_1168 : i32
      %mul3A_1170 = arith.constant 8 : i32
      %mul3A_1171 = arith.muli %scan3A_1093, %mul3A_1170 : i32
      %add3A_1172 = arith.constant 1 : i32
      %add3A_1173 = arith.addi %mul3A_1171, %add3A_1172 : i32
      %jit3A_1174 = arith.constant 144 : i32
      %eq3A_1175 = arith.constant 0 : i32
      %eq3A_1176 = arith.cmpi eq, %jit3A_1174, %eq3A_1175 : i32
      %jit3A_1177 = arith.constant 1 : i32
      %select_n3A_1178 = arith.select %eq3A_1176, %jit3A_1177, %jit3A_1174 : i32
      %rem3A_1179 = arith.remsi %add3A_1173, %select_n3A_1178 : i32
      %ne3A_1180 = arith.constant 0 : i32
      %ne3A_1181 = arith.cmpi ne, %rem3A_1179, %ne3A_1180 : i32
      %lt3A_1182 = arith.constant 0 : i32
      %lt3A_1183 = arith.cmpi slt, %rem3A_1179, %lt3A_1182 : i32
      %lt3A_1184 = arith.constant 0 : i32
      %lt3A_1185 = arith.cmpi slt, %select_n3A_1178, %lt3A_1184 : i32
      %ne3A_1186 = arith.xori %lt3A_1183, %lt3A_1185 : i1
      %and3A_1187 = arith.andi %ne3A_1186, %ne3A_1181 : i1
      %add3A_1188 = arith.addi %rem3A_1179, %select_n3A_1178 : i32
      %select_n3A_1189 = arith.select %and3A_1187, %add3A_1188, %rem3A_1179 : i32
      %lt3A_1190 = arith.constant 64 : i32
      %lt3A_1191 = arith.cmpi slt, %select_n3A_1189, %lt3A_1190 : i32
      %jit3A_1192 = arith.constant 16 : i32
      %eq3A_1193 = arith.constant 0 : i32
      %eq3A_1194 = arith.cmpi eq, %jit3A_1192, %eq3A_1193 : i32
      %jit3A_1195 = arith.constant 1 : i32
      %select_n3A_1196 = arith.select %eq3A_1194, %jit3A_1195, %jit3A_1192 : i32
      %rem3A_1197 = arith.remsi %select_n3A_1189, %select_n3A_1196 : i32
      %ne3A_1198 = arith.constant 0 : i32
      %ne3A_1199 = arith.cmpi ne, %rem3A_1197, %ne3A_1198 : i32
      %lt3A_1200 = arith.constant 0 : i32
      %lt3A_1201 = arith.cmpi slt, %rem3A_1197, %lt3A_1200 : i32
      %lt3A_1202 = arith.constant 0 : i32
      %lt3A_1203 = arith.cmpi slt, %select_n3A_1196, %lt3A_1202 : i32
      %ne3A_1204 = arith.xori %lt3A_1201, %lt3A_1203 : i1
      %and3A_1205 = arith.andi %ne3A_1204, %ne3A_1199 : i1
      %add3A_1206 = arith.addi %rem3A_1197, %select_n3A_1196 : i32
      %select_n3A_1207 = arith.select %and3A_1205, %add3A_1206, %rem3A_1197 : i32
      %mul3A_1208 = arith.constant 2 : i32
      %mul3A_1209 = arith.muli %mul3A_1208, %select_n3A_1207 : i32
      %sub3A_1210 = arith.constant 64 : i32
      %sub3A_1211 = arith.subi %select_n3A_1189, %sub3A_1210 : i32
      %jit3A_1212 = arith.constant 16 : i32
      %eq3A_1213 = arith.constant 0 : i32
      %eq3A_1214 = arith.cmpi eq, %jit3A_1212, %eq3A_1213 : i32
      %jit3A_1215 = arith.constant 1 : i32
      %select_n3A_1216 = arith.select %eq3A_1214, %jit3A_1215, %jit3A_1212 : i32
      %rem3A_1217 = arith.remsi %sub3A_1211, %select_n3A_1216 : i32
      %ne3A_1218 = arith.constant 0 : i32
      %ne3A_1219 = arith.cmpi ne, %rem3A_1217, %ne3A_1218 : i32
      %lt3A_1220 = arith.constant 0 : i32
      %lt3A_1221 = arith.cmpi slt, %rem3A_1217, %lt3A_1220 : i32
      %lt3A_1222 = arith.constant 0 : i32
      %lt3A_1223 = arith.cmpi slt, %select_n3A_1216, %lt3A_1222 : i32
      %ne3A_1224 = arith.xori %lt3A_1221, %lt3A_1223 : i1
      %and3A_1225 = arith.andi %ne3A_1224, %ne3A_1219 : i1
      %add3A_1226 = arith.addi %rem3A_1217, %select_n3A_1216 : i32
      %select_n3A_1227 = arith.select %and3A_1225, %add3A_1226, %rem3A_1217 : i32
      %mul3A_1228 = arith.constant 2 : i32
      %mul3A_1229 = arith.muli %mul3A_1228, %select_n3A_1227 : i32
      %add3A_1230 = arith.constant 1 : i32
      %add3A_1231 = arith.addi %mul3A_1229, %add3A_1230 : i32
      %select_n3A_1232 = arith.select %lt3A_1191, %mul3A_1209, %add3A_1231 : i32
      %ge3A_1233 = arith.cmpi sge, %mul3A_1097, %reduce_sum3A_192 : i32
      %eq3A_1234 = arith.cmpi eq, %select_n3A_1232, %add3A : i32
      %and3A_1235 = arith.andi %ge3A_1233, %eq3A_1234 : i1
      %convert_element_type3A_1236 = arith.extui %and3A_1235 : i1 to i32
      %cond3A_1237 = arith.constant 0 : i32
      %cond3A_1238 = arith.cmpi ne, %convert_element_type3A_1236, %cond3A_1237 : i32
      scf.if %cond3A_1238 {
        %dma_start3A_1696 = arith.constant 1 : i32
        %dma_start3A_1697 = arith.constant 0 : i32
        %dma_start3A_1698 = tpu.memref_slice %arg4[%dma_start3A_1696, %mul3A_1097, %dma_start3A_1697] : memref<8x4096x1024xf32, #tpu.memory_space<hbm>> -> memref<1x16x1024xf32, #tpu.memory_space<hbm>>
        %dma_start3A_1699 = tpu.memref_squeeze %dma_start3A_1698 : memref<1x16x1024xf32, #tpu.memory_space<hbm>> -> memref<16x1024xf32, #tpu.memory_space<hbm>>
        %dma_start3A_1700 = arith.constant 0 : i32
        %dma_start3A_1701 = tpu.memref_slice %arg4[%dma_start3A_1696, %mul3A_1097, %dma_start3A_1700] : memref<8x4096x1024xf32, #tpu.memory_space<hbm>> -> memref<1x16x1024xf32, #tpu.memory_space<hbm>>
        %dma_start3A_1702 = tpu.memref_squeeze %dma_start3A_1701 : memref<1x16x1024xf32, #tpu.memory_space<hbm>> -> memref<16x1024xf32, #tpu.memory_space<hbm>>
        tpu.enqueue_dma source(%arg7 : memref<16x1024xf32, #tpu.memory_space<vmem>>) target(%dma_start3A_1702 : memref<16x1024xf32, #tpu.memory_space<hbm>>) target_semaphore(%arg18 : memref<!tpu.dma_semaphore, #tpu.memory_space<semaphore_mem>>)
        %add3A_1703 = arith.constant 16 : i32
        %add3A_1704 = arith.addi %mul3A_1097, %add3A_1703 : i32
        %dma_start3A_1705 = arith.constant 1 : i32
        %dma_start3A_1706 = arith.constant 0 : i32
        %dma_start3A_1707 = tpu.memref_slice %arg4[%dma_start3A_1705, %add3A_1704, %dma_start3A_1706] : memref<8x4096x1024xf32, #tpu.memory_space<hbm>> -> memref<1x16x1024xf32, #tpu.memory_space<hbm>>
        %dma_start3A_1708 = tpu.memref_squeeze %dma_start3A_1707 : memref<1x16x1024xf32, #tpu.memory_space<hbm>> -> memref<16x1024xf32, #tpu.memory_space<hbm>>
        %dma_start3A_1709 = arith.constant 0 : i32
        %dma_start3A_1710 = tpu.memref_slice %arg4[%dma_start3A_1705, %add3A_1704, %dma_start3A_1709] : memref<8x4096x1024xf32, #tpu.memory_space<hbm>> -> memref<1x16x1024xf32, #tpu.memory_space<hbm>>
        %dma_start3A_1711 = tpu.memref_squeeze %dma_start3A_1710 : memref<1x16x1024xf32, #tpu.memory_space<hbm>> -> memref<16x1024xf32, #tpu.memory_space<hbm>>
        tpu.enqueue_dma source(%arg7 : memref<16x1024xf32, #tpu.memory_space<vmem>>) target(%dma_start3A_1711 : memref<16x1024xf32, #tpu.memory_space<hbm>>) target_semaphore(%arg18 : memref<!tpu.dma_semaphore, #tpu.memory_space<semaphore_mem>>)
      } else {
      }
      %jit3A_1239 = arith.constant 2 : i32
      %jit3A_1240 = arith.constant 0 : i32
      %select_n3A_1241 = arith.select %and3A_1235, %jit3A_1239, %jit3A_1240 : i32
      %add3A_1242 = arith.addi %add3A_1169, %select_n3A_1241 : i32
      %mul3A_1243 = arith.constant 8 : i32
      %mul3A_1244 = arith.muli %scan3A_1093, %mul3A_1243 : i32
      %add3A_1245 = arith.constant 2 : i32
      %add3A_1246 = arith.addi %mul3A_1244, %add3A_1245 : i32
      %jit3A_1247 = arith.constant 144 : i32
      %eq3A_1248 = arith.constant 0 : i32
      %eq3A_1249 = arith.cmpi eq, %jit3A_1247, %eq3A_1248 : i32
      %jit3A_1250 = arith.constant 1 : i32
      %select_n3A_1251 = arith.select %eq3A_1249, %jit3A_1250, %jit3A_1247 : i32
      %rem3A_1252 = arith.remsi %add3A_1246, %select_n3A_1251 : i32
      %ne3A_1253 = arith.constant 0 : i32
      %ne3A_1254 = arith.cmpi ne, %rem3A_1252, %ne3A_1253 : i32
      %lt3A_1255 = arith.constant 0 : i32
      %lt3A_1256 = arith.cmpi slt, %rem3A_1252, %lt3A_1255 : i32
      %lt3A_1257 = arith.constant 0 : i32
      %lt3A_1258 = arith.cmpi slt, %select_n3A_1251, %lt3A_1257 : i32
      %ne3A_1259 = arith.xori %lt3A_1256, %lt3A_1258 : i1
      %and3A_1260 = arith.andi %ne3A_1259, %ne3A_1254 : i1
      %add3A_1261 = arith.addi %rem3A_1252, %select_n3A_1251 : i32
      %select_n3A_1262 = arith.select %and3A_1260, %add3A_1261, %rem3A_1252 : i32
      %lt3A_1263 = arith.constant 64 : i32
      %lt3A_1264 = arith.cmpi slt, %select_n3A_1262, %lt3A_1263 : i32
      %jit3A_1265 = arith.constant 16 : i32
      %eq3A_1266 = arith.constant 0 : i32
      %eq3A_1267 = arith.cmpi eq, %jit3A_1265, %eq3A_1266 : i32
      %jit3A_1268 = arith.constant 1 : i32
      %select_n3A_1269 = arith.select %eq3A_1267, %jit3A_1268, %jit3A_1265 : i32
      %rem3A_1270 = arith.remsi %select_n3A_1262, %select_n3A_1269 : i32
      %ne3A_1271 = arith.constant 0 : i32
      %ne3A_1272 = arith.cmpi ne, %rem3A_1270, %ne3A_1271 : i32
      %lt3A_1273 = arith.constant 0 : i32
      %lt3A_1274 = arith.cmpi slt, %rem3A_1270, %lt3A_1273 : i32
      %lt3A_1275 = arith.constant 0 : i32
      %lt3A_1276 = arith.cmpi slt, %select_n3A_1269, %lt3A_1275 : i32
      %ne3A_1277 = arith.xori %lt3A_1274, %lt3A_1276 : i1
      %and3A_1278 = arith.andi %ne3A_1277, %ne3A_1272 : i1
      %add3A_1279 = arith.addi %rem3A_1270, %select_n3A_1269 : i32
      %select_n3A_1280 = arith.select %and3A_1278, %add3A_1279, %rem3A_1270 : i32
      %mul3A_1281 = arith.constant 2 : i32
      %mul3A_1282 = arith.muli %mul3A_1281, %select_n3A_1280 : i32
      %sub3A_1283 = arith.constant 64 : i32
      %sub3A_1284 = arith.subi %select_n3A_1262, %sub3A_1283 : i32
      %jit3A_1285 = arith.constant 16 : i32
      %eq3A_1286 = arith.constant 0 : i32
      %eq3A_1287 = arith.cmpi eq, %jit3A_1285, %eq3A_1286 : i32
      %jit3A_1288 = arith.constant 1 : i32
      %select_n3A_1289 = arith.select %eq3A_1287, %jit3A_1288, %jit3A_1285 : i32
      %rem3A_1290 = arith.remsi %sub3A_1284, %select_n3A_1289 : i32
      %ne3A_1291 = arith.constant 0 : i32
      %ne3A_1292 = arith.cmpi ne, %rem3A_1290, %ne3A_1291 : i32
      %lt3A_1293 = arith.constant 0 : i32
      %lt3A_1294 = arith.cmpi slt, %rem3A_1290, %lt3A_1293 : i32
      %lt3A_1295 = arith.constant 0 : i32
      %lt3A_1296 = arith.cmpi slt, %select_n3A_1289, %lt3A_1295 : i32
      %ne3A_1297 = arith.xori %lt3A_1294, %lt3A_1296 : i1
      %and3A_1298 = arith.andi %ne3A_1297, %ne3A_1292 : i1
      %add3A_1299 = arith.addi %rem3A_1290, %select_n3A_1289 : i32
      %select_n3A_1300 = arith.select %and3A_1298, %add3A_1299, %rem3A_1290 : i32
      %mul3A_1301 = arith.constant 2 : i32
      %mul3A_1302 = arith.muli %mul3A_1301, %select_n3A_1300 : i32
      %add3A_1303 = arith.constant 1 : i32
      %add3A_1304 = arith.addi %mul3A_1302, %add3A_1303 : i32
      %select_n3A_1305 = arith.select %lt3A_1264, %mul3A_1282, %add3A_1304 : i32
      %ge3A_1306 = arith.cmpi sge, %mul3A_1097, %reduce_sum3A_196 : i32
      %eq3A_1307 = arith.cmpi eq, %select_n3A_1305, %add3A : i32
      %and3A_1308 = arith.andi %ge3A_1306, %eq3A_1307 : i1
      %convert_element_type3A_1309 = arith.extui %and3A_1308 : i1 to i32
      %cond3A_1310 = arith.constant 0 : i32
      %cond3A_1311 = arith.cmpi ne, %convert_element_type3A_1309, %cond3A_1310 : i32
      scf.if %cond3A_1311 {
        %dma_start3A_1696 = arith.constant 2 : i32
        %dma_start3A_1697 = arith.constant 0 : i32
        %dma_start3A_1698 = tpu.memref_slice %arg4[%dma_start3A_1696, %mul3A_1097, %dma_start3A_1697] : memref<8x4096x1024xf32, #tpu.memory_space<hbm>> -> memref<1x16x1024xf32, #tpu.memory_space<hbm>>
        %dma_start3A_1699 = tpu.memref_squeeze %dma_start3A_1698 : memref<1x16x1024xf32, #tpu.memory_space<hbm>> -> memref<16x1024xf32, #tpu.memory_space<hbm>>
        %dma_start3A_1700 = arith.constant 0 : i32
        %dma_start3A_1701 = tpu.memref_slice %arg4[%dma_start3A_1696, %mul3A_1097, %dma_start3A_1700] : memref<8x4096x1024xf32, #tpu.memory_space<hbm>> -> memref<1x16x1024xf32, #tpu.memory_space<hbm>>
        %dma_start3A_1702 = tpu.memref_squeeze %dma_start3A_1701 : memref<1x16x1024xf32, #tpu.memory_space<hbm>> -> memref<16x1024xf32, #tpu.memory_space<hbm>>
        tpu.enqueue_dma source(%arg7 : memref<16x1024xf32, #tpu.memory_space<vmem>>) target(%dma_start3A_1702 : memref<16x1024xf32, #tpu.memory_space<hbm>>) target_semaphore(%arg18 : memref<!tpu.dma_semaphore, #tpu.memory_space<semaphore_mem>>)
        %add3A_1703 = arith.constant 16 : i32
        %add3A_1704 = arith.addi %mul3A_1097, %add3A_1703 : i32
        %dma_start3A_1705 = arith.constant 2 : i32
        %dma_start3A_1706 = arith.constant 0 : i32
        %dma_start3A_1707 = tpu.memref_slice %arg4[%dma_start3A_1705, %add3A_1704, %dma_start3A_1706] : memref<8x4096x1024xf32, #tpu.memory_space<hbm>> -> memref<1x16x1024xf32, #tpu.memory_space<hbm>>
        %dma_start3A_1708 = tpu.memref_squeeze %dma_start3A_1707 : memref<1x16x1024xf32, #tpu.memory_space<hbm>> -> memref<16x1024xf32, #tpu.memory_space<hbm>>
        %dma_start3A_1709 = arith.constant 0 : i32
        %dma_start3A_1710 = tpu.memref_slice %arg4[%dma_start3A_1705, %add3A_1704, %dma_start3A_1709] : memref<8x4096x1024xf32, #tpu.memory_space<hbm>> -> memref<1x16x1024xf32, #tpu.memory_space<hbm>>
        %dma_start3A_1711 = tpu.memref_squeeze %dma_start3A_1710 : memref<1x16x1024xf32, #tpu.memory_space<hbm>> -> memref<16x1024xf32, #tpu.memory_space<hbm>>
        tpu.enqueue_dma source(%arg7 : memref<16x1024xf32, #tpu.memory_space<vmem>>) target(%dma_start3A_1711 : memref<16x1024xf32, #tpu.memory_space<hbm>>) target_semaphore(%arg18 : memref<!tpu.dma_semaphore, #tpu.memory_space<semaphore_mem>>)
      } else {
      }
      %jit3A_1312 = arith.constant 2 : i32
      %jit3A_1313 = arith.constant 0 : i32
      %select_n3A_1314 = arith.select %and3A_1308, %jit3A_1312, %jit3A_1313 : i32
      %add3A_1315 = arith.addi %add3A_1242, %select_n3A_1314 : i32
      %mul3A_1316 = arith.constant 8 : i32
      %mul3A_1317 = arith.muli %scan3A_1093, %mul3A_1316 : i32
      %add3A_1318 = arith.constant 3 : i32
      %add3A_1319 = arith.addi %mul3A_1317, %add3A_1318 : i32
      %jit3A_1320 = arith.constant 144 : i32
      %eq3A_1321 = arith.constant 0 : i32
      %eq3A_1322 = arith.cmpi eq, %jit3A_1320, %eq3A_1321 : i32
      %jit3A_1323 = arith.constant 1 : i32
      %select_n3A_1324 = arith.select %eq3A_1322, %jit3A_1323, %jit3A_1320 : i32
      %rem3A_1325 = arith.remsi %add3A_1319, %select_n3A_1324 : i32
      %ne3A_1326 = arith.constant 0 : i32
      %ne3A_1327 = arith.cmpi ne, %rem3A_1325, %ne3A_1326 : i32
      %lt3A_1328 = arith.constant 0 : i32
      %lt3A_1329 = arith.cmpi slt, %rem3A_1325, %lt3A_1328 : i32
      %lt3A_1330 = arith.constant 0 : i32
      %lt3A_1331 = arith.cmpi slt, %select_n3A_1324, %lt3A_1330 : i32
      %ne3A_1332 = arith.xori %lt3A_1329, %lt3A_1331 : i1
      %and3A_1333 = arith.andi %ne3A_1332, %ne3A_1327 : i1
      %add3A_1334 = arith.addi %rem3A_1325, %select_n3A_1324 : i32
      %select_n3A_1335 = arith.select %and3A_1333, %add3A_1334, %rem3A_1325 : i32
      %lt3A_1336 = arith.constant 64 : i32
      %lt3A_1337 = arith.cmpi slt, %select_n3A_1335, %lt3A_1336 : i32
      %jit3A_1338 = arith.constant 16 : i32
      %eq3A_1339 = arith.constant 0 : i32
      %eq3A_1340 = arith.cmpi eq, %jit3A_1338, %eq3A_1339 : i32
      %jit3A_1341 = arith.constant 1 : i32
      %select_n3A_1342 = arith.select %eq3A_1340, %jit3A_1341, %jit3A_1338 : i32
      %rem3A_1343 = arith.remsi %select_n3A_1335, %select_n3A_1342 : i32
      %ne3A_1344 = arith.constant 0 : i32
      %ne3A_1345 = arith.cmpi ne, %rem3A_1343, %ne3A_1344 : i32
      %lt3A_1346 = arith.constant 0 : i32
      %lt3A_1347 = arith.cmpi slt, %rem3A_1343, %lt3A_1346 : i32
      %lt3A_1348 = arith.constant 0 : i32
      %lt3A_1349 = arith.cmpi slt, %select_n3A_1342, %lt3A_1348 : i32
      %ne3A_1350 = arith.xori %lt3A_1347, %lt3A_1349 : i1
      %and3A_1351 = arith.andi %ne3A_1350, %ne3A_1345 : i1
      %add3A_1352 = arith.addi %rem3A_1343, %select_n3A_1342 : i32
      %select_n3A_1353 = arith.select %and3A_1351, %add3A_1352, %rem3A_1343 : i32
      %mul3A_1354 = arith.constant 2 : i32
      %mul3A_1355 = arith.muli %mul3A_1354, %select_n3A_1353 : i32
      %sub3A_1356 = arith.constant 64 : i32
      %sub3A_1357 = arith.subi %select_n3A_1335, %sub3A_1356 : i32
      %jit3A_1358 = arith.constant 16 : i32
      %eq3A_1359 = arith.constant 0 : i32
      %eq3A_1360 = arith.cmpi eq, %jit3A_1358, %eq3A_1359 : i32
      %jit3A_1361 = arith.constant 1 : i32
      %select_n3A_1362 = arith.select %eq3A_1360, %jit3A_1361, %jit3A_1358 : i32
      %rem3A_1363 = arith.remsi %sub3A_1357, %select_n3A_1362 : i32
      %ne3A_1364 = arith.constant 0 : i32
      %ne3A_1365 = arith.cmpi ne, %rem3A_1363, %ne3A_1364 : i32
      %lt3A_1366 = arith.constant 0 : i32
      %lt3A_1367 = arith.cmpi slt, %rem3A_1363, %lt3A_1366 : i32
      %lt3A_1368 = arith.constant 0 : i32
      %lt3A_1369 = arith.cmpi slt, %select_n3A_1362, %lt3A_1368 : i32
      %ne3A_1370 = arith.xori %lt3A_1367, %lt3A_1369 : i1
      %and3A_1371 = arith.andi %ne3A_1370, %ne3A_1365 : i1
      %add3A_1372 = arith.addi %rem3A_1363, %select_n3A_1362 : i32
      %select_n3A_1373 = arith.select %and3A_1371, %add3A_1372, %rem3A_1363 : i32
      %mul3A_1374 = arith.constant 2 : i32
      %mul3A_1375 = arith.muli %mul3A_1374, %select_n3A_1373 : i32
      %add3A_1376 = arith.constant 1 : i32
      %add3A_1377 = arith.addi %mul3A_1375, %add3A_1376 : i32
      %select_n3A_1378 = arith.select %lt3A_1337, %mul3A_1355, %add3A_1377 : i32
      %ge3A_1379 = arith.cmpi sge, %mul3A_1097, %reduce_sum3A_200 : i32
      %eq3A_1380 = arith.cmpi eq, %select_n3A_1378, %add3A : i32
      %and3A_1381 = arith.andi %ge3A_1379, %eq3A_1380 : i1
      %convert_element_type3A_1382 = arith.extui %and3A_1381 : i1 to i32
      %cond3A_1383 = arith.constant 0 : i32
      %cond3A_1384 = arith.cmpi ne, %convert_element_type3A_1382, %cond3A_1383 : i32
      scf.if %cond3A_1384 {
        %dma_start3A_1696 = arith.constant 3 : i32
        %dma_start3A_1697 = arith.constant 0 : i32
        %dma_start3A_1698 = tpu.memref_slice %arg4[%dma_start3A_1696, %mul3A_1097, %dma_start3A_1697] : memref<8x4096x1024xf32, #tpu.memory_space<hbm>> -> memref<1x16x1024xf32, #tpu.memory_space<hbm>>
        %dma_start3A_1699 = tpu.memref_squeeze %dma_start3A_1698 : memref<1x16x1024xf32, #tpu.memory_space<hbm>> -> memref<16x1024xf32, #tpu.memory_space<hbm>>
        %dma_start3A_1700 = arith.constant 0 : i32
        %dma_start3A_1701 = tpu.memref_slice %arg4[%dma_start3A_1696, %mul3A_1097, %dma_start3A_1700] : memref<8x4096x1024xf32, #tpu.memory_space<hbm>> -> memref<1x16x1024xf32, #tpu.memory_space<hbm>>
        %dma_start3A_1702 = tpu.memref_squeeze %dma_start3A_1701 : memref<1x16x1024xf32, #tpu.memory_space<hbm>> -> memref<16x1024xf32, #tpu.memory_space<hbm>>
        tpu.enqueue_dma source(%arg7 : memref<16x1024xf32, #tpu.memory_space<vmem>>) target(%dma_start3A_1702 : memref<16x1024xf32, #tpu.memory_space<hbm>>) target_semaphore(%arg18 : memref<!tpu.dma_semaphore, #tpu.memory_space<semaphore_mem>>)
        %add3A_1703 = arith.constant 16 : i32
        %add3A_1704 = arith.addi %mul3A_1097, %add3A_1703 : i32
        %dma_start3A_1705 = arith.constant 3 : i32
        %dma_start3A_1706 = arith.constant 0 : i32
        %dma_start3A_1707 = tpu.memref_slice %arg4[%dma_start3A_1705, %add3A_1704, %dma_start3A_1706] : memref<8x4096x1024xf32, #tpu.memory_space<hbm>> -> memref<1x16x1024xf32, #tpu.memory_space<hbm>>
        %dma_start3A_1708 = tpu.memref_squeeze %dma_start3A_1707 : memref<1x16x1024xf32, #tpu.memory_space<hbm>> -> memref<16x1024xf32, #tpu.memory_space<hbm>>
        %dma_start3A_1709 = arith.constant 0 : i32
        %dma_start3A_1710 = tpu.memref_slice %arg4[%dma_start3A_1705, %add3A_1704, %dma_start3A_1709] : memref<8x4096x1024xf32, #tpu.memory_space<hbm>> -> memref<1x16x1024xf32, #tpu.memory_space<hbm>>
        %dma_start3A_1711 = tpu.memref_squeeze %dma_start3A_1710 : memref<1x16x1024xf32, #tpu.memory_space<hbm>> -> memref<16x1024xf32, #tpu.memory_space<hbm>>
        tpu.enqueue_dma source(%arg7 : memref<16x1024xf32, #tpu.memory_space<vmem>>) target(%dma_start3A_1711 : memref<16x1024xf32, #tpu.memory_space<hbm>>) target_semaphore(%arg18 : memref<!tpu.dma_semaphore, #tpu.memory_space<semaphore_mem>>)
      } else {
      }
      %jit3A_1385 = arith.constant 2 : i32
      %jit3A_1386 = arith.constant 0 : i32
      %select_n3A_1387 = arith.select %and3A_1381, %jit3A_1385, %jit3A_1386 : i32
      %add3A_1388 = arith.addi %add3A_1315, %select_n3A_1387 : i32
      %mul3A_1389 = arith.constant 8 : i32
      %mul3A_1390 = arith.muli %scan3A_1093, %mul3A_1389 : i32
      %add3A_1391 = arith.constant 4 : i32
      %add3A_1392 = arith.addi %mul3A_1390, %add3A_1391 : i32
      %jit3A_1393 = arith.constant 144 : i32
      %eq3A_1394 = arith.constant 0 : i32
      %eq3A_1395 = arith.cmpi eq, %jit3A_1393, %eq3A_1394 : i32
      %jit3A_1396 = arith.constant 1 : i32
      %select_n3A_1397 = arith.select %eq3A_1395, %jit3A_1396, %jit3A_1393 : i32
      %rem3A_1398 = arith.remsi %add3A_1392, %select_n3A_1397 : i32
      %ne3A_1399 = arith.constant 0 : i32
      %ne3A_1400 = arith.cmpi ne, %rem3A_1398, %ne3A_1399 : i32
      %lt3A_1401 = arith.constant 0 : i32
      %lt3A_1402 = arith.cmpi slt, %rem3A_1398, %lt3A_1401 : i32
      %lt3A_1403 = arith.constant 0 : i32
      %lt3A_1404 = arith.cmpi slt, %select_n3A_1397, %lt3A_1403 : i32
      %ne3A_1405 = arith.xori %lt3A_1402, %lt3A_1404 : i1
      %and3A_1406 = arith.andi %ne3A_1405, %ne3A_1400 : i1
      %add3A_1407 = arith.addi %rem3A_1398, %select_n3A_1397 : i32
      %select_n3A_1408 = arith.select %and3A_1406, %add3A_1407, %rem3A_1398 : i32
      %lt3A_1409 = arith.constant 64 : i32
      %lt3A_1410 = arith.cmpi slt, %select_n3A_1408, %lt3A_1409 : i32
      %jit3A_1411 = arith.constant 16 : i32
      %eq3A_1412 = arith.constant 0 : i32
      %eq3A_1413 = arith.cmpi eq, %jit3A_1411, %eq3A_1412 : i32
      %jit3A_1414 = arith.constant 1 : i32
      %select_n3A_1415 = arith.select %eq3A_1413, %jit3A_1414, %jit3A_1411 : i32
      %rem3A_1416 = arith.remsi %select_n3A_1408, %select_n3A_1415 : i32
      %ne3A_1417 = arith.constant 0 : i32
      %ne3A_1418 = arith.cmpi ne, %rem3A_1416, %ne3A_1417 : i32
      %lt3A_1419 = arith.constant 0 : i32
      %lt3A_1420 = arith.cmpi slt, %rem3A_1416, %lt3A_1419 : i32
      %lt3A_1421 = arith.constant 0 : i32
      %lt3A_1422 = arith.cmpi slt, %select_n3A_1415, %lt3A_1421 : i32
      %ne3A_1423 = arith.xori %lt3A_1420, %lt3A_1422 : i1
      %and3A_1424 = arith.andi %ne3A_1423, %ne3A_1418 : i1
      %add3A_1425 = arith.addi %rem3A_1416, %select_n3A_1415 : i32
      %select_n3A_1426 = arith.select %and3A_1424, %add3A_1425, %rem3A_1416 : i32
      %mul3A_1427 = arith.constant 2 : i32
      %mul3A_1428 = arith.muli %mul3A_1427, %select_n3A_1426 : i32
      %sub3A_1429 = arith.constant 64 : i32
      %sub3A_1430 = arith.subi %select_n3A_1408, %sub3A_1429 : i32
      %jit3A_1431 = arith.constant 16 : i32
      %eq3A_1432 = arith.constant 0 : i32
      %eq3A_1433 = arith.cmpi eq, %jit3A_1431, %eq3A_1432 : i32
      %jit3A_1434 = arith.constant 1 : i32
      %select_n3A_1435 = arith.select %eq3A_1433, %jit3A_1434, %jit3A_1431 : i32
      %rem3A_1436 = arith.remsi %sub3A_1430, %select_n3A_1435 : i32
      %ne3A_1437 = arith.constant 0 : i32
      %ne3A_1438 = arith.cmpi ne, %rem3A_1436, %ne3A_1437 : i32
      %lt3A_1439 = arith.constant 0 : i32
      %lt3A_1440 = arith.cmpi slt, %rem3A_1436, %lt3A_1439 : i32
      %lt3A_1441 = arith.constant 0 : i32
      %lt3A_1442 = arith.cmpi slt, %select_n3A_1435, %lt3A_1441 : i32
      %ne3A_1443 = arith.xori %lt3A_1440, %lt3A_1442 : i1
      %and3A_1444 = arith.andi %ne3A_1443, %ne3A_1438 : i1
      %add3A_1445 = arith.addi %rem3A_1436, %select_n3A_1435 : i32
      %select_n3A_1446 = arith.select %and3A_1444, %add3A_1445, %rem3A_1436 : i32
      %mul3A_1447 = arith.constant 2 : i32
      %mul3A_1448 = arith.muli %mul3A_1447, %select_n3A_1446 : i32
      %add3A_1449 = arith.constant 1 : i32
      %add3A_1450 = arith.addi %mul3A_1448, %add3A_1449 : i32
      %select_n3A_1451 = arith.select %lt3A_1410, %mul3A_1428, %add3A_1450 : i32
      %ge3A_1452 = arith.cmpi sge, %mul3A_1097, %reduce_sum3A_204 : i32
      %eq3A_1453 = arith.cmpi eq, %select_n3A_1451, %add3A : i32
      %and3A_1454 = arith.andi %ge3A_1452, %eq3A_1453 : i1
      %convert_element_type3A_1455 = arith.extui %and3A_1454 : i1 to i32
      %cond3A_1456 = arith.constant 0 : i32
      %cond3A_1457 = arith.cmpi ne, %convert_element_type3A_1455, %cond3A_1456 : i32
      scf.if %cond3A_1457 {
        %dma_start3A_1696 = arith.constant 4 : i32
        %dma_start3A_1697 = arith.constant 0 : i32
        %dma_start3A_1698 = tpu.memref_slice %arg4[%dma_start3A_1696, %mul3A_1097, %dma_start3A_1697] : memref<8x4096x1024xf32, #tpu.memory_space<hbm>> -> memref<1x16x1024xf32, #tpu.memory_space<hbm>>
        %dma_start3A_1699 = tpu.memref_squeeze %dma_start3A_1698 : memref<1x16x1024xf32, #tpu.memory_space<hbm>> -> memref<16x1024xf32, #tpu.memory_space<hbm>>
        %dma_start3A_1700 = arith.constant 0 : i32
        %dma_start3A_1701 = tpu.memref_slice %arg4[%dma_start3A_1696, %mul3A_1097, %dma_start3A_1700] : memref<8x4096x1024xf32, #tpu.memory_space<hbm>> -> memref<1x16x1024xf32, #tpu.memory_space<hbm>>
        %dma_start3A_1702 = tpu.memref_squeeze %dma_start3A_1701 : memref<1x16x1024xf32, #tpu.memory_space<hbm>> -> memref<16x1024xf32, #tpu.memory_space<hbm>>
        tpu.enqueue_dma source(%arg7 : memref<16x1024xf32, #tpu.memory_space<vmem>>) target(%dma_start3A_1702 : memref<16x1024xf32, #tpu.memory_space<hbm>>) target_semaphore(%arg18 : memref<!tpu.dma_semaphore, #tpu.memory_space<semaphore_mem>>)
        %add3A_1703 = arith.constant 16 : i32
        %add3A_1704 = arith.addi %mul3A_1097, %add3A_1703 : i32
        %dma_start3A_1705 = arith.constant 4 : i32
        %dma_start3A_1706 = arith.constant 0 : i32
        %dma_start3A_1707 = tpu.memref_slice %arg4[%dma_start3A_1705, %add3A_1704, %dma_start3A_1706] : memref<8x4096x1024xf32, #tpu.memory_space<hbm>> -> memref<1x16x1024xf32, #tpu.memory_space<hbm>>
        %dma_start3A_1708 = tpu.memref_squeeze %dma_start3A_1707 : memref<1x16x1024xf32, #tpu.memory_space<hbm>> -> memref<16x1024xf32, #tpu.memory_space<hbm>>
        %dma_start3A_1709 = arith.constant 0 : i32
        %dma_start3A_1710 = tpu.memref_slice %arg4[%dma_start3A_1705, %add3A_1704, %dma_start3A_1709] : memref<8x4096x1024xf32, #tpu.memory_space<hbm>> -> memref<1x16x1024xf32, #tpu.memory_space<hbm>>
        %dma_start3A_1711 = tpu.memref_squeeze %dma_start3A_1710 : memref<1x16x1024xf32, #tpu.memory_space<hbm>> -> memref<16x1024xf32, #tpu.memory_space<hbm>>
        tpu.enqueue_dma source(%arg7 : memref<16x1024xf32, #tpu.memory_space<vmem>>) target(%dma_start3A_1711 : memref<16x1024xf32, #tpu.memory_space<hbm>>) target_semaphore(%arg18 : memref<!tpu.dma_semaphore, #tpu.memory_space<semaphore_mem>>)
      } else {
      }
      %jit3A_1458 = arith.constant 2 : i32
      %jit3A_1459 = arith.constant 0 : i32
      %select_n3A_1460 = arith.select %and3A_1454, %jit3A_1458, %jit3A_1459 : i32
      %add3A_1461 = arith.addi %add3A_1388, %select_n3A_1460 : i32
      %mul3A_1462 = arith.constant 8 : i32
      %mul3A_1463 = arith.muli %scan3A_1093, %mul3A_1462 : i32
      %add3A_1464 = arith.constant 5 : i32
      %add3A_1465 = arith.addi %mul3A_1463, %add3A_1464 : i32
      %jit3A_1466 = arith.constant 144 : i32
      %eq3A_1467 = arith.constant 0 : i32
      %eq3A_1468 = arith.cmpi eq, %jit3A_1466, %eq3A_1467 : i32
      %jit3A_1469 = arith.constant 1 : i32
      %select_n3A_1470 = arith.select %eq3A_1468, %jit3A_1469, %jit3A_1466 : i32
      %rem3A_1471 = arith.remsi %add3A_1465, %select_n3A_1470 : i32
      %ne3A_1472 = arith.constant 0 : i32
      %ne3A_1473 = arith.cmpi ne, %rem3A_1471, %ne3A_1472 : i32
      %lt3A_1474 = arith.constant 0 : i32
      %lt3A_1475 = arith.cmpi slt, %rem3A_1471, %lt3A_1474 : i32
      %lt3A_1476 = arith.constant 0 : i32
      %lt3A_1477 = arith.cmpi slt, %select_n3A_1470, %lt3A_1476 : i32
      %ne3A_1478 = arith.xori %lt3A_1475, %lt3A_1477 : i1
      %and3A_1479 = arith.andi %ne3A_1478, %ne3A_1473 : i1
      %add3A_1480 = arith.addi %rem3A_1471, %select_n3A_1470 : i32
      %select_n3A_1481 = arith.select %and3A_1479, %add3A_1480, %rem3A_1471 : i32
      %lt3A_1482 = arith.constant 64 : i32
      %lt3A_1483 = arith.cmpi slt, %select_n3A_1481, %lt3A_1482 : i32
      %jit3A_1484 = arith.constant 16 : i32
      %eq3A_1485 = arith.constant 0 : i32
      %eq3A_1486 = arith.cmpi eq, %jit3A_1484, %eq3A_1485 : i32
      %jit3A_1487 = arith.constant 1 : i32
      %select_n3A_1488 = arith.select %eq3A_1486, %jit3A_1487, %jit3A_1484 : i32
      %rem3A_1489 = arith.remsi %select_n3A_1481, %select_n3A_1488 : i32
      %ne3A_1490 = arith.constant 0 : i32
      %ne3A_1491 = arith.cmpi ne, %rem3A_1489, %ne3A_1490 : i32
      %lt3A_1492 = arith.constant 0 : i32
      %lt3A_1493 = arith.cmpi slt, %rem3A_1489, %lt3A_1492 : i32
      %lt3A_1494 = arith.constant 0 : i32
      %lt3A_1495 = arith.cmpi slt, %select_n3A_1488, %lt3A_1494 : i32
      %ne3A_1496 = arith.xori %lt3A_1493, %lt3A_1495 : i1
      %and3A_1497 = arith.andi %ne3A_1496, %ne3A_1491 : i1
      %add3A_1498 = arith.addi %rem3A_1489, %select_n3A_1488 : i32
      %select_n3A_1499 = arith.select %and3A_1497, %add3A_1498, %rem3A_1489 : i32
      %mul3A_1500 = arith.constant 2 : i32
      %mul3A_1501 = arith.muli %mul3A_1500, %select_n3A_1499 : i32
      %sub3A_1502 = arith.constant 64 : i32
      %sub3A_1503 = arith.subi %select_n3A_1481, %sub3A_1502 : i32
      %jit3A_1504 = arith.constant 16 : i32
      %eq3A_1505 = arith.constant 0 : i32
      %eq3A_1506 = arith.cmpi eq, %jit3A_1504, %eq3A_1505 : i32
      %jit3A_1507 = arith.constant 1 : i32
      %select_n3A_1508 = arith.select %eq3A_1506, %jit3A_1507, %jit3A_1504 : i32
      %rem3A_1509 = arith.remsi %sub3A_1503, %select_n3A_1508 : i32
      %ne3A_1510 = arith.constant 0 : i32
      %ne3A_1511 = arith.cmpi ne, %rem3A_1509, %ne3A_1510 : i32
      %lt3A_1512 = arith.constant 0 : i32
      %lt3A_1513 = arith.cmpi slt, %rem3A_1509, %lt3A_1512 : i32
      %lt3A_1514 = arith.constant 0 : i32
      %lt3A_1515 = arith.cmpi slt, %select_n3A_1508, %lt3A_1514 : i32
      %ne3A_1516 = arith.xori %lt3A_1513, %lt3A_1515 : i1
      %and3A_1517 = arith.andi %ne3A_1516, %ne3A_1511 : i1
      %add3A_1518 = arith.addi %rem3A_1509, %select_n3A_1508 : i32
      %select_n3A_1519 = arith.select %and3A_1517, %add3A_1518, %rem3A_1509 : i32
      %mul3A_1520 = arith.constant 2 : i32
      %mul3A_1521 = arith.muli %mul3A_1520, %select_n3A_1519 : i32
      %add3A_1522 = arith.constant 1 : i32
      %add3A_1523 = arith.addi %mul3A_1521, %add3A_1522 : i32
      %select_n3A_1524 = arith.select %lt3A_1483, %mul3A_1501, %add3A_1523 : i32
      %ge3A_1525 = arith.cmpi sge, %mul3A_1097, %reduce_sum3A_208 : i32
      %eq3A_1526 = arith.cmpi eq, %select_n3A_1524, %add3A : i32
      %and3A_1527 = arith.andi %ge3A_1525, %eq3A_1526 : i1
      %convert_element_type3A_1528 = arith.extui %and3A_1527 : i1 to i32
      %cond3A_1529 = arith.constant 0 : i32
      %cond3A_1530 = arith.cmpi ne, %convert_element_type3A_1528, %cond3A_1529 : i32
      scf.if %cond3A_1530 {
        %dma_start3A_1696 = arith.constant 5 : i32
        %dma_start3A_1697 = arith.constant 0 : i32
        %dma_start3A_1698 = tpu.memref_slice %arg4[%dma_start3A_1696, %mul3A_1097, %dma_start3A_1697] : memref<8x4096x1024xf32, #tpu.memory_space<hbm>> -> memref<1x16x1024xf32, #tpu.memory_space<hbm>>
        %dma_start3A_1699 = tpu.memref_squeeze %dma_start3A_1698 : memref<1x16x1024xf32, #tpu.memory_space<hbm>> -> memref<16x1024xf32, #tpu.memory_space<hbm>>
        %dma_start3A_1700 = arith.constant 0 : i32
        %dma_start3A_1701 = tpu.memref_slice %arg4[%dma_start3A_1696, %mul3A_1097, %dma_start3A_1700] : memref<8x4096x1024xf32, #tpu.memory_space<hbm>> -> memref<1x16x1024xf32, #tpu.memory_space<hbm>>
        %dma_start3A_1702 = tpu.memref_squeeze %dma_start3A_1701 : memref<1x16x1024xf32, #tpu.memory_space<hbm>> -> memref<16x1024xf32, #tpu.memory_space<hbm>>
        tpu.enqueue_dma source(%arg7 : memref<16x1024xf32, #tpu.memory_space<vmem>>) target(%dma_start3A_1702 : memref<16x1024xf32, #tpu.memory_space<hbm>>) target_semaphore(%arg18 : memref<!tpu.dma_semaphore, #tpu.memory_space<semaphore_mem>>)
        %add3A_1703 = arith.constant 16 : i32
        %add3A_1704 = arith.addi %mul3A_1097, %add3A_1703 : i32
        %dma_start3A_1705 = arith.constant 5 : i32
        %dma_start3A_1706 = arith.constant 0 : i32
        %dma_start3A_1707 = tpu.memref_slice %arg4[%dma_start3A_1705, %add3A_1704, %dma_start3A_1706] : memref<8x4096x1024xf32, #tpu.memory_space<hbm>> -> memref<1x16x1024xf32, #tpu.memory_space<hbm>>
        %dma_start3A_1708 = tpu.memref_squeeze %dma_start3A_1707 : memref<1x16x1024xf32, #tpu.memory_space<hbm>> -> memref<16x1024xf32, #tpu.memory_space<hbm>>
        %dma_start3A_1709 = arith.constant 0 : i32
        %dma_start3A_1710 = tpu.memref_slice %arg4[%dma_start3A_1705, %add3A_1704, %dma_start3A_1709] : memref<8x4096x1024xf32, #tpu.memory_space<hbm>> -> memref<1x16x1024xf32, #tpu.memory_space<hbm>>
        %dma_start3A_1711 = tpu.memref_squeeze %dma_start3A_1710 : memref<1x16x1024xf32, #tpu.memory_space<hbm>> -> memref<16x1024xf32, #tpu.memory_space<hbm>>
        tpu.enqueue_dma source(%arg7 : memref<16x1024xf32, #tpu.memory_space<vmem>>) target(%dma_start3A_1711 : memref<16x1024xf32, #tpu.memory_space<hbm>>) target_semaphore(%arg18 : memref<!tpu.dma_semaphore, #tpu.memory_space<semaphore_mem>>)
      } else {
      }
      %jit3A_1531 = arith.constant 2 : i32
      %jit3A_1532 = arith.constant 0 : i32
      %select_n3A_1533 = arith.select %and3A_1527, %jit3A_1531, %jit3A_1532 : i32
      %add3A_1534 = arith.addi %add3A_1461, %select_n3A_1533 : i32
      %mul3A_1535 = arith.constant 8 : i32
      %mul3A_1536 = arith.muli %scan3A_1093, %mul3A_1535 : i32
      %add3A_1537 = arith.constant 6 : i32
      %add3A_1538 = arith.addi %mul3A_1536, %add3A_1537 : i32
      %jit3A_1539 = arith.constant 144 : i32
      %eq3A_1540 = arith.constant 0 : i32
      %eq3A_1541 = arith.cmpi eq, %jit3A_1539, %eq3A_1540 : i32
      %jit3A_1542 = arith.constant 1 : i32
      %select_n3A_1543 = arith.select %eq3A_1541, %jit3A_1542, %jit3A_1539 : i32
      %rem3A_1544 = arith.remsi %add3A_1538, %select_n3A_1543 : i32
      %ne3A_1545 = arith.constant 0 : i32
      %ne3A_1546 = arith.cmpi ne, %rem3A_1544, %ne3A_1545 : i32
      %lt3A_1547 = arith.constant 0 : i32
      %lt3A_1548 = arith.cmpi slt, %rem3A_1544, %lt3A_1547 : i32
      %lt3A_1549 = arith.constant 0 : i32
      %lt3A_1550 = arith.cmpi slt, %select_n3A_1543, %lt3A_1549 : i32
      %ne3A_1551 = arith.xori %lt3A_1548, %lt3A_1550 : i1
      %and3A_1552 = arith.andi %ne3A_1551, %ne3A_1546 : i1
      %add3A_1553 = arith.addi %rem3A_1544, %select_n3A_1543 : i32
      %select_n3A_1554 = arith.select %and3A_1552, %add3A_1553, %rem3A_1544 : i32
      %lt3A_1555 = arith.constant 64 : i32
      %lt3A_1556 = arith.cmpi slt, %select_n3A_1554, %lt3A_1555 : i32
      %jit3A_1557 = arith.constant 16 : i32
      %eq3A_1558 = arith.constant 0 : i32
      %eq3A_1559 = arith.cmpi eq, %jit3A_1557, %eq3A_1558 : i32
      %jit3A_1560 = arith.constant 1 : i32
      %select_n3A_1561 = arith.select %eq3A_1559, %jit3A_1560, %jit3A_1557 : i32
      %rem3A_1562 = arith.remsi %select_n3A_1554, %select_n3A_1561 : i32
      %ne3A_1563 = arith.constant 0 : i32
      %ne3A_1564 = arith.cmpi ne, %rem3A_1562, %ne3A_1563 : i32
      %lt3A_1565 = arith.constant 0 : i32
      %lt3A_1566 = arith.cmpi slt, %rem3A_1562, %lt3A_1565 : i32
      %lt3A_1567 = arith.constant 0 : i32
      %lt3A_1568 = arith.cmpi slt, %select_n3A_1561, %lt3A_1567 : i32
      %ne3A_1569 = arith.xori %lt3A_1566, %lt3A_1568 : i1
      %and3A_1570 = arith.andi %ne3A_1569, %ne3A_1564 : i1
      %add3A_1571 = arith.addi %rem3A_1562, %select_n3A_1561 : i32
      %select_n3A_1572 = arith.select %and3A_1570, %add3A_1571, %rem3A_1562 : i32
      %mul3A_1573 = arith.constant 2 : i32
      %mul3A_1574 = arith.muli %mul3A_1573, %select_n3A_1572 : i32
      %sub3A_1575 = arith.constant 64 : i32
      %sub3A_1576 = arith.subi %select_n3A_1554, %sub3A_1575 : i32
      %jit3A_1577 = arith.constant 16 : i32
      %eq3A_1578 = arith.constant 0 : i32
      %eq3A_1579 = arith.cmpi eq, %jit3A_1577, %eq3A_1578 : i32
      %jit3A_1580 = arith.constant 1 : i32
      %select_n3A_1581 = arith.select %eq3A_1579, %jit3A_1580, %jit3A_1577 : i32
      %rem3A_1582 = arith.remsi %sub3A_1576, %select_n3A_1581 : i32
      %ne3A_1583 = arith.constant 0 : i32
      %ne3A_1584 = arith.cmpi ne, %rem3A_1582, %ne3A_1583 : i32
      %lt3A_1585 = arith.constant 0 : i32
      %lt3A_1586 = arith.cmpi slt, %rem3A_1582, %lt3A_1585 : i32
      %lt3A_1587 = arith.constant 0 : i32
      %lt3A_1588 = arith.cmpi slt, %select_n3A_1581, %lt3A_1587 : i32
      %ne3A_1589 = arith.xori %lt3A_1586, %lt3A_1588 : i1
      %and3A_1590 = arith.andi %ne3A_1589, %ne3A_1584 : i1
      %add3A_1591 = arith.addi %rem3A_1582, %select_n3A_1581 : i32
      %select_n3A_1592 = arith.select %and3A_1590, %add3A_1591, %rem3A_1582 : i32
      %mul3A_1593 = arith.constant 2 : i32
      %mul3A_1594 = arith.muli %mul3A_1593, %select_n3A_1592 : i32
      %add3A_1595 = arith.constant 1 : i32
      %add3A_1596 = arith.addi %mul3A_1594, %add3A_1595 : i32
      %select_n3A_1597 = arith.select %lt3A_1556, %mul3A_1574, %add3A_1596 : i32
      %ge3A_1598 = arith.cmpi sge, %mul3A_1097, %reduce_sum3A_212 : i32
      %eq3A_1599 = arith.cmpi eq, %select_n3A_1597, %add3A : i32
      %and3A_1600 = arith.andi %ge3A_1598, %eq3A_1599 : i1
      %convert_element_type3A_1601 = arith.extui %and3A_1600 : i1 to i32
      %cond3A_1602 = arith.constant 0 : i32
      %cond3A_1603 = arith.cmpi ne, %convert_element_type3A_1601, %cond3A_1602 : i32
      scf.if %cond3A_1603 {
        %dma_start3A_1696 = arith.constant 6 : i32
        %dma_start3A_1697 = arith.constant 0 : i32
        %dma_start3A_1698 = tpu.memref_slice %arg4[%dma_start3A_1696, %mul3A_1097, %dma_start3A_1697] : memref<8x4096x1024xf32, #tpu.memory_space<hbm>> -> memref<1x16x1024xf32, #tpu.memory_space<hbm>>
        %dma_start3A_1699 = tpu.memref_squeeze %dma_start3A_1698 : memref<1x16x1024xf32, #tpu.memory_space<hbm>> -> memref<16x1024xf32, #tpu.memory_space<hbm>>
        %dma_start3A_1700 = arith.constant 0 : i32
        %dma_start3A_1701 = tpu.memref_slice %arg4[%dma_start3A_1696, %mul3A_1097, %dma_start3A_1700] : memref<8x4096x1024xf32, #tpu.memory_space<hbm>> -> memref<1x16x1024xf32, #tpu.memory_space<hbm>>
        %dma_start3A_1702 = tpu.memref_squeeze %dma_start3A_1701 : memref<1x16x1024xf32, #tpu.memory_space<hbm>> -> memref<16x1024xf32, #tpu.memory_space<hbm>>
        tpu.enqueue_dma source(%arg7 : memref<16x1024xf32, #tpu.memory_space<vmem>>) target(%dma_start3A_1702 : memref<16x1024xf32, #tpu.memory_space<hbm>>) target_semaphore(%arg18 : memref<!tpu.dma_semaphore, #tpu.memory_space<semaphore_mem>>)
        %add3A_1703 = arith.constant 16 : i32
        %add3A_1704 = arith.addi %mul3A_1097, %add3A_1703 : i32
        %dma_start3A_1705 = arith.constant 6 : i32
        %dma_start3A_1706 = arith.constant 0 : i32
        %dma_start3A_1707 = tpu.memref_slice %arg4[%dma_start3A_1705, %add3A_1704, %dma_start3A_1706] : memref<8x4096x1024xf32, #tpu.memory_space<hbm>> -> memref<1x16x1024xf32, #tpu.memory_space<hbm>>
        %dma_start3A_1708 = tpu.memref_squeeze %dma_start3A_1707 : memref<1x16x1024xf32, #tpu.memory_space<hbm>> -> memref<16x1024xf32, #tpu.memory_space<hbm>>
        %dma_start3A_1709 = arith.constant 0 : i32
        %dma_start3A_1710 = tpu.memref_slice %arg4[%dma_start3A_1705, %add3A_1704, %dma_start3A_1709] : memref<8x4096x1024xf32, #tpu.memory_space<hbm>> -> memref<1x16x1024xf32, #tpu.memory_space<hbm>>
        %dma_start3A_1711 = tpu.memref_squeeze %dma_start3A_1710 : memref<1x16x1024xf32, #tpu.memory_space<hbm>> -> memref<16x1024xf32, #tpu.memory_space<hbm>>
        tpu.enqueue_dma source(%arg7 : memref<16x1024xf32, #tpu.memory_space<vmem>>) target(%dma_start3A_1711 : memref<16x1024xf32, #tpu.memory_space<hbm>>) target_semaphore(%arg18 : memref<!tpu.dma_semaphore, #tpu.memory_space<semaphore_mem>>)
      } else {
      }
      %jit3A_1604 = arith.constant 2 : i32
      %jit3A_1605 = arith.constant 0 : i32
      %select_n3A_1606 = arith.select %and3A_1600, %jit3A_1604, %jit3A_1605 : i32
      %add3A_1607 = arith.addi %add3A_1534, %select_n3A_1606 : i32
      %mul3A_1608 = arith.constant 8 : i32
      %mul3A_1609 = arith.muli %scan3A_1093, %mul3A_1608 : i32
      %add3A_1610 = arith.constant 7 : i32
      %add3A_1611 = arith.addi %mul3A_1609, %add3A_1610 : i32
      %jit3A_1612 = arith.constant 144 : i32
      %eq3A_1613 = arith.constant 0 : i32
      %eq3A_1614 = arith.cmpi eq, %jit3A_1612, %eq3A_1613 : i32
      %jit3A_1615 = arith.constant 1 : i32
      %select_n3A_1616 = arith.select %eq3A_1614, %jit3A_1615, %jit3A_1612 : i32
      %rem3A_1617 = arith.remsi %add3A_1611, %select_n3A_1616 : i32
      %ne3A_1618 = arith.constant 0 : i32
      %ne3A_1619 = arith.cmpi ne, %rem3A_1617, %ne3A_1618 : i32
      %lt3A_1620 = arith.constant 0 : i32
      %lt3A_1621 = arith.cmpi slt, %rem3A_1617, %lt3A_1620 : i32
      %lt3A_1622 = arith.constant 0 : i32
      %lt3A_1623 = arith.cmpi slt, %select_n3A_1616, %lt3A_1622 : i32
      %ne3A_1624 = arith.xori %lt3A_1621, %lt3A_1623 : i1
      %and3A_1625 = arith.andi %ne3A_1624, %ne3A_1619 : i1
      %add3A_1626 = arith.addi %rem3A_1617, %select_n3A_1616 : i32
      %select_n3A_1627 = arith.select %and3A_1625, %add3A_1626, %rem3A_1617 : i32
      %lt3A_1628 = arith.constant 64 : i32
      %lt3A_1629 = arith.cmpi slt, %select_n3A_1627, %lt3A_1628 : i32
      %jit3A_1630 = arith.constant 16 : i32
      %eq3A_1631 = arith.constant 0 : i32
      %eq3A_1632 = arith.cmpi eq, %jit3A_1630, %eq3A_1631 : i32
      %jit3A_1633 = arith.constant 1 : i32
      %select_n3A_1634 = arith.select %eq3A_1632, %jit3A_1633, %jit3A_1630 : i32
      %rem3A_1635 = arith.remsi %select_n3A_1627, %select_n3A_1634 : i32
      %ne3A_1636 = arith.constant 0 : i32
      %ne3A_1637 = arith.cmpi ne, %rem3A_1635, %ne3A_1636 : i32
      %lt3A_1638 = arith.constant 0 : i32
      %lt3A_1639 = arith.cmpi slt, %rem3A_1635, %lt3A_1638 : i32
      %lt3A_1640 = arith.constant 0 : i32
      %lt3A_1641 = arith.cmpi slt, %select_n3A_1634, %lt3A_1640 : i32
      %ne3A_1642 = arith.xori %lt3A_1639, %lt3A_1641 : i1
      %and3A_1643 = arith.andi %ne3A_1642, %ne3A_1637 : i1
      %add3A_1644 = arith.addi %rem3A_1635, %select_n3A_1634 : i32
      %select_n3A_1645 = arith.select %and3A_1643, %add3A_1644, %rem3A_1635 : i32
      %mul3A_1646 = arith.constant 2 : i32
      %mul3A_1647 = arith.muli %mul3A_1646, %select_n3A_1645 : i32
      %sub3A_1648 = arith.constant 64 : i32
      %sub3A_1649 = arith.subi %select_n3A_1627, %sub3A_1648 : i32
      %jit3A_1650 = arith.constant 16 : i32
      %eq3A_1651 = arith.constant 0 : i32
      %eq3A_1652 = arith.cmpi eq, %jit3A_1650, %eq3A_1651 : i32
      %jit3A_1653 = arith.constant 1 : i32
      %select_n3A_1654 = arith.select %eq3A_1652, %jit3A_1653, %jit3A_1650 : i32
      %rem3A_1655 = arith.remsi %sub3A_1649, %select_n3A_1654 : i32
      %ne3A_1656 = arith.constant 0 : i32
      %ne3A_1657 = arith.cmpi ne, %rem3A_1655, %ne3A_1656 : i32
      %lt3A_1658 = arith.constant 0 : i32
      %lt3A_1659 = arith.cmpi slt, %rem3A_1655, %lt3A_1658 : i32
      %lt3A_1660 = arith.constant 0 : i32
      %lt3A_1661 = arith.cmpi slt, %select_n3A_1654, %lt3A_1660 : i32
      %ne3A_1662 = arith.xori %lt3A_1659, %lt3A_1661 : i1
      %and3A_1663 = arith.andi %ne3A_1662, %ne3A_1657 : i1
      %add3A_1664 = arith.addi %rem3A_1655, %select_n3A_1654 : i32
      %select_n3A_1665 = arith.select %and3A_1663, %add3A_1664, %rem3A_1655 : i32
      %mul3A_1666 = arith.constant 2 : i32
      %mul3A_1667 = arith.muli %mul3A_1666, %select_n3A_1665 : i32
      %add3A_1668 = arith.constant 1 : i32
      %add3A_1669 = arith.addi %mul3A_1667, %add3A_1668 : i32
      %select_n3A_1670 = arith.select %lt3A_1629, %mul3A_1647, %add3A_1669 : i32
      %ge3A_1671 = arith.cmpi sge, %mul3A_1097, %reduce_sum3A_216 : i32
      %eq3A_1672 = arith.cmpi eq, %select_n3A_1670, %add3A : i32
      %and3A_1673 = arith.andi %ge3A_1671, %eq3A_1672 : i1
      %convert_element_type3A_1674 = arith.extui %and3A_1673 : i1 to i32
      %cond3A_1675 = arith.constant 0 : i32
      %cond3A_1676 = arith.cmpi ne, %convert_element_type3A_1674, %cond3A_1675 : i32
      scf.if %cond3A_1676 {
        %dma_start3A_1696 = arith.constant 7 : i32
        %dma_start3A_1697 = arith.constant 0 : i32
        %dma_start3A_1698 = tpu.memref_slice %arg4[%dma_start3A_1696, %mul3A_1097, %dma_start3A_1697] : memref<8x4096x1024xf32, #tpu.memory_space<hbm>> -> memref<1x16x1024xf32, #tpu.memory_space<hbm>>
        %dma_start3A_1699 = tpu.memref_squeeze %dma_start3A_1698 : memref<1x16x1024xf32, #tpu.memory_space<hbm>> -> memref<16x1024xf32, #tpu.memory_space<hbm>>
        %dma_start3A_1700 = arith.constant 0 : i32
        %dma_start3A_1701 = tpu.memref_slice %arg4[%dma_start3A_1696, %mul3A_1097, %dma_start3A_1700] : memref<8x4096x1024xf32, #tpu.memory_space<hbm>> -> memref<1x16x1024xf32, #tpu.memory_space<hbm>>
        %dma_start3A_1702 = tpu.memref_squeeze %dma_start3A_1701 : memref<1x16x1024xf32, #tpu.memory_space<hbm>> -> memref<16x1024xf32, #tpu.memory_space<hbm>>
        tpu.enqueue_dma source(%arg7 : memref<16x1024xf32, #tpu.memory_space<vmem>>) target(%dma_start3A_1702 : memref<16x1024xf32, #tpu.memory_space<hbm>>) target_semaphore(%arg18 : memref<!tpu.dma_semaphore, #tpu.memory_space<semaphore_mem>>)
        %add3A_1703 = arith.constant 16 : i32
        %add3A_1704 = arith.addi %mul3A_1097, %add3A_1703 : i32
        %dma_start3A_1705 = arith.constant 7 : i32
        %dma_start3A_1706 = arith.constant 0 : i32
        %dma_start3A_1707 = tpu.memref_slice %arg4[%dma_start3A_1705, %add3A_1704, %dma_start3A_1706] : memref<8x4096x1024xf32, #tpu.memory_space<hbm>> -> memref<1x16x1024xf32, #tpu.memory_space<hbm>>
        %dma_start3A_1708 = tpu.memref_squeeze %dma_start3A_1707 : memref<1x16x1024xf32, #tpu.memory_space<hbm>> -> memref<16x1024xf32, #tpu.memory_space<hbm>>
        %dma_start3A_1709 = arith.constant 0 : i32
        %dma_start3A_1710 = tpu.memref_slice %arg4[%dma_start3A_1705, %add3A_1704, %dma_start3A_1709] : memref<8x4096x1024xf32, #tpu.memory_space<hbm>> -> memref<1x16x1024xf32, #tpu.memory_space<hbm>>
        %dma_start3A_1711 = tpu.memref_squeeze %dma_start3A_1710 : memref<1x16x1024xf32, #tpu.memory_space<hbm>> -> memref<16x1024xf32, #tpu.memory_space<hbm>>
        tpu.enqueue_dma source(%arg7 : memref<16x1024xf32, #tpu.memory_space<vmem>>) target(%dma_start3A_1711 : memref<16x1024xf32, #tpu.memory_space<hbm>>) target_semaphore(%arg18 : memref<!tpu.dma_semaphore, #tpu.memory_space<semaphore_mem>>)
      } else {
      }
      %jit3A_1677 = arith.constant 2 : i32
      %jit3A_1678 = arith.constant 0 : i32
      %select_n3A_1679 = arith.select %and3A_1673, %jit3A_1677, %jit3A_1678 : i32
      %add3A_1680 = arith.addi %add3A_1607, %select_n3A_1679 : i32
      %sub3A_1681 = arith.subi %add3A_1680, %scan3A_1095 : i32
      %sub3A_1682 = arith.constant 40 : i32
      %sub3A_1683 = arith.subi %sub3A_1681, %sub3A_1682 : i32
      %max3A = arith.constant 0 : i32
      %max3A_1684 = arith.maxsi %sub3A_1683, %max3A : i32
      %while3A_1685 = arith.constant 0 : i32
      %while3A_1686 = arith.constant 0 : i32
      %while3A_1687 = arith.subi %max3A_1684, %while3A_1686 : i32
      %while3A_1688 = arith.addi %while3A_1686, %while3A_1687 : i32
      %while3A_1689 = arith.constant 1 : i32
      %while3A_1690 = arith.divsi %while3A_1687, %while3A_1689 : i32
      %while3A_1691 = arith.muli %while3A_1690, %while3A_1689 : i32
      %while3A_1692 = arith.addi %while3A_1686, %while3A_1691 : i32
      %while3A_1693 = arith.constant 1 : i32
      scf.for %while3A_1696 = %while3A_1686 to %while3A_1692 step %while3A_1693  : i32 {
        %dma_wait3A_1697 = arith.constant 0 : i32
        %dma_wait3A_1698 = arith.constant 0 : i32
        %dma_wait3A_1699 = arith.constant 0 : i32
        %dma_wait3A_1700 = tpu.memref_slice %arg4[%dma_wait3A_1697, %dma_wait3A_1698, %dma_wait3A_1699] : memref<8x4096x1024xf32, #tpu.memory_space<hbm>> -> memref<1x16x1024xf32, #tpu.memory_space<hbm>>
        %dma_wait3A_1701 = tpu.memref_squeeze %dma_wait3A_1700 : memref<1x16x1024xf32, #tpu.memory_space<hbm>> -> memref<16x1024xf32, #tpu.memory_space<hbm>>
        %dma_wait3A_1702 = arith.constant 0 : i32
        %dma_wait3A_1703 = arith.constant 0 : i32
        %dma_wait3A_1704 = tpu.memref_slice %arg4[%dma_wait3A_1697, %dma_wait3A_1702, %dma_wait3A_1703] : memref<8x4096x1024xf32, #tpu.memory_space<hbm>> -> memref<1x16x1024xf32, #tpu.memory_space<hbm>>
        %dma_wait3A_1705 = tpu.memref_squeeze %dma_wait3A_1704 : memref<1x16x1024xf32, #tpu.memory_space<hbm>> -> memref<16x1024xf32, #tpu.memory_space<hbm>>
        tpu.wait_dma2 semaphore(%arg18 : memref<!tpu.dma_semaphore, #tpu.memory_space<semaphore_mem>>) src(%arg7 : memref<16x1024xf32, #tpu.memory_space<vmem>>) dst(%dma_wait3A_1705 : memref<16x1024xf32, #tpu.memory_space<hbm>>)
      }
      %while3A_1694 = arith.constant 1 : i32
      scf.for %while3A_1696 = %while3A_1692 to %while3A_1688 step %while3A_1694  : i32 {
        %dma_wait3A_1697 = arith.constant 0 : i32
        %dma_wait3A_1698 = arith.constant 0 : i32
        %dma_wait3A_1699 = arith.constant 0 : i32
        %dma_wait3A_1700 = tpu.memref_slice %arg4[%dma_wait3A_1697, %dma_wait3A_1698, %dma_wait3A_1699] : memref<8x4096x1024xf32, #tpu.memory_space<hbm>> -> memref<1x16x1024xf32, #tpu.memory_space<hbm>>
        %dma_wait3A_1701 = tpu.memref_squeeze %dma_wait3A_1700 : memref<1x16x1024xf32, #tpu.memory_space<hbm>> -> memref<16x1024xf32, #tpu.memory_space<hbm>>
        %dma_wait3A_1702 = arith.constant 0 : i32
        %dma_wait3A_1703 = arith.constant 0 : i32
        %dma_wait3A_1704 = tpu.memref_slice %arg4[%dma_wait3A_1697, %dma_wait3A_1702, %dma_wait3A_1703] : memref<8x4096x1024xf32, #tpu.memory_space<hbm>> -> memref<1x16x1024xf32, #tpu.memory_space<hbm>>
        %dma_wait3A_1705 = tpu.memref_squeeze %dma_wait3A_1704 : memref<1x16x1024xf32, #tpu.memory_space<hbm>> -> memref<16x1024xf32, #tpu.memory_space<hbm>>
        tpu.wait_dma2 semaphore(%arg18 : memref<!tpu.dma_semaphore, #tpu.memory_space<semaphore_mem>>) src(%arg7 : memref<16x1024xf32, #tpu.memory_space<vmem>>) dst(%dma_wait3A_1705 : memref<16x1024xf32, #tpu.memory_space<hbm>>)
      }
      %add3A_1695 = arith.addi %scan3A_1095, %max3A_1684 : i32
      scf.yield %add3A_1680, %add3A_1695 : i32, i32
    }
    %scan3A_629 = arith.constant 128 : i32
    %add3A_630 = arith.constant 0 : i32
    %add3A_631 = arith.addi %add3A_630, %add3A : i32
    %mul3A_632 = arith.constant 32 : i32
    %mul3A_633 = arith.muli %add3A_631, %mul3A_632 : i32
    %dma_wait3A_634 = arith.constant 0 : i32
    %dma_wait3A_635 = arith.constant 0 : i32
    %dma_wait3A_636 = tpu.memref_slice %arg3[%dma_wait3A_634, %dma_wait3A_635] : memref<8192x1024xf32, #tpu.memory_space<hbm>> -> memref<8192x1024xf32, #tpu.memory_space<hbm>>
    tpu.wait_indirect_dma semaphore(%arg16 : memref<!tpu.dma_semaphore, #tpu.memory_space<semaphore_mem>>) src(%dma_wait3A_636 : memref<8192x1024xf32, #tpu.memory_space<hbm>>) dst(%arg5 : memref<32x1024xf32, #tpu.memory_space<vmem>>)
    %sub3A_637 = arith.subi %scan3A_628#0, %scan3A_628#1 : i32
    %while3A = arith.constant 0 : i32
    %while3A_638 = arith.constant 0 : i32
    %while3A_639 = arith.subi %sub3A_637, %while3A_638 : i32
    %while3A_640 = arith.addi %while3A_638, %while3A_639 : i32
    %while3A_641 = arith.constant 1 : i32
    %while3A_642 = arith.divsi %while3A_639, %while3A_641 : i32
    %while3A_643 = arith.muli %while3A_642, %while3A_641 : i32
    %while3A_644 = arith.addi %while3A_638, %while3A_643 : i32
    %while3A_645 = arith.constant 1 : i32
    scf.for %while3A_1093 = %while3A_638 to %while3A_644 step %while3A_645  : i32 {
      %dma_wait3A_1094 = arith.constant 0 : i32
      %dma_wait3A_1095 = arith.constant 0 : i32
      %dma_wait3A_1096 = arith.constant 0 : i32
      %dma_wait3A_1097 = tpu.memref_slice %arg4[%dma_wait3A_1094, %dma_wait3A_1095, %dma_wait3A_1096] : memref<8x4096x1024xf32, #tpu.memory_space<hbm>> -> memref<1x16x1024xf32, #tpu.memory_space<hbm>>
      %dma_wait3A_1098 = tpu.memref_squeeze %dma_wait3A_1097 : memref<1x16x1024xf32, #tpu.memory_space<hbm>> -> memref<16x1024xf32, #tpu.memory_space<hbm>>
      %dma_wait3A_1099 = arith.constant 0 : i32
      %dma_wait3A_1100 = arith.constant 0 : i32
      %dma_wait3A_1101 = tpu.memref_slice %arg4[%dma_wait3A_1094, %dma_wait3A_1099, %dma_wait3A_1100] : memref<8x4096x1024xf32, #tpu.memory_space<hbm>> -> memref<1x16x1024xf32, #tpu.memory_space<hbm>>
      %dma_wait3A_1102 = tpu.memref_squeeze %dma_wait3A_1101 : memref<1x16x1024xf32, #tpu.memory_space<hbm>> -> memref<16x1024xf32, #tpu.memory_space<hbm>>
      tpu.wait_dma2 semaphore(%arg18 : memref<!tpu.dma_semaphore, #tpu.memory_space<semaphore_mem>>) src(%arg7 : memref<16x1024xf32, #tpu.memory_space<vmem>>) dst(%dma_wait3A_1102 : memref<16x1024xf32, #tpu.memory_space<hbm>>)
    }
    %while3A_646 = arith.constant 1 : i32
    scf.for %while3A_1093 = %while3A_644 to %while3A_640 step %while3A_646  : i32 {
      %dma_wait3A_1094 = arith.constant 0 : i32
      %dma_wait3A_1095 = arith.constant 0 : i32
      %dma_wait3A_1096 = arith.constant 0 : i32
      %dma_wait3A_1097 = tpu.memref_slice %arg4[%dma_wait3A_1094, %dma_wait3A_1095, %dma_wait3A_1096] : memref<8x4096x1024xf32, #tpu.memory_space<hbm>> -> memref<1x16x1024xf32, #tpu.memory_space<hbm>>
      %dma_wait3A_1098 = tpu.memref_squeeze %dma_wait3A_1097 : memref<1x16x1024xf32, #tpu.memory_space<hbm>> -> memref<16x1024xf32, #tpu.memory_space<hbm>>
      %dma_wait3A_1099 = arith.constant 0 : i32
      %dma_wait3A_1100 = arith.constant 0 : i32
      %dma_wait3A_1101 = tpu.memref_slice %arg4[%dma_wait3A_1094, %dma_wait3A_1099, %dma_wait3A_1100] : memref<8x4096x1024xf32, #tpu.memory_space<hbm>> -> memref<1x16x1024xf32, #tpu.memory_space<hbm>>
      %dma_wait3A_1102 = tpu.memref_squeeze %dma_wait3A_1101 : memref<1x16x1024xf32, #tpu.memory_space<hbm>> -> memref<16x1024xf32, #tpu.memory_space<hbm>>
      tpu.wait_dma2 semaphore(%arg18 : memref<!tpu.dma_semaphore, #tpu.memory_space<semaphore_mem>>) src(%arg7 : memref<16x1024xf32, #tpu.memory_space<vmem>>) dst(%dma_wait3A_1102 : memref<16x1024xf32, #tpu.memory_space<hbm>>)
    }
    %add3A_647 = arith.constant 32 : i32
    %add3A_648 = arith.addi %add3A_647, %add3A : i32
    %mul3A_649 = arith.constant 32 : i32
    %mul3A_650 = arith.muli %add3A_648, %mul3A_649 : i32
    %add3A_651 = arith.constant 2 : i32
    %add3A_652 = arith.addi %mul3A_650, %add3A_651 : i32
    %add3A_653 = vector.broadcast %add3A_652 : i32 to vector<16xi32>
    %add3A_654 = arith.addi %iota3A, %add3A_653 : vector<16xi32>
    %swap3A_655 = arith.constant 0 : index
    %swap3A_656 = tpu.vector_load %arg13[%swap3A_655] {strides = array<i32>} : memref<32xi32, #tpu.memory_space<vmem>>, vector<16xi32>,
    tpu.vector_store %arg13[%swap3A_655], %add3A_654 {strides = array<i32>} : memref<32xi32, #tpu.memory_space<vmem>>, vector<16xi32>,
    %add3A_657 = arith.constant 2 : i32
    %add3A_658 = arith.addi %mul3A_650, %add3A_657 : i32
    %add3A_659 = arith.constant 16 : i32
    %add3A_660 = arith.addi %add3A_658, %add3A_659 : i32
    %add3A_661 = vector.broadcast %add3A_660 : i32 to vector<16xi32>
    %add3A_662 = arith.addi %iota3A, %add3A_661 : vector<16xi32>
    %swap3A_663 = arith.constant 16 : index
    %swap3A_664 = tpu.vector_load %arg13[%swap3A_663] {strides = array<i32>} : memref<32xi32, #tpu.memory_space<vmem>>, vector<16xi32>,
    tpu.vector_store %arg13[%swap3A_663], %add3A_662 {strides = array<i32>} : memref<32xi32, #tpu.memory_space<vmem>>, vector<16xi32>,
    %dma_start3A_665 = arith.constant 0 : i32
    %dma_start3A_666 = arith.constant 0 : i32
    %dma_start3A_667 = tpu.memref_slice %arg3[%dma_start3A_665, %dma_start3A_666] : memref<8192x1024xf32, #tpu.memory_space<hbm>> -> memref<8192x1024xf32, #tpu.memory_space<hbm>>
    tpu.enqueue_indirect_dma source(%dma_start3A_667 : memref<8192x1024xf32, #tpu.memory_space<hbm>>) target(%arg6 : memref<32x1024xf32, #tpu.memory_space<vmem>>) offsets(%arg13 : memref<32xi32, #tpu.memory_space<vmem>>) semaphore(%arg16 : memref<!tpu.dma_semaphore, #tpu.memory_space<semaphore_mem>>)
    %add3A_668 = arith.constant 32 : i32
    %add3A_669 = arith.addi %mul3A_633, %add3A_668 : i32
    %le3A = arith.cmpi sle, %add3A_669, %reduce_sum3A_188 : i32
    %convert_element_type3A_670 = arith.extui %le3A : i1 to i32
    %cond3A_671 = arith.constant 0 : i32
    %cond3A_672 = arith.cmpi ne, %convert_element_type3A_670, %cond3A_671 : i32
    scf.if %cond3A_672 {
      %dma_start3A_1093 = arith.constant 0 : i32
      %dma_start3A_1094 = arith.constant 0 : i32
      %dma_start3A_1095 = tpu.memref_slice %arg4[%dma_start3A_1093, %mul3A_633, %dma_start3A_1094] : memref<8x4096x1024xf32, #tpu.memory_space<hbm>> -> memref<1x32x1024xf32, #tpu.memory_space<hbm>>
      %dma_start3A_1096 = tpu.memref_squeeze %dma_start3A_1095 : memref<1x32x1024xf32, #tpu.memory_space<hbm>> -> memref<32x1024xf32, #tpu.memory_space<hbm>>
      %dma_start3A_1097 = arith.constant 0 : i32
      %dma_start3A_1098 = tpu.memref_slice %arg4[%dma_start3A_1093, %mul3A_633, %dma_start3A_1097] : memref<8x4096x1024xf32, #tpu.memory_space<hbm>> -> memref<1x32x1024xf32, #tpu.memory_space<hbm>>
      %dma_start3A_1099 = tpu.memref_squeeze %dma_start3A_1098 : memref<1x32x1024xf32, #tpu.memory_space<hbm>> -> memref<32x1024xf32, #tpu.memory_space<hbm>>
      tpu.enqueue_dma source(%arg5 : memref<32x1024xf32, #tpu.memory_space<vmem>>) target(%dma_start3A_1099 : memref<32x1024xf32, #tpu.memory_space<hbm>>) target_semaphore(%arg18 : memref<!tpu.dma_semaphore, #tpu.memory_space<semaphore_mem>>)
    } else {
    }
    %jit3A_673 = arith.constant 2 : i32
    %jit3A_674 = arith.constant 0 : i32
    %select_n3A_675 = arith.select %le3A, %jit3A_673, %jit3A_674 : i32
    %add3A_676 = arith.addi %scan3A_628#0, %select_n3A_675 : i32
    %add3A_677 = arith.constant 32 : i32
    %add3A_678 = arith.addi %mul3A_633, %add3A_677 : i32
    %le3A_679 = arith.cmpi sle, %add3A_678, %reduce_sum3A_192 : i32
    %convert_element_type3A_680 = arith.extui %le3A_679 : i1 to i32
    %cond3A_681 = arith.constant 0 : i32
    %cond3A_682 = arith.cmpi ne, %convert_element_type3A_680, %cond3A_681 : i32
    scf.if %cond3A_682 {
      %dma_start3A_1093 = arith.constant 1 : i32
      %dma_start3A_1094 = arith.constant 0 : i32
      %dma_start3A_1095 = tpu.memref_slice %arg4[%dma_start3A_1093, %mul3A_633, %dma_start3A_1094] : memref<8x4096x1024xf32, #tpu.memory_space<hbm>> -> memref<1x32x1024xf32, #tpu.memory_space<hbm>>
      %dma_start3A_1096 = tpu.memref_squeeze %dma_start3A_1095 : memref<1x32x1024xf32, #tpu.memory_space<hbm>> -> memref<32x1024xf32, #tpu.memory_space<hbm>>
      %dma_start3A_1097 = arith.constant 0 : i32
      %dma_start3A_1098 = tpu.memref_slice %arg4[%dma_start3A_1093, %mul3A_633, %dma_start3A_1097] : memref<8x4096x1024xf32, #tpu.memory_space<hbm>> -> memref<1x32x1024xf32, #tpu.memory_space<hbm>>
      %dma_start3A_1099 = tpu.memref_squeeze %dma_start3A_1098 : memref<1x32x1024xf32, #tpu.memory_space<hbm>> -> memref<32x1024xf32, #tpu.memory_space<hbm>>
      tpu.enqueue_dma source(%arg5 : memref<32x1024xf32, #tpu.memory_space<vmem>>) target(%dma_start3A_1099 : memref<32x1024xf32, #tpu.memory_space<hbm>>) target_semaphore(%arg18 : memref<!tpu.dma_semaphore, #tpu.memory_space<semaphore_mem>>)
    } else {
    }
    %jit3A_683 = arith.constant 2 : i32
    %jit3A_684 = arith.constant 0 : i32
    %select_n3A_685 = arith.select %le3A_679, %jit3A_683, %jit3A_684 : i32
    %add3A_686 = arith.addi %add3A_676, %select_n3A_685 : i32
    %add3A_687 = arith.constant 32 : i32
    %add3A_688 = arith.addi %mul3A_633, %add3A_687 : i32
    %le3A_689 = arith.cmpi sle, %add3A_688, %reduce_sum3A_196 : i32
    %convert_element_type3A_690 = arith.extui %le3A_689 : i1 to i32
    %cond3A_691 = arith.constant 0 : i32
    %cond3A_692 = arith.cmpi ne, %convert_element_type3A_690, %cond3A_691 : i32
    scf.if %cond3A_692 {
      %dma_start3A_1093 = arith.constant 2 : i32
      %dma_start3A_1094 = arith.constant 0 : i32
      %dma_start3A_1095 = tpu.memref_slice %arg4[%dma_start3A_1093, %mul3A_633, %dma_start3A_1094] : memref<8x4096x1024xf32, #tpu.memory_space<hbm>> -> memref<1x32x1024xf32, #tpu.memory_space<hbm>>
      %dma_start3A_1096 = tpu.memref_squeeze %dma_start3A_1095 : memref<1x32x1024xf32, #tpu.memory_space<hbm>> -> memref<32x1024xf32, #tpu.memory_space<hbm>>
      %dma_start3A_1097 = arith.constant 0 : i32
      %dma_start3A_1098 = tpu.memref_slice %arg4[%dma_start3A_1093, %mul3A_633, %dma_start3A_1097] : memref<8x4096x1024xf32, #tpu.memory_space<hbm>> -> memref<1x32x1024xf32, #tpu.memory_space<hbm>>
      %dma_start3A_1099 = tpu.memref_squeeze %dma_start3A_1098 : memref<1x32x1024xf32, #tpu.memory_space<hbm>> -> memref<32x1024xf32, #tpu.memory_space<hbm>>
      tpu.enqueue_dma source(%arg5 : memref<32x1024xf32, #tpu.memory_space<vmem>>) target(%dma_start3A_1099 : memref<32x1024xf32, #tpu.memory_space<hbm>>) target_semaphore(%arg18 : memref<!tpu.dma_semaphore, #tpu.memory_space<semaphore_mem>>)
    } else {
    }
    %jit3A_693 = arith.constant 2 : i32
    %jit3A_694 = arith.constant 0 : i32
    %select_n3A_695 = arith.select %le3A_689, %jit3A_693, %jit3A_694 : i32
    %add3A_696 = arith.addi %add3A_686, %select_n3A_695 : i32
    %add3A_697 = arith.constant 32 : i32
    %add3A_698 = arith.addi %mul3A_633, %add3A_697 : i32
    %le3A_699 = arith.cmpi sle, %add3A_698, %reduce_sum3A_200 : i32
    %convert_element_type3A_700 = arith.extui %le3A_699 : i1 to i32
    %cond3A_701 = arith.constant 0 : i32
    %cond3A_702 = arith.cmpi ne, %convert_element_type3A_700, %cond3A_701 : i32
    scf.if %cond3A_702 {
      %dma_start3A_1093 = arith.constant 3 : i32
      %dma_start3A_1094 = arith.constant 0 : i32
      %dma_start3A_1095 = tpu.memref_slice %arg4[%dma_start3A_1093, %mul3A_633, %dma_start3A_1094] : memref<8x4096x1024xf32, #tpu.memory_space<hbm>> -> memref<1x32x1024xf32, #tpu.memory_space<hbm>>
      %dma_start3A_1096 = tpu.memref_squeeze %dma_start3A_1095 : memref<1x32x1024xf32, #tpu.memory_space<hbm>> -> memref<32x1024xf32, #tpu.memory_space<hbm>>
      %dma_start3A_1097 = arith.constant 0 : i32
      %dma_start3A_1098 = tpu.memref_slice %arg4[%dma_start3A_1093, %mul3A_633, %dma_start3A_1097] : memref<8x4096x1024xf32, #tpu.memory_space<hbm>> -> memref<1x32x1024xf32, #tpu.memory_space<hbm>>
      %dma_start3A_1099 = tpu.memref_squeeze %dma_start3A_1098 : memref<1x32x1024xf32, #tpu.memory_space<hbm>> -> memref<32x1024xf32, #tpu.memory_space<hbm>>
      tpu.enqueue_dma source(%arg5 : memref<32x1024xf32, #tpu.memory_space<vmem>>) target(%dma_start3A_1099 : memref<32x1024xf32, #tpu.memory_space<hbm>>) target_semaphore(%arg18 : memref<!tpu.dma_semaphore, #tpu.memory_space<semaphore_mem>>)
    } else {
    }
    %jit3A_703 = arith.constant 2 : i32
    %jit3A_704 = arith.constant 0 : i32
    %select_n3A_705 = arith.select %le3A_699, %jit3A_703, %jit3A_704 : i32
    %add3A_706 = arith.addi %add3A_696, %select_n3A_705 : i32
    %add3A_707 = arith.constant 32 : i32
    %add3A_708 = arith.addi %mul3A_633, %add3A_707 : i32
    %le3A_709 = arith.cmpi sle, %add3A_708, %reduce_sum3A_204 : i32
    %convert_element_type3A_710 = arith.extui %le3A_709 : i1 to i32
    %cond3A_711 = arith.constant 0 : i32
    %cond3A_712 = arith.cmpi ne, %convert_element_type3A_710, %cond3A_711 : i32
    scf.if %cond3A_712 {
      %dma_start3A_1093 = arith.constant 4 : i32
      %dma_start3A_1094 = arith.constant 0 : i32
      %dma_start3A_1095 = tpu.memref_slice %arg4[%dma_start3A_1093, %mul3A_633, %dma_start3A_1094] : memref<8x4096x1024xf32, #tpu.memory_space<hbm>> -> memref<1x32x1024xf32, #tpu.memory_space<hbm>>
      %dma_start3A_1096 = tpu.memref_squeeze %dma_start3A_1095 : memref<1x32x1024xf32, #tpu.memory_space<hbm>> -> memref<32x1024xf32, #tpu.memory_space<hbm>>
      %dma_start3A_1097 = arith.constant 0 : i32
      %dma_start3A_1098 = tpu.memref_slice %arg4[%dma_start3A_1093, %mul3A_633, %dma_start3A_1097] : memref<8x4096x1024xf32, #tpu.memory_space<hbm>> -> memref<1x32x1024xf32, #tpu.memory_space<hbm>>
      %dma_start3A_1099 = tpu.memref_squeeze %dma_start3A_1098 : memref<1x32x1024xf32, #tpu.memory_space<hbm>> -> memref<32x1024xf32, #tpu.memory_space<hbm>>
      tpu.enqueue_dma source(%arg5 : memref<32x1024xf32, #tpu.memory_space<vmem>>) target(%dma_start3A_1099 : memref<32x1024xf32, #tpu.memory_space<hbm>>) target_semaphore(%arg18 : memref<!tpu.dma_semaphore, #tpu.memory_space<semaphore_mem>>)
    } else {
    }
    %jit3A_713 = arith.constant 2 : i32
    %jit3A_714 = arith.constant 0 : i32
    %select_n3A_715 = arith.select %le3A_709, %jit3A_713, %jit3A_714 : i32
    %add3A_716 = arith.addi %add3A_706, %select_n3A_715 : i32
    %add3A_717 = arith.constant 32 : i32
    %add3A_718 = arith.addi %mul3A_633, %add3A_717 : i32
    %le3A_719 = arith.cmpi sle, %add3A_718, %reduce_sum3A_208 : i32
    %convert_element_type3A_720 = arith.extui %le3A_719 : i1 to i32
    %cond3A_721 = arith.constant 0 : i32
    %cond3A_722 = arith.cmpi ne, %convert_element_type3A_720, %cond3A_721 : i32
    scf.if %cond3A_722 {
      %dma_start3A_1093 = arith.constant 5 : i32
      %dma_start3A_1094 = arith.constant 0 : i32
      %dma_start3A_1095 = tpu.memref_slice %arg4[%dma_start3A_1093, %mul3A_633, %dma_start3A_1094] : memref<8x4096x1024xf32, #tpu.memory_space<hbm>> -> memref<1x32x1024xf32, #tpu.memory_space<hbm>>
      %dma_start3A_1096 = tpu.memref_squeeze %dma_start3A_1095 : memref<1x32x1024xf32, #tpu.memory_space<hbm>> -> memref<32x1024xf32, #tpu.memory_space<hbm>>
      %dma_start3A_1097 = arith.constant 0 : i32
      %dma_start3A_1098 = tpu.memref_slice %arg4[%dma_start3A_1093, %mul3A_633, %dma_start3A_1097] : memref<8x4096x1024xf32, #tpu.memory_space<hbm>> -> memref<1x32x1024xf32, #tpu.memory_space<hbm>>
      %dma_start3A_1099 = tpu.memref_squeeze %dma_start3A_1098 : memref<1x32x1024xf32, #tpu.memory_space<hbm>> -> memref<32x1024xf32, #tpu.memory_space<hbm>>
      tpu.enqueue_dma source(%arg5 : memref<32x1024xf32, #tpu.memory_space<vmem>>) target(%dma_start3A_1099 : memref<32x1024xf32, #tpu.memory_space<hbm>>) target_semaphore(%arg18 : memref<!tpu.dma_semaphore, #tpu.memory_space<semaphore_mem>>)
    } else {
    }
    %jit3A_723 = arith.constant 2 : i32
    %jit3A_724 = arith.constant 0 : i32
    %select_n3A_725 = arith.select %le3A_719, %jit3A_723, %jit3A_724 : i32
    %add3A_726 = arith.addi %add3A_716, %select_n3A_725 : i32
    %add3A_727 = arith.constant 32 : i32
    %add3A_728 = arith.addi %mul3A_633, %add3A_727 : i32
    %le3A_729 = arith.cmpi sle, %add3A_728, %reduce_sum3A_212 : i32
    %convert_element_type3A_730 = arith.extui %le3A_729 : i1 to i32
    %cond3A_731 = arith.constant 0 : i32
    %cond3A_732 = arith.cmpi ne, %convert_element_type3A_730, %cond3A_731 : i32
    scf.if %cond3A_732 {
      %dma_start3A_1093 = arith.constant 6 : i32
      %dma_start3A_1094 = arith.constant 0 : i32
      %dma_start3A_1095 = tpu.memref_slice %arg4[%dma_start3A_1093, %mul3A_633, %dma_start3A_1094] : memref<8x4096x1024xf32, #tpu.memory_space<hbm>> -> memref<1x32x1024xf32, #tpu.memory_space<hbm>>
      %dma_start3A_1096 = tpu.memref_squeeze %dma_start3A_1095 : memref<1x32x1024xf32, #tpu.memory_space<hbm>> -> memref<32x1024xf32, #tpu.memory_space<hbm>>
      %dma_start3A_1097 = arith.constant 0 : i32
      %dma_start3A_1098 = tpu.memref_slice %arg4[%dma_start3A_1093, %mul3A_633, %dma_start3A_1097] : memref<8x4096x1024xf32, #tpu.memory_space<hbm>> -> memref<1x32x1024xf32, #tpu.memory_space<hbm>>
      %dma_start3A_1099 = tpu.memref_squeeze %dma_start3A_1098 : memref<1x32x1024xf32, #tpu.memory_space<hbm>> -> memref<32x1024xf32, #tpu.memory_space<hbm>>
      tpu.enqueue_dma source(%arg5 : memref<32x1024xf32, #tpu.memory_space<vmem>>) target(%dma_start3A_1099 : memref<32x1024xf32, #tpu.memory_space<hbm>>) target_semaphore(%arg18 : memref<!tpu.dma_semaphore, #tpu.memory_space<semaphore_mem>>)
    } else {
    }
    %jit3A_733 = arith.constant 2 : i32
    %jit3A_734 = arith.constant 0 : i32
    %select_n3A_735 = arith.select %le3A_729, %jit3A_733, %jit3A_734 : i32
    %add3A_736 = arith.addi %add3A_726, %select_n3A_735 : i32
    %add3A_737 = arith.constant 32 : i32
    %add3A_738 = arith.addi %mul3A_633, %add3A_737 : i32
    %le3A_739 = arith.cmpi sle, %add3A_738, %reduce_sum3A_216 : i32
    %convert_element_type3A_740 = arith.extui %le3A_739 : i1 to i32
    %cond3A_741 = arith.constant 0 : i32
    %cond3A_742 = arith.cmpi ne, %convert_element_type3A_740, %cond3A_741 : i32
    scf.if %cond3A_742 {
      %dma_start3A_1093 = arith.constant 7 : i32
      %dma_start3A_1094 = arith.constant 0 : i32
      %dma_start3A_1095 = tpu.memref_slice %arg4[%dma_start3A_1093, %mul3A_633, %dma_start3A_1094] : memref<8x4096x1024xf32, #tpu.memory_space<hbm>> -> memref<1x32x1024xf32, #tpu.memory_space<hbm>>
      %dma_start3A_1096 = tpu.memref_squeeze %dma_start3A_1095 : memref<1x32x1024xf32, #tpu.memory_space<hbm>> -> memref<32x1024xf32, #tpu.memory_space<hbm>>
      %dma_start3A_1097 = arith.constant 0 : i32
      %dma_start3A_1098 = tpu.memref_slice %arg4[%dma_start3A_1093, %mul3A_633, %dma_start3A_1097] : memref<8x4096x1024xf32, #tpu.memory_space<hbm>> -> memref<1x32x1024xf32, #tpu.memory_space<hbm>>
      %dma_start3A_1099 = tpu.memref_squeeze %dma_start3A_1098 : memref<1x32x1024xf32, #tpu.memory_space<hbm>> -> memref<32x1024xf32, #tpu.memory_space<hbm>>
      tpu.enqueue_dma source(%arg5 : memref<32x1024xf32, #tpu.memory_space<vmem>>) target(%dma_start3A_1099 : memref<32x1024xf32, #tpu.memory_space<hbm>>) target_semaphore(%arg18 : memref<!tpu.dma_semaphore, #tpu.memory_space<semaphore_mem>>)
    } else {
    }
    %jit3A_743 = arith.constant 2 : i32
    %jit3A_744 = arith.constant 0 : i32
    %select_n3A_745 = arith.select %le3A_739, %jit3A_743, %jit3A_744 : i32
    %add3A_746 = arith.addi %add3A_736, %select_n3A_745 : i32
    %add3A_747 = arith.constant 32 : i32
    %add3A_748 = arith.addi %add3A_747, %add3A : i32
    %mul3A_749 = arith.constant 32 : i32
    %mul3A_750 = arith.muli %add3A_748, %mul3A_749 : i32
    %dma_wait3A_751 = arith.constant 0 : i32
    %dma_wait3A_752 = arith.constant 0 : i32
    %dma_wait3A_753 = tpu.memref_slice %arg3[%dma_wait3A_751, %dma_wait3A_752] : memref<8192x1024xf32, #tpu.memory_space<hbm>> -> memref<8192x1024xf32, #tpu.memory_space<hbm>>
    tpu.wait_indirect_dma semaphore(%arg16 : memref<!tpu.dma_semaphore, #tpu.memory_space<semaphore_mem>>) src(%dma_wait3A_753 : memref<8192x1024xf32, #tpu.memory_space<hbm>>) dst(%arg6 : memref<32x1024xf32, #tpu.memory_space<vmem>>)
    %sub3A_754 = arith.subi %add3A_746, %scan3A_628#0 : i32
    %while3A_755 = arith.constant 0 : i32
    %while3A_756 = arith.constant 0 : i32
    %while3A_757 = arith.subi %sub3A_754, %while3A_756 : i32
    %while3A_758 = arith.addi %while3A_756, %while3A_757 : i32
    %while3A_759 = arith.constant 1 : i32
    %while3A_760 = arith.divsi %while3A_757, %while3A_759 : i32
    %while3A_761 = arith.muli %while3A_760, %while3A_759 : i32
    %while3A_762 = arith.addi %while3A_756, %while3A_761 : i32
    %while3A_763 = arith.constant 1 : i32
    scf.for %while3A_1093 = %while3A_756 to %while3A_762 step %while3A_763  : i32 {
      %dma_wait3A_1094 = arith.constant 0 : i32
      %dma_wait3A_1095 = arith.constant 0 : i32
      %dma_wait3A_1096 = arith.constant 0 : i32
      %dma_wait3A_1097 = tpu.memref_slice %arg4[%dma_wait3A_1094, %dma_wait3A_1095, %dma_wait3A_1096] : memref<8x4096x1024xf32, #tpu.memory_space<hbm>> -> memref<1x16x1024xf32, #tpu.memory_space<hbm>>
      %dma_wait3A_1098 = tpu.memref_squeeze %dma_wait3A_1097 : memref<1x16x1024xf32, #tpu.memory_space<hbm>> -> memref<16x1024xf32, #tpu.memory_space<hbm>>
      %dma_wait3A_1099 = arith.constant 0 : i32
      %dma_wait3A_1100 = arith.constant 0 : i32
      %dma_wait3A_1101 = tpu.memref_slice %arg4[%dma_wait3A_1094, %dma_wait3A_1099, %dma_wait3A_1100] : memref<8x4096x1024xf32, #tpu.memory_space<hbm>> -> memref<1x16x1024xf32, #tpu.memory_space<hbm>>
      %dma_wait3A_1102 = tpu.memref_squeeze %dma_wait3A_1101 : memref<1x16x1024xf32, #tpu.memory_space<hbm>> -> memref<16x1024xf32, #tpu.memory_space<hbm>>
      tpu.wait_dma2 semaphore(%arg18 : memref<!tpu.dma_semaphore, #tpu.memory_space<semaphore_mem>>) src(%arg7 : memref<16x1024xf32, #tpu.memory_space<vmem>>) dst(%dma_wait3A_1102 : memref<16x1024xf32, #tpu.memory_space<hbm>>)
    }
    %while3A_764 = arith.constant 1 : i32
    scf.for %while3A_1093 = %while3A_762 to %while3A_758 step %while3A_764  : i32 {
      %dma_wait3A_1094 = arith.constant 0 : i32
      %dma_wait3A_1095 = arith.constant 0 : i32
      %dma_wait3A_1096 = arith.constant 0 : i32
      %dma_wait3A_1097 = tpu.memref_slice %arg4[%dma_wait3A_1094, %dma_wait3A_1095, %dma_wait3A_1096] : memref<8x4096x1024xf32, #tpu.memory_space<hbm>> -> memref<1x16x1024xf32, #tpu.memory_space<hbm>>
      %dma_wait3A_1098 = tpu.memref_squeeze %dma_wait3A_1097 : memref<1x16x1024xf32, #tpu.memory_space<hbm>> -> memref<16x1024xf32, #tpu.memory_space<hbm>>
      %dma_wait3A_1099 = arith.constant 0 : i32
      %dma_wait3A_1100 = arith.constant 0 : i32
      %dma_wait3A_1101 = tpu.memref_slice %arg4[%dma_wait3A_1094, %dma_wait3A_1099, %dma_wait3A_1100] : memref<8x4096x1024xf32, #tpu.memory_space<hbm>> -> memref<1x16x1024xf32, #tpu.memory_space<hbm>>
      %dma_wait3A_1102 = tpu.memref_squeeze %dma_wait3A_1101 : memref<1x16x1024xf32, #tpu.memory_space<hbm>> -> memref<16x1024xf32, #tpu.memory_space<hbm>>
      tpu.wait_dma2 semaphore(%arg18 : memref<!tpu.dma_semaphore, #tpu.memory_space<semaphore_mem>>) src(%arg7 : memref<16x1024xf32, #tpu.memory_space<vmem>>) dst(%dma_wait3A_1102 : memref<16x1024xf32, #tpu.memory_space<hbm>>)
    }
    %add3A_765 = arith.constant 64 : i32
    %add3A_766 = arith.addi %add3A_765, %add3A : i32
    %mul3A_767 = arith.constant 32 : i32
    %mul3A_768 = arith.muli %add3A_766, %mul3A_767 : i32
    %add3A_769 = arith.constant 2 : i32
    %add3A_770 = arith.addi %mul3A_768, %add3A_769 : i32
    %add3A_771 = vector.broadcast %add3A_770 : i32 to vector<16xi32>
    %add3A_772 = arith.addi %iota3A, %add3A_771 : vector<16xi32>
    %swap3A_773 = arith.constant 0 : index
    %swap3A_774 = tpu.vector_load %arg12[%swap3A_773] {strides = array<i32>} : memref<32xi32, #tpu.memory_space<vmem>>, vector<16xi32>,
    tpu.vector_store %arg12[%swap3A_773], %add3A_772 {strides = array<i32>} : memref<32xi32, #tpu.memory_space<vmem>>, vector<16xi32>,
    %add3A_775 = arith.constant 2 : i32
    %add3A_776 = arith.addi %mul3A_768, %add3A_775 : i32
    %add3A_777 = arith.constant 16 : i32
    %add3A_778 = arith.addi %add3A_776, %add3A_777 : i32
    %add3A_779 = vector.broadcast %add3A_778 : i32 to vector<16xi32>
    %add3A_780 = arith.addi %iota3A, %add3A_779 : vector<16xi32>
    %swap3A_781 = arith.constant 16 : index
    %swap3A_782 = tpu.vector_load %arg12[%swap3A_781] {strides = array<i32>} : memref<32xi32, #tpu.memory_space<vmem>>, vector<16xi32>,
    tpu.vector_store %arg12[%swap3A_781], %add3A_780 {strides = array<i32>} : memref<32xi32, #tpu.memory_space<vmem>>, vector<16xi32>,
    %dma_start3A_783 = arith.constant 0 : i32
    %dma_start3A_784 = arith.constant 0 : i32
    %dma_start3A_785 = tpu.memref_slice %arg3[%dma_start3A_783, %dma_start3A_784] : memref<8192x1024xf32, #tpu.memory_space<hbm>> -> memref<8192x1024xf32, #tpu.memory_space<hbm>>
    tpu.enqueue_indirect_dma source(%dma_start3A_785 : memref<8192x1024xf32, #tpu.memory_space<hbm>>) target(%arg5 : memref<32x1024xf32, #tpu.memory_space<vmem>>) offsets(%arg12 : memref<32xi32, #tpu.memory_space<vmem>>) semaphore(%arg16 : memref<!tpu.dma_semaphore, #tpu.memory_space<semaphore_mem>>)
    %add3A_786 = arith.constant 32 : i32
    %add3A_787 = arith.addi %mul3A_750, %add3A_786 : i32
    %le3A_788 = arith.cmpi sle, %add3A_787, %reduce_sum3A_188 : i32
    %convert_element_type3A_789 = arith.extui %le3A_788 : i1 to i32
    %cond3A_790 = arith.constant 0 : i32
    %cond3A_791 = arith.cmpi ne, %convert_element_type3A_789, %cond3A_790 : i32
    scf.if %cond3A_791 {
      %dma_start3A_1093 = arith.constant 0 : i32
      %dma_start3A_1094 = arith.constant 0 : i32
      %dma_start3A_1095 = tpu.memref_slice %arg4[%dma_start3A_1093, %mul3A_750, %dma_start3A_1094] : memref<8x4096x1024xf32, #tpu.memory_space<hbm>> -> memref<1x32x1024xf32, #tpu.memory_space<hbm>>
      %dma_start3A_1096 = tpu.memref_squeeze %dma_start3A_1095 : memref<1x32x1024xf32, #tpu.memory_space<hbm>> -> memref<32x1024xf32, #tpu.memory_space<hbm>>
      %dma_start3A_1097 = arith.constant 0 : i32
      %dma_start3A_1098 = tpu.memref_slice %arg4[%dma_start3A_1093, %mul3A_750, %dma_start3A_1097] : memref<8x4096x1024xf32, #tpu.memory_space<hbm>> -> memref<1x32x1024xf32, #tpu.memory_space<hbm>>
      %dma_start3A_1099 = tpu.memref_squeeze %dma_start3A_1098 : memref<1x32x1024xf32, #tpu.memory_space<hbm>> -> memref<32x1024xf32, #tpu.memory_space<hbm>>
      tpu.enqueue_dma source(%arg6 : memref<32x1024xf32, #tpu.memory_space<vmem>>) target(%dma_start3A_1099 : memref<32x1024xf32, #tpu.memory_space<hbm>>) target_semaphore(%arg18 : memref<!tpu.dma_semaphore, #tpu.memory_space<semaphore_mem>>)
    } else {
    }
    %jit3A_792 = arith.constant 2 : i32
    %jit3A_793 = arith.constant 0 : i32
    %select_n3A_794 = arith.select %le3A_788, %jit3A_792, %jit3A_793 : i32
    %add3A_795 = arith.addi %add3A_746, %select_n3A_794 : i32
    %add3A_796 = arith.constant 32 : i32
    %add3A_797 = arith.addi %mul3A_750, %add3A_796 : i32
    %le3A_798 = arith.cmpi sle, %add3A_797, %reduce_sum3A_192 : i32
    %convert_element_type3A_799 = arith.extui %le3A_798 : i1 to i32
    %cond3A_800 = arith.constant 0 : i32
    %cond3A_801 = arith.cmpi ne, %convert_element_type3A_799, %cond3A_800 : i32
    scf.if %cond3A_801 {
      %dma_start3A_1093 = arith.constant 1 : i32
      %dma_start3A_1094 = arith.constant 0 : i32
      %dma_start3A_1095 = tpu.memref_slice %arg4[%dma_start3A_1093, %mul3A_750, %dma_start3A_1094] : memref<8x4096x1024xf32, #tpu.memory_space<hbm>> -> memref<1x32x1024xf32, #tpu.memory_space<hbm>>
      %dma_start3A_1096 = tpu.memref_squeeze %dma_start3A_1095 : memref<1x32x1024xf32, #tpu.memory_space<hbm>> -> memref<32x1024xf32, #tpu.memory_space<hbm>>
      %dma_start3A_1097 = arith.constant 0 : i32
      %dma_start3A_1098 = tpu.memref_slice %arg4[%dma_start3A_1093, %mul3A_750, %dma_start3A_1097] : memref<8x4096x1024xf32, #tpu.memory_space<hbm>> -> memref<1x32x1024xf32, #tpu.memory_space<hbm>>
      %dma_start3A_1099 = tpu.memref_squeeze %dma_start3A_1098 : memref<1x32x1024xf32, #tpu.memory_space<hbm>> -> memref<32x1024xf32, #tpu.memory_space<hbm>>
      tpu.enqueue_dma source(%arg6 : memref<32x1024xf32, #tpu.memory_space<vmem>>) target(%dma_start3A_1099 : memref<32x1024xf32, #tpu.memory_space<hbm>>) target_semaphore(%arg18 : memref<!tpu.dma_semaphore, #tpu.memory_space<semaphore_mem>>)
    } else {
    }
    %jit3A_802 = arith.constant 2 : i32
    %jit3A_803 = arith.constant 0 : i32
    %select_n3A_804 = arith.select %le3A_798, %jit3A_802, %jit3A_803 : i32
    %add3A_805 = arith.addi %add3A_795, %select_n3A_804 : i32
    %add3A_806 = arith.constant 32 : i32
    %add3A_807 = arith.addi %mul3A_750, %add3A_806 : i32
    %le3A_808 = arith.cmpi sle, %add3A_807, %reduce_sum3A_196 : i32
    %convert_element_type3A_809 = arith.extui %le3A_808 : i1 to i32
    %cond3A_810 = arith.constant 0 : i32
    %cond3A_811 = arith.cmpi ne, %convert_element_type3A_809, %cond3A_810 : i32
    scf.if %cond3A_811 {
      %dma_start3A_1093 = arith.constant 2 : i32
      %dma_start3A_1094 = arith.constant 0 : i32
      %dma_start3A_1095 = tpu.memref_slice %arg4[%dma_start3A_1093, %mul3A_750, %dma_start3A_1094] : memref<8x4096x1024xf32, #tpu.memory_space<hbm>> -> memref<1x32x1024xf32, #tpu.memory_space<hbm>>
      %dma_start3A_1096 = tpu.memref_squeeze %dma_start3A_1095 : memref<1x32x1024xf32, #tpu.memory_space<hbm>> -> memref<32x1024xf32, #tpu.memory_space<hbm>>
      %dma_start3A_1097 = arith.constant 0 : i32
      %dma_start3A_1098 = tpu.memref_slice %arg4[%dma_start3A_1093, %mul3A_750, %dma_start3A_1097] : memref<8x4096x1024xf32, #tpu.memory_space<hbm>> -> memref<1x32x1024xf32, #tpu.memory_space<hbm>>
      %dma_start3A_1099 = tpu.memref_squeeze %dma_start3A_1098 : memref<1x32x1024xf32, #tpu.memory_space<hbm>> -> memref<32x1024xf32, #tpu.memory_space<hbm>>
      tpu.enqueue_dma source(%arg6 : memref<32x1024xf32, #tpu.memory_space<vmem>>) target(%dma_start3A_1099 : memref<32x1024xf32, #tpu.memory_space<hbm>>) target_semaphore(%arg18 : memref<!tpu.dma_semaphore, #tpu.memory_space<semaphore_mem>>)
    } else {
    }
    %jit3A_812 = arith.constant 2 : i32
    %jit3A_813 = arith.constant 0 : i32
    %select_n3A_814 = arith.select %le3A_808, %jit3A_812, %jit3A_813 : i32
    %add3A_815 = arith.addi %add3A_805, %select_n3A_814 : i32
    %add3A_816 = arith.constant 32 : i32
    %add3A_817 = arith.addi %mul3A_750, %add3A_816 : i32
    %le3A_818 = arith.cmpi sle, %add3A_817, %reduce_sum3A_200 : i32
    %convert_element_type3A_819 = arith.extui %le3A_818 : i1 to i32
    %cond3A_820 = arith.constant 0 : i32
    %cond3A_821 = arith.cmpi ne, %convert_element_type3A_819, %cond3A_820 : i32
    scf.if %cond3A_821 {
      %dma_start3A_1093 = arith.constant 3 : i32
      %dma_start3A_1094 = arith.constant 0 : i32
      %dma_start3A_1095 = tpu.memref_slice %arg4[%dma_start3A_1093, %mul3A_750, %dma_start3A_1094] : memref<8x4096x1024xf32, #tpu.memory_space<hbm>> -> memref<1x32x1024xf32, #tpu.memory_space<hbm>>
      %dma_start3A_1096 = tpu.memref_squeeze %dma_start3A_1095 : memref<1x32x1024xf32, #tpu.memory_space<hbm>> -> memref<32x1024xf32, #tpu.memory_space<hbm>>
      %dma_start3A_1097 = arith.constant 0 : i32
      %dma_start3A_1098 = tpu.memref_slice %arg4[%dma_start3A_1093, %mul3A_750, %dma_start3A_1097] : memref<8x4096x1024xf32, #tpu.memory_space<hbm>> -> memref<1x32x1024xf32, #tpu.memory_space<hbm>>
      %dma_start3A_1099 = tpu.memref_squeeze %dma_start3A_1098 : memref<1x32x1024xf32, #tpu.memory_space<hbm>> -> memref<32x1024xf32, #tpu.memory_space<hbm>>
      tpu.enqueue_dma source(%arg6 : memref<32x1024xf32, #tpu.memory_space<vmem>>) target(%dma_start3A_1099 : memref<32x1024xf32, #tpu.memory_space<hbm>>) target_semaphore(%arg18 : memref<!tpu.dma_semaphore, #tpu.memory_space<semaphore_mem>>)
    } else {
    }
    %jit3A_822 = arith.constant 2 : i32
    %jit3A_823 = arith.constant 0 : i32
    %select_n3A_824 = arith.select %le3A_818, %jit3A_822, %jit3A_823 : i32
    %add3A_825 = arith.addi %add3A_815, %select_n3A_824 : i32
    %add3A_826 = arith.constant 32 : i32
    %add3A_827 = arith.addi %mul3A_750, %add3A_826 : i32
    %le3A_828 = arith.cmpi sle, %add3A_827, %reduce_sum3A_204 : i32
    %convert_element_type3A_829 = arith.extui %le3A_828 : i1 to i32
    %cond3A_830 = arith.constant 0 : i32
    %cond3A_831 = arith.cmpi ne, %convert_element_type3A_829, %cond3A_830 : i32
    scf.if %cond3A_831 {
      %dma_start3A_1093 = arith.constant 4 : i32
      %dma_start3A_1094 = arith.constant 0 : i32
      %dma_start3A_1095 = tpu.memref_slice %arg4[%dma_start3A_1093, %mul3A_750, %dma_start3A_1094] : memref<8x4096x1024xf32, #tpu.memory_space<hbm>> -> memref<1x32x1024xf32, #tpu.memory_space<hbm>>
      %dma_start3A_1096 = tpu.memref_squeeze %dma_start3A_1095 : memref<1x32x1024xf32, #tpu.memory_space<hbm>> -> memref<32x1024xf32, #tpu.memory_space<hbm>>
      %dma_start3A_1097 = arith.constant 0 : i32
      %dma_start3A_1098 = tpu.memref_slice %arg4[%dma_start3A_1093, %mul3A_750, %dma_start3A_1097] : memref<8x4096x1024xf32, #tpu.memory_space<hbm>> -> memref<1x32x1024xf32, #tpu.memory_space<hbm>>
      %dma_start3A_1099 = tpu.memref_squeeze %dma_start3A_1098 : memref<1x32x1024xf32, #tpu.memory_space<hbm>> -> memref<32x1024xf32, #tpu.memory_space<hbm>>
      tpu.enqueue_dma source(%arg6 : memref<32x1024xf32, #tpu.memory_space<vmem>>) target(%dma_start3A_1099 : memref<32x1024xf32, #tpu.memory_space<hbm>>) target_semaphore(%arg18 : memref<!tpu.dma_semaphore, #tpu.memory_space<semaphore_mem>>)
    } else {
    }
    %jit3A_832 = arith.constant 2 : i32
    %jit3A_833 = arith.constant 0 : i32
    %select_n3A_834 = arith.select %le3A_828, %jit3A_832, %jit3A_833 : i32
    %add3A_835 = arith.addi %add3A_825, %select_n3A_834 : i32
    %add3A_836 = arith.constant 32 : i32
    %add3A_837 = arith.addi %mul3A_750, %add3A_836 : i32
    %le3A_838 = arith.cmpi sle, %add3A_837, %reduce_sum3A_208 : i32
    %convert_element_type3A_839 = arith.extui %le3A_838 : i1 to i32
    %cond3A_840 = arith.constant 0 : i32
    %cond3A_841 = arith.cmpi ne, %convert_element_type3A_839, %cond3A_840 : i32
    scf.if %cond3A_841 {
      %dma_start3A_1093 = arith.constant 5 : i32
      %dma_start3A_1094 = arith.constant 0 : i32
      %dma_start3A_1095 = tpu.memref_slice %arg4[%dma_start3A_1093, %mul3A_750, %dma_start3A_1094] : memref<8x4096x1024xf32, #tpu.memory_space<hbm>> -> memref<1x32x1024xf32, #tpu.memory_space<hbm>>
      %dma_start3A_1096 = tpu.memref_squeeze %dma_start3A_1095 : memref<1x32x1024xf32, #tpu.memory_space<hbm>> -> memref<32x1024xf32, #tpu.memory_space<hbm>>
      %dma_start3A_1097 = arith.constant 0 : i32
      %dma_start3A_1098 = tpu.memref_slice %arg4[%dma_start3A_1093, %mul3A_750, %dma_start3A_1097] : memref<8x4096x1024xf32, #tpu.memory_space<hbm>> -> memref<1x32x1024xf32, #tpu.memory_space<hbm>>
      %dma_start3A_1099 = tpu.memref_squeeze %dma_start3A_1098 : memref<1x32x1024xf32, #tpu.memory_space<hbm>> -> memref<32x1024xf32, #tpu.memory_space<hbm>>
      tpu.enqueue_dma source(%arg6 : memref<32x1024xf32, #tpu.memory_space<vmem>>) target(%dma_start3A_1099 : memref<32x1024xf32, #tpu.memory_space<hbm>>) target_semaphore(%arg18 : memref<!tpu.dma_semaphore, #tpu.memory_space<semaphore_mem>>)
    } else {
    }
    %jit3A_842 = arith.constant 2 : i32
    %jit3A_843 = arith.constant 0 : i32
    %select_n3A_844 = arith.select %le3A_838, %jit3A_842, %jit3A_843 : i32
    %add3A_845 = arith.addi %add3A_835, %select_n3A_844 : i32
    %add3A_846 = arith.constant 32 : i32
    %add3A_847 = arith.addi %mul3A_750, %add3A_846 : i32
    %le3A_848 = arith.cmpi sle, %add3A_847, %reduce_sum3A_212 : i32
    %convert_element_type3A_849 = arith.extui %le3A_848 : i1 to i32
    %cond3A_850 = arith.constant 0 : i32
    %cond3A_851 = arith.cmpi ne, %convert_element_type3A_849, %cond3A_850 : i32
    scf.if %cond3A_851 {
      %dma_start3A_1093 = arith.constant 6 : i32
      %dma_start3A_1094 = arith.constant 0 : i32
      %dma_start3A_1095 = tpu.memref_slice %arg4[%dma_start3A_1093, %mul3A_750, %dma_start3A_1094] : memref<8x4096x1024xf32, #tpu.memory_space<hbm>> -> memref<1x32x1024xf32, #tpu.memory_space<hbm>>
      %dma_start3A_1096 = tpu.memref_squeeze %dma_start3A_1095 : memref<1x32x1024xf32, #tpu.memory_space<hbm>> -> memref<32x1024xf32, #tpu.memory_space<hbm>>
      %dma_start3A_1097 = arith.constant 0 : i32
      %dma_start3A_1098 = tpu.memref_slice %arg4[%dma_start3A_1093, %mul3A_750, %dma_start3A_1097] : memref<8x4096x1024xf32, #tpu.memory_space<hbm>> -> memref<1x32x1024xf32, #tpu.memory_space<hbm>>
      %dma_start3A_1099 = tpu.memref_squeeze %dma_start3A_1098 : memref<1x32x1024xf32, #tpu.memory_space<hbm>> -> memref<32x1024xf32, #tpu.memory_space<hbm>>
      tpu.enqueue_dma source(%arg6 : memref<32x1024xf32, #tpu.memory_space<vmem>>) target(%dma_start3A_1099 : memref<32x1024xf32, #tpu.memory_space<hbm>>) target_semaphore(%arg18 : memref<!tpu.dma_semaphore, #tpu.memory_space<semaphore_mem>>)
    } else {
    }
    %jit3A_852 = arith.constant 2 : i32
    %jit3A_853 = arith.constant 0 : i32
    %select_n3A_854 = arith.select %le3A_848, %jit3A_852, %jit3A_853 : i32
    %add3A_855 = arith.addi %add3A_845, %select_n3A_854 : i32
    %add3A_856 = arith.constant 32 : i32
    %add3A_857 = arith.addi %mul3A_750, %add3A_856 : i32
    %le3A_858 = arith.cmpi sle, %add3A_857, %reduce_sum3A_216 : i32
    %convert_element_type3A_859 = arith.extui %le3A_858 : i1 to i32
    %cond3A_860 = arith.constant 0 : i32
    %cond3A_861 = arith.cmpi ne, %convert_element_type3A_859, %cond3A_860 : i32
    scf.if %cond3A_861 {
      %dma_start3A_1093 = arith.constant 7 : i32
      %dma_start3A_1094 = arith.constant 0 : i32
      %dma_start3A_1095 = tpu.memref_slice %arg4[%dma_start3A_1093, %mul3A_750, %dma_start3A_1094] : memref<8x4096x1024xf32, #tpu.memory_space<hbm>> -> memref<1x32x1024xf32, #tpu.memory_space<hbm>>
      %dma_start3A_1096 = tpu.memref_squeeze %dma_start3A_1095 : memref<1x32x1024xf32, #tpu.memory_space<hbm>> -> memref<32x1024xf32, #tpu.memory_space<hbm>>
      %dma_start3A_1097 = arith.constant 0 : i32
      %dma_start3A_1098 = tpu.memref_slice %arg4[%dma_start3A_1093, %mul3A_750, %dma_start3A_1097] : memref<8x4096x1024xf32, #tpu.memory_space<hbm>> -> memref<1x32x1024xf32, #tpu.memory_space<hbm>>
      %dma_start3A_1099 = tpu.memref_squeeze %dma_start3A_1098 : memref<1x32x1024xf32, #tpu.memory_space<hbm>> -> memref<32x1024xf32, #tpu.memory_space<hbm>>
      tpu.enqueue_dma source(%arg6 : memref<32x1024xf32, #tpu.memory_space<vmem>>) target(%dma_start3A_1099 : memref<32x1024xf32, #tpu.memory_space<hbm>>) target_semaphore(%arg18 : memref<!tpu.dma_semaphore, #tpu.memory_space<semaphore_mem>>)
    } else {
    }
    %jit3A_862 = arith.constant 2 : i32
    %jit3A_863 = arith.constant 0 : i32
    %select_n3A_864 = arith.select %le3A_858, %jit3A_862, %jit3A_863 : i32
    %add3A_865 = arith.addi %add3A_855, %select_n3A_864 : i32
    %add3A_866 = arith.constant 64 : i32
    %add3A_867 = arith.addi %add3A_866, %add3A : i32
    %mul3A_868 = arith.constant 32 : i32
    %mul3A_869 = arith.muli %add3A_867, %mul3A_868 : i32
    %dma_wait3A_870 = arith.constant 0 : i32
    %dma_wait3A_871 = arith.constant 0 : i32
    %dma_wait3A_872 = tpu.memref_slice %arg3[%dma_wait3A_870, %dma_wait3A_871] : memref<8192x1024xf32, #tpu.memory_space<hbm>> -> memref<8192x1024xf32, #tpu.memory_space<hbm>>
    tpu.wait_indirect_dma semaphore(%arg16 : memref<!tpu.dma_semaphore, #tpu.memory_space<semaphore_mem>>) src(%dma_wait3A_872 : memref<8192x1024xf32, #tpu.memory_space<hbm>>) dst(%arg5 : memref<32x1024xf32, #tpu.memory_space<vmem>>)
    %sub3A_873 = arith.subi %add3A_865, %add3A_746 : i32
    %while3A_874 = arith.constant 0 : i32
    %while3A_875 = arith.constant 0 : i32
    %while3A_876 = arith.subi %sub3A_873, %while3A_875 : i32
    %while3A_877 = arith.addi %while3A_875, %while3A_876 : i32
    %while3A_878 = arith.constant 1 : i32
    %while3A_879 = arith.divsi %while3A_876, %while3A_878 : i32
    %while3A_880 = arith.muli %while3A_879, %while3A_878 : i32
    %while3A_881 = arith.addi %while3A_875, %while3A_880 : i32
    %while3A_882 = arith.constant 1 : i32
    scf.for %while3A_1093 = %while3A_875 to %while3A_881 step %while3A_882  : i32 {
      %dma_wait3A_1094 = arith.constant 0 : i32
      %dma_wait3A_1095 = arith.constant 0 : i32
      %dma_wait3A_1096 = arith.constant 0 : i32
      %dma_wait3A_1097 = tpu.memref_slice %arg4[%dma_wait3A_1094, %dma_wait3A_1095, %dma_wait3A_1096] : memref<8x4096x1024xf32, #tpu.memory_space<hbm>> -> memref<1x16x1024xf32, #tpu.memory_space<hbm>>
      %dma_wait3A_1098 = tpu.memref_squeeze %dma_wait3A_1097 : memref<1x16x1024xf32, #tpu.memory_space<hbm>> -> memref<16x1024xf32, #tpu.memory_space<hbm>>
      %dma_wait3A_1099 = arith.constant 0 : i32
      %dma_wait3A_1100 = arith.constant 0 : i32
      %dma_wait3A_1101 = tpu.memref_slice %arg4[%dma_wait3A_1094, %dma_wait3A_1099, %dma_wait3A_1100] : memref<8x4096x1024xf32, #tpu.memory_space<hbm>> -> memref<1x16x1024xf32, #tpu.memory_space<hbm>>
      %dma_wait3A_1102 = tpu.memref_squeeze %dma_wait3A_1101 : memref<1x16x1024xf32, #tpu.memory_space<hbm>> -> memref<16x1024xf32, #tpu.memory_space<hbm>>
      tpu.wait_dma2 semaphore(%arg18 : memref<!tpu.dma_semaphore, #tpu.memory_space<semaphore_mem>>) src(%arg7 : memref<16x1024xf32, #tpu.memory_space<vmem>>) dst(%dma_wait3A_1102 : memref<16x1024xf32, #tpu.memory_space<hbm>>)
    }
    %while3A_883 = arith.constant 1 : i32
    scf.for %while3A_1093 = %while3A_881 to %while3A_877 step %while3A_883  : i32 {
      %dma_wait3A_1094 = arith.constant 0 : i32
      %dma_wait3A_1095 = arith.constant 0 : i32
      %dma_wait3A_1096 = arith.constant 0 : i32
      %dma_wait3A_1097 = tpu.memref_slice %arg4[%dma_wait3A_1094, %dma_wait3A_1095, %dma_wait3A_1096] : memref<8x4096x1024xf32, #tpu.memory_space<hbm>> -> memref<1x16x1024xf32, #tpu.memory_space<hbm>>
      %dma_wait3A_1098 = tpu.memref_squeeze %dma_wait3A_1097 : memref<1x16x1024xf32, #tpu.memory_space<hbm>> -> memref<16x1024xf32, #tpu.memory_space<hbm>>
      %dma_wait3A_1099 = arith.constant 0 : i32
      %dma_wait3A_1100 = arith.constant 0 : i32
      %dma_wait3A_1101 = tpu.memref_slice %arg4[%dma_wait3A_1094, %dma_wait3A_1099, %dma_wait3A_1100] : memref<8x4096x1024xf32, #tpu.memory_space<hbm>> -> memref<1x16x1024xf32, #tpu.memory_space<hbm>>
      %dma_wait3A_1102 = tpu.memref_squeeze %dma_wait3A_1101 : memref<1x16x1024xf32, #tpu.memory_space<hbm>> -> memref<16x1024xf32, #tpu.memory_space<hbm>>
      tpu.wait_dma2 semaphore(%arg18 : memref<!tpu.dma_semaphore, #tpu.memory_space<semaphore_mem>>) src(%arg7 : memref<16x1024xf32, #tpu.memory_space<vmem>>) dst(%dma_wait3A_1102 : memref<16x1024xf32, #tpu.memory_space<hbm>>)
    }
    %add3A_884 = arith.constant 96 : i32
    %add3A_885 = arith.addi %add3A_884, %add3A : i32
    %mul3A_886 = arith.constant 32 : i32
    %mul3A_887 = arith.muli %add3A_885, %mul3A_886 : i32
    %add3A_888 = arith.constant 2 : i32
    %add3A_889 = arith.addi %mul3A_887, %add3A_888 : i32
    %add3A_890 = vector.broadcast %add3A_889 : i32 to vector<16xi32>
    %add3A_891 = arith.addi %iota3A, %add3A_890 : vector<16xi32>
    %swap3A_892 = arith.constant 0 : index
    %swap3A_893 = tpu.vector_load %arg13[%swap3A_892] {strides = array<i32>} : memref<32xi32, #tpu.memory_space<vmem>>, vector<16xi32>,
    tpu.vector_store %arg13[%swap3A_892], %add3A_891 {strides = array<i32>} : memref<32xi32, #tpu.memory_space<vmem>>, vector<16xi32>,
    %add3A_894 = arith.constant 2 : i32
    %add3A_895 = arith.addi %mul3A_887, %add3A_894 : i32
    %add3A_896 = arith.constant 16 : i32
    %add3A_897 = arith.addi %add3A_895, %add3A_896 : i32
    %add3A_898 = vector.broadcast %add3A_897 : i32 to vector<16xi32>
    %add3A_899 = arith.addi %iota3A, %add3A_898 : vector<16xi32>
    %swap3A_900 = arith.constant 16 : index
    %swap3A_901 = tpu.vector_load %arg13[%swap3A_900] {strides = array<i32>} : memref<32xi32, #tpu.memory_space<vmem>>, vector<16xi32>,
    tpu.vector_store %arg13[%swap3A_900], %add3A_899 {strides = array<i32>} : memref<32xi32, #tpu.memory_space<vmem>>, vector<16xi32>,
    %dma_start3A_902 = arith.constant 0 : i32
    %dma_start3A_903 = arith.constant 0 : i32
    %dma_start3A_904 = tpu.memref_slice %arg3[%dma_start3A_902, %dma_start3A_903] : memref<8192x1024xf32, #tpu.memory_space<hbm>> -> memref<8192x1024xf32, #tpu.memory_space<hbm>>
    tpu.enqueue_indirect_dma source(%dma_start3A_904 : memref<8192x1024xf32, #tpu.memory_space<hbm>>) target(%arg6 : memref<32x1024xf32, #tpu.memory_space<vmem>>) offsets(%arg13 : memref<32xi32, #tpu.memory_space<vmem>>) semaphore(%arg16 : memref<!tpu.dma_semaphore, #tpu.memory_space<semaphore_mem>>)
    %add3A_905 = arith.constant 32 : i32
    %add3A_906 = arith.addi %mul3A_869, %add3A_905 : i32
    %le3A_907 = arith.cmpi sle, %add3A_906, %reduce_sum3A_188 : i32
    %convert_element_type3A_908 = arith.extui %le3A_907 : i1 to i32
    %cond3A_909 = arith.constant 0 : i32
    %cond3A_910 = arith.cmpi ne, %convert_element_type3A_908, %cond3A_909 : i32
    scf.if %cond3A_910 {
      %dma_start3A_1093 = arith.constant 0 : i32
      %dma_start3A_1094 = arith.constant 0 : i32
      %dma_start3A_1095 = tpu.memref_slice %arg4[%dma_start3A_1093, %mul3A_869, %dma_start3A_1094] : memref<8x4096x1024xf32, #tpu.memory_space<hbm>> -> memref<1x32x1024xf32, #tpu.memory_space<hbm>>
      %dma_start3A_1096 = tpu.memref_squeeze %dma_start3A_1095 : memref<1x32x1024xf32, #tpu.memory_space<hbm>> -> memref<32x1024xf32, #tpu.memory_space<hbm>>
      %dma_start3A_1097 = arith.constant 0 : i32
      %dma_start3A_1098 = tpu.memref_slice %arg4[%dma_start3A_1093, %mul3A_869, %dma_start3A_1097] : memref<8x4096x1024xf32, #tpu.memory_space<hbm>> -> memref<1x32x1024xf32, #tpu.memory_space<hbm>>
      %dma_start3A_1099 = tpu.memref_squeeze %dma_start3A_1098 : memref<1x32x1024xf32, #tpu.memory_space<hbm>> -> memref<32x1024xf32, #tpu.memory_space<hbm>>
      tpu.enqueue_dma source(%arg5 : memref<32x1024xf32, #tpu.memory_space<vmem>>) target(%dma_start3A_1099 : memref<32x1024xf32, #tpu.memory_space<hbm>>) target_semaphore(%arg18 : memref<!tpu.dma_semaphore, #tpu.memory_space<semaphore_mem>>)
    } else {
    }
    %jit3A_911 = arith.constant 2 : i32
    %jit3A_912 = arith.constant 0 : i32
    %select_n3A_913 = arith.select %le3A_907, %jit3A_911, %jit3A_912 : i32
    %add3A_914 = arith.addi %add3A_865, %select_n3A_913 : i32
    %add3A_915 = arith.constant 32 : i32
    %add3A_916 = arith.addi %mul3A_869, %add3A_915 : i32
    %le3A_917 = arith.cmpi sle, %add3A_916, %reduce_sum3A_192 : i32
    %convert_element_type3A_918 = arith.extui %le3A_917 : i1 to i32
    %cond3A_919 = arith.constant 0 : i32
    %cond3A_920 = arith.cmpi ne, %convert_element_type3A_918, %cond3A_919 : i32
    scf.if %cond3A_920 {
      %dma_start3A_1093 = arith.constant 1 : i32
      %dma_start3A_1094 = arith.constant 0 : i32
      %dma_start3A_1095 = tpu.memref_slice %arg4[%dma_start3A_1093, %mul3A_869, %dma_start3A_1094] : memref<8x4096x1024xf32, #tpu.memory_space<hbm>> -> memref<1x32x1024xf32, #tpu.memory_space<hbm>>
      %dma_start3A_1096 = tpu.memref_squeeze %dma_start3A_1095 : memref<1x32x1024xf32, #tpu.memory_space<hbm>> -> memref<32x1024xf32, #tpu.memory_space<hbm>>
      %dma_start3A_1097 = arith.constant 0 : i32
      %dma_start3A_1098 = tpu.memref_slice %arg4[%dma_start3A_1093, %mul3A_869, %dma_start3A_1097] : memref<8x4096x1024xf32, #tpu.memory_space<hbm>> -> memref<1x32x1024xf32, #tpu.memory_space<hbm>>
      %dma_start3A_1099 = tpu.memref_squeeze %dma_start3A_1098 : memref<1x32x1024xf32, #tpu.memory_space<hbm>> -> memref<32x1024xf32, #tpu.memory_space<hbm>>
      tpu.enqueue_dma source(%arg5 : memref<32x1024xf32, #tpu.memory_space<vmem>>) target(%dma_start3A_1099 : memref<32x1024xf32, #tpu.memory_space<hbm>>) target_semaphore(%arg18 : memref<!tpu.dma_semaphore, #tpu.memory_space<semaphore_mem>>)
    } else {
    }
    %jit3A_921 = arith.constant 2 : i32
    %jit3A_922 = arith.constant 0 : i32
    %select_n3A_923 = arith.select %le3A_917, %jit3A_921, %jit3A_922 : i32
    %add3A_924 = arith.addi %add3A_914, %select_n3A_923 : i32
    %add3A_925 = arith.constant 32 : i32
    %add3A_926 = arith.addi %mul3A_869, %add3A_925 : i32
    %le3A_927 = arith.cmpi sle, %add3A_926, %reduce_sum3A_196 : i32
    %convert_element_type3A_928 = arith.extui %le3A_927 : i1 to i32
    %cond3A_929 = arith.constant 0 : i32
    %cond3A_930 = arith.cmpi ne, %convert_element_type3A_928, %cond3A_929 : i32
    scf.if %cond3A_930 {
      %dma_start3A_1093 = arith.constant 2 : i32
      %dma_start3A_1094 = arith.constant 0 : i32
      %dma_start3A_1095 = tpu.memref_slice %arg4[%dma_start3A_1093, %mul3A_869, %dma_start3A_1094] : memref<8x4096x1024xf32, #tpu.memory_space<hbm>> -> memref<1x32x1024xf32, #tpu.memory_space<hbm>>
      %dma_start3A_1096 = tpu.memref_squeeze %dma_start3A_1095 : memref<1x32x1024xf32, #tpu.memory_space<hbm>> -> memref<32x1024xf32, #tpu.memory_space<hbm>>
      %dma_start3A_1097 = arith.constant 0 : i32
      %dma_start3A_1098 = tpu.memref_slice %arg4[%dma_start3A_1093, %mul3A_869, %dma_start3A_1097] : memref<8x4096x1024xf32, #tpu.memory_space<hbm>> -> memref<1x32x1024xf32, #tpu.memory_space<hbm>>
      %dma_start3A_1099 = tpu.memref_squeeze %dma_start3A_1098 : memref<1x32x1024xf32, #tpu.memory_space<hbm>> -> memref<32x1024xf32, #tpu.memory_space<hbm>>
      tpu.enqueue_dma source(%arg5 : memref<32x1024xf32, #tpu.memory_space<vmem>>) target(%dma_start3A_1099 : memref<32x1024xf32, #tpu.memory_space<hbm>>) target_semaphore(%arg18 : memref<!tpu.dma_semaphore, #tpu.memory_space<semaphore_mem>>)
    } else {
    }
    %jit3A_931 = arith.constant 2 : i32
    %jit3A_932 = arith.constant 0 : i32
    %select_n3A_933 = arith.select %le3A_927, %jit3A_931, %jit3A_932 : i32
    %add3A_934 = arith.addi %add3A_924, %select_n3A_933 : i32
    %add3A_935 = arith.constant 32 : i32
    %add3A_936 = arith.addi %mul3A_869, %add3A_935 : i32
    %le3A_937 = arith.cmpi sle, %add3A_936, %reduce_sum3A_200 : i32
    %convert_element_type3A_938 = arith.extui %le3A_937 : i1 to i32
    %cond3A_939 = arith.constant 0 : i32
    %cond3A_940 = arith.cmpi ne, %convert_element_type3A_938, %cond3A_939 : i32
    scf.if %cond3A_940 {
      %dma_start3A_1093 = arith.constant 3 : i32
      %dma_start3A_1094 = arith.constant 0 : i32
      %dma_start3A_1095 = tpu.memref_slice %arg4[%dma_start3A_1093, %mul3A_869, %dma_start3A_1094] : memref<8x4096x1024xf32, #tpu.memory_space<hbm>> -> memref<1x32x1024xf32, #tpu.memory_space<hbm>>
      %dma_start3A_1096 = tpu.memref_squeeze %dma_start3A_1095 : memref<1x32x1024xf32, #tpu.memory_space<hbm>> -> memref<32x1024xf32, #tpu.memory_space<hbm>>
      %dma_start3A_1097 = arith.constant 0 : i32
      %dma_start3A_1098 = tpu.memref_slice %arg4[%dma_start3A_1093, %mul3A_869, %dma_start3A_1097] : memref<8x4096x1024xf32, #tpu.memory_space<hbm>> -> memref<1x32x1024xf32, #tpu.memory_space<hbm>>
      %dma_start3A_1099 = tpu.memref_squeeze %dma_start3A_1098 : memref<1x32x1024xf32, #tpu.memory_space<hbm>> -> memref<32x1024xf32, #tpu.memory_space<hbm>>
      tpu.enqueue_dma source(%arg5 : memref<32x1024xf32, #tpu.memory_space<vmem>>) target(%dma_start3A_1099 : memref<32x1024xf32, #tpu.memory_space<hbm>>) target_semaphore(%arg18 : memref<!tpu.dma_semaphore, #tpu.memory_space<semaphore_mem>>)
    } else {
    }
    %jit3A_941 = arith.constant 2 : i32
    %jit3A_942 = arith.constant 0 : i32
    %select_n3A_943 = arith.select %le3A_937, %jit3A_941, %jit3A_942 : i32
    %add3A_944 = arith.addi %add3A_934, %select_n3A_943 : i32
    %add3A_945 = arith.constant 32 : i32
    %add3A_946 = arith.addi %mul3A_869, %add3A_945 : i32
    %le3A_947 = arith.cmpi sle, %add3A_946, %reduce_sum3A_204 : i32
    %convert_element_type3A_948 = arith.extui %le3A_947 : i1 to i32
    %cond3A_949 = arith.constant 0 : i32
    %cond3A_950 = arith.cmpi ne, %convert_element_type3A_948, %cond3A_949 : i32
    scf.if %cond3A_950 {
      %dma_start3A_1093 = arith.constant 4 : i32
      %dma_start3A_1094 = arith.constant 0 : i32
      %dma_start3A_1095 = tpu.memref_slice %arg4[%dma_start3A_1093, %mul3A_869, %dma_start3A_1094] : memref<8x4096x1024xf32, #tpu.memory_space<hbm>> -> memref<1x32x1024xf32, #tpu.memory_space<hbm>>
      %dma_start3A_1096 = tpu.memref_squeeze %dma_start3A_1095 : memref<1x32x1024xf32, #tpu.memory_space<hbm>> -> memref<32x1024xf32, #tpu.memory_space<hbm>>
      %dma_start3A_1097 = arith.constant 0 : i32
      %dma_start3A_1098 = tpu.memref_slice %arg4[%dma_start3A_1093, %mul3A_869, %dma_start3A_1097] : memref<8x4096x1024xf32, #tpu.memory_space<hbm>> -> memref<1x32x1024xf32, #tpu.memory_space<hbm>>
      %dma_start3A_1099 = tpu.memref_squeeze %dma_start3A_1098 : memref<1x32x1024xf32, #tpu.memory_space<hbm>> -> memref<32x1024xf32, #tpu.memory_space<hbm>>
      tpu.enqueue_dma source(%arg5 : memref<32x1024xf32, #tpu.memory_space<vmem>>) target(%dma_start3A_1099 : memref<32x1024xf32, #tpu.memory_space<hbm>>) target_semaphore(%arg18 : memref<!tpu.dma_semaphore, #tpu.memory_space<semaphore_mem>>)
    } else {
    }
    %jit3A_951 = arith.constant 2 : i32
    %jit3A_952 = arith.constant 0 : i32
    %select_n3A_953 = arith.select %le3A_947, %jit3A_951, %jit3A_952 : i32
    %add3A_954 = arith.addi %add3A_944, %select_n3A_953 : i32
    %add3A_955 = arith.constant 32 : i32
    %add3A_956 = arith.addi %mul3A_869, %add3A_955 : i32
    %le3A_957 = arith.cmpi sle, %add3A_956, %reduce_sum3A_208 : i32
    %convert_element_type3A_958 = arith.extui %le3A_957 : i1 to i32
    %cond3A_959 = arith.constant 0 : i32
    %cond3A_960 = arith.cmpi ne, %convert_element_type3A_958, %cond3A_959 : i32
    scf.if %cond3A_960 {
      %dma_start3A_1093 = arith.constant 5 : i32
      %dma_start3A_1094 = arith.constant 0 : i32
      %dma_start3A_1095 = tpu.memref_slice %arg4[%dma_start3A_1093, %mul3A_869, %dma_start3A_1094] : memref<8x4096x1024xf32, #tpu.memory_space<hbm>> -> memref<1x32x1024xf32, #tpu.memory_space<hbm>>
      %dma_start3A_1096 = tpu.memref_squeeze %dma_start3A_1095 : memref<1x32x1024xf32, #tpu.memory_space<hbm>> -> memref<32x1024xf32, #tpu.memory_space<hbm>>
      %dma_start3A_1097 = arith.constant 0 : i32
      %dma_start3A_1098 = tpu.memref_slice %arg4[%dma_start3A_1093, %mul3A_869, %dma_start3A_1097] : memref<8x4096x1024xf32, #tpu.memory_space<hbm>> -> memref<1x32x1024xf32, #tpu.memory_space<hbm>>
      %dma_start3A_1099 = tpu.memref_squeeze %dma_start3A_1098 : memref<1x32x1024xf32, #tpu.memory_space<hbm>> -> memref<32x1024xf32, #tpu.memory_space<hbm>>
      tpu.enqueue_dma source(%arg5 : memref<32x1024xf32, #tpu.memory_space<vmem>>) target(%dma_start3A_1099 : memref<32x1024xf32, #tpu.memory_space<hbm>>) target_semaphore(%arg18 : memref<!tpu.dma_semaphore, #tpu.memory_space<semaphore_mem>>)
    } else {
    }
    %jit3A_961 = arith.constant 2 : i32
    %jit3A_962 = arith.constant 0 : i32
    %select_n3A_963 = arith.select %le3A_957, %jit3A_961, %jit3A_962 : i32
    %add3A_964 = arith.addi %add3A_954, %select_n3A_963 : i32
    %add3A_965 = arith.constant 32 : i32
    %add3A_966 = arith.addi %mul3A_869, %add3A_965 : i32
    %le3A_967 = arith.cmpi sle, %add3A_966, %reduce_sum3A_212 : i32
    %convert_element_type3A_968 = arith.extui %le3A_967 : i1 to i32
    %cond3A_969 = arith.constant 0 : i32
    %cond3A_970 = arith.cmpi ne, %convert_element_type3A_968, %cond3A_969 : i32
    scf.if %cond3A_970 {
      %dma_start3A_1093 = arith.constant 6 : i32
      %dma_start3A_1094 = arith.constant 0 : i32
      %dma_start3A_1095 = tpu.memref_slice %arg4[%dma_start3A_1093, %mul3A_869, %dma_start3A_1094] : memref<8x4096x1024xf32, #tpu.memory_space<hbm>> -> memref<1x32x1024xf32, #tpu.memory_space<hbm>>
      %dma_start3A_1096 = tpu.memref_squeeze %dma_start3A_1095 : memref<1x32x1024xf32, #tpu.memory_space<hbm>> -> memref<32x1024xf32, #tpu.memory_space<hbm>>
      %dma_start3A_1097 = arith.constant 0 : i32
      %dma_start3A_1098 = tpu.memref_slice %arg4[%dma_start3A_1093, %mul3A_869, %dma_start3A_1097] : memref<8x4096x1024xf32, #tpu.memory_space<hbm>> -> memref<1x32x1024xf32, #tpu.memory_space<hbm>>
      %dma_start3A_1099 = tpu.memref_squeeze %dma_start3A_1098 : memref<1x32x1024xf32, #tpu.memory_space<hbm>> -> memref<32x1024xf32, #tpu.memory_space<hbm>>
      tpu.enqueue_dma source(%arg5 : memref<32x1024xf32, #tpu.memory_space<vmem>>) target(%dma_start3A_1099 : memref<32x1024xf32, #tpu.memory_space<hbm>>) target_semaphore(%arg18 : memref<!tpu.dma_semaphore, #tpu.memory_space<semaphore_mem>>)
    } else {
    }
    %jit3A_971 = arith.constant 2 : i32
    %jit3A_972 = arith.constant 0 : i32
    %select_n3A_973 = arith.select %le3A_967, %jit3A_971, %jit3A_972 : i32
    %add3A_974 = arith.addi %add3A_964, %select_n3A_973 : i32
    %add3A_975 = arith.constant 32 : i32
    %add3A_976 = arith.addi %mul3A_869, %add3A_975 : i32
    %le3A_977 = arith.cmpi sle, %add3A_976, %reduce_sum3A_216 : i32
    %convert_element_type3A_978 = arith.extui %le3A_977 : i1 to i32
    %cond3A_979 = arith.constant 0 : i32
    %cond3A_980 = arith.cmpi ne, %convert_element_type3A_978, %cond3A_979 : i32
    scf.if %cond3A_980 {
      %dma_start3A_1093 = arith.constant 7 : i32
      %dma_start3A_1094 = arith.constant 0 : i32
      %dma_start3A_1095 = tpu.memref_slice %arg4[%dma_start3A_1093, %mul3A_869, %dma_start3A_1094] : memref<8x4096x1024xf32, #tpu.memory_space<hbm>> -> memref<1x32x1024xf32, #tpu.memory_space<hbm>>
      %dma_start3A_1096 = tpu.memref_squeeze %dma_start3A_1095 : memref<1x32x1024xf32, #tpu.memory_space<hbm>> -> memref<32x1024xf32, #tpu.memory_space<hbm>>
      %dma_start3A_1097 = arith.constant 0 : i32
      %dma_start3A_1098 = tpu.memref_slice %arg4[%dma_start3A_1093, %mul3A_869, %dma_start3A_1097] : memref<8x4096x1024xf32, #tpu.memory_space<hbm>> -> memref<1x32x1024xf32, #tpu.memory_space<hbm>>
      %dma_start3A_1099 = tpu.memref_squeeze %dma_start3A_1098 : memref<1x32x1024xf32, #tpu.memory_space<hbm>> -> memref<32x1024xf32, #tpu.memory_space<hbm>>
      tpu.enqueue_dma source(%arg5 : memref<32x1024xf32, #tpu.memory_space<vmem>>) target(%dma_start3A_1099 : memref<32x1024xf32, #tpu.memory_space<hbm>>) target_semaphore(%arg18 : memref<!tpu.dma_semaphore, #tpu.memory_space<semaphore_mem>>)
    } else {
    }
    %jit3A_981 = arith.constant 2 : i32
    %jit3A_982 = arith.constant 0 : i32
    %select_n3A_983 = arith.select %le3A_977, %jit3A_981, %jit3A_982 : i32
    %add3A_984 = arith.addi %add3A_974, %select_n3A_983 : i32
    %add3A_985 = arith.constant 96 : i32
    %add3A_986 = arith.addi %add3A_985, %add3A : i32
    %mul3A_987 = arith.constant 32 : i32
    %mul3A_988 = arith.muli %add3A_986, %mul3A_987 : i32
    %dma_wait3A_989 = arith.constant 0 : i32
    %dma_wait3A_990 = arith.constant 0 : i32
    %dma_wait3A_991 = tpu.memref_slice %arg3[%dma_wait3A_989, %dma_wait3A_990] : memref<8192x1024xf32, #tpu.memory_space<hbm>> -> memref<8192x1024xf32, #tpu.memory_space<hbm>>
    tpu.wait_indirect_dma semaphore(%arg16 : memref<!tpu.dma_semaphore, #tpu.memory_space<semaphore_mem>>) src(%dma_wait3A_991 : memref<8192x1024xf32, #tpu.memory_space<hbm>>) dst(%arg6 : memref<32x1024xf32, #tpu.memory_space<vmem>>)
    %add3A_992 = arith.constant 32 : i32
    %add3A_993 = arith.addi %mul3A_988, %add3A_992 : i32
    %le3A_994 = arith.cmpi sle, %add3A_993, %reduce_sum3A_188 : i32
    %convert_element_type3A_995 = arith.extui %le3A_994 : i1 to i32
    %cond3A_996 = arith.constant 0 : i32
    %cond3A_997 = arith.cmpi ne, %convert_element_type3A_995, %cond3A_996 : i32
    scf.if %cond3A_997 {
      %dma_start3A_1093 = arith.constant 0 : i32
      %dma_start3A_1094 = arith.constant 0 : i32
      %dma_start3A_1095 = tpu.memref_slice %arg4[%dma_start3A_1093, %mul3A_988, %dma_start3A_1094] : memref<8x4096x1024xf32, #tpu.memory_space<hbm>> -> memref<1x32x1024xf32, #tpu.memory_space<hbm>>
      %dma_start3A_1096 = tpu.memref_squeeze %dma_start3A_1095 : memref<1x32x1024xf32, #tpu.memory_space<hbm>> -> memref<32x1024xf32, #tpu.memory_space<hbm>>
      %dma_start3A_1097 = arith.constant 0 : i32
      %dma_start3A_1098 = tpu.memref_slice %arg4[%dma_start3A_1093, %mul3A_988, %dma_start3A_1097] : memref<8x4096x1024xf32, #tpu.memory_space<hbm>> -> memref<1x32x1024xf32, #tpu.memory_space<hbm>>
      %dma_start3A_1099 = tpu.memref_squeeze %dma_start3A_1098 : memref<1x32x1024xf32, #tpu.memory_space<hbm>> -> memref<32x1024xf32, #tpu.memory_space<hbm>>
      tpu.enqueue_dma source(%arg6 : memref<32x1024xf32, #tpu.memory_space<vmem>>) target(%dma_start3A_1099 : memref<32x1024xf32, #tpu.memory_space<hbm>>) target_semaphore(%arg18 : memref<!tpu.dma_semaphore, #tpu.memory_space<semaphore_mem>>)
    } else {
    }
    %jit3A_998 = arith.constant 2 : i32
    %jit3A_999 = arith.constant 0 : i32
    %select_n3A_1000 = arith.select %le3A_994, %jit3A_998, %jit3A_999 : i32
    %add3A_1001 = arith.addi %add3A_984, %select_n3A_1000 : i32
    %add3A_1002 = arith.constant 32 : i32
    %add3A_1003 = arith.addi %mul3A_988, %add3A_1002 : i32
    %le3A_1004 = arith.cmpi sle, %add3A_1003, %reduce_sum3A_192 : i32
    %convert_element_type3A_1005 = arith.extui %le3A_1004 : i1 to i32
    %cond3A_1006 = arith.constant 0 : i32
    %cond3A_1007 = arith.cmpi ne, %convert_element_type3A_1005, %cond3A_1006 : i32
    scf.if %cond3A_1007 {
      %dma_start3A_1093 = arith.constant 1 : i32
      %dma_start3A_1094 = arith.constant 0 : i32
      %dma_start3A_1095 = tpu.memref_slice %arg4[%dma_start3A_1093, %mul3A_988, %dma_start3A_1094] : memref<8x4096x1024xf32, #tpu.memory_space<hbm>> -> memref<1x32x1024xf32, #tpu.memory_space<hbm>>
      %dma_start3A_1096 = tpu.memref_squeeze %dma_start3A_1095 : memref<1x32x1024xf32, #tpu.memory_space<hbm>> -> memref<32x1024xf32, #tpu.memory_space<hbm>>
      %dma_start3A_1097 = arith.constant 0 : i32
      %dma_start3A_1098 = tpu.memref_slice %arg4[%dma_start3A_1093, %mul3A_988, %dma_start3A_1097] : memref<8x4096x1024xf32, #tpu.memory_space<hbm>> -> memref<1x32x1024xf32, #tpu.memory_space<hbm>>
      %dma_start3A_1099 = tpu.memref_squeeze %dma_start3A_1098 : memref<1x32x1024xf32, #tpu.memory_space<hbm>> -> memref<32x1024xf32, #tpu.memory_space<hbm>>
      tpu.enqueue_dma source(%arg6 : memref<32x1024xf32, #tpu.memory_space<vmem>>) target(%dma_start3A_1099 : memref<32x1024xf32, #tpu.memory_space<hbm>>) target_semaphore(%arg18 : memref<!tpu.dma_semaphore, #tpu.memory_space<semaphore_mem>>)
    } else {
    }
    %jit3A_1008 = arith.constant 2 : i32
    %jit3A_1009 = arith.constant 0 : i32
    %select_n3A_1010 = arith.select %le3A_1004, %jit3A_1008, %jit3A_1009 : i32
    %add3A_1011 = arith.addi %add3A_1001, %select_n3A_1010 : i32
    %add3A_1012 = arith.constant 32 : i32
    %add3A_1013 = arith.addi %mul3A_988, %add3A_1012 : i32
    %le3A_1014 = arith.cmpi sle, %add3A_1013, %reduce_sum3A_196 : i32
    %convert_element_type3A_1015 = arith.extui %le3A_1014 : i1 to i32
    %cond3A_1016 = arith.constant 0 : i32
    %cond3A_1017 = arith.cmpi ne, %convert_element_type3A_1015, %cond3A_1016 : i32
    scf.if %cond3A_1017 {
      %dma_start3A_1093 = arith.constant 2 : i32
      %dma_start3A_1094 = arith.constant 0 : i32
      %dma_start3A_1095 = tpu.memref_slice %arg4[%dma_start3A_1093, %mul3A_988, %dma_start3A_1094] : memref<8x4096x1024xf32, #tpu.memory_space<hbm>> -> memref<1x32x1024xf32, #tpu.memory_space<hbm>>
      %dma_start3A_1096 = tpu.memref_squeeze %dma_start3A_1095 : memref<1x32x1024xf32, #tpu.memory_space<hbm>> -> memref<32x1024xf32, #tpu.memory_space<hbm>>
      %dma_start3A_1097 = arith.constant 0 : i32
      %dma_start3A_1098 = tpu.memref_slice %arg4[%dma_start3A_1093, %mul3A_988, %dma_start3A_1097] : memref<8x4096x1024xf32, #tpu.memory_space<hbm>> -> memref<1x32x1024xf32, #tpu.memory_space<hbm>>
      %dma_start3A_1099 = tpu.memref_squeeze %dma_start3A_1098 : memref<1x32x1024xf32, #tpu.memory_space<hbm>> -> memref<32x1024xf32, #tpu.memory_space<hbm>>
      tpu.enqueue_dma source(%arg6 : memref<32x1024xf32, #tpu.memory_space<vmem>>) target(%dma_start3A_1099 : memref<32x1024xf32, #tpu.memory_space<hbm>>) target_semaphore(%arg18 : memref<!tpu.dma_semaphore, #tpu.memory_space<semaphore_mem>>)
    } else {
    }
    %jit3A_1018 = arith.constant 2 : i32
    %jit3A_1019 = arith.constant 0 : i32
    %select_n3A_1020 = arith.select %le3A_1014, %jit3A_1018, %jit3A_1019 : i32
    %add3A_1021 = arith.addi %add3A_1011, %select_n3A_1020 : i32
    %add3A_1022 = arith.constant 32 : i32
    %add3A_1023 = arith.addi %mul3A_988, %add3A_1022 : i32
    %le3A_1024 = arith.cmpi sle, %add3A_1023, %reduce_sum3A_200 : i32
    %convert_element_type3A_1025 = arith.extui %le3A_1024 : i1 to i32
    %cond3A_1026 = arith.constant 0 : i32
    %cond3A_1027 = arith.cmpi ne, %convert_element_type3A_1025, %cond3A_1026 : i32
    scf.if %cond3A_1027 {
      %dma_start3A_1093 = arith.constant 3 : i32
      %dma_start3A_1094 = arith.constant 0 : i32
      %dma_start3A_1095 = tpu.memref_slice %arg4[%dma_start3A_1093, %mul3A_988, %dma_start3A_1094] : memref<8x4096x1024xf32, #tpu.memory_space<hbm>> -> memref<1x32x1024xf32, #tpu.memory_space<hbm>>
      %dma_start3A_1096 = tpu.memref_squeeze %dma_start3A_1095 : memref<1x32x1024xf32, #tpu.memory_space<hbm>> -> memref<32x1024xf32, #tpu.memory_space<hbm>>
      %dma_start3A_1097 = arith.constant 0 : i32
      %dma_start3A_1098 = tpu.memref_slice %arg4[%dma_start3A_1093, %mul3A_988, %dma_start3A_1097] : memref<8x4096x1024xf32, #tpu.memory_space<hbm>> -> memref<1x32x1024xf32, #tpu.memory_space<hbm>>
      %dma_start3A_1099 = tpu.memref_squeeze %dma_start3A_1098 : memref<1x32x1024xf32, #tpu.memory_space<hbm>> -> memref<32x1024xf32, #tpu.memory_space<hbm>>
      tpu.enqueue_dma source(%arg6 : memref<32x1024xf32, #tpu.memory_space<vmem>>) target(%dma_start3A_1099 : memref<32x1024xf32, #tpu.memory_space<hbm>>) target_semaphore(%arg18 : memref<!tpu.dma_semaphore, #tpu.memory_space<semaphore_mem>>)
    } else {
    }
    %jit3A_1028 = arith.constant 2 : i32
    %jit3A_1029 = arith.constant 0 : i32
    %select_n3A_1030 = arith.select %le3A_1024, %jit3A_1028, %jit3A_1029 : i32
    %add3A_1031 = arith.addi %add3A_1021, %select_n3A_1030 : i32
    %add3A_1032 = arith.constant 32 : i32
    %add3A_1033 = arith.addi %mul3A_988, %add3A_1032 : i32
    %le3A_1034 = arith.cmpi sle, %add3A_1033, %reduce_sum3A_204 : i32
    %convert_element_type3A_1035 = arith.extui %le3A_1034 : i1 to i32
    %cond3A_1036 = arith.constant 0 : i32
    %cond3A_1037 = arith.cmpi ne, %convert_element_type3A_1035, %cond3A_1036 : i32
    scf.if %cond3A_1037 {
      %dma_start3A_1093 = arith.constant 4 : i32
      %dma_start3A_1094 = arith.constant 0 : i32
      %dma_start3A_1095 = tpu.memref_slice %arg4[%dma_start3A_1093, %mul3A_988, %dma_start3A_1094] : memref<8x4096x1024xf32, #tpu.memory_space<hbm>> -> memref<1x32x1024xf32, #tpu.memory_space<hbm>>
      %dma_start3A_1096 = tpu.memref_squeeze %dma_start3A_1095 : memref<1x32x1024xf32, #tpu.memory_space<hbm>> -> memref<32x1024xf32, #tpu.memory_space<hbm>>
      %dma_start3A_1097 = arith.constant 0 : i32
      %dma_start3A_1098 = tpu.memref_slice %arg4[%dma_start3A_1093, %mul3A_988, %dma_start3A_1097] : memref<8x4096x1024xf32, #tpu.memory_space<hbm>> -> memref<1x32x1024xf32, #tpu.memory_space<hbm>>
      %dma_start3A_1099 = tpu.memref_squeeze %dma_start3A_1098 : memref<1x32x1024xf32, #tpu.memory_space<hbm>> -> memref<32x1024xf32, #tpu.memory_space<hbm>>
      tpu.enqueue_dma source(%arg6 : memref<32x1024xf32, #tpu.memory_space<vmem>>) target(%dma_start3A_1099 : memref<32x1024xf32, #tpu.memory_space<hbm>>) target_semaphore(%arg18 : memref<!tpu.dma_semaphore, #tpu.memory_space<semaphore_mem>>)
    } else {
    }
    %jit3A_1038 = arith.constant 2 : i32
    %jit3A_1039 = arith.constant 0 : i32
    %select_n3A_1040 = arith.select %le3A_1034, %jit3A_1038, %jit3A_1039 : i32
    %add3A_1041 = arith.addi %add3A_1031, %select_n3A_1040 : i32
    %add3A_1042 = arith.constant 32 : i32
    %add3A_1043 = arith.addi %mul3A_988, %add3A_1042 : i32
    %le3A_1044 = arith.cmpi sle, %add3A_1043, %reduce_sum3A_208 : i32
    %convert_element_type3A_1045 = arith.extui %le3A_1044 : i1 to i32
    %cond3A_1046 = arith.constant 0 : i32
    %cond3A_1047 = arith.cmpi ne, %convert_element_type3A_1045, %cond3A_1046 : i32
    scf.if %cond3A_1047 {
      %dma_start3A_1093 = arith.constant 5 : i32
      %dma_start3A_1094 = arith.constant 0 : i32
      %dma_start3A_1095 = tpu.memref_slice %arg4[%dma_start3A_1093, %mul3A_988, %dma_start3A_1094] : memref<8x4096x1024xf32, #tpu.memory_space<hbm>> -> memref<1x32x1024xf32, #tpu.memory_space<hbm>>
      %dma_start3A_1096 = tpu.memref_squeeze %dma_start3A_1095 : memref<1x32x1024xf32, #tpu.memory_space<hbm>> -> memref<32x1024xf32, #tpu.memory_space<hbm>>
      %dma_start3A_1097 = arith.constant 0 : i32
      %dma_start3A_1098 = tpu.memref_slice %arg4[%dma_start3A_1093, %mul3A_988, %dma_start3A_1097] : memref<8x4096x1024xf32, #tpu.memory_space<hbm>> -> memref<1x32x1024xf32, #tpu.memory_space<hbm>>
      %dma_start3A_1099 = tpu.memref_squeeze %dma_start3A_1098 : memref<1x32x1024xf32, #tpu.memory_space<hbm>> -> memref<32x1024xf32, #tpu.memory_space<hbm>>
      tpu.enqueue_dma source(%arg6 : memref<32x1024xf32, #tpu.memory_space<vmem>>) target(%dma_start3A_1099 : memref<32x1024xf32, #tpu.memory_space<hbm>>) target_semaphore(%arg18 : memref<!tpu.dma_semaphore, #tpu.memory_space<semaphore_mem>>)
    } else {
    }
    %jit3A_1048 = arith.constant 2 : i32
    %jit3A_1049 = arith.constant 0 : i32
    %select_n3A_1050 = arith.select %le3A_1044, %jit3A_1048, %jit3A_1049 : i32
    %add3A_1051 = arith.addi %add3A_1041, %select_n3A_1050 : i32
    %add3A_1052 = arith.constant 32 : i32
    %add3A_1053 = arith.addi %mul3A_988, %add3A_1052 : i32
    %le3A_1054 = arith.cmpi sle, %add3A_1053, %reduce_sum3A_212 : i32
    %convert_element_type3A_1055 = arith.extui %le3A_1054 : i1 to i32
    %cond3A_1056 = arith.constant 0 : i32
    %cond3A_1057 = arith.cmpi ne, %convert_element_type3A_1055, %cond3A_1056 : i32
    scf.if %cond3A_1057 {
      %dma_start3A_1093 = arith.constant 6 : i32
      %dma_start3A_1094 = arith.constant 0 : i32
      %dma_start3A_1095 = tpu.memref_slice %arg4[%dma_start3A_1093, %mul3A_988, %dma_start3A_1094] : memref<8x4096x1024xf32, #tpu.memory_space<hbm>> -> memref<1x32x1024xf32, #tpu.memory_space<hbm>>
      %dma_start3A_1096 = tpu.memref_squeeze %dma_start3A_1095 : memref<1x32x1024xf32, #tpu.memory_space<hbm>> -> memref<32x1024xf32, #tpu.memory_space<hbm>>
      %dma_start3A_1097 = arith.constant 0 : i32
      %dma_start3A_1098 = tpu.memref_slice %arg4[%dma_start3A_1093, %mul3A_988, %dma_start3A_1097] : memref<8x4096x1024xf32, #tpu.memory_space<hbm>> -> memref<1x32x1024xf32, #tpu.memory_space<hbm>>
      %dma_start3A_1099 = tpu.memref_squeeze %dma_start3A_1098 : memref<1x32x1024xf32, #tpu.memory_space<hbm>> -> memref<32x1024xf32, #tpu.memory_space<hbm>>
      tpu.enqueue_dma source(%arg6 : memref<32x1024xf32, #tpu.memory_space<vmem>>) target(%dma_start3A_1099 : memref<32x1024xf32, #tpu.memory_space<hbm>>) target_semaphore(%arg18 : memref<!tpu.dma_semaphore, #tpu.memory_space<semaphore_mem>>)
    } else {
    }
    %jit3A_1058 = arith.constant 2 : i32
    %jit3A_1059 = arith.constant 0 : i32
    %select_n3A_1060 = arith.select %le3A_1054, %jit3A_1058, %jit3A_1059 : i32
    %add3A_1061 = arith.addi %add3A_1051, %select_n3A_1060 : i32
    %add3A_1062 = arith.constant 32 : i32
    %add3A_1063 = arith.addi %mul3A_988, %add3A_1062 : i32
    %le3A_1064 = arith.cmpi sle, %add3A_1063, %reduce_sum3A_216 : i32
    %convert_element_type3A_1065 = arith.extui %le3A_1064 : i1 to i32
    %cond3A_1066 = arith.constant 0 : i32
    %cond3A_1067 = arith.cmpi ne, %convert_element_type3A_1065, %cond3A_1066 : i32
    scf.if %cond3A_1067 {
      %dma_start3A_1093 = arith.constant 7 : i32
      %dma_start3A_1094 = arith.constant 0 : i32
      %dma_start3A_1095 = tpu.memref_slice %arg4[%dma_start3A_1093, %mul3A_988, %dma_start3A_1094] : memref<8x4096x1024xf32, #tpu.memory_space<hbm>> -> memref<1x32x1024xf32, #tpu.memory_space<hbm>>
      %dma_start3A_1096 = tpu.memref_squeeze %dma_start3A_1095 : memref<1x32x1024xf32, #tpu.memory_space<hbm>> -> memref<32x1024xf32, #tpu.memory_space<hbm>>
      %dma_start3A_1097 = arith.constant 0 : i32
      %dma_start3A_1098 = tpu.memref_slice %arg4[%dma_start3A_1093, %mul3A_988, %dma_start3A_1097] : memref<8x4096x1024xf32, #tpu.memory_space<hbm>> -> memref<1x32x1024xf32, #tpu.memory_space<hbm>>
      %dma_start3A_1099 = tpu.memref_squeeze %dma_start3A_1098 : memref<1x32x1024xf32, #tpu.memory_space<hbm>> -> memref<32x1024xf32, #tpu.memory_space<hbm>>
      tpu.enqueue_dma source(%arg6 : memref<32x1024xf32, #tpu.memory_space<vmem>>) target(%dma_start3A_1099 : memref<32x1024xf32, #tpu.memory_space<hbm>>) target_semaphore(%arg18 : memref<!tpu.dma_semaphore, #tpu.memory_space<semaphore_mem>>)
    } else {
    }
    %jit3A_1068 = arith.constant 2 : i32
    %jit3A_1069 = arith.constant 0 : i32
    %select_n3A_1070 = arith.select %le3A_1064, %jit3A_1068, %jit3A_1069 : i32
    %add3A_1071 = arith.addi %add3A_1061, %select_n3A_1070 : i32
    %sub3A_1072 = arith.subi %add3A_1071, %add3A_865 : i32
    %while3A_1073 = arith.constant 0 : i32
    %while3A_1074 = arith.constant 0 : i32
    %while3A_1075 = arith.subi %sub3A_1072, %while3A_1074 : i32
    %while3A_1076 = arith.addi %while3A_1074, %while3A_1075 : i32
    %while3A_1077 = arith.constant 1 : i32
    %while3A_1078 = arith.divsi %while3A_1075, %while3A_1077 : i32
    %while3A_1079 = arith.muli %while3A_1078, %while3A_1077 : i32
    %while3A_1080 = arith.addi %while3A_1074, %while3A_1079 : i32
    %while3A_1081 = arith.constant 1 : i32
    scf.for %while3A_1093 = %while3A_1074 to %while3A_1080 step %while3A_1081  : i32 {
      %dma_wait3A_1094 = arith.constant 0 : i32
      %dma_wait3A_1095 = arith.constant 0 : i32
      %dma_wait3A_1096 = arith.constant 0 : i32
      %dma_wait3A_1097 = tpu.memref_slice %arg4[%dma_wait3A_1094, %dma_wait3A_1095, %dma_wait3A_1096] : memref<8x4096x1024xf32, #tpu.memory_space<hbm>> -> memref<1x16x1024xf32, #tpu.memory_space<hbm>>
      %dma_wait3A_1098 = tpu.memref_squeeze %dma_wait3A_1097 : memref<1x16x1024xf32, #tpu.memory_space<hbm>> -> memref<16x1024xf32, #tpu.memory_space<hbm>>
      %dma_wait3A_1099 = arith.constant 0 : i32
      %dma_wait3A_1100 = arith.constant 0 : i32
      %dma_wait3A_1101 = tpu.memref_slice %arg4[%dma_wait3A_1094, %dma_wait3A_1099, %dma_wait3A_1100] : memref<8x4096x1024xf32, #tpu.memory_space<hbm>> -> memref<1x16x1024xf32, #tpu.memory_space<hbm>>
      %dma_wait3A_1102 = tpu.memref_squeeze %dma_wait3A_1101 : memref<1x16x1024xf32, #tpu.memory_space<hbm>> -> memref<16x1024xf32, #tpu.memory_space<hbm>>
      tpu.wait_dma2 semaphore(%arg18 : memref<!tpu.dma_semaphore, #tpu.memory_space<semaphore_mem>>) src(%arg7 : memref<16x1024xf32, #tpu.memory_space<vmem>>) dst(%dma_wait3A_1102 : memref<16x1024xf32, #tpu.memory_space<hbm>>)
    }
    %while3A_1082 = arith.constant 1 : i32
    scf.for %while3A_1093 = %while3A_1080 to %while3A_1076 step %while3A_1082  : i32 {
      %dma_wait3A_1094 = arith.constant 0 : i32
      %dma_wait3A_1095 = arith.constant 0 : i32
      %dma_wait3A_1096 = arith.constant 0 : i32
      %dma_wait3A_1097 = tpu.memref_slice %arg4[%dma_wait3A_1094, %dma_wait3A_1095, %dma_wait3A_1096] : memref<8x4096x1024xf32, #tpu.memory_space<hbm>> -> memref<1x16x1024xf32, #tpu.memory_space<hbm>>
      %dma_wait3A_1098 = tpu.memref_squeeze %dma_wait3A_1097 : memref<1x16x1024xf32, #tpu.memory_space<hbm>> -> memref<16x1024xf32, #tpu.memory_space<hbm>>
      %dma_wait3A_1099 = arith.constant 0 : i32
      %dma_wait3A_1100 = arith.constant 0 : i32
      %dma_wait3A_1101 = tpu.memref_slice %arg4[%dma_wait3A_1094, %dma_wait3A_1099, %dma_wait3A_1100] : memref<8x4096x1024xf32, #tpu.memory_space<hbm>> -> memref<1x16x1024xf32, #tpu.memory_space<hbm>>
      %dma_wait3A_1102 = tpu.memref_squeeze %dma_wait3A_1101 : memref<1x16x1024xf32, #tpu.memory_space<hbm>> -> memref<16x1024xf32, #tpu.memory_space<hbm>>
      tpu.wait_dma2 semaphore(%arg18 : memref<!tpu.dma_semaphore, #tpu.memory_space<semaphore_mem>>) src(%arg7 : memref<16x1024xf32, #tpu.memory_space<vmem>>) dst(%dma_wait3A_1102 : memref<16x1024xf32, #tpu.memory_space<hbm>>)
    }
    %while3A_1083 = arith.constant 0 : i32
    %while3A_1084 = arith.constant 0 : i32
    %while3A_1085 = arith.subi %add3A_621, %while3A_1084 : i32
    %while3A_1086 = arith.addi %while3A_1084, %while3A_1085 : i32
    %while3A_1087 = arith.constant 1 : i32
    %while3A_1088 = arith.divsi %while3A_1085, %while3A_1087 : i32
    %while3A_1089 = arith.muli %while3A_1088, %while3A_1087 : i32
    %while3A_1090 = arith.addi %while3A_1084, %while3A_1089 : i32
    %while3A_1091 = arith.constant 1 : i32
    scf.for %while3A_1093 = %while3A_1084 to %while3A_1090 step %while3A_1091  : i32 {
      %dma_wait3A_1094 = arith.constant 0 : i32
      %dma_wait3A_1095 = arith.constant 0 : i32
      %dma_wait3A_1096 = arith.constant 0 : i32
      %dma_wait3A_1097 = tpu.memref_slice %arg4[%dma_wait3A_1094, %dma_wait3A_1095, %dma_wait3A_1096] : memref<8x4096x1024xf32, #tpu.memory_space<hbm>> -> memref<1x16x1024xf32, #tpu.memory_space<hbm>>
      %dma_wait3A_1098 = tpu.memref_squeeze %dma_wait3A_1097 : memref<1x16x1024xf32, #tpu.memory_space<hbm>> -> memref<16x1024xf32, #tpu.memory_space<hbm>>
      %dma_wait3A_1099 = arith.constant 0 : i32
      %dma_wait3A_1100 = arith.constant 0 : i32
      %dma_wait3A_1101 = tpu.memref_slice %arg4[%dma_wait3A_1094, %dma_wait3A_1099, %dma_wait3A_1100] : memref<8x4096x1024xf32, #tpu.memory_space<hbm>> -> memref<1x16x1024xf32, #tpu.memory_space<hbm>>
      %dma_wait3A_1102 = tpu.memref_squeeze %dma_wait3A_1101 : memref<1x16x1024xf32, #tpu.memory_space<hbm>> -> memref<16x1024xf32, #tpu.memory_space<hbm>>
      tpu.wait_dma2 semaphore(%arg20 : memref<!tpu.dma_semaphore, #tpu.memory_space<semaphore_mem>>) src(%arg8 : memref<16x1024xf32, #tpu.memory_space<vmem>>) dst(%dma_wait3A_1102 : memref<16x1024xf32, #tpu.memory_space<hbm>>)
    }
    %while3A_1092 = arith.constant 1 : i32
    scf.for %while3A_1093 = %while3A_1090 to %while3A_1086 step %while3A_1092  : i32 {
      %dma_wait3A_1094 = arith.constant 0 : i32
      %dma_wait3A_1095 = arith.constant 0 : i32
      %dma_wait3A_1096 = arith.constant 0 : i32
      %dma_wait3A_1097 = tpu.memref_slice %arg4[%dma_wait3A_1094, %dma_wait3A_1095, %dma_wait3A_1096] : memref<8x4096x1024xf32, #tpu.memory_space<hbm>> -> memref<1x16x1024xf32, #tpu.memory_space<hbm>>
      %dma_wait3A_1098 = tpu.memref_squeeze %dma_wait3A_1097 : memref<1x16x1024xf32, #tpu.memory_space<hbm>> -> memref<16x1024xf32, #tpu.memory_space<hbm>>
      %dma_wait3A_1099 = arith.constant 0 : i32
      %dma_wait3A_1100 = arith.constant 0 : i32
      %dma_wait3A_1101 = tpu.memref_slice %arg4[%dma_wait3A_1094, %dma_wait3A_1099, %dma_wait3A_1100] : memref<8x4096x1024xf32, #tpu.memory_space<hbm>> -> memref<1x16x1024xf32, #tpu.memory_space<hbm>>
      %dma_wait3A_1102 = tpu.memref_squeeze %dma_wait3A_1101 : memref<1x16x1024xf32, #tpu.memory_space<hbm>> -> memref<16x1024xf32, #tpu.memory_space<hbm>>
      tpu.wait_dma2 semaphore(%arg20 : memref<!tpu.dma_semaphore, #tpu.memory_space<semaphore_mem>>) src(%arg8 : memref<16x1024xf32, #tpu.memory_space<vmem>>) dst(%dma_wait3A_1102 : memref<16x1024xf32, #tpu.memory_space<hbm>>)
    }
    return
  }
}

</mosaic_0001>

<sc_bundles>
// kernel: _run.3.cloned.1.call-start
scs
__scs_entry_jumppad:
0x0: {  	(pc) =	sbr.rel $0x88, $3  }
0x1: {  	(tag) =	ssettag $0x0;
	lr =	simm.s32 $0x1  }
0x2: {  	[smem:$0x3F9F] =	sst lr;
	_ =	strace $0xD0000000  }
0x3: {  	_ = 	snop  }
0x4: {  	_ = 	snop  }
0x5: {  	_ = 	snop  }
0x6: {  	_ = 	snop  }
0x7: {  	_ = 	snop  }
__scs_overlays_trampoline_lowered:
0x8: {  	[smem:$0x3FAE] =	sst s0  }
0x9: {  	[smem:$0x3FAF] =	sst s1  }
0xa: {  	[smem:$0x3FB0] =	sst s2  }
0xb: {  	[smem:$0x3FB1] =	sst s3  }
0xc: {  	[smem:$0x3FB2] =	sst s4  }
0xd: {  	[smem:$0x3FB3] =	sst s5  }
0xe: {  	[smem:$0x3FB4] =	sst s6  }
0xf: {  	[smem:$0x3FB5] =	sst s7  }
0x10: {  	[smem:$0x3FB6] =	sst s8  }
0x11: {  	[smem:$0x3FB7] =	sst s9;
	s0 =	simm.s32 @!p0 $0x0  }
0x12: {  	s1 =	sld [smem:$0x3F9D];
	s0 =	simm.s32 @p0 $0x1  }
0x13: {  	[smem:$0x3FB8] =	sst s0;
	s0 =	simm.s32 @!p1 $0x0  }
0x14: {  	s2 =	sld [smem:$0x3F9C];
	s0 =	simm.s32 @p1 $0x1  }
0x15: {  	[smem:$0x3FB9] =	sst s0;
	s0 =	simm.s32 @!p2 $0x0  }
0x16: {  	s3 =	sld [smem:$0x3FDB];
	s0 =	simm.s32 @p2 $0x1  }
0x17: {  	s4 =	simm.s32 $0x1BF5;
	[smem:$0x3FBB] =	sst s0  }
0x18: {  	s0 =	sld [smem:$0x3F9E];
	_ =	swait.ge [sflag:s4], $0x0  }
0x19: {  	s7 =	sld [smem:$0x3F9F]  }
0x1a: {  	s8 =	sadd.s32 $0xFFFFE003, lr  }
0x1b: {  	s9 =	sadd.s32 $0xFFFFFEF7, lr;
	s5 =	simm.s32 $0xFFFFFFFF;
	p2 =	slt.u32 s8, $0xFFFFF086  }
0x1c: {  	p1 =	slt.u32 s9, $0xF7A;
	s5 =	simm.s32 @!p2 $0x0  }
0x1d: {  	s5 =	simm.s32 @p1 $0x1;
	p0 =	seq.s32 s7, s2  }
0x1e: {  	s7 =	smul.u32 @!p0 $0xF7A, s2;
	p2 =	seq.s32 @!p0 s5, $0x0  }
0x1f: {  	s9 =	smul.u32 $0xF7A, s1;
	s8 =	simm.s32 @!p0 $0x1BF5;
	p2 =	por !p2, p0  }
0x20: {  	[sflag:s8] =	ssyncset.s32 @!p0 $0xFFFFF086;
	s6 =	sadd.s32 @!p0 s3, s7;
	s7 =	simm.s32 @!p0 $0x108  }
0x21: {  	s3 =	sadd.s32 s3, s9;
	s6 =	sadd.s32 @!p0 $0x88, s6;
	s7 =	simm.s32 @p2 $0x1082  }
0x22: {  	[simem:s7], [sflag:s8] =	dma.local @!p0 [hbm:s6], $0xF7A  }
0x23: {  	s9 =	sor.u32 $0xD0000000, s2;
	s6 =	simm.s32 $0x108;
	_ =	swait.ge @!p0 [sflag:s8], $0x0  }
0x24: {  	s3 =	sadd.s32 $0x88, s3;
	s6 =	simm.s32 @!p1 $0x1082;
	[sflag:s4] =	ssyncset.s32 $0xFFFFF086  }
0x25: {  	[simem:s6], [sflag:s4] =	dma.local [hbm:s3], $0xF7A  }
0x26: {  	[smem:$0x3F9F] =	sst s1;
	(tag) =	ssettag s2;
	_ =	strace s9  }
0x27: {  	s1 =	sld [smem:$0x3FAF]  }
0x28: {  	s2 =	sld [smem:$0x3FB0]  }
0x29: {  	s4 =	sld [smem:$0x3FB2]  }
0x2a: {  	p0 =	seq.s32 s5, $0x0;
	s5 =	sld [smem:$0x3FB3]  }
0x2b: {  	s6 =	sld [smem:$0x3FB4]  }
0x2c: {  	s7 =	sld [smem:$0x3FB5]  }
0x2d: {  	s3 =	simm.s32 $0x108;
	s8 =	sld [smem:$0x3FB6]  }
0x2e: {  	s3 =	simm.s32 @!p0 $0x1082;
	s9 =	sld [smem:$0x3FB7]  }
0x2f: {  	lr =	sadd.s32 s0, s3;
	s0 =	sld [smem:$0x3FAE]  }
0x30: {  	s3 =	sld [smem:$0x3FB1]  }
0x31: {  	[smem:$0x3FBA] =	sst s10  }
0x32: {  	s10 =	sld [smem:$0x3FB8];
	_ =	sdelay $0x3  }
0x33: {  	p0 =	seq.s32 s10, $0x1;
	s10 =	sld [smem:$0x3FBA];
	_ =	sdelay $0x3  }
0x34: {  	[smem:$0x3FBA] =	sst s10  }
0x35: {  	s10 =	sld [smem:$0x3FB9];
	_ =	sdelay $0x3  }
0x36: {  	p1 =	seq.s32 s10, $0x1;
	s10 =	sld [smem:$0x3FBA];
	_ =	sdelay $0x3  }
0x37: {  	[smem:$0x3FBA] =	sst s10  }
0x38: {  	s10 =	sld [smem:$0x3FBB]  }
0x39: {  	_ = 	snop;
	(pc) =	sbr.ind lr, $3  }
0x3a: {  	_ = 	snop  }
0x3b: {  	_ = 	snop  }
0x3c: {  	p2 =	seq.s32 s10, $0x1;
	s10 =	sld [smem:$0x3FBA]  }
0x3d: {  	_ =	shalt  }
0x3e: {  	_ =	shalt  }
0x3f: {  	_ =	shalt  }
0x40: {  	_ =	shalt  }
0x41: {  	_ =	shalt  }
0x42: {  	_ =	shalt  }
0x43: {  	_ =	shalt  }
0x44: {  	_ =	shalt  }
0x45: {  	_ =	shalt  }
0x46: {  	_ =	shalt  }
0x47: {  	_ =	shalt  }
0x48: {  	_ =	shalt  }
0x49: {  	_ =	shalt  }
0x4a: {  	_ =	shalt  }
0x4b: {  	_ =	shalt  }
0x4c: {  	_ =	shalt  }
0x4d: {  	_ =	shalt  }
0x4e: {  	_ =	shalt  }
0x4f: {  	_ =	shalt  }
0x50: {  	_ =	shalt  }
0x51: {  	_ =	shalt  }
0x52: {  	_ =	shalt  }
0x53: {  	_ =	shalt  }
0x54: {  	_ =	shalt  }
0x55: {  	_ =	shalt  }
0x56: {  	_ =	shalt  }
0x57: {  	_ =	shalt  }
0x58: {  	_ =	shalt  }
0x59: {  	_ =	shalt  }
0x5a: {  	_ =	shalt  }
0x5b: {  	_ =	shalt  }
0x5c: {  	_ =	shalt  }
0x5d: {  	_ =	shalt  }
0x5e: {  	_ =	shalt  }
0x5f: {  	_ =	shalt  }
0x60: {  	_ =	shalt  }
0x61: {  	_ =	shalt  }
0x62: {  	_ =	shalt  }
0x63: {  	_ =	shalt  }
0x64: {  	_ =	shalt  }
0x65: {  	_ =	shalt  }
0x66: {  	_ =	shalt  }
0x67: {  	_ =	shalt  }
0x68: {  	_ =	shalt  }
0x69: {  	_ =	shalt  }
0x6a: {  	_ =	shalt  }
0x6b: {  	_ =	shalt  }
0x6c: {  	_ =	shalt  }
0x6d: {  	_ =	shalt  }
0x6e: {  	_ =	shalt  }
0x6f: {  	_ =	shalt  }
0x70: {  	_ =	shalt  }
0x71: {  	_ =	shalt  }
0x72: {  	_ =	shalt  }
0x73: {  	_ =	shalt  }
0x74: {  	_ =	shalt  }
0x75: {  	_ =	shalt  }
0x76: {  	_ =	shalt  }
0x77: {  	_ =	shalt  }
0x78: {  	_ =	shalt  }
0x79: {  	_ =	shalt  }
0x7a: {  	_ =	shalt  }
0x7b: {  	_ =	shalt  }
0x7c: {  	_ =	shalt  }
0x7d: {  	_ =	shalt  }
0x7e: {  	_ =	shalt  }
0x7f: {  	_ =	shalt  }
0x80: {  	_ =	shalt  }
0x81: {  	_ =	shalt  }
0x82: {  	_ =	shalt  }
0x83: {  	_ =	shalt  }
0x84: {  	_ =	shalt  }
0x85: {  	_ =	shalt  }
0x86: {  	_ =	shalt  }
0x87: {  	_ =	shalt  }
.Lfunc_end0:
.L_simem_size_0:
called_computation_lowered:
.L_overlay_start_0:
0x88: {  	s2 =	sld [smem:$0x3FD9]  }
0x89: {  	s3 =	sld [smem:$0x3FFE];
	_ =	sdelay $0x1  }
0x8a: {  	s1 =	srdreg.scid  }
0x8b: {  	s0 =	sand.u32 $0x1, s1  }
0x8c: {  	s18 =	sshll.u32 s0, $0xA;
	s2 =	sadd.s32 s3, s2  }
0x8d: {  	s2 =	sadd.s32 s2, s18  }
0x8e: {  	[smem:$0x3FC6] =	sst s2  }
0x8f: {  	_ = 	snop  }
0x90: {  	s2 =	sld [smem:$0x3FC9]  }
0x91: {  	s19 =	sld [smem:$0x3FC8]  }
0x92: {  	s4 =	sld [smem:$0x3FD0];
	(tm) =	ssettm $0x1  }
0x93: {  	s5 =	sld [smem:$0x3FFB];
	_ =	sdelay $0x3  }
0x94: {  	_ =	strace s5  }
0x95: {  	s5 =	sld [smem:$0x3FFC];
	_ =	sdelay $0x3  }
0x96: {  	_ =	strace s5  }
0x97: {  	s5 =	sld [smem:$0x3FFD];
	_ =	sdelay $0x3  }
0x98: {  	_ =	strace s5  }
0x99: {  	_ =	strace $0x8FFFFFFF  }
0x9a: {  	s20 =	sld [smem:$0x3FDB];
	_ =	sdelay $0x1  }
0x9b: {  	s6 =	simm.s32 $_scs_section_size  }
0x9c: {  	s7 =	simm.s32 $_size__tile_overlayer_lowered;
	s8 =	simm.s32 $_tile_overlayer_lowered  }
0x9d: {  	s23 =	simm.s32 $0x1BFF;
	s22 =	sshll.u32 s8, $0x1;
	s5 =	sadd.s32 s6, s20  }
0x9e: {  	s9 =	simm.s32 $0x0;
	s21 =	sshll.u32 s7, $0x1;
	s7 =	sadd.s32 s22, s5  }
0x9f: {  	[timem:s9], [sflag:s23] =	dma.local [hbm:s7], s21  }
0xa0: {  	_ =	swait.ge [sflag:s23], s21  }
0xa1: {  	s6 =	ssub.s32 $0x0, s21;
	[sflag:s23] =	ssyncset.done $0x0  }
0xa2: {  	[sflag:s23] =	ssyncadd.s32 s6;
	_ =	sdelay $0x1  }
0xa3: {  	s24 =	simm.s32 $0x1B8B  }
0xa4: {  	_ =	swait.ge [sflag:s24], $0x1  }
0xa5: {  	[sflag:s24] =	ssyncset.done $0x0  }
0xa6: {  	s25 =	simm.s32 $0x1B8E;
	[sflag:s24] =	ssyncadd.s32 $0xFFFFFFFF  }
0xa7: {  	s26 =	simm.s32 $execute0_lowered;
	[smem:$0x3FD2] =	sst s25  }
0xa8: {  	s6 =	sshll.u32 s26, $0x1;
	_ =	strace $0x80000046;
	[dreg:$0x1] =	wrdreg $0xFFFFFFFF  }
0xa9: {  	s28 =	simm.s32 $_size_execute0_lowered;
	s5 =	sadd.s32 s5, s6;
	[dreg:$0x0] =	wrdreg $0x0  }
0xaa: {  	s6 =	sshll.u32 s28, $0x1;
	[dreg:$0x2] =	wrdreg s5  }
0xab: {  	[dreg:$0x3] =	wrdreg s6  }
0xac: {  	[dreg:$0x4] =	wrdreg $0xC0  }
0xad: {  	_ =	task [dreg:s9], $0x5FFFF  }
0xae: {  	[dreg:$0x1] =	wrdreg $0xFFFFFFFF  }
0xaf: {  	[dreg:$0x0] =	wrdreg $0x60  }
0xb0: {  	[dreg:$0x2] =	wrdreg s2  }
0xb1: {  	[dreg:$0x3] =	wrdreg s19  }
0xb2: {  	[dreg:$0x4] =	wrdreg s4  }
0xb3: {  	[dreg:$0x5] =	wrdreg $0x9  }
0xb4: {  	_ =	task.clear_ibuf [dreg:s9], $0x6FFFF;
	_ =	strace $0x90000046  }
0xb5: {  	s29 =	simm.s32 $0x9;
	_ =	strace $0x80000048  }
0xb6: {  	_ =	swait.ge [sflag:s29], $0x1  }
0xb7: {  	[sflag:s29] =	ssyncadd.s32 $0xFFFFFFFF  }
0xb8: {  	_ =	strace $0x90000048  }
0xb9: {  	_ =	sfence  }
0xba: {  	s30 =	sld [smem:$0x0];
	_ =	sdelay $0x2  }
0xbb: {  	s31 =	sshll.u32 s1, $0xD;
	s1 =	sshrl.u32 s1, $0x2  }
0xbc: {  	s3 =	sand.u32 $0x4000, s31;
	s1 =	sadd.s32 s1, s30  }
0xbd: {  	s0 =	sor.u32 s3, s0;
	s1 =	sshll.u32 s1, $0x11  }
0xbe: {  	s0 =	sor.u32 s1, s0  }
0xbf: {  	s0 =	sadd.s32 $0x8F2B, s0  }
0xc0: {  	[sflag:s0] =	ssyncadd.remote.s32 $0x1  }
0xc1: {  	_ =	sfence.sel $0xFFFF  }
0xc2: {  	[dreg:$0x0] =	wrdreg $0xFFFFFFFF;
	(pc) =	sbr.abs _section_cstart, $3  }
0xc3: {  	[dreg:$0x1] =	wrdreg $0xFFFFFFFF  }
0xc4: {  	_ =	task.clear_ibuf [dreg:s9], $0x2FFFF;
	_ =	strace $0x9FFFFFFF  }
0xc5: {  	(tm) =	ssettm $0x7FFFFFFF  }
tec
execute0_lowered:
.L_overlay_start_1:
0x0: {  	(tag) =	ssettag $0x1  }
0x1: {  	s9 =	rddreg [dreg:$0x0]  }
0x2: {  	s10 =	rddreg [dreg:$0x1]  }
0x3: {  	s0 =	srdreg.scid;
	s11 =	rddreg [dreg:$0x2];
	s5 =	simm.s32 $0x0  }
0x4: {  	s3 =	stileid.u32;
	s0 =	sand.u32 $0x1, s0;
	[smem:$0x7FF] =	sst s5  }
0x5: {  	s15 =	sshll.u32 s3, $0x1;
	s12 =	sadd.s32 $0x80000, s11;
	s13 =	sadd.s32 $0x100000, s11  }
0x6: {  	s18 =	sadd.s32 $0x180000, s11;
	_ =	strace $0x80000047;
	[dreg:$0x4] =	wrdreg s12  }
0x7: {  	s1 =	ssub.s32 $0x2, s0;
	s6 =	sor.u32 s0, s15;
	[dreg:$0x5] =	wrdreg s13  }
0x8: {  	[dreg:$0x6] =	wrdreg s18;
	s2 =	sshrl.u32 s1, $0x1;
	s0 =	sshll.u32 s6, $0xC  }
0x9: {  	s14 =	ssub.s32 s1, s2;
	s16 =	sor.u32 $0x20000, s0;
	s2 =	sadd.s32 s11, s0  }
0xa: {  	s17 =	sadd.s32 s11, s16;
	[dreg:$0x17] =	wrdreg s2  }
0xb: {  	s23 =	sadd.s32 s16, s12;
	[dreg:$0x7] =	wrdreg s17  }
0xc: {  	s24 =	sadd.s32 s16, s13;
	[dreg:$0x8] =	wrdreg s23  }
0xd: {  	s19 =	sadd.s32 $0x200000, s11;
	s25 =	sadd.s32 s16, s18;
	[dreg:$0x9] =	wrdreg s24  }
0xe: {  	s20 =	sadd.s32 $0x280000, s11;
	s26 =	sadd.s32 s16, s19;
	[dreg:$0xa] =	wrdreg s25  }
0xf: {  	s21 =	sadd.s32 $0x300000, s11;
	s3 =	sadd.s32 s16, s20;
	[dreg:$0xb] =	wrdreg s26  }
0x10: {  	s22 =	sadd.s32 $0x380000, s11;
	s4 =	sadd.s32 s16, s21;
	[dreg:$0xc] =	wrdreg s3  }
0x11: {  	s7 =	sor.u32 $0x40000, s0;
	s1 =	sadd.s32 s16, s22;
	[dreg:$0xd] =	wrdreg s4  }
0x12: {  	s8 =	sadd.s32 s11, s7;
	[dreg:$0xe] =	wrdreg s1  }
0x13: {  	s15 =	sadd.s32 s7, s12;
	[dreg:$0xf] =	wrdreg s8  }
0x14: {  	s16 =	sadd.s32 s7, s13;
	[dreg:$0x10] =	wrdreg s15  }
0x15: {  	[dreg:$0x11] =	wrdreg s16;
	s17 =	sadd.s32 s7, s18  }
0x16: {  	s23 =	sadd.s32 s7, s19;
	[dreg:$0x12] =	wrdreg s17  }
0x17: {  	s24 =	sadd.s32 s7, s20;
	[dreg:$0x13] =	wrdreg s23  }
0x18: {  	s25 =	sadd.s32 s7, s21;
	[dreg:$0x14] =	wrdreg s24  }
0x19: {  	s26 =	sadd.s32 s7, s22;
	[dreg:$0x15] =	wrdreg s25  }
0x1a: {  	s3 =	sadd.s32 s0, s12;
	[dreg:$0x16] =	wrdreg s26  }
0x1b: {  	s4 =	sadd.s32 s0, s13;
	[dreg:$0x18] =	wrdreg s3  }
0x1c: {  	s7 =	sadd.s32 s0, s18;
	[dreg:$0x19] =	wrdreg s4  }
0x1d: {  	s8 =	sadd.s32 s0, s19;
	[dreg:$0x1a] =	wrdreg s7  }
0x1e: {  	s15 =	sshll.u32 s6, $0x5;
	s16 =	sadd.s32 s0, s20;
	[dreg:$0x1b] =	wrdreg s8  }
0x1f: {  	[dreg:$0x1c] =	wrdreg s16;
	s17 =	sadd.s32 s0, s21;
	s23 =	sadd.s32 s0, s22  }
0x20: {  	s16 =	sor.u32 $0x60000, s0;
	s4 =	sor.u32 $0x12, s15;
	s7 =	sor.u32 $0x402, s15  }
0x21: {  	s8 =	sor.u32 $0x412, s15;
	s24 =	sadd.s32 $0x20, s15;
	[dreg:$0x1d] =	wrdreg s17  }
0x22: {  	s2 =	sor.u32 $0x802, s15;
	s3 =	sor.u32 $0x812, s15;
	[dreg:$0x1e] =	wrdreg s23  }
0x23: {  	s25 =	sadd.s32 $0x420, s15;
	s1 =	sor.u32 $0xC02, s15;
	[dreg:$0x1f] =	wrdreg s24  }
0x24: {  	s0 =	sor.u32 $0xC12, s15;
	[smem:$0x7E1] =	sst s25;
	s23 =	sadd.s32 $0x820, s15  }
0x25: {  	s17 =	sor.u32 $0x2, s15;
	s15 =	sadd.s32 $0xC20, s15;
	[smem:$0x7E2] =	sst s23  }
0x26: {  	s26 =	sadd.s32 s11, s16;
	[smem:$0x7E3] =	sst s15  }
0x27: {  	s12 =	sadd.s32 s16, s12;
	[smem:$0x7E4] =	sst s26  }
0x28: {  	s18 =	sadd.s32 s16, s18;
	[smem:$0x7E5] =	sst s12  }
0x29: {  	s30 =	smov.u32 s19;
	s19 =	sadd.s32 s16, s19;
	[smem:$0x7E7] =	sst s18  }
0x2a: {  	s29 =	smov.u32 s20;
	s20 =	sadd.s32 s16, s20;
	[smem:$0x7E8] =	sst s19  }
0x2b: {  	s31 =	smov.u32 s21;
	s21 =	sadd.s32 s16, s21;
	[smem:$0x7E9] =	sst s20  }
0x2c: {  	s24 =	smax.u32 s14, $0x1;
	[smem:$0x7EA] =	sst s21  }
0x2d: {  	s25 =	sadd.s32 $0x200, s9;
	[smem:$0x7EC] =	sst s24  }
0x2e: {  	s15 =	sadd.s32 s16, s13;
	[smem:$0x7EE] =	sst s25  }
0x2f: {  	s23 =	sadd.s32 s16, s22;
	[smem:$0x7E6] =	sst s15  }
0x30: {  	s26 =	sadd.s32 $0x400, s9;
	[smem:$0x7EB] =	sst s23  }
0x31: {  	s16 =	sadd.s32 $0xA00, s9;
	[smem:$0x7EF] =	sst s26  }
0x32: {  	s18 =	sadd.s32 $0xC00, s9;
	[smem:$0x7F1] =	sst s16  }
0x33: {  	s19 =	sadd.s32 $0xE00, s9;
	[smem:$0x7F2] =	sst s18  }
0x34: {  	s14 =	sadd.s32 $0x300800, s11;
	s20 =	sadd.s32 $0x80800, s11;
	[smem:$0x7F3] =	sst s19  }
0x35: {  	v0 =	vlaneseq.u32;
	vm0 =	vmmov $0xffff;
	s28 =	smov.u32 s22;
	s21 =	sadd.s32 $0x100800, s11;
	[smem:$0x7F4] =	sst s20  }
0x36: {  	v10 =	vor.u32 $0x8, v0;
	p0 =	sne.s32 s6, $0x0;
	v2 =	vadd.s32 s4, v0;
	s22 =	sadd.s32 $0x180800, s11;
	v1 =	vadd.s32 s17, v0;
	[smem:$0x7F6] =	sst s21  }
0x37: {  	v3 =	vadd.s32 s7, v0;
	v7 =	vadd.s32 s1, v0;
	s1 =	simm.s32 $0x0;
	s25 =	sadd.s32 $0x200800, s11;
	[smem:$0x7F7] =	sst s22;
	v8 =	vshll.u32 v1, $0x3  }
0x38: {  	v4 =	vadd.s32 s8, v0;
	s12 =	simm.s32 @!p0 $0x0;
	s13 =	sadd.s32 $0x200, s10;
	[smem:$0x7F9] =	sst s25;
	v9 =	vand.u32 $0x7, v1;
	v8 =	vand.u32 $0xFFFFFFC0, v8  }
0x39: {  	s24 =	sadd.s32 $0x300, s10;
	s12 =	simm.s32 @p0 $0x1;
	[smem:$0x7FC] =	sst s13;
	v12 =	vor.u32 v9, v8;
	v8 =	vand.u32 $0x7, v0;
	v9 =	vshrl.u32 v0, $0x3  }
0x3a: {  	v5 =	vadd.s32 s2, v0;
	s15 =	sadd.s32 $0x600, s9;
	s9 =	sadd.s32 $0x800, s9;
	[smem:$0x7FD] =	sst s24;
	v13 =	vperm.xlane v12, v8;
	v9 =	vmul.u32 $0x8, v9  }
0x3b: {  	v6 =	vadd.s32 s3, v0;
	v15 =	vshll.u32 v3, $0x3;
	s23 =	sadd.s32 $0x800, s11;
	s26 =	sadd.s32 $0x280800, s11;
	[smem:$0x7ED] =	sst s12;
	v14 =	vperm.xlane v12, v10  }
.Ltmp0:
0x3c: {  	v16 =	vand.u32 $0x7, v3;
	s18 =	simm.s32 $0x1C000;
	v15 =	vand.u32 $0xFFFFFFC0, v15;
	[smem:$0x7F0] =	sst s15;
	v12 =	vadd.s32 v9, v13;
	(pc) =	sbr.rel .LBB2_1-.Ltmp0, $4  }
0x3d: {  	s19 =	simm.s32 $0x2;
	s20 =	simm.s32 $0x1D000;
	[smem:$0x7F5] =	sst s9;
	v13 =	vadd.s32 v9, v14;
	v14 =	vor.u32 v16, v15;
	v15 =	vshll.u32 v5, $0x3  }
0x3e: {  	v17 =	vshll.u32 v7, $0x3;
	s16 =	simm.s32 $0x3;
	s22 =	simm.s32 $0x5;
	[smem:$0x7F8] =	sst s23;
	v16 =	vand.u32 $0x7, v5;
	v15 =	vand.u32 $0xFFFFFFC0, v15  }
0x3f: {  	v17 =	vand.u32 $0xFFFFFFC0, v17;
	s12 =	sadd.s32 $0x100, s10;
	[smem:$0x7FA] =	sst s26;
	s15 =	sadd.s32 $0x380800, s11;
	v15 =	vor.u32 v16, v15;
	v16 =	vand.u32 $0x7, v7  }
0x40: {  	v11 =	vadd.s32 s0, v0;
	s9 =	simm.s32 $0x800;
	s26 =	simm.s32 $0x1000;
	[smem:$0x7FB] =	sst s12;
	v16 =	vor.u32 v16, v17;
	v17 =	vimm.f32 $0.0e+00  }
.LBB2_61:
0x41: {  	[sflag:s22] =	ssyncadd.s32 $0xFFFFC000  }
.LBB2_62:
0x42: {  	s0 =	sld [smem:$0x7EC];
	_ =	sdelay $0x1  }
0x43: {  	s1 =	sadd.s32 $0x1, s1  }
0x44: {  	p0 =	sne.s32 s1, s0  }
.Ltmp1:
0x45: {  	_ = 	snop;
	(pc) =	sbr.rel @!p0 .LBB2_63-.Ltmp1, $1  }
0x46: {  	_ =	sdelay $0x3  }
.LBB2_1:
0x47: {  	_ =	sdelay $0x1  }
0x48: {  	[tilespmem:$0x1E000] =	vst v1  }
0x49: {  	[tilespmem:$0x1E010] =	vst v2  }
0x4a: {  	[tilespmem:s5], [sflag:$0x1] =	stream.indirect_vreg.gather [hbm4b:s10+s5], $0x80, v12, vm0, $0xb8;
	[tilespmem:$0x1E200] =	vst v63  }
0x4b: {  	_ = 	snop  }
0x4c: {  	[tilespmem:s9], [sflag:$0x1] =	stream.indirect_vreg.gather [hbm4b:s12+s5], $0x80, v12, vm0, $0xb8;
	[tilespmem:$0x1E200] =	vst v63  }
0x4d: {  	_ = 	snop  }
0x4e: {  	[tilespmem:s26], [sflag:$0x1] =	stream.indirect_vreg.gather [hbm4b:s13+s5], $0x80, v12, vm0, $0xb8;
	[tilespmem:$0x1E200] =	vst v63  }
0x4f: {  	s0 =	simm.s32 $0x1800  }
0x50: {  	[tilespmem:s0], [sflag:$0x1] =	stream.indirect_vreg.gather [hbm4b:s24+s5], $0x80, v12, vm0, $0xb8;
	[tilespmem:$0x1E200] =	vst v63  }
0x51: {  	s26 =	simm.s32 $0x2000  }
0x52: {  	[tilespmem:s26], [sflag:$0x1] =	stream.indirect_vreg.gather [hbm4b:s10+s5], $0x80, v13, vm0, $0xb8;
	[tilespmem:$0x1E200] =	vst v63  }
0x53: {  	[smem:$0x7E0] =	sst s1;
	s1 =	simm.s32 $0x2800  }
0x54: {  	[tilespmem:s1], [sflag:$0x1] =	stream.indirect_vreg.gather [hbm4b:s12+s5], $0x80, v13, vm0, $0xb8;
	[tilespmem:$0x1E200] =	vst v63  }
0x55: {  	s2 =	simm.s32 $0x3000  }
0x56: {  	[tilespmem:s2], [sflag:$0x1] =	stream.indirect_vreg.gather [hbm4b:s13+s5], $0x80, v13, vm0, $0xb8;
	[tilespmem:$0x1E200] =	vst v63  }
0x57: {  	s3 =	simm.s32 $0x3800  }
0x58: {  	[tilespmem:s3], [sflag:$0x1] =	stream.indirect_vreg.gather [hbm4b:s24+s5], $0x80, v13, vm0, $0xb8;
	[tilespmem:$0x1E200] =	vst v63  }
0x59: {  	v18 =	vld [tilespmem:$0x1E010];
	_ =	sdelay $0x4  }
0x5a: {  	v19 =	vshll.u32 v18, $0x3  }
0x5b: {  	v18 =	vand.u32 $0x7, v18;
	v19 =	vand.u32 $0xFFFFFFC0, v19  }
0x5c: {  	v18 =	vor.u32 v18, v19  }
0x5d: {  	v19 =	vperm.xlane v18, v8;
	_ =	sdelay $0x1  }
0x5e: {  	v19 =	vadd.s32 v9, v19;
	_ =	sdelay $0x3  }
0x5f: {  	s4 =	simm.s32 $0x4000  }
0x60: {  	[tilespmem:s4], [sflag:$0x1] =	stream.indirect_vreg.gather [hbm4b:s10+s5], $0x80, v19, vm0, $0xb8;
	[tilespmem:$0x1E200] =	vst v63  }
0x61: {  	s7 =	simm.s32 $0x4800;
	v18 =	vperm.xlane v18, v10  }
0x62: {  	[tilespmem:s7], [sflag:$0x1] =	stream.indirect_vreg.gather [hbm4b:s12+s5], $0x80, v19, vm0, $0xb8;
	[tilespmem:$0x1E200] =	vst v63  }
0x63: {  	s8 =	simm.s32 $0x5000;
	v18 =	vadd.s32 v9, v18  }
0x64: {  	[tilespmem:s8], [sflag:$0x1] =	stream.indirect_vreg.gather [hbm4b:s13+s5], $0x80, v19, vm0, $0xb8;
	[tilespmem:$0x1E200] =	vst v63  }
0x65: {  	s9 =	simm.s32 $0x5800  }
0x66: {  	[tilespmem:s9], [sflag:$0x1] =	stream.indirect_vreg.gather [hbm4b:s24+s5], $0x80, v19, vm0, $0xb8;
	[tilespmem:$0x1E200] =	vst v63  }
0x67: {  	s17 =	simm.s32 $0x6000  }
0x68: {  	[tilespmem:s17], [sflag:$0x1] =	stream.indirect_vreg.gather [hbm4b:s10+s5], $0x80, v18, vm0, $0xb8;
	[tilespmem:$0x1E200] =	vst v63  }
0x69: {  	s21 =	simm.s32 $0x6800  }
0x6a: {  	[tilespmem:s21], [sflag:$0x1] =	stream.indirect_vreg.gather [hbm4b:s12+s5], $0x80, v18, vm0, $0xb8;
	[tilespmem:$0x1E200] =	vst v63  }
0x6b: {  	s23 =	simm.s32 $0x7000  }
0x6c: {  	[tilespmem:s23], [sflag:$0x1] =	stream.indirect_vreg.gather [hbm4b:s13+s5], $0x80, v18, vm0, $0xb8;
	[tilespmem:$0x1E200] =	vst v63  }
0x6d: {  	s25 =	simm.s32 $0x7800  }
0x6e: {  	[tilespmem:s25], [sflag:$0x1] =	stream.indirect_vreg.gather [hbm4b:s24+s5], $0x80, v18, vm0, $0xb8;
	[tilespmem:$0x1E200] =	vst v63  }
0x6f: {  	s0 =	simm.s32 $0x0;
	s26 =	rddreg [dreg:$0x0];
	s9 =	simm.s32 $0x18000  }
0x70: {  	[tilespmem:s18], [sflag:$0x2] =	stream.linear.gather [hbm4b:s26+s5], $0x1000, $0x38;
	[tilespmem:$0x1E200] =	vst v63  }
.LBB2_2:
0x71: {  	s1 =	sshll.u32 s0, $0x7  }
0x72: {  	s1 =	sand.u32 $0x380, s1  }
0x73: {  	s2 =	sshll.u32 s0, $0xA;
	v18 =	vmov s1  }
0x74: {  	s3 =	simm.s32 $0x0;
	s25 =	sand.u32 $0x2000, s2  }
0x75: {  	s26 =	sand.u32 $0x1C00, s3;
	s2 =	sor.u32 $0x10000, s25  }
0x76: {  	s3 =	sand.u32 $0x40, s3;
	s1 =	sadd.s32 s26, s2  }
0x77: {  	s1 =	sadd.s32 s3, s1  }
0x78: {  	s4 =	simm.s32 $0x40;
	s3 =	simm.s32 $0x200;
	[tilespmem:v18+s1+$0x0 ss:$0x1] =	vst.idx.msk $0xffff, v17  }
.LBB2_3:
0x79: {  	s7 =	sand.u32 $0x1C00, s3;
	[tilespmem:v18+s1+$0x10 ss:$0x1] =	vst.idx.msk $0xffff, v17;
	p0 =	sne.s32 s4, $0x3C0  }
.Ltmp2:
0x7a: {  	s8 =	sand.u32 $0x40, s4;
	s7 =	sadd.s32 s7, s2;
	[tilespmem:v18+s1+$0x20 ss:$0x1] =	vst.idx.msk $0xffff, v17;
	(pc) =	sbr.rel @p0 .LBB2_3-.Ltmp2, $3  }
0x7b: {  	[tilespmem:v18+s1+$0x30 ss:$0x1] =	vst.idx.msk $0xffff, v17;
	s1 =	sadd.s32 s8, s7  }
0x7c: {  	[tilespmem:v18+s1+$0x0 ss:$0x1] =	vst.idx.msk $0xffff, v17;
	_ =	sdelay $0x1  }
0x7d: {  	s3 =	sadd.s32 $0x200, s3;
	s4 =	sadd.s32 $0x40, s4  }
0x7e: {  	s0 =	sadd.s32 $0x1, s0  }
0x7f: {  	p0 =	sne.s32 s0, $0x10  }
.Ltmp3:
0x80: {  	_ = 	snop;
	(pc) =	sbr.rel @p0 .LBB2_2-.Ltmp3, $4  }
0x81: {  	_ = 	snop  }
0x82: {  	[tilespmem:v18+s1+$0x10 ss:$0x1] =	vst.idx.msk $0xffff, v17  }
0x83: {  	[tilespmem:v18+s1+$0x20 ss:$0x1] =	vst.idx.msk $0xffff, v17  }
0x84: {  	[tilespmem:v18+s1+$0x30 ss:$0x1] =	vst.idx.msk $0xffff, v17  }
0x85: {  	_ =	swait.ge [sflag:s19], $0x1000  }
0x86: {  	s1 =	sld [smem:$0x7EE]  }
0x87: {  	s0 =	simm.s32 $0x0;
	[sflag:s19] =	ssyncset.done $0x0  }
0x88: {  	s25 =	sor.u32 s0, s0;
	[sflag:s19] =	ssyncadd.s32 $0xFFFFF000  }
0x89: {  	[tilespmem:s20], [sflag:$0x2] =	stream.linear.gather [hbm4b:s1+s0], $0x1000, $0x38;
	[tilespmem:$0x1E200] =	vst v63  }
0x8a: {  	s2 =	sand.u32 $0x70, s0;
	s0 =	sand.u32 $0xC00, s0;
	s1 =	sor.u32 $0x380, s25  }
0x8b: {  	s0 =	sor.u32 s2, s0;
	v18 =	vld [tilespmem:s1+$0x1C000]  }
0x8c: {  	v19 =	vld [tilespmem:s0+$0x1C000]  }
0x8d: {  	v25 =	vld [tilespmem:s0+$0x1C080]  }
0x8e: {  	v21 =	vld [tilespmem:s0+$0x1C100]  }
0x8f: {  	v20 =	vimm.s32 $0x0;
	s26 =	simm.s32 $0x10;
	v22 =	vimm.s32 $0x0;
	v24 =	vld [tilespmem:s0+$0x1C180]  }
0x90: {  	v23 =	vimm.s32 $0x0;
	v29 =	vimm.s32 $0x0;
	v26 =	vimm.s32 $0x0;
	s3 =	sand.u32 $0x70, s26;
	s1 =	simm.s32 $0x80;
	v28 =	vld [tilespmem:s0+$0x1C200]  }
0x91: {  	v27 =	vimm.s32 $0x0;
	s2 =	simm.s32 $0x20;
	s4 =	sand.u32 $0xC00, s1;
	s7 =	sor.u32 s1, s26;
	v30 =	vld [tilespmem:s0+$0x1C280];
	v18 =	vadd.s32 v20, v18;
	v19 =	vadd.s32 v20, v19  }
.LBB2_6:
0x92: {  	p0 =	sne.s32 s2, $0x1F0;
	s7 =	sor.u32 $0x380, s7;
	v20 =	vadd.s32 v20, v25;
	v31 =	vld [tilespmem:s0+$0x1C300];
	s0 =	sor.u32 s3, s4  }
0x93: {  	v32 =	vld [tilespmem:s7+$0x1C000];
	v22 =	vadd.s32 v22, v21  }
0x94: {  	v33 =	vld [tilespmem:s0+$0x1C000];
	v23 =	vadd.s32 v23, v24  }
.Ltmp4:
0x95: {  	v25 =	vld [tilespmem:s0+$0x1C080];
	v29 =	vadd.s32 v29, v28;
	(pc) =	sbr.rel @p0 .LBB2_6-.Ltmp4, $4  }
0x96: {  	v21 =	vld [tilespmem:s0+$0x1C100];
	v26 =	vadd.s32 v26, v30  }
0x97: {  	v24 =	vld [tilespmem:s0+$0x1C180];
	v27 =	vadd.s32 v27, v31  }
0x98: {  	s3 =	sand.u32 $0x70, s2;
	s1 =	sadd.s32 $0x80, s1;
	v28 =	vld [tilespmem:s0+$0x1C200];
	v18 =	vadd.s32 v18, v32  }
0x99: {  	s4 =	sand.u32 $0xC00, s1;
	s7 =	sor.u32 s1, s2;
	s2 =	sadd.s32 $0x10, s2;
	v19 =	vadd.s32 v19, v33;
	v30 =	vld [tilespmem:s0+$0x1C280]  }
0x9a: {  	s1 =	sor.u32 $0x380, s7;
	v31 =	vld [tilespmem:s0+$0x1C300]  }
0x9b: {  	s17 =	sor.u32 s3, s4;
	v32 =	vld [tilespmem:s1+$0x1C000]  }
0x9c: {  	v33 =	vld [tilespmem:s17+$0x1C000]  }
0x9d: {  	v34 =	vld [tilespmem:s17+$0x1C080]  }
0x9e: {  	v35 =	vld [tilespmem:s17+$0x1C100]  }
0x9f: {  	v36 =	vld [tilespmem:s17+$0x1C180]  }
0xa0: {  	v37 =	vld [tilespmem:s17+$0x1C200]  }
0xa1: {  	v38 =	vld [tilespmem:s17+$0x1C280]  }
0xa2: {  	v39 =	vld [tilespmem:s17+$0x1C300];
	_ =	swait.ge [sflag:s19], $0x1000  }
0xa3: {  	s21 =	simm.s32 $0x0;
	s23 =	sld [smem:$0x7EF]  }
0xa4: {  	s25 =	sor.u32 s21, s21;
	s2 =	sand.u32 $0x70, s21;
	[sflag:s19] =	ssyncset.done $0x0  }
0xa5: {  	s0 =	sand.u32 $0xC00, s21;
	s1 =	sor.u32 $0x380, s25;
	[sflag:s19] =	ssyncadd.s32 $0xFFFFF000  }
0xa6: {  	[tilespmem:s18], [sflag:$0x2] =	stream.linear.gather [hbm4b:s23+s21], $0x1000, $0x38;
	[tilespmem:$0x1E200] =	vst v63  }
0xa7: {  	s0 =	sor.u32 s2, s0;
	v40 =	vld [tilespmem:s1+$0x1D000]  }
0xa8: {  	v20 =	vadd.s32 v20, v25;
	v41 =	vld [tilespmem:s0+$0x1D000]  }
0xa9: {  	v21 =	vadd.s32 v22, v21;
	v22 =	vadd.s32 v23, v24;
	v23 =	vadd.s32 v29, v28;
	v25 =	vld [tilespmem:s0+$0x1D080]  }
0xaa: {  	v24 =	vadd.s32 v26, v30;
	v27 =	vadd.s32 v27, v31;
	v30 =	vadd.s32 v18, v32;
	v26 =	vld [tilespmem:s0+$0x1D100]  }
0xab: {  	s26 =	simm.s32 $0x10;
	v31 =	vadd.s32 v19, v33;
	v19 =	vadd.s32 v20, v34;
	v18 =	vadd.s32 v21, v35;
	v28 =	vld [tilespmem:s0+$0x1D180]  }
0xac: {  	s3 =	sand.u32 $0x70, s26;
	v21 =	vadd.s32 v22, v36;
	v22 =	vadd.s32 v23, v37;
	v20 =	vadd.s32 v24, v38;
	v29 =	vld [tilespmem:s0+$0x1D200];
	s1 =	simm.s32 $0x80  }
0xad: {  	s2 =	simm.s32 $0x20;
	v23 =	vadd.s32 v27, v39;
	s4 =	sand.u32 $0xC00, s1;
	s7 =	sor.u32 s1, s26;
	v24 =	vadd.s32 v30, v40;
	v27 =	vadd.s32 v31, v41;
	v30 =	vld [tilespmem:s0+$0x1D280]  }
.LBB2_8:
0xae: {  	p0 =	sne.s32 s2, $0x1F0;
	s7 =	sor.u32 $0x380, s7;
	v19 =	vadd.s32 v19, v25;
	v31 =	vld [tilespmem:s0+$0x1D300];
	s0 =	sor.u32 s3, s4  }
0xaf: {  	v32 =	vld [tilespmem:s7+$0x1D000];
	v18 =	vadd.s32 v18, v26  }
0xb0: {  	v33 =	vld [tilespmem:s0+$0x1D000];
	v21 =	vadd.s32 v21, v28  }
.Ltmp5:
0xb1: {  	v25 =	vld [tilespmem:s0+$0x1D080];
	v22 =	vadd.s32 v22, v29;
	(pc) =	sbr.rel @p0 .LBB2_8-.Ltmp5, $4  }
0xb2: {  	v26 =	vld [tilespmem:s0+$0x1D100];
	v20 =	vadd.s32 v20, v30  }
0xb3: {  	v28 =	vld [tilespmem:s0+$0x1D180];
	v23 =	vadd.s32 v23, v31  }
0xb4: {  	s3 =	sand.u32 $0x70, s2;
	s1 =	sadd.s32 $0x80, s1;
	v29 =	vld [tilespmem:s0+$0x1D200];
	v24 =	vadd.s32 v24, v32  }
0xb5: {  	s4 =	sand.u32 $0xC00, s1;
	s7 =	sor.u32 s1, s2;
	s2 =	sadd.s32 $0x10, s2;
	v27 =	vadd.s32 v27, v33;
	v30 =	vld [tilespmem:s0+$0x1D280]  }
0xb6: {  	s1 =	sor.u32 $0x380, s7;
	v31 =	vld [tilespmem:s0+$0x1D300]  }
0xb7: {  	s17 =	sor.u32 s3, s4;
	v32 =	vld [tilespmem:s1+$0x1D000]  }
0xb8: {  	v33 =	vld [tilespmem:s17+$0x1D000]  }
0xb9: {  	v34 =	vld [tilespmem:s17+$0x1D080]  }
0xba: {  	v35 =	vld [tilespmem:s17+$0x1D100]  }
0xbb: {  	v36 =	vld [tilespmem:s17+$0x1D180]  }
0xbc: {  	v37 =	vld [tilespmem:s17+$0x1D200]  }
0xbd: {  	v38 =	vld [tilespmem:s17+$0x1D280]  }
0xbe: {  	v39 =	vld [tilespmem:s17+$0x1D300];
	_ =	swait.ge [sflag:s19], $0x1000  }
0xbf: {  	s21 =	simm.s32 $0x0;
	s23 =	sld [smem:$0x7F0]  }
0xc0: {  	s25 =	sor.u32 s21, s21;
	s2 =	sand.u32 $0x70, s21;
	[sflag:s19] =	ssyncset.done $0x0  }
0xc1: {  	s0 =	sand.u32 $0xC00, s21;
	s1 =	sor.u32 $0x380, s25;
	[sflag:s19] =	ssyncadd.s32 $0xFFFFF000  }
0xc2: {  	[tilespmem:s20], [sflag:$0x2] =	stream.linear.gather [hbm4b:s23+s21], $0x1000, $0x38;
	[tilespmem:$0x1E200] =	vst v63  }
0xc3: {  	s0 =	sor.u32 s2, s0;
	v40 =	vld [tilespmem:s1+$0x1C000]  }
0xc4: {  	v19 =	vadd.s32 v19, v25;
	v41 =	vld [tilespmem:s0+$0x1C000]  }
0xc5: {  	v18 =	vadd.s32 v18, v26;
	v21 =	vadd.s32 v21, v28;
	v22 =	vadd.s32 v22, v29;
	v25 =	vld [tilespmem:s0+$0x1C080]  }
0xc6: {  	v20 =	vadd.s32 v20, v30;
	v23 =	vadd.s32 v23, v31;
	v24 =	vadd.s32 v24, v32;
	v26 =	vld [tilespmem:s0+$0x1C100]  }
0xc7: {  	s26 =	simm.s32 $0x10;
	v27 =	vadd.s32 v27, v33;
	v19 =	vadd.s32 v19, v34;
	v18 =	vadd.s32 v18, v35;
	v28 =	vld [tilespmem:s0+$0x1C180]  }
0xc8: {  	s3 =	sand.u32 $0x70, s26;
	v21 =	vadd.s32 v21, v36;
	v22 =	vadd.s32 v22, v37;
	v20 =	vadd.s32 v20, v38;
	v29 =	vld [tilespmem:s0+$0x1C200];
	s1 =	simm.s32 $0x80  }
0xc9: {  	s2 =	simm.s32 $0x20;
	v23 =	vadd.s32 v23, v39;
	v30 =	vld [tilespmem:s0+$0x1C280];
	s4 =	sand.u32 $0xC00, s1;
	s7 =	sor.u32 s1, s26;
	v24 =	vadd.s32 v24, v40;
	v27 =	vadd.s32 v27, v41  }
.LBB2_10:
0xca: {  	p0 =	sne.s32 s2, $0x1F0;
	s7 =	sor.u32 $0x380, s7;
	v19 =	vadd.s32 v19, v25;
	v31 =	vld [tilespmem:s0+$0x1C300];
	s0 =	sor.u32 s3, s4  }
0xcb: {  	v32 =	vld [tilespmem:s7+$0x1C000];
	v18 =	vadd.s32 v18, v26  }
0xcc: {  	v33 =	vld [tilespmem:s0+$0x1C000];
	v21 =	vadd.s32 v21, v28  }
.Ltmp6:
0xcd: {  	v25 =	vld [tilespmem:s0+$0x1C080];
	v22 =	vadd.s32 v22, v29;
	(pc) =	sbr.rel @p0 .LBB2_10-.Ltmp6, $4  }
0xce: {  	v26 =	vld [tilespmem:s0+$0x1C100];
	v20 =	vadd.s32 v20, v30  }
0xcf: {  	v28 =	vld [tilespmem:s0+$0x1C180];
	v23 =	vadd.s32 v23, v31  }
0xd0: {  	s3 =	sand.u32 $0x70, s2;
	s1 =	sadd.s32 $0x80, s1;
	v29 =	vld [tilespmem:s0+$0x1C200];
	v24 =	vadd.s32 v24, v32  }
0xd1: {  	s4 =	sand.u32 $0xC00, s1;
	s7 =	sor.u32 s1, s2;
	s2 =	sadd.s32 $0x10, s2;
	v27 =	vadd.s32 v27, v33;
	v30 =	vld [tilespmem:s0+$0x1C280]  }
0xd2: {  	s1 =	sor.u32 $0x380, s7;
	v31 =	vld [tilespmem:s0+$0x1C300]  }
0xd3: {  	s17 =	sor.u32 s3, s4;
	v32 =	vld [tilespmem:s1+$0x1C000]  }
0xd4: {  	v33 =	vld [tilespmem:s17+$0x1C000]  }
0xd5: {  	v34 =	vld [tilespmem:s17+$0x1C080]  }
0xd6: {  	v35 =	vld [tilespmem:s17+$0x1C100]  }
0xd7: {  	v36 =	vld [tilespmem:s17+$0x1C180]  }
0xd8: {  	v37 =	vld [tilespmem:s17+$0x1C200]  }
0xd9: {  	v38 =	vld [tilespmem:s17+$0x1C280]  }
0xda: {  	v39 =	vld [tilespmem:s17+$0x1C300];
	_ =	swait.ge [sflag:s19], $0x1000  }
0xdb: {  	s21 =	simm.s32 $0x0;
	s23 =	sld [smem:$0x7F5]  }
0xdc: {  	s25 =	sor.u32 s21, s21;
	s2 =	sand.u32 $0x70, s21;
	[sflag:s19] =	ssyncset.done $0x0  }
0xdd: {  	s0 =	sand.u32 $0xC00, s21;
	s1 =	sor.u32 $0x380, s25;
	[sflag:s19] =	ssyncadd.s32 $0xFFFFF000  }
0xde: {  	[tilespmem:s18], [sflag:$0x2] =	stream.linear.gather [hbm4b:s23+s21], $0x1000, $0x38;
	[tilespmem:$0x1E200] =	vst v63  }
0xdf: {  	s0 =	sor.u32 s2, s0;
	v40 =	vld [tilespmem:s1+$0x1D000]  }
0xe0: {  	v19 =	vadd.s32 v19, v25;
	v41 =	vld [tilespmem:s0+$0x1D000]  }
0xe1: {  	v18 =	vadd.s32 v18, v26;
	v21 =	vadd.s32 v21, v28;
	v22 =	vadd.s32 v22, v29;
	v25 =	vld [tilespmem:s0+$0x1D080]  }
0xe2: {  	v20 =	vadd.s32 v20, v30;
	v23 =	vadd.s32 v23, v31;
	v24 =	vadd.s32 v24, v32;
	v26 =	vld [tilespmem:s0+$0x1D100]  }
0xe3: {  	s26 =	simm.s32 $0x10;
	v27 =	vadd.s32 v27, v33;
	v19 =	vadd.s32 v19, v34;
	v18 =	vadd.s32 v18, v35;
	v28 =	vld [tilespmem:s0+$0x1D180]  }
0xe4: {  	s3 =	sand.u32 $0x70, s26;
	v21 =	vadd.s32 v21, v36;
	v22 =	vadd.s32 v22, v37;
	v20 =	vadd.s32 v20, v38;
	v29 =	vld [tilespmem:s0+$0x1D200];
	s1 =	simm.s32 $0x80  }
0xe5: {  	s2 =	simm.s32 $0x20;
	v23 =	vadd.s32 v23, v39;
	v30 =	vld [tilespmem:s0+$0x1D280];
	s4 =	sand.u32 $0xC00, s1;
	s7 =	sor.u32 s1, s26;
	v24 =	vadd.s32 v24, v40;
	v27 =	vadd.s32 v27, v41  }
.LBB2_12:
0xe6: {  	p0 =	sne.s32 s2, $0x1F0;
	s7 =	sor.u32 $0x380, s7;
	v19 =	vadd.s32 v19, v25;
	v31 =	vld [tilespmem:s0+$0x1D300];
	s0 =	sor.u32 s3, s4  }
0xe7: {  	v32 =	vld [tilespmem:s7+$0x1D000];
	v18 =	vadd.s32 v18, v26  }
0xe8: {  	v33 =	vld [tilespmem:s0+$0x1D000];
	v21 =	vadd.s32 v21, v28  }
.Ltmp7:
0xe9: {  	v25 =	vld [tilespmem:s0+$0x1D080];
	v22 =	vadd.s32 v22, v29;
	(pc) =	sbr.rel @p0 .LBB2_12-.Ltmp7, $4  }
0xea: {  	v26 =	vld [tilespmem:s0+$0x1D100];
	v20 =	vadd.s32 v20, v30  }
0xeb: {  	v28 =	vld [tilespmem:s0+$0x1D180];
	v23 =	vadd.s32 v23, v31  }
0xec: {  	s3 =	sand.u32 $0x70, s2;
	s1 =	sadd.s32 $0x80, s1;
	v29 =	vld [tilespmem:s0+$0x1D200];
	v24 =	vadd.s32 v24, v32  }
0xed: {  	s4 =	sand.u32 $0xC00, s1;
	s7 =	sor.u32 s1, s2;
	s2 =	sadd.s32 $0x10, s2;
	v27 =	vadd.s32 v27, v33;
	v30 =	vld [tilespmem:s0+$0x1D280]  }
0xee: {  	s1 =	sor.u32 $0x380, s7;
	v31 =	vld [tilespmem:s0+$0x1D300]  }
0xef: {  	s17 =	sor.u32 s3, s4;
	v32 =	vld [tilespmem:s1+$0x1D000]  }
0xf0: {  	v33 =	vld [tilespmem:s17+$0x1D000]  }
0xf1: {  	v34 =	vld [tilespmem:s17+$0x1D080]  }
0xf2: {  	v35 =	vld [tilespmem:s17+$0x1D100]  }
0xf3: {  	v36 =	vld [tilespmem:s17+$0x1D180]  }
0xf4: {  	v37 =	vld [tilespmem:s17+$0x1D200]  }
0xf5: {  	v38 =	vld [tilespmem:s17+$0x1D280]  }
0xf6: {  	v39 =	vld [tilespmem:s17+$0x1D300];
	_ =	swait.ge [sflag:s19], $0x1000  }
0xf7: {  	s21 =	simm.s32 $0x0;
	s23 =	sld [smem:$0x7F1]  }
0xf8: {  	s25 =	sor.u32 s21, s21;
	s2 =	sand.u32 $0x70, s21;
	[sflag:s19] =	ssyncset.done $0x0  }
0xf9: {  	s0 =	sand.u32 $0xC00, s21;
	s1 =	sor.u32 $0x380, s25;
	[sflag:s19] =	ssyncadd.s32 $0xFFFFF000  }
0xfa: {  	[tilespmem:s20], [sflag:$0x2] =	stream.linear.gather [hbm4b:s23+s21], $0x1000, $0x38;
	[tilespmem:$0x1E200] =	vst v63  }
0xfb: {  	s0 =	sor.u32 s2, s0;
	v40 =	vld [tilespmem:s1+$0x1C000]  }
0xfc: {  	v19 =	vadd.s32 v19, v25;
	v41 =	vld [tilespmem:s0+$0x1C000]  }
0xfd: {  	v18 =	vadd.s32 v18, v26;
	v21 =	vadd.s32 v21, v28;
	v22 =	vadd.s32 v22, v29;
	v25 =	vld [tilespmem:s0+$0x1C080]  }
0xfe: {  	v20 =	vadd.s32 v20, v30;
	v23 =	vadd.s32 v23, v31;
	v24 =	vadd.s32 v24, v32;
	v26 =	vld [tilespmem:s0+$0x1C100]  }
0xff: {  	s26 =	simm.s32 $0x10;
	v27 =	vadd.s32 v27, v33;
	v19 =	vadd.s32 v19, v34;
	v18 =	vadd.s32 v18, v35;
	v28 =	vld [tilespmem:s0+$0x1C180]  }
0x100: {  	s3 =	sand.u32 $0x70, s26;
	v21 =	vadd.s32 v21, v36;
	v22 =	vadd.s32 v22, v37;
	v20 =	vadd.s32 v20, v38;
	v29 =	vld [tilespmem:s0+$0x1C200];
	s1 =	simm.s32 $0x80  }
0x101: {  	s2 =	simm.s32 $0x20;
	v23 =	vadd.s32 v23, v39;
	v30 =	vld [tilespmem:s0+$0x1C280];
	s4 =	sand.u32 $0xC00, s1;
	s7 =	sor.u32 s1, s26;
	v24 =	vadd.s32 v24, v40;
	v27 =	vadd.s32 v27, v41  }
.LBB2_14:
0x102: {  	p0 =	sne.s32 s2, $0x1F0;
	s7 =	sor.u32 $0x380, s7;
	v19 =	vadd.s32 v19, v25;
	v31 =	vld [tilespmem:s0+$0x1C300];
	s0 =	sor.u32 s3, s4  }
0x103: {  	v32 =	vld [tilespmem:s7+$0x1C000];
	v18 =	vadd.s32 v18, v26  }
0x104: {  	v33 =	vld [tilespmem:s0+$0x1C000];
	v21 =	vadd.s32 v21, v28  }
.Ltmp8:
0x105: {  	v25 =	vld [tilespmem:s0+$0x1C080];
	v22 =	vadd.s32 v22, v29;
	(pc) =	sbr.rel @p0 .LBB2_14-.Ltmp8, $4  }
0x106: {  	v26 =	vld [tilespmem:s0+$0x1C100];
	v20 =	vadd.s32 v20, v30  }
0x107: {  	v28 =	vld [tilespmem:s0+$0x1C180];
	v23 =	vadd.s32 v23, v31  }
0x108: {  	s3 =	sand.u32 $0x70, s2;
	s1 =	sadd.s32 $0x80, s1;
	v29 =	vld [tilespmem:s0+$0x1C200];
	v24 =	vadd.s32 v24, v32  }
0x109: {  	s4 =	sand.u32 $0xC00, s1;
	s7 =	sor.u32 s1, s2;
	s2 =	sadd.s32 $0x10, s2;
	v27 =	vadd.s32 v27, v33;
	v30 =	vld [tilespmem:s0+$0x1C280]  }
0x10a: {  	s1 =	sor.u32 $0x380, s7;
	v31 =	vld [tilespmem:s0+$0x1C300]  }
0x10b: {  	s17 =	sor.u32 s3, s4;
	v32 =	vld [tilespmem:s1+$0x1C000]  }
0x10c: {  	v33 =	vld [tilespmem:s17+$0x1C000]  }
0x10d: {  	v34 =	vld [tilespmem:s17+$0x1C080]  }
0x10e: {  	v35 =	vld [tilespmem:s17+$0x1C100]  }
0x10f: {  	v36 =	vld [tilespmem:s17+$0x1C180]  }
0x110: {  	v37 =	vld [tilespmem:s17+$0x1C200]  }
0x111: {  	v38 =	vld [tilespmem:s17+$0x1C280]  }
0x112: {  	v39 =	vld [tilespmem:s17+$0x1C300];
	_ =	swait.ge [sflag:s19], $0x1000  }
0x113: {  	s21 =	simm.s32 $0x0;
	s23 =	sld [smem:$0x7F2]  }
0x114: {  	s25 =	sor.u32 s21, s21;
	s2 =	sand.u32 $0x70, s21;
	[sflag:s19] =	ssyncset.done $0x0  }
0x115: {  	s0 =	sand.u32 $0xC00, s21;
	s1 =	sor.u32 $0x380, s25;
	[sflag:s19] =	ssyncadd.s32 $0xFFFFF000  }
0x116: {  	[tilespmem:s18], [sflag:$0x2] =	stream.linear.gather [hbm4b:s23+s21], $0x1000, $0x38;
	[tilespmem:$0x1E200] =	vst v63  }
0x117: {  	s0 =	sor.u32 s2, s0;
	v40 =	vld [tilespmem:s1+$0x1D000]  }
0x118: {  	v19 =	vadd.s32 v19, v25;
	v41 =	vld [tilespmem:s0+$0x1D000]  }
0x119: {  	v18 =	vadd.s32 v18, v26;
	v21 =	vadd.s32 v21, v28;
	v22 =	vadd.s32 v22, v29;
	v25 =	vld [tilespmem:s0+$0x1D080]  }
0x11a: {  	v20 =	vadd.s32 v20, v30;
	v23 =	vadd.s32 v23, v31;
	v24 =	vadd.s32 v24, v32;
	v26 =	vld [tilespmem:s0+$0x1D100]  }
0x11b: {  	s26 =	simm.s32 $0x10;
	v27 =	vadd.s32 v27, v33;
	v19 =	vadd.s32 v19, v34;
	v18 =	vadd.s32 v18, v35;
	v28 =	vld [tilespmem:s0+$0x1D180]  }
0x11c: {  	s3 =	sand.u32 $0x70, s26;
	v21 =	vadd.s32 v21, v36;
	v22 =	vadd.s32 v22, v37;
	v20 =	vadd.s32 v20, v38;
	v29 =	vld [tilespmem:s0+$0x1D200];
	s1 =	simm.s32 $0x80  }
0x11d: {  	s2 =	simm.s32 $0x20;
	v23 =	vadd.s32 v23, v39;
	v30 =	vld [tilespmem:s0+$0x1D280];
	s4 =	sand.u32 $0xC00, s1;
	s7 =	sor.u32 s1, s26;
	v24 =	vadd.s32 v24, v40;
	v27 =	vadd.s32 v27, v41  }
.LBB2_16:
0x11e: {  	p0 =	sne.s32 s2, $0x1F0;
	s7 =	sor.u32 $0x380, s7;
	v19 =	vadd.s32 v19, v25;
	v31 =	vld [tilespmem:s0+$0x1D300];
	s0 =	sor.u32 s3, s4  }
0x11f: {  	v32 =	vld [tilespmem:s7+$0x1D000];
	v18 =	vadd.s32 v18, v26  }
0x120: {  	v33 =	vld [tilespmem:s0+$0x1D000];
	v21 =	vadd.s32 v21, v28  }
.Ltmp9:
0x121: {  	v25 =	vld [tilespmem:s0+$0x1D080];
	v22 =	vadd.s32 v22, v29;
	(pc) =	sbr.rel @p0 .LBB2_16-.Ltmp9, $4  }
0x122: {  	v26 =	vld [tilespmem:s0+$0x1D100];
	v20 =	vadd.s32 v20, v30  }
0x123: {  	v28 =	vld [tilespmem:s0+$0x1D180];
	v23 =	vadd.s32 v23, v31  }
0x124: {  	s3 =	sand.u32 $0x70, s2;
	s1 =	sadd.s32 $0x80, s1;
	v29 =	vld [tilespmem:s0+$0x1D200];
	v24 =	vadd.s32 v24, v32  }
0x125: {  	s4 =	sand.u32 $0xC00, s1;
	s7 =	sor.u32 s1, s2;
	s2 =	sadd.s32 $0x10, s2;
	v27 =	vadd.s32 v27, v33;
	v30 =	vld [tilespmem:s0+$0x1D280]  }
0x126: {  	s1 =	sor.u32 $0x380, s7;
	v31 =	vld [tilespmem:s0+$0x1D300]  }
0x127: {  	s18 =	sor.u32 s3, s4;
	v32 =	vld [tilespmem:s1+$0x1D000]  }
0x128: {  	v33 =	vld [tilespmem:s18+$0x1D000]  }
0x129: {  	v34 =	vld [tilespmem:s18+$0x1D080]  }
0x12a: {  	v35 =	vld [tilespmem:s18+$0x1D100]  }
0x12b: {  	v36 =	vld [tilespmem:s18+$0x1D180]  }
0x12c: {  	v37 =	vld [tilespmem:s18+$0x1D200]  }
0x12d: {  	v38 =	vld [tilespmem:s18+$0x1D280]  }
0x12e: {  	v39 =	vld [tilespmem:s18+$0x1D300];
	_ =	swait.ge [sflag:s19], $0x1000  }
0x12f: {  	s21 =	simm.s32 $0x0;
	s23 =	sld [smem:$0x7F3]  }
0x130: {  	s25 =	sor.u32 s21, s21;
	s2 =	sand.u32 $0x70, s21;
	[sflag:s19] =	ssyncset.done $0x0  }
0x131: {  	s0 =	sand.u32 $0xC00, s21;
	s1 =	sor.u32 $0x380, s25;
	[sflag:s19] =	ssyncadd.s32 $0xFFFFF000  }
0x132: {  	[tilespmem:s20], [sflag:$0x2] =	stream.linear.gather [hbm4b:s23+s21], $0x1000, $0x38;
	[tilespmem:$0x1E200] =	vst v63  }
0x133: {  	s0 =	sor.u32 s2, s0;
	v40 =	vld [tilespmem:s1+$0x1C000]  }
0x134: {  	v19 =	vadd.s32 v19, v25;
	v41 =	vld [tilespmem:s0+$0x1C000]  }
0x135: {  	v18 =	vadd.s32 v18, v26;
	v21 =	vadd.s32 v21, v28;
	v22 =	vadd.s32 v22, v29;
	v25 =	vld [tilespmem:s0+$0x1C080]  }
0x136: {  	v20 =	vadd.s32 v20, v30;
	v23 =	vadd.s32 v23, v31;
	v24 =	vadd.s32 v24, v32;
	v26 =	vld [tilespmem:s0+$0x1C100]  }
0x137: {  	s26 =	simm.s32 $0x10;
	v27 =	vadd.s32 v27, v33;
	v19 =	vadd.s32 v19, v34;
	v18 =	vadd.s32 v18, v35;
	v28 =	vld [tilespmem:s0+$0x1C180]  }
0x138: {  	s3 =	sand.u32 $0x70, s26;
	v21 =	vadd.s32 v21, v36;
	v22 =	vadd.s32 v22, v37;
	v20 =	vadd.s32 v20, v38;
	v29 =	vld [tilespmem:s0+$0x1C200];
	s1 =	simm.s32 $0x80  }
0x139: {  	s2 =	simm.s32 $0x20;
	v23 =	vadd.s32 v23, v39;
	v30 =	vld [tilespmem:s0+$0x1C280];
	s4 =	sand.u32 $0xC00, s1;
	s7 =	sor.u32 s1, s26;
	v24 =	vadd.s32 v24, v40;
	v27 =	vadd.s32 v27, v41  }
.LBB2_18:
0x13a: {  	p0 =	sne.s32 s2, $0x1F0;
	s7 =	sor.u32 $0x380, s7;
	v19 =	vadd.s32 v19, v25;
	v31 =	vld [tilespmem:s0+$0x1C300];
	s0 =	sor.u32 s3, s4  }
0x13b: {  	v32 =	vld [tilespmem:s7+$0x1C000];
	v18 =	vadd.s32 v18, v26  }
0x13c: {  	v33 =	vld [tilespmem:s0+$0x1C000];
	v21 =	vadd.s32 v21, v28  }
.Ltmp10:
0x13d: {  	v25 =	vld [tilespmem:s0+$0x1C080];
	v22 =	vadd.s32 v22, v29;
	(pc) =	sbr.rel @p0 .LBB2_18-.Ltmp10, $4  }
0x13e: {  	v26 =	vld [tilespmem:s0+$0x1C100];
	v20 =	vadd.s32 v20, v30  }
0x13f: {  	v28 =	vld [tilespmem:s0+$0x1C180];
	v23 =	vadd.s32 v23, v31  }
0x140: {  	s3 =	sand.u32 $0x70, s2;
	s1 =	sadd.s32 $0x80, s1;
	v29 =	vld [tilespmem:s0+$0x1C200];
	v24 =	vadd.s32 v24, v32  }
0x141: {  	s4 =	sand.u32 $0xC00, s1;
	s7 =	sor.u32 s1, s2;
	s2 =	sadd.s32 $0x10, s2;
	v27 =	vadd.s32 v27, v33;
	v30 =	vld [tilespmem:s0+$0x1C280]  }
0x142: {  	s1 =	sor.u32 $0x380, s7;
	v31 =	vld [tilespmem:s0+$0x1C300]  }
0x143: {  	s21 =	sor.u32 s3, s4;
	v32 =	vld [tilespmem:s1+$0x1C000]  }
0x144: {  	v33 =	vld [tilespmem:s21+$0x1C000]  }
0x145: {  	v34 =	vld [tilespmem:s21+$0x1C080]  }
0x146: {  	v35 =	vld [tilespmem:s21+$0x1C100]  }
0x147: {  	v36 =	vld [tilespmem:s21+$0x1C180]  }
0x148: {  	v37 =	vld [tilespmem:s21+$0x1C200]  }
0x149: {  	v38 =	vld [tilespmem:s21+$0x1C280]  }
0x14a: {  	s23 =	simm.s32 $0x0;
	v39 =	vld [tilespmem:s21+$0x1C300];
	_ =	swait.ge [sflag:s19], $0x1000  }
0x14b: {  	s25 =	sor.u32 s23, s23;
	s2 =	sand.u32 $0x70, s23;
	[sflag:s19] =	ssyncset.done $0x0  }
0x14c: {  	s0 =	sand.u32 $0xC00, s23;
	s1 =	sor.u32 $0x380, s25;
	[sflag:s19] =	ssyncadd.s32 $0xFFFFF000  }
0x14d: {  	s0 =	sor.u32 s2, s0;
	v40 =	vld [tilespmem:s1+$0x1D000]  }
0x14e: {  	v19 =	vadd.s32 v19, v25;
	v41 =	vld [tilespmem:s0+$0x1D000]  }
0x14f: {  	v18 =	vadd.s32 v18, v26;
	v21 =	vadd.s32 v21, v28;
	v29 =	vadd.s32 v22, v29;
	v28 =	vld [tilespmem:s0+$0x1D080]  }
0x150: {  	v20 =	vadd.s32 v20, v30;
	v25 =	vld [tilespmem:s0+$0x1D100];
	v30 =	vadd.s32 v23, v31;
	v31 =	vadd.s32 v24, v32  }
0x151: {  	s26 =	simm.s32 $0x10;
	v26 =	vld [tilespmem:s0+$0x1D180];
	v63 =	vadd.s32 v27, v33;
	v24 =	vadd.s32 v19, v34;
	v23 =	vadd.s32 v18, v35  }
0x152: {  	s3 =	sand.u32 $0x70, s26;
	s1 =	simm.s32 $0x80;
	v22 =	vadd.s32 v21, v36;
	v21 =	vadd.s32 v29, v37;
	v19 =	vadd.s32 v20, v38;
	v27 =	vld [tilespmem:s0+$0x1D200]  }
0x153: {  	s2 =	simm.s32 $0x20;
	s7 =	sand.u32 $0xC00, s1;
	s4 =	sor.u32 s1, s26;
	v20 =	vadd.s32 v30, v39;
	v30 =	vld [tilespmem:s0+$0x1D280];
	v18 =	vadd.s32 v31, v40;
	v29 =	vadd.s32 v63, v41  }
.LBB2_20:
0x154: {  	p0 =	sne.s32 s2, $0x1F0;
	s4 =	sor.u32 $0x380, s4;
	v24 =	vadd.s32 v24, v28;
	v31 =	vld [tilespmem:s0+$0x1D300];
	s0 =	sor.u32 s3, s7  }
0x155: {  	v32 =	vld [tilespmem:s4+$0x1D000];
	v23 =	vadd.s32 v23, v25  }
0x156: {  	v33 =	vld [tilespmem:s0+$0x1D000];
	v22 =	vadd.s32 v22, v26  }
.Ltmp11:
0x157: {  	v28 =	vld [tilespmem:s0+$0x1D080];
	v21 =	vadd.s32 v21, v27;
	(pc) =	sbr.rel @p0 .LBB2_20-.Ltmp11, $4  }
0x158: {  	v25 =	vld [tilespmem:s0+$0x1D100];
	v19 =	vadd.s32 v19, v30  }
0x159: {  	v26 =	vld [tilespmem:s0+$0x1D180];
	v20 =	vadd.s32 v20, v31  }
0x15a: {  	s3 =	sand.u32 $0x70, s2;
	s1 =	sadd.s32 $0x80, s1;
	v27 =	vld [tilespmem:s0+$0x1D200];
	v18 =	vadd.s32 v18, v32  }
0x15b: {  	s7 =	sand.u32 $0xC00, s1;
	s4 =	sor.u32 s1, s2;
	s2 =	sadd.s32 $0x10, s2;
	v29 =	vadd.s32 v29, v33;
	v30 =	vld [tilespmem:s0+$0x1D280]  }
0x15c: {  	s1 =	sor.u32 s3, s7  }
0x15d: {  	v32 =	vld [tilespmem:s1+$0x1D000]  }
0x15e: {  	v31 =	vld [tilespmem:s0+$0x1D300]  }
0x15f: {  	v33 =	vld [tilespmem:s1+$0x1D080]  }
0x160: {  	v34 =	vld [tilespmem:s1+$0x1D100]  }
0x161: {  	v35 =	vld [tilespmem:s1+$0x1D180]  }
0x162: {  	v36 =	vld [tilespmem:s1+$0x1D200];
	v62 =	vadd.s32 v29, v32  }
0x163: {  	v24 =	vadd.s32 v24, v28;
	v63 =	vld [tilespmem:s1+$0x1D280];
	(xrf0) =	vadd.scan.msk.s32 $0xffff, v62  }
0x164: {  	s25 =	sor.u32 $0x380, s4;
	v23 =	vadd.s32 v23, v25;
	v25 =	vld [tilespmem:s1+$0x1D300];
	v24 =	vadd.s32 v24, v33  }
0x165: {  	v22 =	vadd.s32 v22, v26;
	v23 =	vadd.s32 v23, v34;
	(xrf0) =	vadd.scan.msk.s32 $0xffff, v24;
	v24 =	vld [tilespmem:s25+$0x1D000]  }
0x166: {  	v21 =	vadd.s32 v21, v27;
	v22 =	vadd.s32 v22, v35;
	(xrf0) =	vadd.scan.msk.s32 $0xffff, v23  }
0x167: {  	v19 =	vadd.s32 v19, v30;
	v21 =	vadd.s32 v21, v36;
	(xrf0) =	vadd.scan.msk.s32 $0xffff, v22  }
0x168: {  	v20 =	vadd.s32 v20, v31;
	v19 =	vadd.s32 v19, v63;
	(xrf0) =	vadd.scan.msk.s32 $0xffff, v21  }
0x169: {  	v20 =	vadd.s32 v20, v25;
	(xrf0) =	vadd.scan.msk.s32 $0xffff, v19;
	v25, _, _ =	vpop (xrf0)  }
0x16a: {  	v18 =	vadd.s32 v18, v24;
	(xrf0) =	vadd.scan.msk.s32 $0xffff, v20;
	(v2sf) =	vpush v25, $0xF  }
0x16b: {  	v24, _, _ =	vpop (xrf0);
	(xrf0) =	vadd.scan.msk.s32 $0xffff, v18  }
0x16c: {  	v23, _, _ =	vpop (xrf0);
	(v2sf) =	vpush v24, $0xF  }
0x16d: {  	v22, _, _ =	vpop (xrf0);
	(v2sf) =	vpush v23, $0xF  }
0x16e: {  	v21, _, _ =	vpop (xrf0);
	(v2sf) =	vpush v22, $0xF  }
0x16f: {  	v20, _, _ =	vpop (xrf0);
	(v2sf) =	vpush v21, $0xF  }
0x170: {  	v19, _, _ =	vpop (xrf0);
	(v2sf) =	vpush v20, $0xF  }
0x171: {  	(v2sf) =	vpush v19, $0xF;
	v18, _, _ =	vpop (xrf0)  }
0x172: {  	(v2sf) =	vpush v18, $0xF;
	_ =	sdelay $0x4  }
0x173: {  	s26 =	sld [smem:$0x7ED];
	_ =	sdelay $0x1  }
0x174: {  	s17 =	spop (v2sf)  }
0x175: {  	p1 =	seq.s32 s26, $0x1;
	s0 =	sand.u32 $0x1F, s17  }
0x176: {  	s2 =	spop (v2sf);
	p0 =	seq.s32 @!p1 s0, $0x0  }
0x177: {  	s21 =	spop (v2sf);
	p0 =	por p1, p0  }
.Ltmp12:
0x178: {  	s20 =	spop (v2sf);
	(pc) =	sbr.rel @p0 .LBB2_23-.Ltmp12, $4  }
0x179: {  	s19 =	spop (v2sf)  }
0x17a: {  	s18 =	spop (v2sf)  }
0x17b: {  	s25 =	spop (v2sf)  }
0x17c: {  	s23 =	spop (v2sf)  }
0x17d: {  	s0 =	sshra.s32 s17, $0x1F  }
0x17e: {  	s0 =	sshrl.u32 s0, $0x1B  }
0x17f: {  	s0 =	sadd.s32 s0, s17  }
0x180: {  	s1 =	sand.u32 $0xFFFFFFE0, s0  }
0x181: {  	p0 =	slt.s32 s17, $0x1;
	p1 =	sne.s32 s17, s1  }
0x182: {  	p0 =	por !p0, !p1  }
0x183: {  	s1 =	simm.s32 $0x1;
	p0 =	por !p0, !p0  }
0x184: {  	s0 =	sshra.s32 s0, $0x5;
	s1 =	simm.s32 @!p0 $0x0  }
0x185: {  	s0 =	ssub.s32 s0, s1  }
0x186: {  	v18 =	vbroadcast v25, $0xF;
	s1 =	sshll.u32 s0, $0x5  }
0x187: {  	v20 =	vadd.s32 $0x2, v0;
	v19 =	vor.u32 s1, v0  }
0x188: {  	vm1 =	vlt.s32 v19, v18;
	v19 =	vor.u32 s1, v20  }
0x189: {  	v19 =	vnsel vm1, $0x0, v19  }
0x18a: {  	[tilespmem:$0x1E100] =	vst v19  }
0x18b: {  	v19 =	vld [tilespmem:$0x1E100];
	_ =	sdelay $0x4  }
0x18c: {  	v21 =	vshll.u32 v19, $0x3  }
0x18d: {  	v19 =	vand.u32 $0x7, v19;
	v21 =	vand.u32 $0xFFFFFFC0, v21  }
0x18e: {  	v19 =	vor.u32 v19, v21  }
0x18f: {  	v21 =	vperm.xlane v19, v8;
	_ =	sdelay $0x1  }
0x190: {  	s1 =	sor.u32 $0x10, s1;
	v21 =	vadd.s32 v9, v21  }
0x191: {  	v22 =	vor.u32 s1, v0  }
0x192: {  	vm1 =	vlt.s32 v22, v18;
	v18 =	vadd.s32 s1, v20  }
0x193: {  	v18 =	vnsel vm1, $0x0, v18  }
0x194: {  	s3 =	simm.s32 $0x14000;
	[tilespmem:$0x1E180] =	vst v18  }
0x195: {  	[tilespmem:s3], [sflag:$0x4] =	stream.indirect_vreg.gather [hbm4b:s10+s5], $0x80, v21, vm0, $0xb8;
	[tilespmem:$0x1E200] =	vst v63  }
0x196: {  	s4 =	simm.s32 $0x14800;
	v18 =	vperm.xlane v19, v10  }
0x197: {  	[tilespmem:s4], [sflag:$0x4] =	stream.indirect_vreg.gather [hbm4b:s12+s5], $0x80, v21, vm0, $0xb8;
	[tilespmem:$0x1E200] =	vst v63  }
0x198: {  	s8 =	simm.s32 $0x15000;
	v18 =	vadd.s32 v9, v18  }
0x199: {  	[tilespmem:s8], [sflag:$0x4] =	stream.indirect_vreg.gather [hbm4b:s13+s5], $0x80, v21, vm0, $0xb8;
	[tilespmem:$0x1E200] =	vst v63  }
0x19a: {  	s26 =	simm.s32 $0x15800  }
0x19b: {  	[tilespmem:s26], [sflag:$0x4] =	stream.indirect_vreg.gather [hbm4b:s24+s5], $0x80, v21, vm0, $0xb8;
	[tilespmem:$0x1E200] =	vst v63  }
0x19c: {  	s7 =	simm.s32 $0x16000  }
0x19d: {  	[tilespmem:s7], [sflag:$0x4] =	stream.indirect_vreg.gather [hbm4b:s10+s5], $0x80, v18, vm0, $0xb8;
	[tilespmem:$0x1E200] =	vst v63  }
0x19e: {  	s8 =	simm.s32 $0x16800  }
0x19f: {  	[tilespmem:s8], [sflag:$0x4] =	stream.indirect_vreg.gather [hbm4b:s12+s5], $0x80, v18, vm0, $0xb8;
	[tilespmem:$0x1E200] =	vst v63  }
0x1a0: {  	s26 =	simm.s32 $0x17000  }
0x1a1: {  	[tilespmem:s26], [sflag:$0x4] =	stream.indirect_vreg.gather [hbm4b:s13+s5], $0x80, v18, vm0, $0xb8;
	[tilespmem:$0x1E200] =	vst v63  }
0x1a2: {  	s7 =	simm.s32 $0x17800  }
0x1a3: {  	[tilespmem:s7], [sflag:$0x4] =	stream.indirect_vreg.gather [hbm4b:s24+s5], $0x80, v18, vm0, $0xb8;
	[tilespmem:$0x1E200] =	vst v63  }
0x1a4: {  	v18 =	vld [tilespmem:$0x1E180];
	_ =	sdelay $0x4  }
0x1a5: {  	v19 =	vshll.u32 v18, $0x3  }
0x1a6: {  	v18 =	vand.u32 $0x7, v18;
	v19 =	vand.u32 $0xFFFFFFC0, v19  }
0x1a7: {  	v18 =	vor.u32 v18, v19  }
0x1a8: {  	v19 =	vperm.xlane v18, v8;
	_ =	sdelay $0x1  }
0x1a9: {  	v19 =	vadd.s32 v9, v19;
	_ =	sdelay $0x4  }
0x1aa: {  	[tilespmem:s9], [sflag:$0x4] =	stream.indirect_vreg.gather [hbm4b:s10+s5], $0x80, v19, vm0, $0xb8;
	[tilespmem:$0x1E200] =	vst v63  }
0x1ab: {  	s8 =	simm.s32 $0x18800;
	v18 =	vperm.xlane v18, v10  }
0x1ac: {  	[tilespmem:s8], [sflag:$0x4] =	stream.indirect_vreg.gather [hbm4b:s12+s5], $0x80, v19, vm0, $0xb8;
	[tilespmem:$0x1E200] =	vst v63  }
0x1ad: {  	s26 =	simm.s32 $0x19000;
	v18 =	vadd.s32 v9, v18  }
0x1ae: {  	[tilespmem:s26], [sflag:$0x4] =	stream.indirect_vreg.gather [hbm4b:s13+s5], $0x80, v19, vm0, $0xb8;
	[tilespmem:$0x1E200] =	vst v63  }
0x1af: {  	s7 =	simm.s32 $0x19800  }
0x1b0: {  	[tilespmem:s7], [sflag:$0x4] =	stream.indirect_vreg.gather [hbm4b:s24+s5], $0x80, v19, vm0, $0xb8;
	[tilespmem:$0x1E200] =	vst v63  }
0x1b1: {  	s8 =	simm.s32 $0x1A000  }
0x1b2: {  	[tilespmem:s8], [sflag:$0x4] =	stream.indirect_vreg.gather [hbm4b:s10+s5], $0x80, v18, vm0, $0xb8;
	[tilespmem:$0x1E200] =	vst v63  }
0x1b3: {  	s10 =	simm.s32 $0x1A800  }
0x1b4: {  	[tilespmem:s10], [sflag:$0x4] =	stream.indirect_vreg.gather [hbm4b:s12+s5], $0x80, v18, vm0, $0xb8;
	[tilespmem:$0x1E200] =	vst v63  }
0x1b5: {  	s12 =	simm.s32 $0x1B000  }
0x1b6: {  	[tilespmem:s12], [sflag:$0x4] =	stream.indirect_vreg.gather [hbm4b:s13+s5], $0x80, v18, vm0, $0xb8;
	[tilespmem:$0x1E200] =	vst v63  }
0x1b7: {  	s26 =	simm.s32 $0x4;
	s13 =	simm.s32 $0x1B800  }
0x1b8: {  	[tilespmem:s13], [sflag:$0x4] =	stream.indirect_vreg.gather [hbm4b:s24+s5], $0x80, v18, vm0, $0xb8;
	[tilespmem:$0x1E200] =	vst v63  }
0x1b9: {  	_ =	swait.ge [sflag:s26], $0x4000  }
0x1ba: {  	[sflag:s26] =	ssyncset.done $0x0  }
0x1bb: {  	[sflag:s26] =	ssyncadd.s32 $0xFFFFC000  }
.Ltmp13:
0x1bc: {  	s0 =	sshll.u32 s0, $0xC;
	_ =	swait.ge [sflag:s26], $0x4000;
	(pc) =	sbr.rel .LBB2_38-.Ltmp13, $4  }
0x1bd: {  	s0 =	sand.u32 $0x1FFFF000, s0;
	[sflag:s26] =	ssyncset.done $0x0  }
0x1be: {  	s0 =	sadd.s32 s11, s0;
	[sflag:s26] =	ssyncadd.s32 $0xFFFFC000  }
0x1bf: {  	[hbm4b:s0+s5] =	stream.linear.scatter [tilespmem:s3], [sflag:$0x5], $0x4000, $0x38;
	[tilespmem:$0x1E200] =	vst v63  }
0x1c0: {  	s0 =	sshll.u32 s1, $0x7  }
.LBB2_23:
0x1c1: {  	p0 =	sne.s32 s6, $0x1;
	s0 =	sand.u32 $0x1F, s2  }
0x1c2: {  	p1 =	seq.s32 @!p0 s0, $0x0  }
0x1c3: {  	p0 =	por p0, p1  }
.Ltmp14:
0x1c4: {  	_ = 	snop;
	(pc) =	sbr.rel @p0 .LBB2_25-.Ltmp14, $1  }
0x1c5: {  	_ =	sdelay $0x3  }
0x1c6: {  	s0 =	sshra.s32 s2, $0x1F  }
0x1c7: {  	s0 =	sshrl.u32 s0, $0x1B  }
0x1c8: {  	s0 =	sadd.s32 s0, s2  }
0x1c9: {  	s1 =	sand.u32 $0xFFFFFFE0, s0  }
0x1ca: {  	p0 =	slt.s32 s2, $0x1;
	p1 =	sne.s32 s2, s1  }
0x1cb: {  	p0 =	por !p0, !p1  }
0x1cc: {  	s1 =	simm.s32 $0x1;
	p0 =	por !p0, !p0  }
0x1cd: {  	s0 =	sshra.s32 s0, $0x5;
	s1 =	simm.s32 @!p0 $0x0  }
0x1ce: {  	s0 =	ssub.s32 s0, s1  }
0x1cf: {  	v18 =	vbroadcast v24, $0xF;
	s1 =	sshll.u32 s0, $0x5  }
0x1d0: {  	v20 =	vadd.s32 $0x2, v0;
	v19 =	vor.u32 s1, v0  }
0x1d1: {  	vm1 =	vlt.s32 v19, v18;
	v19 =	vor.u32 s1, v20  }
0x1d2: {  	v19 =	vnsel vm1, $0x0, v19  }
0x1d3: {  	[tilespmem:$0x1E100] =	vst v19  }
0x1d4: {  	v19 =	vld [tilespmem:$0x1E100];
	_ =	sdelay $0x4  }
0x1d5: {  	v21 =	vshll.u32 v19, $0x3  }
0x1d6: {  	v19 =	vand.u32 $0x7, v19;
	v21 =	vand.u32 $0xFFFFFFC0, v21  }
0x1d7: {  	v19 =	vor.u32 v19, v21  }
0x1d8: {  	v21 =	vperm.xlane v19, v8;
	_ =	sdelay $0x1  }
0x1d9: {  	s1 =	sor.u32 $0x10, s1;
	v21 =	vadd.s32 v9, v21  }
0x1da: {  	v22 =	vor.u32 s1, v0  }
0x1db: {  	vm1 =	vlt.s32 v22, v18;
	v18 =	vadd.s32 s1, v20  }
0x1dc: {  	v18 =	vnsel vm1, $0x0, v18  }
0x1dd: {  	s3 =	simm.s32 $0x14000;
	[tilespmem:$0x1E180] =	vst v18  }
0x1de: {  	[tilespmem:s3], [sflag:$0x4] =	stream.indirect_vreg.gather [hbm4b:s10+s5], $0x80, v21, vm0, $0xb8;
	[tilespmem:$0x1E200] =	vst v63  }
0x1df: {  	s4 =	simm.s32 $0x14800;
	v18 =	vperm.xlane v19, v10  }
0x1e0: {  	[tilespmem:s4], [sflag:$0x4] =	stream.indirect_vreg.gather [hbm4b:s12+s5], $0x80, v21, vm0, $0xb8;
	[tilespmem:$0x1E200] =	vst v63  }
0x1e1: {  	s8 =	simm.s32 $0x15000;
	v18 =	vadd.s32 v9, v18  }
0x1e2: {  	[tilespmem:s8], [sflag:$0x4] =	stream.indirect_vreg.gather [hbm4b:s13+s5], $0x80, v21, vm0, $0xb8;
	[tilespmem:$0x1E200] =	vst v63  }
0x1e3: {  	s26 =	simm.s32 $0x15800  }
0x1e4: {  	[tilespmem:s26], [sflag:$0x4] =	stream.indirect_vreg.gather [hbm4b:s24+s5], $0x80, v21, vm0, $0xb8;
	[tilespmem:$0x1E200] =	vst v63  }
0x1e5: {  	s7 =	simm.s32 $0x16000  }
0x1e6: {  	[tilespmem:s7], [sflag:$0x4] =	stream.indirect_vreg.gather [hbm4b:s10+s5], $0x80, v18, vm0, $0xb8;
	[tilespmem:$0x1E200] =	vst v63  }
0x1e7: {  	s8 =	simm.s32 $0x16800  }
0x1e8: {  	[tilespmem:s8], [sflag:$0x4] =	stream.indirect_vreg.gather [hbm4b:s12+s5], $0x80, v18, vm0, $0xb8;
	[tilespmem:$0x1E200] =	vst v63  }
0x1e9: {  	s26 =	simm.s32 $0x17000  }
0x1ea: {  	[tilespmem:s26], [sflag:$0x4] =	stream.indirect_vreg.gather [hbm4b:s13+s5], $0x80, v18, vm0, $0xb8;
	[tilespmem:$0x1E200] =	vst v63  }
0x1eb: {  	s7 =	simm.s32 $0x17800  }
0x1ec: {  	[tilespmem:s7], [sflag:$0x4] =	stream.indirect_vreg.gather [hbm4b:s24+s5], $0x80, v18, vm0, $0xb8;
	[tilespmem:$0x1E200] =	vst v63  }
0x1ed: {  	v18 =	vld [tilespmem:$0x1E180];
	_ =	sdelay $0x4  }
0x1ee: {  	v19 =	vshll.u32 v18, $0x3  }
0x1ef: {  	v18 =	vand.u32 $0x7, v18;
	v19 =	vand.u32 $0xFFFFFFC0, v19  }
0x1f0: {  	v18 =	vor.u32 v18, v19  }
0x1f1: {  	v19 =	vperm.xlane v18, v8;
	_ =	sdelay $0x1  }
0x1f2: {  	v19 =	vadd.s32 v9, v19;
	_ =	sdelay $0x4  }
0x1f3: {  	[tilespmem:s9], [sflag:$0x4] =	stream.indirect_vreg.gather [hbm4b:s10+s5], $0x80, v19, vm0, $0xb8;
	[tilespmem:$0x1E200] =	vst v63  }
0x1f4: {  	s8 =	simm.s32 $0x18800;
	v18 =	vperm.xlane v18, v10  }
0x1f5: {  	[tilespmem:s8], [sflag:$0x4] =	stream.indirect_vreg.gather [hbm4b:s12+s5], $0x80, v19, vm0, $0xb8;
	[tilespmem:$0x1E200] =	vst v63  }
0x1f6: {  	s26 =	simm.s32 $0x19000;
	v18 =	vadd.s32 v9, v18  }
0x1f7: {  	[tilespmem:s26], [sflag:$0x4] =	stream.indirect_vreg.gather [hbm4b:s13+s5], $0x80, v19, vm0, $0xb8;
	[tilespmem:$0x1E200] =	vst v63  }
0x1f8: {  	s7 =	simm.s32 $0x19800  }
0x1f9: {  	[tilespmem:s7], [sflag:$0x4] =	stream.indirect_vreg.gather [hbm4b:s24+s5], $0x80, v19, vm0, $0xb8;
	[tilespmem:$0x1E200] =	vst v63  }
0x1fa: {  	s8 =	simm.s32 $0x1A000  }
0x1fb: {  	[tilespmem:s8], [sflag:$0x4] =	stream.indirect_vreg.gather [hbm4b:s10+s5], $0x80, v18, vm0, $0xb8;
	[tilespmem:$0x1E200] =	vst v63  }
0x1fc: {  	s10 =	simm.s32 $0x1A800  }
0x1fd: {  	[tilespmem:s10], [sflag:$0x4] =	stream.indirect_vreg.gather [hbm4b:s12+s5], $0x80, v18, vm0, $0xb8;
	[tilespmem:$0x1E200] =	vst v63  }
0x1fe: {  	s12 =	simm.s32 $0x1B000  }
0x1ff: {  	[tilespmem:s12], [sflag:$0x4] =	stream.indirect_vreg.gather [hbm4b:s13+s5], $0x80, v18, vm0, $0xb8;
	[tilespmem:$0x1E200] =	vst v63  }
0x200: {  	s13 =	simm.s32 $0x1B800  }
0x201: {  	[tilespmem:s13], [sflag:$0x4] =	stream.indirect_vreg.gather [hbm4b:s24+s5], $0x80, v18, vm0, $0xb8;
	[tilespmem:$0x1E200] =	vst v63  }
0x202: {  	s24 =	simm.s32 $0x4  }
0x203: {  	_ =	swait.ge [sflag:s24], $0x4000  }
0x204: {  	[sflag:s24] =	ssyncset.done $0x0  }
0x205: {  	s0 =	sshll.u32 s0, $0xF;
	[sflag:s24] =	ssyncadd.s32 $0xFFFFC000  }
0x206: {  	s0 =	sadd.s32 $0x400000, s0;
	_ =	swait.ge [sflag:s24], $0x4000  }
.Ltmp15:
0x207: {  	s0 =	sshrl.u32 s0, $0x3;
	[sflag:s24] =	ssyncset.done $0x0;
	(pc) =	sbr.rel .LBB2_38-.Ltmp15, $4  }
0x208: {  	s0 =	sadd.s32 s11, s0;
	s26 =	sshll.u32 s1, $0x7;
	[sflag:s24] =	ssyncadd.s32 $0xFFFFC000  }
0x209: {  	[hbm4b:s0+s5] =	stream.linear.scatter [tilespmem:s3], [sflag:$0x5], $0x4000, $0x38;
	[tilespmem:$0x1E200] =	vst v63  }
0x20a: {  	s0 =	sand.u32 $0x1FFFF800, s26  }
0x20b: {  	s0 =	sadd.s32 $0x80000, s0  }
.LBB2_25:
0x20c: {  	p0 =	sne.s32 s6, $0x2;
	s0 =	sand.u32 $0x1F, s21  }
0x20d: {  	p1 =	seq.s32 @!p0 s0, $0x0  }
0x20e: {  	p0 =	por p0, p1  }
.Ltmp16:
0x20f: {  	_ = 	snop;
	(pc) =	sbr.rel @p0 .LBB2_27-.Ltmp16, $1  }
0x210: {  	_ =	sdelay $0x3  }
0x211: {  	s0 =	sshra.s32 s21, $0x1F  }
0x212: {  	s0 =	sshrl.u32 s0, $0x1B  }
0x213: {  	s0 =	sadd.s32 s0, s21  }
0x214: {  	s1 =	sand.u32 $0xFFFFFFE0, s0  }
0x215: {  	p0 =	slt.s32 s21, $0x1;
	p1 =	sne.s32 s21, s1  }
0x216: {  	p0 =	por !p0, !p1  }
0x217: {  	s1 =	simm.s32 $0x1;
	p0 =	por !p0, !p0  }
0x218: {  	s0 =	sshra.s32 s0, $0x5;
	s1 =	simm.s32 @!p0 $0x0  }
0x219: {  	s0 =	ssub.s32 s0, s1  }
0x21a: {  	v18 =	vbroadcast v23, $0xF;
	s1 =	sshll.u32 s0, $0x5  }
0x21b: {  	v20 =	vadd.s32 $0x2, v0;
	v19 =	vor.u32 s1, v0  }
0x21c: {  	vm1 =	vlt.s32 v19, v18;
	v19 =	vor.u32 s1, v20  }
0x21d: {  	v19 =	vnsel vm1, $0x0, v19  }
0x21e: {  	[tilespmem:$0x1E100] =	vst v19  }
0x21f: {  	v19 =	vld [tilespmem:$0x1E100];
	_ =	sdelay $0x4  }
0x220: {  	v21 =	vshll.u32 v19, $0x3  }
0x221: {  	v19 =	vand.u32 $0x7, v19;
	v21 =	vand.u32 $0xFFFFFFC0, v21  }
0x222: {  	v19 =	vor.u32 v19, v21  }
0x223: {  	v21 =	vperm.xlane v19, v8;
	_ =	sdelay $0x1  }
0x224: {  	s1 =	sor.u32 $0x10, s1;
	v21 =	vadd.s32 v9, v21  }
0x225: {  	v22 =	vor.u32 s1, v0  }
0x226: {  	vm1 =	vlt.s32 v22, v18;
	v18 =	vadd.s32 s1, v20  }
0x227: {  	v18 =	vnsel vm1, $0x0, v18  }
0x228: {  	s3 =	simm.s32 $0x14000;
	[tilespmem:$0x1E180] =	vst v18  }
0x229: {  	[tilespmem:s3], [sflag:$0x4] =	stream.indirect_vreg.gather [hbm4b:s10+s5], $0x80, v21, vm0, $0xb8;
	[tilespmem:$0x1E200] =	vst v63  }
0x22a: {  	s4 =	simm.s32 $0x14800;
	v18 =	vperm.xlane v19, v10  }
0x22b: {  	[tilespmem:s4], [sflag:$0x4] =	stream.indirect_vreg.gather [hbm4b:s12+s5], $0x80, v21, vm0, $0xb8;
	[tilespmem:$0x1E200] =	vst v63  }
0x22c: {  	s8 =	simm.s32 $0x15000;
	v18 =	vadd.s32 v9, v18  }
0x22d: {  	[tilespmem:s8], [sflag:$0x4] =	stream.indirect_vreg.gather [hbm4b:s13+s5], $0x80, v21, vm0, $0xb8;
	[tilespmem:$0x1E200] =	vst v63  }
0x22e: {  	s26 =	simm.s32 $0x15800  }
0x22f: {  	[tilespmem:s26], [sflag:$0x4] =	stream.indirect_vreg.gather [hbm4b:s24+s5], $0x80, v21, vm0, $0xb8;
	[tilespmem:$0x1E200] =	vst v63  }
0x230: {  	s7 =	simm.s32 $0x16000  }
0x231: {  	[tilespmem:s7], [sflag:$0x4] =	stream.indirect_vreg.gather [hbm4b:s10+s5], $0x80, v18, vm0, $0xb8;
	[tilespmem:$0x1E200] =	vst v63  }
0x232: {  	s8 =	simm.s32 $0x16800  }
0x233: {  	[tilespmem:s8], [sflag:$0x4] =	stream.indirect_vreg.gather [hbm4b:s12+s5], $0x80, v18, vm0, $0xb8;
	[tilespmem:$0x1E200] =	vst v63  }
0x234: {  	s26 =	simm.s32 $0x17000  }
0x235: {  	[tilespmem:s26], [sflag:$0x4] =	stream.indirect_vreg.gather [hbm4b:s13+s5], $0x80, v18, vm0, $0xb8;
	[tilespmem:$0x1E200] =	vst v63  }
0x236: {  	s7 =	simm.s32 $0x17800  }
0x237: {  	[tilespmem:s7], [sflag:$0x4] =	stream.indirect_vreg.gather [hbm4b:s24+s5], $0x80, v18, vm0, $0xb8;
	[tilespmem:$0x1E200] =	vst v63  }
0x238: {  	v18 =	vld [tilespmem:$0x1E180];
	_ =	sdelay $0x4  }
0x239: {  	v19 =	vshll.u32 v18, $0x3  }
0x23a: {  	v18 =	vand.u32 $0x7, v18;
	v19 =	vand.u32 $0xFFFFFFC0, v19  }
0x23b: {  	v18 =	vor.u32 v18, v19  }
0x23c: {  	v19 =	vperm.xlane v18, v8;
	_ =	sdelay $0x1  }
0x23d: {  	v19 =	vadd.s32 v9, v19;
	_ =	sdelay $0x4  }
0x23e: {  	[tilespmem:s9], [sflag:$0x4] =	stream.indirect_vreg.gather [hbm4b:s10+s5], $0x80, v19, vm0, $0xb8;
	[tilespmem:$0x1E200] =	vst v63  }
0x23f: {  	s8 =	simm.s32 $0x18800;
	v18 =	vperm.xlane v18, v10  }
0x240: {  	[tilespmem:s8], [sflag:$0x4] =	stream.indirect_vreg.gather [hbm4b:s12+s5], $0x80, v19, vm0, $0xb8;
	[tilespmem:$0x1E200] =	vst v63  }
0x241: {  	s26 =	simm.s32 $0x19000;
	v18 =	vadd.s32 v9, v18  }
0x242: {  	[tilespmem:s26], [sflag:$0x4] =	stream.indirect_vreg.gather [hbm4b:s13+s5], $0x80, v19, vm0, $0xb8;
	[tilespmem:$0x1E200] =	vst v63  }
0x243: {  	s7 =	simm.s32 $0x19800  }
0x244: {  	[tilespmem:s7], [sflag:$0x4] =	stream.indirect_vreg.gather [hbm4b:s24+s5], $0x80, v19, vm0, $0xb8;
	[tilespmem:$0x1E200] =	vst v63  }
0x245: {  	s8 =	simm.s32 $0x1A000  }
0x246: {  	[tilespmem:s8], [sflag:$0x4] =	stream.indirect_vreg.gather [hbm4b:s10+s5], $0x80, v18, vm0, $0xb8;
	[tilespmem:$0x1E200] =	vst v63  }
0x247: {  	s10 =	simm.s32 $0x1A800  }
0x248: {  	[tilespmem:s10], [sflag:$0x4] =	stream.indirect_vreg.gather [hbm4b:s12+s5], $0x80, v18, vm0, $0xb8;
	[tilespmem:$0x1E200] =	vst v63  }
0x249: {  	s12 =	simm.s32 $0x1B000  }
0x24a: {  	[tilespmem:s12], [sflag:$0x4] =	stream.indirect_vreg.gather [hbm4b:s13+s5], $0x80, v18, vm0, $0xb8;
	[tilespmem:$0x1E200] =	vst v63  }
0x24b: {  	s13 =	simm.s32 $0x1B800  }
0x24c: {  	[tilespmem:s13], [sflag:$0x4] =	stream.indirect_vreg.gather [hbm4b:s24+s5], $0x80, v18, vm0, $0xb8;
	[tilespmem:$0x1E200] =	vst v63  }
0x24d: {  	s24 =	simm.s32 $0x4  }
0x24e: {  	_ =	swait.ge [sflag:s24], $0x4000  }
0x24f: {  	[sflag:s24] =	ssyncset.done $0x0  }
0x250: {  	s0 =	sshll.u32 s0, $0xF;
	[sflag:s24] =	ssyncadd.s32 $0xFFFFC000  }
0x251: {  	s0 =	sadd.s32 $0x800000, s0;
	_ =	swait.ge [sflag:s24], $0x4000  }
.Ltmp17:
0x252: {  	s0 =	sshrl.u32 s0, $0x3;
	[sflag:s24] =	ssyncset.done $0x0;
	(pc) =	sbr.rel .LBB2_38-.Ltmp17, $4  }
0x253: {  	s0 =	sadd.s32 s11, s0;
	s26 =	sshll.u32 s1, $0x7;
	[sflag:s24] =	ssyncadd.s32 $0xFFFFC000  }
0x254: {  	[hbm4b:s0+s5] =	stream.linear.scatter [tilespmem:s3], [sflag:$0x5], $0x4000, $0x38;
	[tilespmem:$0x1E200] =	vst v63  }
0x255: {  	s0 =	sand.u32 $0x1FFFF800, s26  }
0x256: {  	s0 =	sadd.s32 $0x100000, s0  }
.LBB2_27:
0x257: {  	p0 =	sne.s32 s6, $0x3;
	s0 =	sand.u32 $0x1F, s20  }
0x258: {  	p1 =	seq.s32 @!p0 s0, $0x0  }
0x259: {  	p0 =	por p0, p1  }
.Ltmp18:
0x25a: {  	_ = 	snop;
	(pc) =	sbr.rel @p0 .LBB2_29-.Ltmp18, $1  }
0x25b: {  	_ =	sdelay $0x3  }
0x25c: {  	s0 =	sshra.s32 s20, $0x1F  }
0x25d: {  	s0 =	sshrl.u32 s0, $0x1B  }
0x25e: {  	s0 =	sadd.s32 s0, s20  }
0x25f: {  	s1 =	sand.u32 $0xFFFFFFE0, s0  }
0x260: {  	p0 =	slt.s32 s20, $0x1;
	p1 =	sne.s32 s20, s1  }
0x261: {  	p0 =	por !p0, !p1  }
0x262: {  	s1 =	simm.s32 $0x1;
	p0 =	por !p0, !p0  }
0x263: {  	s0 =	sshra.s32 s0, $0x5;
	s1 =	simm.s32 @!p0 $0x0  }
0x264: {  	s0 =	ssub.s32 s0, s1  }
0x265: {  	v18 =	vbroadcast v22, $0xF;
	s1 =	sshll.u32 s0, $0x5  }
0x266: {  	v20 =	vadd.s32 $0x2, v0;
	v19 =	vor.u32 s1, v0  }
0x267: {  	vm1 =	vlt.s32 v19, v18;
	v19 =	vor.u32 s1, v20  }
0x268: {  	v19 =	vnsel vm1, $0x0, v19  }
0x269: {  	[tilespmem:$0x1E100] =	vst v19  }
0x26a: {  	v19 =	vld [tilespmem:$0x1E100];
	_ =	sdelay $0x4  }
0x26b: {  	v21 =	vshll.u32 v19, $0x3  }
0x26c: {  	v19 =	vand.u32 $0x7, v19;
	v21 =	vand.u32 $0xFFFFFFC0, v21  }
0x26d: {  	v19 =	vor.u32 v19, v21  }
0x26e: {  	v21 =	vperm.xlane v19, v8;
	_ =	sdelay $0x1  }
0x26f: {  	s1 =	sor.u32 $0x10, s1;
	v21 =	vadd.s32 v9, v21  }
0x270: {  	v63 =	vor.u32 s1, v0  }
0x271: {  	vm1 =	vlt.s32 v63, v18;
	v18 =	vadd.s32 s1, v20  }
0x272: {  	v18 =	vnsel vm1, $0x0, v18  }
0x273: {  	s3 =	simm.s32 $0x14000;
	[tilespmem:$0x1E180] =	vst v18  }
0x274: {  	[tilespmem:s3], [sflag:$0x4] =	stream.indirect_vreg.gather [hbm4b:s10+s5], $0x80, v21, vm0, $0xb8;
	[tilespmem:$0x1E200] =	vst v63  }
0x275: {  	s4 =	simm.s32 $0x14800;
	v18 =	vperm.xlane v19, v10  }
0x276: {  	[tilespmem:s4], [sflag:$0x4] =	stream.indirect_vreg.gather [hbm4b:s12+s5], $0x80, v21, vm0, $0xb8;
	[tilespmem:$0x1E200] =	vst v63  }
0x277: {  	s8 =	simm.s32 $0x15000;
	v18 =	vadd.s32 v9, v18  }
0x278: {  	[tilespmem:s8], [sflag:$0x4] =	stream.indirect_vreg.gather [hbm4b:s13+s5], $0x80, v21, vm0, $0xb8;
	[tilespmem:$0x1E200] =	vst v63  }
0x279: {  	s26 =	simm.s32 $0x15800  }
0x27a: {  	[tilespmem:s26], [sflag:$0x4] =	stream.indirect_vreg.gather [hbm4b:s24+s5], $0x80, v21, vm0, $0xb8;
	[tilespmem:$0x1E200] =	vst v63  }
0x27b: {  	s7 =	simm.s32 $0x16000  }
0x27c: {  	[tilespmem:s7], [sflag:$0x4] =	stream.indirect_vreg.gather [hbm4b:s10+s5], $0x80, v18, vm0, $0xb8;
	[tilespmem:$0x1E200] =	vst v63  }
0x27d: {  	s8 =	simm.s32 $0x16800  }
0x27e: {  	[tilespmem:s8], [sflag:$0x4] =	stream.indirect_vreg.gather [hbm4b:s12+s5], $0x80, v18, vm0, $0xb8;
	[tilespmem:$0x1E200] =	vst v63  }
0x27f: {  	s26 =	simm.s32 $0x17000  }
0x280: {  	[tilespmem:s26], [sflag:$0x4] =	stream.indirect_vreg.gather [hbm4b:s13+s5], $0x80, v18, vm0, $0xb8;
	[tilespmem:$0x1E200] =	vst v63  }
0x281: {  	s7 =	simm.s32 $0x17800  }
0x282: {  	[tilespmem:s7], [sflag:$0x4] =	stream.indirect_vreg.gather [hbm4b:s24+s5], $0x80, v18, vm0, $0xb8;
	[tilespmem:$0x1E200] =	vst v63  }
0x283: {  	v18 =	vld [tilespmem:$0x1E180];
	_ =	sdelay $0x4  }
0x284: {  	v19 =	vshll.u32 v18, $0x3  }
0x285: {  	v18 =	vand.u32 $0x7, v18;
	v19 =	vand.u32 $0xFFFFFFC0, v19  }
0x286: {  	v18 =	vor.u32 v18, v19  }
0x287: {  	v19 =	vperm.xlane v18, v8;
	_ =	sdelay $0x1  }
0x288: {  	v19 =	vadd.s32 v9, v19;
	_ =	sdelay $0x4  }
0x289: {  	[tilespmem:s9], [sflag:$0x4] =	stream.indirect_vreg.gather [hbm4b:s10+s5], $0x80, v19, vm0, $0xb8;
	[tilespmem:$0x1E200] =	vst v63  }
0x28a: {  	s8 =	simm.s32 $0x18800;
	v18 =	vperm.xlane v18, v10  }
0x28b: {  	[tilespmem:s8], [sflag:$0x4] =	stream.indirect_vreg.gather [hbm4b:s12+s5], $0x80, v19, vm0, $0xb8;
	[tilespmem:$0x1E200] =	vst v63  }
0x28c: {  	s26 =	simm.s32 $0x19000;
	v18 =	vadd.s32 v9, v18  }
0x28d: {  	[tilespmem:s26], [sflag:$0x4] =	stream.indirect_vreg.gather [hbm4b:s13+s5], $0x80, v19, vm0, $0xb8;
	[tilespmem:$0x1E200] =	vst v63  }
0x28e: {  	s7 =	simm.s32 $0x19800  }
0x28f: {  	[tilespmem:s7], [sflag:$0x4] =	stream.indirect_vreg.gather [hbm4b:s24+s5], $0x80, v19, vm0, $0xb8;
	[tilespmem:$0x1E200] =	vst v63  }
0x290: {  	s8 =	simm.s32 $0x1A000  }
0x291: {  	[tilespmem:s8], [sflag:$0x4] =	stream.indirect_vreg.gather [hbm4b:s10+s5], $0x80, v18, vm0, $0xb8;
	[tilespmem:$0x1E200] =	vst v63  }
0x292: {  	s10 =	simm.s32 $0x1A800  }
0x293: {  	[tilespmem:s10], [sflag:$0x4] =	stream.indirect_vreg.gather [hbm4b:s12+s5], $0x80, v18, vm0, $0xb8;
	[tilespmem:$0x1E200] =	vst v63  }
0x294: {  	s12 =	simm.s32 $0x1B000  }
0x295: {  	[tilespmem:s12], [sflag:$0x4] =	stream.indirect_vreg.gather [hbm4b:s13+s5], $0x80, v18, vm0, $0xb8;
	[tilespmem:$0x1E200] =	vst v63  }
0x296: {  	s13 =	simm.s32 $0x1B800  }
0x297: {  	[tilespmem:s13], [sflag:$0x4] =	stream.indirect_vreg.gather [hbm4b:s24+s5], $0x80, v18, vm0, $0xb8;
	[tilespmem:$0x1E200] =	vst v63  }
0x298: {  	s24 =	simm.s32 $0x4  }
0x299: {  	_ =	swait.ge [sflag:s24], $0x4000  }
0x29a: {  	[sflag:s24] =	ssyncset.done $0x0  }
0x29b: {  	s0 =	sshll.u32 s0, $0xF;
	[sflag:s24] =	ssyncadd.s32 $0xFFFFC000  }
0x29c: {  	s0 =	sadd.s32 $0xC00000, s0;
	_ =	swait.ge [sflag:s24], $0x4000  }
.Ltmp19:
0x29d: {  	s0 =	sshrl.u32 s0, $0x3;
	[sflag:s24] =	ssyncset.done $0x0;
	(pc) =	sbr.rel .LBB2_38-.Ltmp19, $4  }
0x29e: {  	s0 =	sadd.s32 s11, s0;
	s26 =	sshll.u32 s1, $0x7;
	[sflag:s24] =	ssyncadd.s32 $0xFFFFC000  }
0x29f: {  	[hbm4b:s0+s5] =	stream.linear.scatter [tilespmem:s3], [sflag:$0x5], $0x4000, $0x38;
	[tilespmem:$0x1E200] =	vst v63  }
0x2a0: {  	s0 =	sand.u32 $0x1FFFF800, s26  }
0x2a1: {  	s0 =	sadd.s32 $0x180000, s0  }
.LBB2_29:
0x2a2: {  	p0 =	sne.s32 s6, $0x4;
	s0 =	sand.u32 $0x1F, s19  }
0x2a3: {  	p1 =	seq.s32 @!p0 s0, $0x0  }
0x2a4: {  	p0 =	por p0, p1  }
.Ltmp20:
0x2a5: {  	_ = 	snop;
	(pc) =	sbr.rel @p0 .LBB2_31-.Ltmp20, $1  }
0x2a6: {  	_ =	sdelay $0x3  }
0x2a7: {  	s0 =	sshra.s32 s19, $0x1F  }
0x2a8: {  	s0 =	sshrl.u32 s0, $0x1B  }
0x2a9: {  	s0 =	sadd.s32 s0, s19  }
0x2aa: {  	s1 =	sand.u32 $0xFFFFFFE0, s0  }
0x2ab: {  	p0 =	slt.s32 s19, $0x1;
	p1 =	sne.s32 s19, s1  }
0x2ac: {  	p0 =	por !p0, !p1  }
0x2ad: {  	s1 =	simm.s32 $0x1;
	p0 =	por !p0, !p0  }
0x2ae: {  	s0 =	sshra.s32 s0, $0x5;
	s1 =	simm.s32 @!p0 $0x0  }
0x2af: {  	s0 =	ssub.s32 s0, s1  }
0x2b0: {  	v18 =	vbroadcast v21, $0xF;
	s1 =	sshll.u32 s0, $0x5  }
0x2b1: {  	v20 =	vadd.s32 $0x2, v0;
	v19 =	vor.u32 s1, v0  }
0x2b2: {  	vm1 =	vlt.s32 v19, v18;
	v19 =	vor.u32 s1, v20  }
0x2b3: {  	v19 =	vnsel vm1, $0x0, v19  }
0x2b4: {  	[tilespmem:$0x1E100] =	vst v19  }
0x2b5: {  	v19 =	vld [tilespmem:$0x1E100];
	_ =	sdelay $0x4  }
0x2b6: {  	v63 =	vshll.u32 v19, $0x3  }
0x2b7: {  	v19 =	vand.u32 $0x7, v19;
	v21 =	vand.u32 $0xFFFFFFC0, v63  }
0x2b8: {  	v19 =	vor.u32 v19, v21  }
0x2b9: {  	v21 =	vperm.xlane v19, v8;
	_ =	sdelay $0x1  }
0x2ba: {  	s1 =	sor.u32 $0x10, s1;
	v21 =	vadd.s32 v9, v21  }
0x2bb: {  	v22 =	vor.u32 s1, v0  }
0x2bc: {  	vm1 =	vlt.s32 v22, v18;
	v18 =	vadd.s32 s1, v20  }
0x2bd: {  	v18 =	vnsel vm1, $0x0, v18  }
0x2be: {  	s3 =	simm.s32 $0x14000;
	[tilespmem:$0x1E180] =	vst v18  }
0x2bf: {  	[tilespmem:s3], [sflag:$0x4] =	stream.indirect_vreg.gather [hbm4b:s10+s5], $0x80, v21, vm0, $0xb8;
	[tilespmem:$0x1E200] =	vst v63  }
0x2c0: {  	s4 =	simm.s32 $0x14800;
	v18 =	vperm.xlane v19, v10  }
0x2c1: {  	[tilespmem:s4], [sflag:$0x4] =	stream.indirect_vreg.gather [hbm4b:s12+s5], $0x80, v21, vm0, $0xb8;
	[tilespmem:$0x1E200] =	vst v63  }
0x2c2: {  	s8 =	simm.s32 $0x15000;
	v18 =	vadd.s32 v9, v18  }
0x2c3: {  	[tilespmem:s8], [sflag:$0x4] =	stream.indirect_vreg.gather [hbm4b:s13+s5], $0x80, v21, vm0, $0xb8;
	[tilespmem:$0x1E200] =	vst v63  }
0x2c4: {  	s26 =	simm.s32 $0x15800  }
0x2c5: {  	[tilespmem:s26], [sflag:$0x4] =	stream.indirect_vreg.gather [hbm4b:s24+s5], $0x80, v21, vm0, $0xb8;
	[tilespmem:$0x1E200] =	vst v63  }
0x2c6: {  	s7 =	simm.s32 $0x16000  }
0x2c7: {  	[tilespmem:s7], [sflag:$0x4] =	stream.indirect_vreg.gather [hbm4b:s10+s5], $0x80, v18, vm0, $0xb8;
	[tilespmem:$0x1E200] =	vst v63  }
0x2c8: {  	s8 =	simm.s32 $0x16800  }
0x2c9: {  	[tilespmem:s8], [sflag:$0x4] =	stream.indirect_vreg.gather [hbm4b:s12+s5], $0x80, v18, vm0, $0xb8;
	[tilespmem:$0x1E200] =	vst v63  }
0x2ca: {  	s26 =	simm.s32 $0x17000  }
0x2cb: {  	[tilespmem:s26], [sflag:$0x4] =	stream.indirect_vreg.gather [hbm4b:s13+s5], $0x80, v18, vm0, $0xb8;
	[tilespmem:$0x1E200] =	vst v63  }
0x2cc: {  	s7 =	simm.s32 $0x17800  }
0x2cd: {  	[tilespmem:s7], [sflag:$0x4] =	stream.indirect_vreg.gather [hbm4b:s24+s5], $0x80, v18, vm0, $0xb8;
	[tilespmem:$0x1E200] =	vst v63  }
0x2ce: {  	v18 =	vld [tilespmem:$0x1E180];
	_ =	sdelay $0x4  }
0x2cf: {  	v19 =	vshll.u32 v18, $0x3  }
0x2d0: {  	v18 =	vand.u32 $0x7, v18;
	v19 =	vand.u32 $0xFFFFFFC0, v19  }
0x2d1: {  	v18 =	vor.u32 v18, v19  }
0x2d2: {  	v19 =	vperm.xlane v18, v8;
	_ =	sdelay $0x1  }
0x2d3: {  	v19 =	vadd.s32 v9, v19;
	_ =	sdelay $0x4  }
0x2d4: {  	[tilespmem:s9], [sflag:$0x4] =	stream.indirect_vreg.gather [hbm4b:s10+s5], $0x80, v19, vm0, $0xb8;
	[tilespmem:$0x1E200] =	vst v63  }
0x2d5: {  	s8 =	simm.s32 $0x18800;
	v18 =	vperm.xlane v18, v10  }
0x2d6: {  	[tilespmem:s8], [sflag:$0x4] =	stream.indirect_vreg.gather [hbm4b:s12+s5], $0x80, v19, vm0, $0xb8;
	[tilespmem:$0x1E200] =	vst v63  }
0x2d7: {  	s26 =	simm.s32 $0x19000;
	v18 =	vadd.s32 v9, v18  }
0x2d8: {  	[tilespmem:s26], [sflag:$0x4] =	stream.indirect_vreg.gather [hbm4b:s13+s5], $0x80, v19, vm0, $0xb8;
	[tilespmem:$0x1E200] =	vst v63  }
0x2d9: {  	s7 =	simm.s32 $0x19800  }
0x2da: {  	[tilespmem:s7], [sflag:$0x4] =	stream.indirect_vreg.gather [hbm4b:s24+s5], $0x80, v19, vm0, $0xb8;
	[tilespmem:$0x1E200] =	vst v63  }
0x2db: {  	s8 =	simm.s32 $0x1A000  }
0x2dc: {  	[tilespmem:s8], [sflag:$0x4] =	stream.indirect_vreg.gather [hbm4b:s10+s5], $0x80, v18, vm0, $0xb8;
	[tilespmem:$0x1E200] =	vst v63  }
0x2dd: {  	s10 =	simm.s32 $0x1A800  }
0x2de: {  	[tilespmem:s10], [sflag:$0x4] =	stream.indirect_vreg.gather [hbm4b:s12+s5], $0x80, v18, vm0, $0xb8;
	[tilespmem:$0x1E200] =	vst v63  }
0x2df: {  	s12 =	simm.s32 $0x1B000  }
0x2e0: {  	[tilespmem:s12], [sflag:$0x4] =	stream.indirect_vreg.gather [hbm4b:s13+s5], $0x80, v18, vm0, $0xb8;
	[tilespmem:$0x1E200] =	vst v63  }
0x2e1: {  	s13 =	simm.s32 $0x1B800  }
0x2e2: {  	[tilespmem:s13], [sflag:$0x4] =	stream.indirect_vreg.gather [hbm4b:s24+s5], $0x80, v18, vm0, $0xb8;
	[tilespmem:$0x1E200] =	vst v63  }
0x2e3: {  	s24 =	simm.s32 $0x4  }
0x2e4: {  	_ =	swait.ge [sflag:s24], $0x4000  }
0x2e5: {  	[sflag:s24] =	ssyncset.done $0x0  }
0x2e6: {  	s0 =	sshll.u32 s0, $0xF;
	[sflag:s24] =	ssyncadd.s32 $0xFFFFC000  }
0x2e7: {  	s0 =	sadd.s32 $0x1000000, s0;
	_ =	swait.ge [sflag:s24], $0x4000  }
.Ltmp21:
0x2e8: {  	s0 =	sshrl.u32 s0, $0x3;
	[sflag:s24] =	ssyncset.done $0x0;
	(pc) =	sbr.rel .LBB2_38-.Ltmp21, $4  }
0x2e9: {  	s0 =	sadd.s32 s11, s0;
	s26 =	sshll.u32 s1, $0x7;
	[sflag:s24] =	ssyncadd.s32 $0xFFFFC000  }
0x2ea: {  	[hbm4b:s0+s5] =	stream.linear.scatter [tilespmem:s3], [sflag:$0x5], $0x4000, $0x38;
	[tilespmem:$0x1E200] =	vst v63  }
0x2eb: {  	s0 =	sand.u32 $0x1FFFF800, s26  }
0x2ec: {  	s0 =	sadd.s32 $0x200000, s0  }
.LBB2_31:
0x2ed: {  	p0 =	sne.s32 s6, $0x5;
	s0 =	sand.u32 $0x1F, s18  }
0x2ee: {  	p1 =	seq.s32 @!p0 s0, $0x0  }
0x2ef: {  	p0 =	por p0, p1  }
.Ltmp22:
0x2f0: {  	_ = 	snop;
	(pc) =	sbr.rel @p0 .LBB2_33-.Ltmp22, $1  }
0x2f1: {  	_ =	sdelay $0x3  }
0x2f2: {  	s0 =	sshra.s32 s18, $0x1F  }
0x2f3: {  	s0 =	sshrl.u32 s0, $0x1B  }
0x2f4: {  	s0 =	sadd.s32 s0, s18  }
0x2f5: {  	s1 =	sand.u32 $0xFFFFFFE0, s0  }
0x2f6: {  	p0 =	slt.s32 s18, $0x1;
	p1 =	sne.s32 s18, s1  }
0x2f7: {  	p0 =	por !p0, !p1  }
0x2f8: {  	s1 =	simm.s32 $0x1;
	p0 =	por !p0, !p0  }
0x2f9: {  	s0 =	sshra.s32 s0, $0x5;
	s1 =	simm.s32 @!p0 $0x0  }
0x2fa: {  	s0 =	ssub.s32 s0, s1  }
0x2fb: {  	v18 =	vbroadcast v20, $0xF;
	s1 =	sshll.u32 s0, $0x5  }
0x2fc: {  	v63 =	vadd.s32 $0x2, v0;
	v19 =	vor.u32 s1, v0  }
0x2fd: {  	vm1 =	vlt.s32 v19, v18;
	v19 =	vor.u32 s1, v63  }
0x2fe: {  	v19 =	vnsel vm1, $0x0, v19  }
0x2ff: {  	[tilespmem:$0x1E100] =	vst v19  }
0x300: {  	v19 =	vld [tilespmem:$0x1E100];
	_ =	sdelay $0x4  }
0x301: {  	v21 =	vshll.u32 v19, $0x3  }
0x302: {  	v19 =	vand.u32 $0x7, v19;
	v21 =	vand.u32 $0xFFFFFFC0, v21  }
0x303: {  	v19 =	vor.u32 v19, v21  }
0x304: {  	v21 =	vperm.xlane v19, v8;
	_ =	sdelay $0x1  }
0x305: {  	s1 =	sor.u32 $0x10, s1;
	v21 =	vadd.s32 v9, v21  }
0x306: {  	v22 =	vor.u32 s1, v0  }
0x307: {  	vm1 =	vlt.s32 v22, v18;
	v18 =	vadd.s32 s1, v63  }
0x308: {  	v18 =	vnsel vm1, $0x0, v18  }
0x309: {  	s3 =	simm.s32 $0x14000;
	[tilespmem:$0x1E180] =	vst v18  }
0x30a: {  	[tilespmem:s3], [sflag:$0x4] =	stream.indirect_vreg.gather [hbm4b:s10+s5], $0x80, v21, vm0, $0xb8;
	[tilespmem:$0x1E200] =	vst v63  }
0x30b: {  	s4 =	simm.s32 $0x14800;
	v18 =	vperm.xlane v19, v10  }
0x30c: {  	[tilespmem:s4], [sflag:$0x4] =	stream.indirect_vreg.gather [hbm4b:s12+s5], $0x80, v21, vm0, $0xb8;
	[tilespmem:$0x1E200] =	vst v63  }
0x30d: {  	s8 =	simm.s32 $0x15000;
	v18 =	vadd.s32 v9, v18  }
0x30e: {  	[tilespmem:s8], [sflag:$0x4] =	stream.indirect_vreg.gather [hbm4b:s13+s5], $0x80, v21, vm0, $0xb8;
	[tilespmem:$0x1E200] =	vst v63  }
0x30f: {  	s26 =	simm.s32 $0x15800  }
0x310: {  	[tilespmem:s26], [sflag:$0x4] =	stream.indirect_vreg.gather [hbm4b:s24+s5], $0x80, v21, vm0, $0xb8;
	[tilespmem:$0x1E200] =	vst v63  }
0x311: {  	s7 =	simm.s32 $0x16000  }
0x312: {  	[tilespmem:s7], [sflag:$0x4] =	stream.indirect_vreg.gather [hbm4b:s10+s5], $0x80, v18, vm0, $0xb8;
	[tilespmem:$0x1E200] =	vst v63  }
0x313: {  	s8 =	simm.s32 $0x16800  }
0x314: {  	[tilespmem:s8], [sflag:$0x4] =	stream.indirect_vreg.gather [hbm4b:s12+s5], $0x80, v18, vm0, $0xb8;
	[tilespmem:$0x1E200] =	vst v63  }
0x315: {  	s26 =	simm.s32 $0x17000  }
0x316: {  	[tilespmem:s26], [sflag:$0x4] =	stream.indirect_vreg.gather [hbm4b:s13+s5], $0x80, v18, vm0, $0xb8;
	[tilespmem:$0x1E200] =	vst v63  }
0x317: {  	s7 =	simm.s32 $0x17800  }
0x318: {  	[tilespmem:s7], [sflag:$0x4] =	stream.indirect_vreg.gather [hbm4b:s24+s5], $0x80, v18, vm0, $0xb8;
	[tilespmem:$0x1E200] =	vst v63  }
0x319: {  	v18 =	vld [tilespmem:$0x1E180];
	_ =	sdelay $0x4  }
0x31a: {  	v19 =	vshll.u32 v18, $0x3  }
0x31b: {  	v18 =	vand.u32 $0x7, v18;
	v19 =	vand.u32 $0xFFFFFFC0, v19  }
0x31c: {  	v18 =	vor.u32 v18, v19  }
0x31d: {  	v19 =	vperm.xlane v18, v8;
	_ =	sdelay $0x1  }
0x31e: {  	v19 =	vadd.s32 v9, v19;
	_ =	sdelay $0x4  }
0x31f: {  	[tilespmem:s9], [sflag:$0x4] =	stream.indirect_vreg.gather [hbm4b:s10+s5], $0x80, v19, vm0, $0xb8;
	[tilespmem:$0x1E200] =	vst v63  }
0x320: {  	s8 =	simm.s32 $0x18800;
	v18 =	vperm.xlane v18, v10  }
0x321: {  	[tilespmem:s8], [sflag:$0x4] =	stream.indirect_vreg.gather [hbm4b:s12+s5], $0x80, v19, vm0, $0xb8;
	[tilespmem:$0x1E200] =	vst v63  }
0x322: {  	s26 =	simm.s32 $0x19000;
	v18 =	vadd.s32 v9, v18  }
0x323: {  	[tilespmem:s26], [sflag:$0x4] =	stream.indirect_vreg.gather [hbm4b:s13+s5], $0x80, v19, vm0, $0xb8;
	[tilespmem:$0x1E200] =	vst v63  }
0x324: {  	s7 =	simm.s32 $0x19800  }
0x325: {  	[tilespmem:s7], [sflag:$0x4] =	stream.indirect_vreg.gather [hbm4b:s24+s5], $0x80, v19, vm0, $0xb8;
	[tilespmem:$0x1E200] =	vst v63  }
0x326: {  	s8 =	simm.s32 $0x1A000  }
0x327: {  	[tilespmem:s8], [sflag:$0x4] =	stream.indirect_vreg.gather [hbm4b:s10+s5], $0x80, v18, vm0, $0xb8;
	[tilespmem:$0x1E200] =	vst v63  }
0x328: {  	s10 =	simm.s32 $0x1A800  }
0x329: {  	[tilespmem:s10], [sflag:$0x4] =	stream.indirect_vreg.gather [hbm4b:s12+s5], $0x80, v18, vm0, $0xb8;
	[tilespmem:$0x1E200] =	vst v63  }
0x32a: {  	s12 =	simm.s32 $0x1B000  }
0x32b: {  	[tilespmem:s12], [sflag:$0x4] =	stream.indirect_vreg.gather [hbm4b:s13+s5], $0x80, v18, vm0, $0xb8;
	[tilespmem:$0x1E200] =	vst v63  }
0x32c: {  	s13 =	simm.s32 $0x1B800  }
0x32d: {  	[tilespmem:s13], [sflag:$0x4] =	stream.indirect_vreg.gather [hbm4b:s24+s5], $0x80, v18, vm0, $0xb8;
	[tilespmem:$0x1E200] =	vst v63  }
0x32e: {  	s24 =	simm.s32 $0x4  }
0x32f: {  	_ =	swait.ge [sflag:s24], $0x4000  }
0x330: {  	[sflag:s24] =	ssyncset.done $0x0  }
0x331: {  	s0 =	sshll.u32 s0, $0xF;
	[sflag:s24] =	ssyncadd.s32 $0xFFFFC000  }
0x332: {  	s0 =	sadd.s32 $0x1400000, s0;
	_ =	swait.ge [sflag:s24], $0x4000  }
.Ltmp23:
0x333: {  	s0 =	sshrl.u32 s0, $0x3;
	[sflag:s24] =	ssyncset.done $0x0;
	(pc) =	sbr.rel .LBB2_38-.Ltmp23, $4  }
0x334: {  	s0 =	sadd.s32 s11, s0;
	s26 =	sshll.u32 s1, $0x7;
	[sflag:s24] =	ssyncadd.s32 $0xFFFFC000  }
0x335: {  	[hbm4b:s0+s5] =	stream.linear.scatter [tilespmem:s3], [sflag:$0x5], $0x4000, $0x38;
	[tilespmem:$0x1E200] =	vst v63  }
0x336: {  	s0 =	sand.u32 $0x1FFFF800, s26  }
0x337: {  	s0 =	sadd.s32 $0x280000, s0  }
.LBB2_33:
0x338: {  	p0 =	sne.s32 s6, $0x6;
	s0 =	sand.u32 $0x1F, s25  }
0x339: {  	p1 =	seq.s32 @!p0 s0, $0x0  }
0x33a: {  	p0 =	por p0, p1  }
.Ltmp24:
0x33b: {  	_ = 	snop;
	(pc) =	sbr.rel @p0 .LBB2_35-.Ltmp24, $1  }
0x33c: {  	_ =	sdelay $0x3  }
0x33d: {  	s0 =	sshra.s32 s25, $0x1F  }
0x33e: {  	s0 =	sshrl.u32 s0, $0x1B  }
0x33f: {  	s0 =	sadd.s32 s0, s25  }
0x340: {  	s1 =	sand.u32 $0xFFFFFFE0, s0  }
0x341: {  	p0 =	slt.s32 s25, $0x1;
	p1 =	sne.s32 s25, s1  }
0x342: {  	p0 =	por !p0, !p1  }
0x343: {  	s1 =	simm.s32 $0x1;
	p0 =	por !p0, !p0  }
0x344: {  	s0 =	sshra.s32 s0, $0x5;
	s1 =	simm.s32 @!p0 $0x0  }
0x345: {  	s0 =	ssub.s32 s0, s1  }
0x346: {  	v18 =	vbroadcast v19, $0xF;
	s1 =	sshll.u32 s0, $0x5  }
0x347: {  	v20 =	vadd.s32 $0x2, v0;
	v19 =	vor.u32 s1, v0  }
0x348: {  	vm1 =	vlt.s32 v19, v18;
	v19 =	vor.u32 s1, v20  }
0x349: {  	v19 =	vnsel vm1, $0x0, v19  }
0x34a: {  	[tilespmem:$0x1E100] =	vst v19  }
0x34b: {  	v19 =	vld [tilespmem:$0x1E100];
	_ =	sdelay $0x4  }
0x34c: {  	v21 =	vshll.u32 v19, $0x3  }
0x34d: {  	v19 =	vand.u32 $0x7, v19;
	v21 =	vand.u32 $0xFFFFFFC0, v21  }
0x34e: {  	v19 =	vor.u32 v19, v21  }
0x34f: {  	v21 =	vperm.xlane v19, v8;
	_ =	sdelay $0x1  }
0x350: {  	s1 =	sor.u32 $0x10, s1;
	v21 =	vadd.s32 v9, v21  }
0x351: {  	v22 =	vor.u32 s1, v0  }
0x352: {  	vm1 =	vlt.s32 v22, v18;
	v18 =	vadd.s32 s1, v20  }
0x353: {  	v18 =	vnsel vm1, $0x0, v18  }
0x354: {  	s3 =	simm.s32 $0x14000;
	[tilespmem:$0x1E180] =	vst v18  }
0x355: {  	[tilespmem:s3], [sflag:$0x4] =	stream.indirect_vreg.gather [hbm4b:s10+s5], $0x80, v21, vm0, $0xb8;
	[tilespmem:$0x1E200] =	vst v63  }
0x356: {  	s4 =	simm.s32 $0x14800;
	v18 =	vperm.xlane v19, v10  }
0x357: {  	[tilespmem:s4], [sflag:$0x4] =	stream.indirect_vreg.gather [hbm4b:s12+s5], $0x80, v21, vm0, $0xb8;
	[tilespmem:$0x1E200] =	vst v63  }
0x358: {  	s8 =	simm.s32 $0x15000;
	v18 =	vadd.s32 v9, v18  }
0x359: {  	[tilespmem:s8], [sflag:$0x4] =	stream.indirect_vreg.gather [hbm4b:s13+s5], $0x80, v21, vm0, $0xb8;
	[tilespmem:$0x1E200] =	vst v63  }
0x35a: {  	s26 =	simm.s32 $0x15800  }
0x35b: {  	[tilespmem:s26], [sflag:$0x4] =	stream.indirect_vreg.gather [hbm4b:s24+s5], $0x80, v21, vm0, $0xb8;
	[tilespmem:$0x1E200] =	vst v63  }
0x35c: {  	s7 =	simm.s32 $0x16000  }
0x35d: {  	[tilespmem:s7], [sflag:$0x4] =	stream.indirect_vreg.gather [hbm4b:s10+s5], $0x80, v18, vm0, $0xb8;
	[tilespmem:$0x1E200] =	vst v63  }
0x35e: {  	s8 =	simm.s32 $0x16800  }
0x35f: {  	[tilespmem:s8], [sflag:$0x4] =	stream.indirect_vreg.gather [hbm4b:s12+s5], $0x80, v18, vm0, $0xb8;
	[tilespmem:$0x1E200] =	vst v63  }
0x360: {  	s26 =	simm.s32 $0x17000  }
0x361: {  	[tilespmem:s26], [sflag:$0x4] =	stream.indirect_vreg.gather [hbm4b:s13+s5], $0x80, v18, vm0, $0xb8;
	[tilespmem:$0x1E200] =	vst v63  }
0x362: {  	s7 =	simm.s32 $0x17800  }
0x363: {  	[tilespmem:s7], [sflag:$0x4] =	stream.indirect_vreg.gather [hbm4b:s24+s5], $0x80, v18, vm0, $0xb8;
	[tilespmem:$0x1E200] =	vst v63  }
0x364: {  	v18 =	vld [tilespmem:$0x1E180];
	_ =	sdelay $0x4  }
0x365: {  	v19 =	vshll.u32 v18, $0x3  }
0x366: {  	v18 =	vand.u32 $0x7, v18;
	v19 =	vand.u32 $0xFFFFFFC0, v19  }
0x367: {  	v18 =	vor.u32 v18, v19  }
0x368: {  	v19 =	vperm.xlane v18, v8;
	_ =	sdelay $0x1  }
0x369: {  	v19 =	vadd.s32 v9, v19;
	_ =	sdelay $0x4  }
0x36a: {  	[tilespmem:s9], [sflag:$0x4] =	stream.indirect_vreg.gather [hbm4b:s10+s5], $0x80, v19, vm0, $0xb8;
	[tilespmem:$0x1E200] =	vst v63  }
0x36b: {  	s8 =	simm.s32 $0x18800;
	v18 =	vperm.xlane v18, v10  }
0x36c: {  	[tilespmem:s8], [sflag:$0x4] =	stream.indirect_vreg.gather [hbm4b:s12+s5], $0x80, v19, vm0, $0xb8;
	[tilespmem:$0x1E200] =	vst v63  }
0x36d: {  	s26 =	simm.s32 $0x19000;
	v18 =	vadd.s32 v9, v18  }
0x36e: {  	[tilespmem:s26], [sflag:$0x4] =	stream.indirect_vreg.gather [hbm4b:s13+s5], $0x80, v19, vm0, $0xb8;
	[tilespmem:$0x1E200] =	vst v63  }
0x36f: {  	s7 =	simm.s32 $0x19800  }
0x370: {  	[tilespmem:s7], [sflag:$0x4] =	stream.indirect_vreg.gather [hbm4b:s24+s5], $0x80, v19, vm0, $0xb8;
	[tilespmem:$0x1E200] =	vst v63  }
0x371: {  	s8 =	simm.s32 $0x1A000  }
0x372: {  	[tilespmem:s8], [sflag:$0x4] =	stream.indirect_vreg.gather [hbm4b:s10+s5], $0x80, v18, vm0, $0xb8;
	[tilespmem:$0x1E200] =	vst v63  }
0x373: {  	s10 =	simm.s32 $0x1A800  }
0x374: {  	[tilespmem:s10], [sflag:$0x4] =	stream.indirect_vreg.gather [hbm4b:s12+s5], $0x80, v18, vm0, $0xb8;
	[tilespmem:$0x1E200] =	vst v63  }
0x375: {  	s12 =	simm.s32 $0x1B000  }
0x376: {  	[tilespmem:s12], [sflag:$0x4] =	stream.indirect_vreg.gather [hbm4b:s13+s5], $0x80, v18, vm0, $0xb8;
	[tilespmem:$0x1E200] =	vst v63  }
0x377: {  	s13 =	simm.s32 $0x1B800  }
0x378: {  	[tilespmem:s13], [sflag:$0x4] =	stream.indirect_vreg.gather [hbm4b:s24+s5], $0x80, v18, vm0, $0xb8;
	[tilespmem:$0x1E200] =	vst v63  }
0x379: {  	s24 =	simm.s32 $0x4  }
0x37a: {  	_ =	swait.ge [sflag:s24], $0x4000  }
0x37b: {  	[sflag:s24] =	ssyncset.done $0x0  }
0x37c: {  	s0 =	sshll.u32 s0, $0xF;
	[sflag:s24] =	ssyncadd.s32 $0xFFFFC000  }
0x37d: {  	s0 =	sadd.s32 $0x1800000, s0;
	_ =	swait.ge [sflag:s24], $0x4000  }
.Ltmp25:
0x37e: {  	s0 =	sshrl.u32 s0, $0x3;
	[sflag:s24] =	ssyncset.done $0x0;
	(pc) =	sbr.rel .LBB2_38-.Ltmp25, $4  }
0x37f: {  	s0 =	sadd.s32 s11, s0;
	s26 =	sshll.u32 s1, $0x7;
	[sflag:s24] =	ssyncadd.s32 $0xFFFFC000  }
0x380: {  	[hbm4b:s0+s5] =	stream.linear.scatter [tilespmem:s3], [sflag:$0x5], $0x4000, $0x38;
	[tilespmem:$0x1E200] =	vst v63  }
0x381: {  	s0 =	sand.u32 $0x1FFFF800, s26  }
0x382: {  	s0 =	sadd.s32 $0x300000, s0  }
.LBB2_35:
0x383: {  	p0 =	sne.s32 s6, $0x7;
	s0 =	sand.u32 $0x1F, s23  }
0x384: {  	p1 =	seq.s32 @!p0 s0, $0x0  }
0x385: {  	p1 =	por p0, p1  }
.Ltmp26:
0x386: {  	_ = 	snop;
	(pc) =	sbr.rel @p1 .LBB2_36-.Ltmp26, $1  }
0x387: {  	_ =	sdelay $0x3  }
0x388: {  	s0 =	sshra.s32 s23, $0x1F  }
0x389: {  	s0 =	sshrl.u32 s0, $0x1B  }
0x38a: {  	s0 =	sadd.s32 s0, s23  }
0x38b: {  	s1 =	sand.u32 $0xFFFFFFE0, s0  }
0x38c: {  	p0 =	slt.s32 s23, $0x1;
	p1 =	sne.s32 s23, s1  }
0x38d: {  	p0 =	por !p0, !p1  }
0x38e: {  	s1 =	simm.s32 $0x1;
	p0 =	por !p0, !p0  }
0x38f: {  	s0 =	sshra.s32 s0, $0x5;
	s1 =	simm.s32 @!p0 $0x0  }
0x390: {  	s0 =	ssub.s32 s0, s1  }
0x391: {  	v18 =	vbroadcast v18, $0xF;
	s1 =	sshll.u32 s0, $0x5  }
0x392: {  	v20 =	vadd.s32 $0x2, v0;
	v19 =	vor.u32 s1, v0  }
0x393: {  	vm1 =	vlt.s32 v19, v18;
	v19 =	vor.u32 s1, v20  }
0x394: {  	v19 =	vnsel vm1, $0x0, v19  }
0x395: {  	[tilespmem:$0x1E100] =	vst v19  }
0x396: {  	v19 =	vld [tilespmem:$0x1E100];
	_ =	sdelay $0x4  }
0x397: {  	v21 =	vshll.u32 v19, $0x3  }
0x398: {  	v19 =	vand.u32 $0x7, v19;
	v21 =	vand.u32 $0xFFFFFFC0, v21  }
0x399: {  	v19 =	vor.u32 v19, v21  }
0x39a: {  	v21 =	vperm.xlane v19, v8;
	_ =	sdelay $0x1  }
0x39b: {  	s1 =	sor.u32 $0x10, s1;
	v21 =	vadd.s32 v9, v21  }
0x39c: {  	v22 =	vor.u32 s1, v0  }
0x39d: {  	vm1 =	vlt.s32 v22, v18;
	v18 =	vadd.s32 s1, v20  }
0x39e: {  	v18 =	vnsel vm1, $0x0, v18  }
0x39f: {  	s3 =	simm.s32 $0x14000;
	[tilespmem:$0x1E180] =	vst v18  }
0x3a0: {  	[tilespmem:s3], [sflag:$0x4] =	stream.indirect_vreg.gather [hbm4b:s10+s5], $0x80, v21, vm0, $0xb8;
	[tilespmem:$0x1E200] =	vst v63  }
0x3a1: {  	s4 =	simm.s32 $0x14800;
	v18 =	vperm.xlane v19, v10  }
0x3a2: {  	[tilespmem:s4], [sflag:$0x4] =	stream.indirect_vreg.gather [hbm4b:s12+s5], $0x80, v21, vm0, $0xb8;
	[tilespmem:$0x1E200] =	vst v63  }
0x3a3: {  	s8 =	simm.s32 $0x15000;
	v18 =	vadd.s32 v9, v18  }
0x3a4: {  	[tilespmem:s8], [sflag:$0x4] =	stream.indirect_vreg.gather [hbm4b:s13+s5], $0x80, v21, vm0, $0xb8;
	[tilespmem:$0x1E200] =	vst v63  }
0x3a5: {  	s26 =	simm.s32 $0x15800  }
0x3a6: {  	[tilespmem:s26], [sflag:$0x4] =	stream.indirect_vreg.gather [hbm4b:s24+s5], $0x80, v21, vm0, $0xb8;
	[tilespmem:$0x1E200] =	vst v63  }
0x3a7: {  	s7 =	simm.s32 $0x16000  }
0x3a8: {  	[tilespmem:s7], [sflag:$0x4] =	stream.indirect_vreg.gather [hbm4b:s10+s5], $0x80, v18, vm0, $0xb8;
	[tilespmem:$0x1E200] =	vst v63  }
0x3a9: {  	s8 =	simm.s32 $0x16800  }
0x3aa: {  	[tilespmem:s8], [sflag:$0x4] =	stream.indirect_vreg.gather [hbm4b:s12+s5], $0x80, v18, vm0, $0xb8;
	[tilespmem:$0x1E200] =	vst v63  }
0x3ab: {  	s26 =	simm.s32 $0x17000  }
0x3ac: {  	[tilespmem:s26], [sflag:$0x4] =	stream.indirect_vreg.gather [hbm4b:s13+s5], $0x80, v18, vm0, $0xb8;
	[tilespmem:$0x1E200] =	vst v63  }
0x3ad: {  	s7 =	simm.s32 $0x17800  }
0x3ae: {  	[tilespmem:s7], [sflag:$0x4] =	stream.indirect_vreg.gather [hbm4b:s24+s5], $0x80, v18, vm0, $0xb8;
	[tilespmem:$0x1E200] =	vst v63  }
0x3af: {  	v18 =	vld [tilespmem:$0x1E180];
	_ =	sdelay $0x4  }
0x3b0: {  	v19 =	vshll.u32 v18, $0x3  }
0x3b1: {  	v18 =	vand.u32 $0x7, v18;
	v19 =	vand.u32 $0xFFFFFFC0, v19  }
0x3b2: {  	v18 =	vor.u32 v18, v19  }
0x3b3: {  	v19 =	vperm.xlane v18, v8;
	_ =	sdelay $0x1  }
0x3b4: {  	v19 =	vadd.s32 v9, v19;
	_ =	sdelay $0x4  }
0x3b5: {  	[tilespmem:s9], [sflag:$0x4] =	stream.indirect_vreg.gather [hbm4b:s10+s5], $0x80, v19, vm0, $0xb8;
	[tilespmem:$0x1E200] =	vst v63  }
0x3b6: {  	s8 =	simm.s32 $0x18800;
	v18 =	vperm.xlane v18, v10  }
0x3b7: {  	[tilespmem:s8], [sflag:$0x4] =	stream.indirect_vreg.gather [hbm4b:s12+s5], $0x80, v19, vm0, $0xb8;
	[tilespmem:$0x1E200] =	vst v63  }
0x3b8: {  	s26 =	simm.s32 $0x19000;
	v18 =	vadd.s32 v9, v18  }
0x3b9: {  	[tilespmem:s26], [sflag:$0x4] =	stream.indirect_vreg.gather [hbm4b:s13+s5], $0x80, v19, vm0, $0xb8;
	[tilespmem:$0x1E200] =	vst v63  }
0x3ba: {  	s7 =	simm.s32 $0x19800  }
0x3bb: {  	[tilespmem:s7], [sflag:$0x4] =	stream.indirect_vreg.gather [hbm4b:s24+s5], $0x80, v19, vm0, $0xb8;
	[tilespmem:$0x1E200] =	vst v63  }
0x3bc: {  	s8 =	simm.s32 $0x1A000  }
0x3bd: {  	[tilespmem:s8], [sflag:$0x4] =	stream.indirect_vreg.gather [hbm4b:s10+s5], $0x80, v18, vm0, $0xb8;
	[tilespmem:$0x1E200] =	vst v63  }
0x3be: {  	s10 =	simm.s32 $0x1A800  }
0x3bf: {  	[tilespmem:s10], [sflag:$0x4] =	stream.indirect_vreg.gather [hbm4b:s12+s5], $0x80, v18, vm0, $0xb8;
	[tilespmem:$0x1E200] =	vst v63  }
0x3c0: {  	s12 =	simm.s32 $0x1B000  }
0x3c1: {  	[tilespmem:s12], [sflag:$0x4] =	stream.indirect_vreg.gather [hbm4b:s13+s5], $0x80, v18, vm0, $0xb8;
	[tilespmem:$0x1E200] =	vst v63  }
0x3c2: {  	s13 =	simm.s32 $0x1B800  }
0x3c3: {  	[tilespmem:s13], [sflag:$0x4] =	stream.indirect_vreg.gather [hbm4b:s24+s5], $0x80, v18, vm0, $0xb8;
	[tilespmem:$0x1E200] =	vst v63  }
0x3c4: {  	s24 =	simm.s32 $0x4  }
0x3c5: {  	_ =	swait.ge [sflag:s24], $0x4000  }
0x3c6: {  	[sflag:s24] =	ssyncset.done $0x0  }
0x3c7: {  	s0 =	sshll.u32 s0, $0xF;
	[sflag:s24] =	ssyncadd.s32 $0xFFFFC000  }
0x3c8: {  	s0 =	sadd.s32 $0x1C00000, s0;
	_ =	swait.ge [sflag:s24], $0x4000  }
0x3c9: {  	s0 =	sshrl.u32 s0, $0x3;
	[sflag:s24] =	ssyncset.done $0x0  }
0x3ca: {  	s0 =	sadd.s32 s11, s0;
	s26 =	sshll.u32 s1, $0x7;
	[sflag:s24] =	ssyncadd.s32 $0xFFFFC000  }
0x3cb: {  	[hbm4b:s0+s5] =	stream.linear.scatter [tilespmem:s3], [sflag:$0x5], $0x4000, $0x38;
	[tilespmem:$0x1E200] =	vst v63  }
0x3cc: {  	s0 =	sand.u32 $0x1FFFF800, s26  }
0x3cd: {  	s0 =	sadd.s32 $0x380000, s0  }
.LBB2_38:
0x3ce: {  	s0 =	sadd.s32 s11, s0;
	p0 =	por $0x1, $0x1  }
0x3cf: {  	[hbm4b:s0+s5] =	stream.linear.scatter [tilespmem:s9], [sflag:$0x5], $0x4000, $0x38;
	[tilespmem:$0x1E200] =	vst v63  }
0x3d0: {  	s26 =	simm.s32 $0x2;
	s0 =	simm.s32 @!p0 $0x0  }
0x3d1: {  	[smem:$0x7DF] =	sst s26;
	s0 =	simm.s32 @p0 $0x1  }
0x3d2: {  	[smem:$0x7DE] =	sst s0  }
.LBB2_39:
.Ltmp27:
0x3d3: {  	(pc) =	sbr.rel .LBB2_40-.Ltmp27, $3  }
0x3d4: {  	_ =	sdelay $0x1  }
0x3d5: {  	s4 =	simm.s32 $0x0  }
0x3d6: {  	s0 =	simm.s32 $0x0;
	s3 =	simm.s32 $0x0;
	s1 =	simm.s32 $0x0  }
.LBB2_43:
0x3d7: {  	[sflag:s16] =	ssyncadd.s32 $0xFFFFC000  }
.LBB2_44:
0x3d8: {  	p0 =	sgt.s32 s7, $0x0;
	s1 =	sadd.s32 $0x1, s1  }
0x3d9: {  	s7 =	simm.s32 @!p0 $0x0;
	p0 =	sne.s32 s1, $0x80  }
.Ltmp28:
0x3da: {  	_ = 	snop;
	(pc) =	sbr.rel @!p0 .LBB2_45-.Ltmp28, $2  }
0x3db: {  	_ =	sdelay $0x2  }
0x3dc: {  	s11 =	smov.u32 s26;
	s0 =	sadd.s32 s0, s7  }
.LBB2_40:
0x3dd: {  	s8 =	sshll.u32 s1, $0x3  }
0x3de: {  	s7 =	sand.u32 $0xFFF8, s8  }
0x3df: {  	s7 =	smul.u32 $0xE38F, s7;
	_ =	sdelay $0x1  }
0x3e0: {  	s7 =	sshrl.u32 s7, $0x17  }
0x3e1: {  	s7 =	smul.u32 $0x90, s7;
	_ =	sdelay $0x1  }
0x3e2: {  	s7 =	ssub.s32 s8, s7  }
0x3e3: {  	s9 =	sand.u32 $0xFFF8, s7  }
0x3e4: {  	s10 =	simm.s32 $0x1;
	s26 =	sshll.u32 s7, $0x1;
	p0 =	sgt.u32 s9, $0x3F  }
0x3e5: {  	s7 =	sshll.u32 s1, $0x5;
	s9 =	sand.u32 $0x10, s26;
	s10 =	simm.s32 @!p0 $0x0  }
0x3e6: {  	p2 =	slt.s32 s7, s17;
	s9 =	sor.u32 s10, s9  }
0x3e7: {  	s10 =	sor.u32 $0x1, s8;
	p3 =	sne.s32 @!p2 s6, s9  }
0x3e8: {  	s12 =	sand.u32 $0xFFFF, s10;
	p0 =	por p3, p2  }
0x3e9: {  	s26 =	smov.u32 s11;
	s12 =	smul.u32 $0xE38F, s12;
	s9 =	sshll.u32 @!p0 s1, $0xC  }
0x3ea: {  	s13 =	simm.s32 @!p0 $0x0;
	s24 =	simm.s32 @!p0 $0x10000;
	s11 =	sadd.s32 @!p0 s11, s9  }
0x3eb: {  	[hbm4b:s11+s13] =	stream.linear.scatter @!p0 [tilespmem:s24], [sflag:$0x3], $0x4000, $0x38;
	[tilespmem:$0x1E200] =	vst v63  }
0x3ec: {  	s11 =	sshrl.u32 s12, $0x17;
	s12 =	sld [smem:$0x7F8]  }
0x3ed: {  	s11 =	smul.u32 $0x90, s11;
	_ =	sdelay $0x1  }
0x3ee: {  	s9 =	sadd.s32 @!p0 s9, s12;
	s12 =	ssub.s32 s10, s11  }
0x3ef: {  	[hbm4b:s9+s13] =	stream.linear.scatter @!p0 [tilespmem:s24], [sflag:$0x3], $0x4000, $0x38;
	[tilespmem:$0x1E200] =	vst v63  }
0x3f0: {  	s10 =	sand.u32 $0xFFFF, s12  }
0x3f1: {  	s9 =	sshll.u32 s12, $0x1;
	p0 =	sgt.u32 s10, $0x3F;
	s10 =	simm.s32 $0x1  }
0x3f2: {  	p1 =	slt.s32 s7, s2;
	s9 =	sand.u32 $0x12, s9;
	s10 =	simm.s32 @!p0 $0x0  }
0x3f3: {  	s9 =	sor.u32 s10, s9;
	s10 =	simm.s32 @!p1 $0x0  }
0x3f4: {  	s11 =	rddreg [dreg:$0x4];
	s10 =	simm.s32 @p1 $0x1;
	p0 =	sne.s32 @!p1 s6, s9  }
0x3f5: {  	[smem:$0x7D4] =	sst s10;
	s9 =	simm.s32 @!p0 $0x0;
	s10 =	sor.u32 $0x2, s8  }
0x3f6: {  	s9 =	simm.s32 @p0 $0x1;
	p0 =	por p0, p1;
	s12 =	sand.u32 $0xFFFF, s10  }
0x3f7: {  	[smem:$0x7D5] =	sst s9;
	s9 =	sshll.u32 @!p0 s1, $0xC;
	s13 =	simm.s32 @!p0 $0x0  }
0x3f8: {  	s24 =	simm.s32 @!p0 $0x10000;
	s12 =	smul.u32 $0xE38F, s12;
	s11 =	sadd.s32 @!p0 s9, s11  }
0x3f9: {  	[hbm4b:s11+s13] =	stream.linear.scatter @!p0 [tilespmem:s24], [sflag:$0x3], $0x4000, $0x38;
	[tilespmem:$0x1E200] =	vst v63  }
0x3fa: {  	s11 =	sshrl.u32 s12, $0x17;
	s12 =	sld [smem:$0x7F4];
	_ =	sdelay $0x2  }
0x3fb: {  	s11 =	smul.u32 $0x90, s11;
	s9 =	sadd.s32 @!p0 s9, s12  }
0x3fc: {  	[hbm4b:s9+s13] =	stream.linear.scatter @!p0 [tilespmem:s24], [sflag:$0x3], $0x4000, $0x38;
	[tilespmem:$0x1E200] =	vst v63  }
0x3fd: {  	s13 =	ssub.s32 s10, s11  }
0x3fe: {  	s10 =	sand.u32 $0xFFFF, s13  }
0x3ff: {  	s9 =	sshll.u32 s13, $0x1;
	p0 =	sgt.u32 s10, $0x3F;
	s10 =	simm.s32 $0x1  }
0x400: {  	p1 =	slt.s32 s7, s21;
	s9 =	sand.u32 $0x14, s9;
	s10 =	simm.s32 @!p0 $0x0  }
0x401: {  	s9 =	sor.u32 s10, s9;
	s10 =	simm.s32 @!p1 $0x0  }
0x402: {  	s11 =	rddreg [dreg:$0x5];
	s10 =	simm.s32 @p1 $0x1;
	p0 =	sne.s32 @!p1 s6, s9  }
0x403: {  	[smem:$0x7D6] =	sst s10;
	s9 =	simm.s32 @!p0 $0x0;
	s10 =	sor.u32 $0x3, s8  }
0x404: {  	s9 =	simm.s32 @p0 $0x1;
	p0 =	por p0, p1;
	s12 =	sand.u32 $0xFFFF, s10  }
0x405: {  	[smem:$0x7D7] =	sst s9;
	s9 =	sshll.u32 @!p0 s1, $0xC;
	s13 =	simm.s32 @!p0 $0x0  }
0x406: {  	s24 =	simm.s32 @!p0 $0x10000;
	s12 =	smul.u32 $0xE38F, s12;
	s11 =	sadd.s32 @!p0 s9, s11  }
0x407: {  	[hbm4b:s11+s13] =	stream.linear.scatter @!p0 [tilespmem:s24], [sflag:$0x3], $0x4000, $0x38;
	[tilespmem:$0x1E200] =	vst v63  }
0x408: {  	s11 =	sshrl.u32 s12, $0x17;
	s12 =	sld [smem:$0x7F6];
	_ =	sdelay $0x2  }
0x409: {  	s11 =	smul.u32 $0x90, s11;
	s9 =	sadd.s32 @!p0 s9, s12  }
0x40a: {  	[hbm4b:s9+s13] =	stream.linear.scatter @!p0 [tilespmem:s24], [sflag:$0x3], $0x4000, $0x38;
	[tilespmem:$0x1E200] =	vst v63  }
0x40b: {  	s24 =	ssub.s32 s10, s11  }
0x40c: {  	s10 =	sand.u32 $0xFFFF, s24  }
0x40d: {  	s9 =	sshll.u32 s24, $0x1;
	p0 =	sgt.u32 s10, $0x3F;
	s10 =	simm.s32 $0x1  }
0x40e: {  	p1 =	slt.s32 s7, s20;
	s9 =	sand.u32 $0x16, s9;
	s10 =	simm.s32 @!p0 $0x0  }
0x40f: {  	s9 =	sor.u32 s10, s9;
	s10 =	simm.s32 @!p1 $0x0  }
0x410: {  	s11 =	rddreg [dreg:$0x6];
	s10 =	simm.s32 @p1 $0x1;
	p0 =	sne.s32 @!p1 s6, s9  }
0x411: {  	[smem:$0x7D8] =	sst s10;
	s9 =	simm.s32 @!p0 $0x0;
	s10 =	sor.u32 $0x4, s8  }
0x412: {  	s9 =	simm.s32 @p0 $0x1;
	p0 =	por p0, p1;
	s12 =	sand.u32 $0xFFFF, s10  }
0x413: {  	[smem:$0x7D9] =	sst s9;
	s9 =	sshll.u32 @!p0 s1, $0xC;
	s13 =	simm.s32 @!p0 $0x0  }
0x414: {  	s24 =	simm.s32 @!p0 $0x10000;
	s12 =	smul.u32 $0xE38F, s12;
	s11 =	sadd.s32 @!p0 s9, s11  }
0x415: {  	[hbm4b:s11+s13] =	stream.linear.scatter @!p0 [tilespmem:s24], [sflag:$0x3], $0x4000, $0x38;
	[tilespmem:$0x1E200] =	vst v63  }
0x416: {  	s11 =	sshrl.u32 s12, $0x17;
	s12 =	sld [smem:$0x7F7]  }
0x417: {  	s11 =	smul.u32 $0x90, s11;
	_ =	sdelay $0x1  }
0x418: {  	s9 =	sadd.s32 @!p0 s9, s12;
	s11 =	ssub.s32 s10, s11  }
0x419: {  	[hbm4b:s9+s13] =	stream.linear.scatter @!p0 [tilespmem:s24], [sflag:$0x3], $0x4000, $0x38;
	[tilespmem:$0x1E200] =	vst v63  }
0x41a: {  	s10 =	sand.u32 $0xFFFF, s11  }
0x41b: {  	s9 =	sshll.u32 s11, $0x1;
	s11 =	simm.s32 $0x1;
	p0 =	sgt.u32 s10, $0x3F  }
0x41c: {  	p1 =	slt.s32 s7, s19;
	s9 =	sand.u32 $0x18, s9;
	s11 =	simm.s32 @!p0 $0x0  }
0x41d: {  	s10 =	simm.s32 @!p1 $0x0;
	s9 =	sor.u32 s11, s9  }
0x41e: {  	s10 =	simm.s32 @p1 $0x1;
	p0 =	sne.s32 @!p1 s6, s9  }
0x41f: {  	[smem:$0x7DA] =	sst s10;
	s10 =	sor.u32 $0x5, s8;
	s9 =	simm.s32 @!p0 $0x0  }
0x420: {  	s12 =	sand.u32 $0xFFFF, s10;
	s9 =	simm.s32 @p0 $0x1;
	p0 =	por p0, p1  }
0x421: {  	s12 =	smul.u32 $0xE38F, s12;
	[smem:$0x7DB] =	sst s9;
	s9 =	sshll.u32 @!p0 s1, $0xC  }
0x422: {  	s13 =	simm.s32 @!p0 $0x0;
	s24 =	simm.s32 @!p0 $0x10000;
	s11 =	sadd.s32 @!p0 s9, s30  }
0x423: {  	[hbm4b:s11+s13] =	stream.linear.scatter @!p0 [tilespmem:s24], [sflag:$0x3], $0x4000, $0x38;
	[tilespmem:$0x1E200] =	vst v63  }
0x424: {  	s11 =	sshrl.u32 s12, $0x17;
	s12 =	sld [smem:$0x7F9]  }
0x425: {  	s11 =	smul.u32 $0x90, s11;
	_ =	sdelay $0x1  }
0x426: {  	s9 =	sadd.s32 @!p0 s9, s12;
	s12 =	ssub.s32 s10, s11  }
0x427: {  	[hbm4b:s9+s13] =	stream.linear.scatter @!p0 [tilespmem:s24], [sflag:$0x3], $0x4000, $0x38;
	[tilespmem:$0x1E200] =	vst v63  }
0x428: {  	s10 =	sand.u32 $0xFFFF, s12  }
0x429: {  	s11 =	simm.s32 $0x1;
	s9 =	sshll.u32 s12, $0x1;
	p0 =	sgt.u32 s10, $0x3F  }
0x42a: {  	s9 =	sand.u32 $0x1A, s9;
	s11 =	simm.s32 @!p0 $0x0  }
0x42b: {  	p6 =	slt.s32 s7, s18;
	s9 =	sor.u32 s11, s9  }
0x42c: {  	p0 =	sne.s32 @!p6 s6, s9  }
0x42d: {  	s10 =	sor.u32 $0x6, s8;
	s9 =	simm.s32 @!p0 $0x0  }
0x42e: {  	s12 =	sand.u32 $0xFFFF, s10;
	s9 =	simm.s32 @p0 $0x1;
	p0 =	por p0, p6  }
0x42f: {  	s12 =	smul.u32 $0xE38F, s12;
	[smem:$0x7DC] =	sst s9;
	s9 =	sshll.u32 @!p0 s1, $0xC  }
0x430: {  	s13 =	simm.s32 @!p0 $0x0;
	s24 =	simm.s32 @!p0 $0x10000;
	s11 =	sadd.s32 @!p0 s9, s29  }
0x431: {  	[hbm4b:s11+s13] =	stream.linear.scatter @!p0 [tilespmem:s24], [sflag:$0x3], $0x4000, $0x38;
	[tilespmem:$0x1E200] =	vst v63  }
0x432: {  	s11 =	sshrl.u32 s12, $0x17;
	s12 =	sld [smem:$0x7FA];
	_ =	sdelay $0x2  }
0x433: {  	s11 =	smul.u32 $0x90, s11;
	s9 =	sadd.s32 @!p0 s9, s12  }
0x434: {  	[hbm4b:s9+s13] =	stream.linear.scatter @!p0 [tilespmem:s24], [sflag:$0x3], $0x4000, $0x38;
	[tilespmem:$0x1E200] =	vst v63  }
0x435: {  	s13 =	ssub.s32 s10, s11  }
0x436: {  	s10 =	sand.u32 $0xFFFF, s13  }
0x437: {  	s11 =	simm.s32 $0x1;
	s9 =	sshll.u32 s13, $0x1;
	p0 =	sgt.u32 s10, $0x3F  }
0x438: {  	s9 =	sand.u32 $0x1C, s9;
	s11 =	simm.s32 @!p0 $0x0  }
0x439: {  	p4 =	slt.s32 s7, s25;
	s8 =	sor.u32 $0x7, s8;
	s9 =	sor.u32 s11, s9  }
0x43a: {  	s24 =	sand.u32 $0xFFFF, s8;
	p0 =	sne.s32 @!p4 s6, s9  }
0x43b: {  	s11 =	smul.u32 $0xE38F, s24;
	s9 =	simm.s32 @!p0 $0x0  }
0x43c: {  	s9 =	simm.s32 @p0 $0x1;
	p0 =	por p0, p4  }
0x43d: {  	s24 =	sshrl.u32 s11, $0x17;
	[smem:$0x7DD] =	sst s9;
	s9 =	sshll.u32 @!p0 s1, $0xC  }
0x43e: {  	s12 =	simm.s32 @!p0 $0x0;
	s13 =	simm.s32 @!p0 $0x10000;
	s10 =	sadd.s32 @!p0 s9, s31  }
0x43f: {  	[hbm4b:s10+s12] =	stream.linear.scatter @!p0 [tilespmem:s13], [sflag:$0x3], $0x4000, $0x38;
	[tilespmem:$0x1E200] =	vst v63  }
0x440: {  	s9 =	sadd.s32 @!p0 s9, s14;
	s10 =	smul.u32 $0x90, s24  }
0x441: {  	[hbm4b:s9+s12] =	stream.linear.scatter @!p0 [tilespmem:s13], [sflag:$0x3], $0x4000, $0x38;
	[tilespmem:$0x1E200] =	vst v63  }
0x442: {  	s8 =	ssub.s32 s8, s10  }
0x443: {  	p3 =	por !p3, p2;
	s11 =	sand.u32 $0xFFFF, s8  }
0x444: {  	s10 =	simm.s32 $0x1;
	s8 =	sshll.u32 s8, $0x1;
	p0 =	sgt.u32 s11, $0x3F  }
0x445: {  	p1 =	slt.s32 s7, s23;
	s8 =	sand.u32 $0x1E, s8;
	s10 =	simm.s32 @!p0 $0x0  }
0x446: {  	s7 =	simm.s32 $0x0;
	s12 =	sld [smem:$0x7D4];
	s8 =	sor.u32 s10, s8  }
0x447: {  	s7 =	simm.s32 @p3 $0x2;
	s24 =	sld [smem:$0x7D6];
	p5 =	sne.s32 @!p1 s6, s8  }
0x448: {  	s7 =	simm.s32 @p2 $0x0;
	s13 =	sld [smem:$0x7D5];
	p0 =	por p5, p1  }
0x449: {  	p2 =	seq.s32 s12, $0x1;
	s12 =	sld [smem:$0x7D9];
	s8 =	sshll.u32 @!p0 s1, $0xC  }
0x44a: {  	s10 =	simm.s32 @!p0 $0x0;
	s11 =	simm.s32 @!p0 $0x10000;
	s9 =	sadd.s32 @!p0 s8, s28  }
0x44b: {  	[hbm4b:s9+s10] =	stream.linear.scatter @!p0 [tilespmem:s11], [sflag:$0x3], $0x4000, $0x38;
	[tilespmem:$0x1E200] =	vst v63  }
0x44c: {  	p3 =	seq.s32 s13, $0x1;
	s13 =	sld [smem:$0x7DA];
	s8 =	sadd.s32 @!p0 s8, s15  }
0x44d: {  	[hbm4b:s8+s10] =	stream.linear.scatter @!p0 [tilespmem:s11], [sflag:$0x3], $0x4000, $0x38;
	[tilespmem:$0x1E200] =	vst v63  }
0x44e: {  	s10 =	sld [smem:$0x7D7]  }
0x44f: {  	s3 =	sadd.s32 s3, s7;
	s7 =	simm.s32 $0x0;
	s11 =	sld [smem:$0x7D8]  }
0x450: {  	s9 =	simm.s32 $0x0;
	p0 =	por !p3, p2;
	s8 =	simm.s32 $0x0  }
0x451: {  	p3 =	seq.s32 s24, $0x1;
	s24 =	sld [smem:$0x7DB];
	s8 =	simm.s32 @p0 $0x2  }
0x452: {  	s8 =	simm.s32 @p2 $0x0;
	p0 =	seq.s32 s10, $0x1;
	p2 =	seq.s32 s11, $0x1  }
0x453: {  	s10 =	simm.s32 $0x0;
	s11 =	simm.s32 $0x0;
	p0 =	por !p0, p3  }
0x454: {  	s3 =	sadd.s32 s8, s3;
	s8 =	simm.s32 $0x0;
	s9 =	simm.s32 @p0 $0x2  }
0x455: {  	s9 =	simm.s32 @p3 $0x0;
	p3 =	seq.s32 s12, $0x1;
	s12 =	sld [smem:$0x7DC]  }
0x456: {  	p0 =	por !p3, p2;
	p3 =	seq.s32 s13, $0x1;
	s3 =	sadd.s32 s9, s3  }
0x457: {  	s13 =	sld [smem:$0x7DD];
	s10 =	simm.s32 @p0 $0x2;
	p0 =	seq.s32 s24, $0x1  }
0x458: {  	p0 =	por !p0, p3;
	s10 =	simm.s32 @p2 $0x0;
	p2 =	seq.s32 s12, $0x1  }
0x459: {  	s9 =	simm.s32 $0x0;
	s11 =	simm.s32 @p0 $0x2;
	p0 =	por !p2, p6  }
0x45a: {  	s11 =	simm.s32 @p3 $0x0;
	s7 =	simm.s32 @p0 $0x2;
	p3 =	seq.s32 s13, $0x1  }
0x45b: {  	s3 =	sadd.s32 s10, s3;
	p0 =	por !p3, p4;
	s7 =	simm.s32 @p6 $0x0  }
0x45c: {  	s3 =	sadd.s32 s11, s3;
	s8 =	simm.s32 @p0 $0x2;
	p0 =	por !p5, p1  }
0x45d: {  	s3 =	sadd.s32 s7, s3;
	s8 =	simm.s32 @p4 $0x0;
	s9 =	simm.s32 @p0 $0x2  }
0x45e: {  	s3 =	sadd.s32 s8, s3;
	s9 =	simm.s32 @p1 $0x0  }
0x45f: {  	s3 =	sadd.s32 s9, s3  }
0x460: {  	s24 =	ssub.s32 s3, s0  }
0x461: {  	s7 =	sadd.s32 $0xFFFFFFD8, s24  }
0x462: {  	p0 =	slt.s32 s7, $0x1  }
.Ltmp29:
0x463: {  	_ = 	snop;
	(pc) =	sbr.rel @p0 .LBB2_44-.Ltmp29, $1  }
0x464: {  	_ =	sdelay $0x3  }
0x465: {  	s8 =	sadd.s32 $0x1, s4  }
0x466: {  	p0 =	sgt.s32 s7, s8  }
.Ltmp30:
0x467: {  	_ = 	snop;
	(pc) =	sbr.rel @!p0 .LBB2_43-.Ltmp30, $3  }
0x468: {  	_ =	sdelay $0x1  }
0x469: {  	_ =	swait.ge [sflag:s16], $0x4000  }
0x46a: {  	[sflag:s16] =	ssyncset.done $0x0  }
.LBB2_42:
0x46b: {  	s8 =	sadd.s32 $0x1, s8  }
0x46c: {  	[sflag:s16] =	ssyncadd.s32 $0xFFFFC000;
	p0 =	sgt.s32 s7, s8  }
.Ltmp31:
0x46d: {  	(pc) =	sbr.rel @p0 .LBB2_42-.Ltmp31, $3  }
0x46e: {  	_ =	sdelay $0x1  }
0x46f: {  	_ =	swait.ge [sflag:s16], $0x4000  }
0x470: {  	[sflag:s16] =	ssyncset.done $0x0  }
.Ltmp32:
0x471: {  	_ = 	snop;
	(pc) =	sbr.rel .LBB2_43-.Ltmp32, $1  }
0x472: {  	_ =	sdelay $0x3  }
.LBB2_45:
0x473: {  	s0 =	ssub.s32 s3, s0  }
0x474: {  	s8 =	simm.s32 $0x1;
	p0 =	slt.s32 s0, $0x1  }
.Ltmp33:
0x475: {  	_ =	swait.ge [sflag:s8], $0x8000;
	(pc) =	sbr.rel @p0 .LBB2_49-.Ltmp33, $4  }
0x476: {  	s12 =	sld [smem:$0x7FB]  }
0x477: {  	[sflag:s8] =	ssyncset.done $0x0;
	s13 =	sld [smem:$0x7FC]  }
0x478: {  	s1 =	simm.s32 $0x0;
	s24 =	sld [smem:$0x7FD];
	[sflag:s8] =	ssyncadd.s32 $0xFFFF8000  }
0x479: {  	s9 =	simm.s32 $0x800;
	s26 =	simm.s32 $0x1000;
	s10 =	rddreg [dreg:$0x1]  }
0x47a: {  	s1 =	sadd.s32 $0x1, s1  }
0x47b: {  	p0 =	slt.s32 s1, s0  }
.Ltmp34:
0x47c: {  	_ = 	snop;
	(pc) =	sbr.rel @!p0 .LBB2_48-.Ltmp34, $3  }
0x47d: {  	_ =	sdelay $0x1  }
0x47e: {  	_ =	swait.ge [sflag:s16], $0x4000  }
0x47f: {  	[sflag:s16] =	ssyncset.done $0x0  }
.LBB2_47:
0x480: {  	s1 =	sadd.s32 $0x1, s1  }
0x481: {  	[sflag:s16] =	ssyncadd.s32 $0xFFFFC000;
	p0 =	slt.s32 s1, s0  }
.Ltmp35:
0x482: {  	(pc) =	sbr.rel @p0 .LBB2_47-.Ltmp35, $3  }
0x483: {  	_ =	sdelay $0x1  }
0x484: {  	_ =	swait.ge [sflag:s16], $0x4000  }
0x485: {  	[sflag:s16] =	ssyncset.done $0x0  }
.LBB2_48:
0x486: {  	[sflag:s16] =	ssyncadd.s32 $0xFFFFC000  }
.LBB2_49:
0x487: {  	v18 =	vperm.xlane v14, v8;
	_ =	sdelay $0x1  }
0x488: {  	v18 =	vadd.s32 v9, v18;
	_ =	sdelay $0x2  }
0x489: {  	[tilespmem:$0x1E080] =	vst v3  }
0x48a: {  	[tilespmem:$0x1E090] =	vst v4;
	s0 =	simm.s32 $0x8000  }
0x48b: {  	[tilespmem:s0], [sflag:$0x1] =	stream.indirect_vreg.gather [hbm4b:s10+s5], $0x80, v18, vm0, $0xb8;
	[tilespmem:$0x1E200] =	vst v63  }
0x48c: {  	v19 =	vperm.xlane v14, v10;
	s7 =	simm.s32 $0x8800  }
0x48d: {  	[tilespmem:s7], [sflag:$0x1] =	stream.indirect_vreg.gather [hbm4b:s12+s5], $0x80, v18, vm0, $0xb8;
	[tilespmem:$0x1E200] =	vst v63  }
0x48e: {  	s1 =	simm.s32 $0x9000;
	v19 =	vadd.s32 v9, v19  }
0x48f: {  	[tilespmem:s1], [sflag:$0x1] =	stream.indirect_vreg.gather [hbm4b:s13+s5], $0x80, v18, vm0, $0xb8;
	[tilespmem:$0x1E200] =	vst v63  }
0x490: {  	s4 =	simm.s32 $0x9800  }
0x491: {  	[tilespmem:s4], [sflag:$0x1] =	stream.indirect_vreg.gather [hbm4b:s24+s5], $0x80, v18, vm0, $0xb8;
	[tilespmem:$0x1E200] =	vst v63  }
0x492: {  	s7 =	simm.s32 $0xA000  }
0x493: {  	[tilespmem:s7], [sflag:$0x1] =	stream.indirect_vreg.gather [hbm4b:s10+s5], $0x80, v19, vm0, $0xb8;
	[tilespmem:$0x1E200] =	vst v63  }
0x494: {  	s1 =	simm.s32 $0xA800  }
0x495: {  	[tilespmem:s1], [sflag:$0x1] =	stream.indirect_vreg.gather [hbm4b:s12+s5], $0x80, v19, vm0, $0xb8;
	[tilespmem:$0x1E200] =	vst v63  }
0x496: {  	s4 =	simm.s32 $0xB000  }
0x497: {  	[tilespmem:s4], [sflag:$0x1] =	stream.indirect_vreg.gather [hbm4b:s13+s5], $0x80, v19, vm0, $0xb8;
	[tilespmem:$0x1E200] =	vst v63  }
0x498: {  	s7 =	simm.s32 $0xB800  }
0x499: {  	[tilespmem:s7], [sflag:$0x1] =	stream.indirect_vreg.gather [hbm4b:s24+s5], $0x80, v19, vm0, $0xb8;
	[tilespmem:$0x1E200] =	vst v63  }
0x49a: {  	v18 =	vld [tilespmem:$0x1E090];
	_ =	sdelay $0x4  }
0x49b: {  	v19 =	vshll.u32 v18, $0x3  }
0x49c: {  	v18 =	vand.u32 $0x7, v18;
	v19 =	vand.u32 $0xFFFFFFC0, v19  }
0x49d: {  	v18 =	vor.u32 v18, v19  }
0x49e: {  	v19 =	vperm.xlane v18, v8;
	_ =	sdelay $0x1  }
0x49f: {  	v19 =	vadd.s32 v9, v19;
	_ =	sdelay $0x3  }
0x4a0: {  	s1 =	simm.s32 $0xC000  }
0x4a1: {  	[tilespmem:s1], [sflag:$0x1] =	stream.indirect_vreg.gather [hbm4b:s10+s5], $0x80, v19, vm0, $0xb8;
	[tilespmem:$0x1E200] =	vst v63  }
0x4a2: {  	s4 =	simm.s32 $0xC800;
	v18 =	vperm.xlane v18, v10  }
0x4a3: {  	[tilespmem:s4], [sflag:$0x1] =	stream.indirect_vreg.gather [hbm4b:s12+s5], $0x80, v19, vm0, $0xb8;
	[tilespmem:$0x1E200] =	vst v63  }
0x4a4: {  	s7 =	simm.s32 $0xD000;
	v18 =	vadd.s32 v9, v18  }
0x4a5: {  	[tilespmem:s7], [sflag:$0x1] =	stream.indirect_vreg.gather [hbm4b:s13+s5], $0x80, v19, vm0, $0xb8;
	[tilespmem:$0x1E200] =	vst v63  }
0x4a6: {  	s1 =	simm.s32 $0xD800  }
0x4a7: {  	[tilespmem:s1], [sflag:$0x1] =	stream.indirect_vreg.gather [hbm4b:s24+s5], $0x80, v19, vm0, $0xb8;
	[tilespmem:$0x1E200] =	vst v63  }
0x4a8: {  	s4 =	simm.s32 $0xE000  }
0x4a9: {  	[tilespmem:s4], [sflag:$0x1] =	stream.indirect_vreg.gather [hbm4b:s10+s5], $0x80, v18, vm0, $0xb8;
	[tilespmem:$0x1E200] =	vst v63  }
0x4aa: {  	s7 =	simm.s32 $0xE800  }
0x4ab: {  	[tilespmem:s7], [sflag:$0x1] =	stream.indirect_vreg.gather [hbm4b:s12+s5], $0x80, v18, vm0, $0xb8;
	[tilespmem:$0x1E200] =	vst v63  }
0x4ac: {  	s1 =	simm.s32 $0xF000  }
0x4ad: {  	[tilespmem:s1], [sflag:$0x1] =	stream.indirect_vreg.gather [hbm4b:s13+s5], $0x80, v18, vm0, $0xb8;
	[tilespmem:$0x1E200] =	vst v63  }
0x4ae: {  	s4 =	simm.s32 $0xF800  }
0x4af: {  	[tilespmem:s4], [sflag:$0x1] =	stream.indirect_vreg.gather [hbm4b:s24+s5], $0x80, v18, vm0, $0xb8;
	[tilespmem:$0x1E200] =	vst v63  }
0x4b0: {  	s4 =	rddreg [dreg:$0x1f]  }
0x4b1: {  	p0 =	sgt.s32 s4, s17  }
0x4b2: {  	s1 =	rddreg [dreg:$0x17];
	p1 =	sgt.s32 s4, s2;
	s0 =	simm.s32 @!p0 $0x0  }
0x4b3: {  	[hbm4b:s1+s0] =	stream.linear.scatter @!p0 [tilespmem:s0], [sflag:$0x3], $0x8000, $0x38;
	[tilespmem:$0x1E200] =	vst v63  }
0x4b4: {  	s0 =	simm.s32 @!p1 $0x0  }
0x4b5: {  	s1 =	rddreg [dreg:$0x18];
	s0 =	simm.s32 @p1 $0x1  }
0x4b6: {  	[smem:$0x7D3] =	sst s0;
	s0 =	simm.s32 @!p1 $0x0  }
0x4b7: {  	[hbm4b:s1+s0] =	stream.linear.scatter @!p1 [tilespmem:s0], [sflag:$0x3], $0x8000, $0x38;
	[tilespmem:$0x1E200] =	vst v63  }
0x4b8: {  	p1 =	sgt.s32 s4, s21;
	s1 =	rddreg [dreg:$0x19]  }
0x4b9: {  	p2 =	sgt.s32 s4, s20;
	s7 =	sld [smem:$0x7D3];
	s0 =	simm.s32 @!p1 $0x0  }
0x4ba: {  	[hbm4b:s1+s0] =	stream.linear.scatter @!p1 [tilespmem:s0], [sflag:$0x3], $0x8000, $0x38;
	[tilespmem:$0x1E200] =	vst v63  }
0x4bb: {  	p3 =	sgt.s32 s4, s19;
	s0 =	simm.s32 @!p2 $0x0;
	s1 =	rddreg [dreg:$0x1a]  }
0x4bc: {  	[hbm4b:s1+s0] =	stream.linear.scatter @!p2 [tilespmem:s0], [sflag:$0x3], $0x8000, $0x38;
	[tilespmem:$0x1E200] =	vst v63  }
0x4bd: {  	p4 =	sgt.s32 s4, s18;
	s0 =	simm.s32 @!p3 $0x0;
	s1 =	rddreg [dreg:$0x1b]  }
0x4be: {  	[hbm4b:s1+s0] =	stream.linear.scatter @!p3 [tilespmem:s0], [sflag:$0x3], $0x8000, $0x38;
	[tilespmem:$0x1E200] =	vst v63  }
0x4bf: {  	p5 =	sgt.s32 s4, s25;
	s0 =	simm.s32 @!p4 $0x0;
	s1 =	rddreg [dreg:$0x1c]  }
0x4c0: {  	[hbm4b:s1+s0] =	stream.linear.scatter @!p4 [tilespmem:s0], [sflag:$0x3], $0x8000, $0x38;
	[tilespmem:$0x1E200] =	vst v63  }
0x4c1: {  	s0 =	simm.s32 @!p5 $0x0;
	s1 =	rddreg [dreg:$0x1d]  }
0x4c2: {  	[hbm4b:s1+s0] =	stream.linear.scatter @!p5 [tilespmem:s0], [sflag:$0x3], $0x8000, $0x38;
	[tilespmem:$0x1E200] =	vst v63  }
0x4c3: {  	s0 =	simm.s32 @!p0 $0x2  }
0x4c4: {  	p6 =	sgt.s32 s4, s23;
	s0 =	simm.s32 @p0 $0x0;
	p0 =	seq.s32 s7, $0x1  }
0x4c5: {  	s4 =	simm.s32 @!p6 $0x0;
	s7 =	rddreg [dreg:$0x1e];
	s1 =	simm.s32 @!p0 $0x2  }
0x4c6: {  	[hbm4b:s7+s4] =	stream.linear.scatter @!p6 [tilespmem:s4], [sflag:$0x3], $0x8000, $0x38;
	[tilespmem:$0x1E200] =	vst v63  }
0x4c7: {  	s0 =	sadd.s32 s3, s0;
	s4 =	simm.s32 @!p1 $0x2;
	s1 =	simm.s32 @p0 $0x0  }
0x4c8: {  	s4 =	simm.s32 @p1 $0x0;
	s0 =	sadd.s32 s1, s0;
	s1 =	simm.s32 @!p2 $0x2  }
0x4c9: {  	s1 =	simm.s32 @p2 $0x0;
	s0 =	sadd.s32 s4, s0;
	s4 =	simm.s32 @!p3 $0x2  }
0x4ca: {  	s4 =	simm.s32 @p3 $0x0;
	s0 =	sadd.s32 s1, s0;
	s1 =	simm.s32 @!p4 $0x2  }
0x4cb: {  	s1 =	simm.s32 @p4 $0x0;
	s0 =	sadd.s32 s4, s0;
	s4 =	simm.s32 @!p5 $0x2  }
0x4cc: {  	s4 =	simm.s32 @p5 $0x0;
	s0 =	sadd.s32 s1, s0;
	s1 =	simm.s32 @!p6 $0x2  }
0x4cd: {  	s0 =	sadd.s32 s4, s0;
	s1 =	simm.s32 @p6 $0x0  }
0x4ce: {  	s0 =	sadd.s32 s1, s0  }
0x4cf: {  	s1 =	ssub.s32 s0, s3  }
0x4d0: {  	p0 =	slt.s32 s1, $0x1  }
.Ltmp36:
0x4d1: {  	_ = 	snop;
	(pc) =	sbr.rel @p0 .LBB2_53-.Ltmp36, $4  }
0x4d2: {  	_ = 	snop  }
0x4d3: {  	_ =	swait.ge [sflag:s8], $0x8000  }
0x4d4: {  	[sflag:s8] =	ssyncset.done $0x0  }
0x4d5: {  	[sflag:s8] =	ssyncadd.s32 $0xFFFF8000;
	s3 =	simm.s32 $0x0  }
0x4d6: {  	s3 =	sadd.s32 $0x1, s3  }
0x4d7: {  	p0 =	slt.u32 s3, s1  }
.Ltmp37:
0x4d8: {  	_ = 	snop;
	(pc) =	sbr.rel @!p0 .LBB2_52-.Ltmp37, $3  }
0x4d9: {  	_ =	sdelay $0x1  }
0x4da: {  	_ =	swait.ge [sflag:s16], $0x4000  }
0x4db: {  	[sflag:s16] =	ssyncset.done $0x0  }
.LBB2_51:
0x4dc: {  	s3 =	sadd.s32 $0x1, s3  }
0x4dd: {  	[sflag:s16] =	ssyncadd.s32 $0xFFFFC000;
	p0 =	slt.u32 s3, s1  }
.Ltmp38:
0x4de: {  	(pc) =	sbr.rel @p0 .LBB2_51-.Ltmp38, $3  }
0x4df: {  	_ =	sdelay $0x1  }
0x4e0: {  	_ =	swait.ge [sflag:s16], $0x4000  }
0x4e1: {  	[sflag:s16] =	ssyncset.done $0x0  }
.LBB2_52:
0x4e2: {  	[sflag:s16] =	ssyncadd.s32 $0xFFFFC000  }
.LBB2_53:
0x4e3: {  	v18 =	vperm.xlane v15, v8;
	_ =	sdelay $0x1  }
0x4e4: {  	v18 =	vadd.s32 v9, v18;
	_ =	sdelay $0x2  }
0x4e5: {  	[tilespmem:$0x1E000] =	vst v5  }
0x4e6: {  	[tilespmem:$0x1E010] =	vst v6  }
0x4e7: {  	[tilespmem:s5], [sflag:$0x1] =	stream.indirect_vreg.gather [hbm4b:s10+s5], $0x80, v18, vm0, $0xb8;
	[tilespmem:$0x1E200] =	vst v63  }
0x4e8: {  	v19 =	vperm.xlane v15, v10  }
0x4e9: {  	[tilespmem:s9], [sflag:$0x1] =	stream.indirect_vreg.gather [hbm4b:s12+s5], $0x80, v18, vm0, $0xb8;
	[tilespmem:$0x1E200] =	vst v63  }
0x4ea: {  	v19 =	vadd.s32 v9, v19  }
0x4eb: {  	[tilespmem:s26], [sflag:$0x1] =	stream.indirect_vreg.gather [hbm4b:s13+s5], $0x80, v18, vm0, $0xb8;
	[tilespmem:$0x1E200] =	vst v63  }
0x4ec: {  	s1 =	simm.s32 $0x1800  }
0x4ed: {  	[tilespmem:s1], [sflag:$0x1] =	stream.indirect_vreg.gather [hbm4b:s24+s5], $0x80, v18, vm0, $0xb8;
	[tilespmem:$0x1E200] =	vst v63  }
0x4ee: {  	s3 =	simm.s32 $0x2000  }
0x4ef: {  	[tilespmem:s3], [sflag:$0x1] =	stream.indirect_vreg.gather [hbm4b:s10+s5], $0x80, v19, vm0, $0xb8;
	[tilespmem:$0x1E200] =	vst v63  }
0x4f0: {  	s4 =	simm.s32 $0x2800  }
0x4f1: {  	[tilespmem:s4], [sflag:$0x1] =	stream.indirect_vreg.gather [hbm4b:s12+s5], $0x80, v19, vm0, $0xb8;
	[tilespmem:$0x1E200] =	vst v63  }
0x4f2: {  	s7 =	simm.s32 $0x3000  }
0x4f3: {  	[tilespmem:s7], [sflag:$0x1] =	stream.indirect_vreg.gather [hbm4b:s13+s5], $0x80, v19, vm0, $0xb8;
	[tilespmem:$0x1E200] =	vst v63  }
0x4f4: {  	s3 =	simm.s32 $0x3800  }
0x4f5: {  	[tilespmem:s3], [sflag:$0x1] =	stream.indirect_vreg.gather [hbm4b:s24+s5], $0x80, v19, vm0, $0xb8;
	[tilespmem:$0x1E200] =	vst v63  }
0x4f6: {  	v18 =	vld [tilespmem:$0x1E010];
	_ =	sdelay $0x4  }
0x4f7: {  	v19 =	vshll.u32 v18, $0x3  }
0x4f8: {  	v18 =	vand.u32 $0x7, v18;
	v19 =	vand.u32 $0xFFFFFFC0, v19  }
0x4f9: {  	v18 =	vor.u32 v18, v19  }
0x4fa: {  	v19 =	vperm.xlane v18, v8;
	_ =	sdelay $0x1  }
0x4fb: {  	v19 =	vadd.s32 v9, v19;
	_ =	sdelay $0x3  }
0x4fc: {  	s4 =	simm.s32 $0x4000  }
0x4fd: {  	[tilespmem:s4], [sflag:$0x1] =	stream.indirect_vreg.gather [hbm4b:s10+s5], $0x80, v19, vm0, $0xb8;
	[tilespmem:$0x1E200] =	vst v63  }
0x4fe: {  	s7 =	simm.s32 $0x4800;
	v18 =	vperm.xlane v18, v10  }
0x4ff: {  	[tilespmem:s7], [sflag:$0x1] =	stream.indirect_vreg.gather [hbm4b:s12+s5], $0x80, v19, vm0, $0xb8;
	[tilespmem:$0x1E200] =	vst v63  }
0x500: {  	s3 =	simm.s32 $0x5000;
	v18 =	vadd.s32 v9, v18  }
0x501: {  	[tilespmem:s3], [sflag:$0x1] =	stream.indirect_vreg.gather [hbm4b:s13+s5], $0x80, v19, vm0, $0xb8;
	[tilespmem:$0x1E200] =	vst v63  }
0x502: {  	s4 =	simm.s32 $0x5800  }
0x503: {  	[tilespmem:s4], [sflag:$0x1] =	stream.indirect_vreg.gather [hbm4b:s24+s5], $0x80, v19, vm0, $0xb8;
	[tilespmem:$0x1E200] =	vst v63  }
0x504: {  	s7 =	simm.s32 $0x6000  }
0x505: {  	[tilespmem:s7], [sflag:$0x1] =	stream.indirect_vreg.gather [hbm4b:s10+s5], $0x80, v18, vm0, $0xb8;
	[tilespmem:$0x1E200] =	vst v63  }
0x506: {  	s3 =	simm.s32 $0x6800  }
0x507: {  	[tilespmem:s3], [sflag:$0x1] =	stream.indirect_vreg.gather [hbm4b:s12+s5], $0x80, v18, vm0, $0xb8;
	[tilespmem:$0x1E200] =	vst v63  }
0x508: {  	s4 =	simm.s32 $0x7000  }
0x509: {  	[tilespmem:s4], [sflag:$0x1] =	stream.indirect_vreg.gather [hbm4b:s13+s5], $0x80, v18, vm0, $0xb8;
	[tilespmem:$0x1E200] =	vst v63  }
0x50a: {  	s7 =	simm.s32 $0x7800  }
0x50b: {  	[tilespmem:s7], [sflag:$0x1] =	stream.indirect_vreg.gather [hbm4b:s24+s5], $0x80, v18, vm0, $0xb8;
	[tilespmem:$0x1E200] =	vst v63  }
0x50c: {  	s7 =	sld [smem:$0x7E1];
	_ =	sdelay $0x2  }
0x50d: {  	p0 =	sgt.s32 s7, s17  }
0x50e: {  	s1 =	simm.s32 @!p0 $0x0  }
0x50f: {  	s4 =	rddreg [dreg:$0x7];
	s1 =	simm.s32 @p0 $0x1  }
0x510: {  	s3 =	simm.s32 @!p0 $0x8000;
	[smem:$0x7D1] =	sst s1;
	s1 =	simm.s32 @!p0 $0x0  }
0x511: {  	[hbm4b:s4+s1] =	stream.linear.scatter @!p0 [tilespmem:s3], [sflag:$0x3], $0x8000, $0x38;
	[tilespmem:$0x1E200] =	vst v63  }
0x512: {  	p2 =	sgt.s32 s7, s21;
	p3 =	sgt.s32 s7, s20;
	p0 =	sgt.s32 s7, s2  }
0x513: {  	p4 =	sgt.s32 s7, s19;
	p5 =	sgt.s32 s7, s18;
	s1 =	simm.s32 @!p0 $0x0  }
0x514: {  	p6 =	sgt.s32 s7, s25;
	s4 =	rddreg [dreg:$0x8];
	s1 =	simm.s32 @p0 $0x1  }
0x515: {  	s3 =	simm.s32 @!p0 $0x8000;
	[smem:$0x7D2] =	sst s1;
	s1 =	simm.s32 @!p0 $0x0  }
0x516: {  	[hbm4b:s4+s1] =	stream.linear.scatter @!p0 [tilespmem:s3], [sflag:$0x3], $0x8000, $0x38;
	[tilespmem:$0x1E200] =	vst v63  }
0x517: {  	s1 =	simm.s32 @!p2 $0x0;
	s3 =	simm.s32 @!p2 $0x8000;
	s4 =	rddreg [dreg:$0x9]  }
0x518: {  	[hbm4b:s4+s1] =	stream.linear.scatter @!p2 [tilespmem:s3], [sflag:$0x3], $0x8000, $0x38;
	[tilespmem:$0x1E200] =	vst v63  }
0x519: {  	s1 =	simm.s32 @!p3 $0x0;
	s3 =	simm.s32 @!p3 $0x8000;
	s4 =	rddreg [dreg:$0xa]  }
0x51a: {  	[hbm4b:s4+s1] =	stream.linear.scatter @!p3 [tilespmem:s3], [sflag:$0x3], $0x8000, $0x38;
	[tilespmem:$0x1E200] =	vst v63  }
0x51b: {  	s1 =	simm.s32 @!p4 $0x0;
	s3 =	simm.s32 @!p4 $0x8000;
	s4 =	rddreg [dreg:$0xb]  }
0x51c: {  	[hbm4b:s4+s1] =	stream.linear.scatter @!p4 [tilespmem:s3], [sflag:$0x3], $0x8000, $0x38;
	[tilespmem:$0x1E200] =	vst v63  }
0x51d: {  	s1 =	simm.s32 @!p5 $0x0;
	s3 =	simm.s32 @!p5 $0x8000;
	s4 =	rddreg [dreg:$0xc]  }
0x51e: {  	[hbm4b:s4+s1] =	stream.linear.scatter @!p5 [tilespmem:s3], [sflag:$0x3], $0x8000, $0x38;
	[tilespmem:$0x1E200] =	vst v63  }
0x51f: {  	s1 =	simm.s32 @!p6 $0x0;
	s3 =	simm.s32 @!p6 $0x8000;
	s4 =	rddreg [dreg:$0xd]  }
0x520: {  	[hbm4b:s4+s1] =	stream.linear.scatter @!p6 [tilespmem:s3], [sflag:$0x3], $0x8000, $0x38;
	[tilespmem:$0x1E200] =	vst v63  }
0x521: {  	s3 =	sld [smem:$0x7D1];
	_ =	sdelay $0x1  }
0x522: {  	p0 =	sgt.s32 s7, s23;
	s7 =	rddreg [dreg:$0xe]  }
0x523: {  	s4 =	simm.s32 @!p0 $0x8000;
	p1 =	seq.s32 s3, $0x1;
	s3 =	simm.s32 @!p0 $0x0  }
0x524: {  	[hbm4b:s7+s3] =	stream.linear.scatter @!p0 [tilespmem:s4], [sflag:$0x3], $0x8000, $0x38;
	[tilespmem:$0x1E200] =	vst v63  }
0x525: {  	s4 =	sld [smem:$0x7D1]  }
0x526: {  	s7 =	sld [smem:$0x7D2];
	_ =	sdelay $0x1  }
0x527: {  	s1 =	simm.s32 @!p1 $0x2;
	p1 =	seq.s32 s4, $0x1  }
0x528: {  	s1 =	simm.s32 @p1 $0x0;
	p1 =	seq.s32 s7, $0x1  }
0x529: {  	s3 =	simm.s32 @!p1 $0x2  }
0x52a: {  	s4 =	simm.s32 @!p2 $0x2;
	s1 =	sadd.s32 s0, s1;
	s3 =	simm.s32 @p1 $0x0  }
0x52b: {  	s4 =	simm.s32 @p2 $0x0;
	s1 =	sadd.s32 s3, s1;
	s3 =	simm.s32 @!p3 $0x2  }
0x52c: {  	s3 =	simm.s32 @p3 $0x0;
	s1 =	sadd.s32 s4, s1;
	s4 =	simm.s32 @!p4 $0x2  }
0x52d: {  	s4 =	simm.s32 @p4 $0x0;
	s1 =	sadd.s32 s3, s1;
	s3 =	simm.s32 @!p5 $0x2  }
0x52e: {  	s3 =	simm.s32 @p5 $0x0;
	s1 =	sadd.s32 s4, s1;
	s4 =	simm.s32 @!p6 $0x2  }
0x52f: {  	s4 =	simm.s32 @p6 $0x0;
	s1 =	sadd.s32 s3, s1;
	s3 =	simm.s32 @!p0 $0x2  }
0x530: {  	s1 =	sadd.s32 s4, s1;
	s3 =	simm.s32 @p0 $0x0  }
0x531: {  	s1 =	sadd.s32 s3, s1  }
0x532: {  	s0 =	ssub.s32 s1, s0  }
0x533: {  	p0 =	slt.s32 s0, $0x1  }
.Ltmp39:
0x534: {  	_ = 	snop;
	(pc) =	sbr.rel @p0 .LBB2_57-.Ltmp39, $4  }
0x535: {  	_ = 	snop  }
0x536: {  	_ =	swait.ge [sflag:s8], $0x8000  }
0x537: {  	[sflag:s8] =	ssyncset.done $0x0  }
0x538: {  	[sflag:s8] =	ssyncadd.s32 $0xFFFF8000;
	s1 =	simm.s32 $0x0  }
0x539: {  	s1 =	sadd.s32 $0x1, s1  }
0x53a: {  	p0 =	slt.u32 s1, s0  }
.Ltmp40:
0x53b: {  	_ = 	snop;
	(pc) =	sbr.rel @!p0 .LBB2_56-.Ltmp40, $3  }
0x53c: {  	_ =	sdelay $0x1  }
0x53d: {  	_ =	swait.ge [sflag:s16], $0x4000  }
0x53e: {  	[sflag:s16] =	ssyncset.done $0x0  }
.LBB2_55:
0x53f: {  	s1 =	sadd.s32 $0x1, s1  }
0x540: {  	[sflag:s16] =	ssyncadd.s32 $0xFFFFC000;
	p0 =	slt.u32 s1, s0  }
.Ltmp41:
0x541: {  	(pc) =	sbr.rel @p0 .LBB2_55-.Ltmp41, $3  }
0x542: {  	_ =	sdelay $0x1  }
0x543: {  	_ =	swait.ge [sflag:s16], $0x4000  }
0x544: {  	[sflag:s16] =	ssyncset.done $0x0  }
.LBB2_56:
0x545: {  	[sflag:s16] =	ssyncadd.s32 $0xFFFFC000  }
.LBB2_57:
0x546: {  	v18 =	vperm.xlane v16, v8;
	_ =	sdelay $0x1  }
0x547: {  	v18 =	vadd.s32 v9, v18;
	_ =	sdelay $0x2  }
0x548: {  	[tilespmem:$0x1E080] =	vst v7  }
0x549: {  	[tilespmem:$0x1E090] =	vst v11;
	s0 =	simm.s32 $0x8000  }
0x54a: {  	[tilespmem:s0], [sflag:$0x1] =	stream.indirect_vreg.gather [hbm4b:s10+s5], $0x80, v18, vm0, $0xb8;
	[tilespmem:$0x1E200] =	vst v63  }
0x54b: {  	v19 =	vperm.xlane v16, v10;
	s1 =	simm.s32 $0x8800  }
0x54c: {  	[tilespmem:s1], [sflag:$0x1] =	stream.indirect_vreg.gather [hbm4b:s12+s5], $0x80, v18, vm0, $0xb8;
	[tilespmem:$0x1E200] =	vst v63  }
0x54d: {  	s3 =	simm.s32 $0x9000;
	v19 =	vadd.s32 v9, v19  }
0x54e: {  	[tilespmem:s3], [sflag:$0x1] =	stream.indirect_vreg.gather [hbm4b:s13+s5], $0x80, v18, vm0, $0xb8;
	[tilespmem:$0x1E200] =	vst v63  }
0x54f: {  	s4 =	simm.s32 $0x9800  }
0x550: {  	[tilespmem:s4], [sflag:$0x1] =	stream.indirect_vreg.gather [hbm4b:s24+s5], $0x80, v18, vm0, $0xb8;
	[tilespmem:$0x1E200] =	vst v63  }
0x551: {  	s7 =	simm.s32 $0xA000  }
0x552: {  	[tilespmem:s7], [sflag:$0x1] =	stream.indirect_vreg.gather [hbm4b:s10+s5], $0x80, v19, vm0, $0xb8;
	[tilespmem:$0x1E200] =	vst v63  }
0x553: {  	s1 =	simm.s32 $0xA800  }
0x554: {  	[tilespmem:s1], [sflag:$0x1] =	stream.indirect_vreg.gather [hbm4b:s12+s5], $0x80, v19, vm0, $0xb8;
	[tilespmem:$0x1E200] =	vst v63  }
0x555: {  	s3 =	simm.s32 $0xB000  }
0x556: {  	[tilespmem:s3], [sflag:$0x1] =	stream.indirect_vreg.gather [hbm4b:s13+s5], $0x80, v19, vm0, $0xb8;
	[tilespmem:$0x1E200] =	vst v63  }
0x557: {  	s4 =	simm.s32 $0xB800  }
0x558: {  	[tilespmem:s4], [sflag:$0x1] =	stream.indirect_vreg.gather [hbm4b:s24+s5], $0x80, v19, vm0, $0xb8;
	[tilespmem:$0x1E200] =	vst v63  }
0x559: {  	v18 =	vld [tilespmem:$0x1E090];
	_ =	sdelay $0x4  }
0x55a: {  	v19 =	vshll.u32 v18, $0x3  }
0x55b: {  	v18 =	vand.u32 $0x7, v18;
	v19 =	vand.u32 $0xFFFFFFC0, v19  }
0x55c: {  	v18 =	vor.u32 v18, v19  }
0x55d: {  	v19 =	vperm.xlane v18, v8;
	_ =	sdelay $0x1  }
0x55e: {  	v19 =	vadd.s32 v9, v19;
	_ =	sdelay $0x3  }
0x55f: {  	s7 =	simm.s32 $0xC000  }
0x560: {  	[tilespmem:s7], [sflag:$0x1] =	stream.indirect_vreg.gather [hbm4b:s10+s5], $0x80, v19, vm0, $0xb8;
	[tilespmem:$0x1E200] =	vst v63  }
0x561: {  	s1 =	simm.s32 $0xC800;
	v18 =	vperm.xlane v18, v10  }
0x562: {  	[tilespmem:s1], [sflag:$0x1] =	stream.indirect_vreg.gather [hbm4b:s12+s5], $0x80, v19, vm0, $0xb8;
	[tilespmem:$0x1E200] =	vst v63  }
0x563: {  	s3 =	simm.s32 $0xD000;
	v18 =	vadd.s32 v9, v18  }
0x564: {  	[tilespmem:s3], [sflag:$0x1] =	stream.indirect_vreg.gather [hbm4b:s13+s5], $0x80, v19, vm0, $0xb8;
	[tilespmem:$0x1E200] =	vst v63  }
0x565: {  	s4 =	simm.s32 $0xD800  }
0x566: {  	[tilespmem:s4], [sflag:$0x1] =	stream.indirect_vreg.gather [hbm4b:s24+s5], $0x80, v19, vm0, $0xb8;
	[tilespmem:$0x1E200] =	vst v63  }
0x567: {  	s7 =	simm.s32 $0xE000  }
0x568: {  	[tilespmem:s7], [sflag:$0x1] =	stream.indirect_vreg.gather [hbm4b:s10+s5], $0x80, v18, vm0, $0xb8;
	[tilespmem:$0x1E200] =	vst v63  }
0x569: {  	s1 =	simm.s32 $0xE800  }
0x56a: {  	[tilespmem:s1], [sflag:$0x1] =	stream.indirect_vreg.gather [hbm4b:s12+s5], $0x80, v18, vm0, $0xb8;
	[tilespmem:$0x1E200] =	vst v63  }
0x56b: {  	s3 =	simm.s32 $0xF000  }
0x56c: {  	[tilespmem:s3], [sflag:$0x1] =	stream.indirect_vreg.gather [hbm4b:s13+s5], $0x80, v18, vm0, $0xb8;
	[tilespmem:$0x1E200] =	vst v63  }
0x56d: {  	s3 =	sld [smem:$0x7E2]  }
0x56e: {  	s4 =	simm.s32 $0xF800  }
0x56f: {  	[tilespmem:s4], [sflag:$0x1] =	stream.indirect_vreg.gather [hbm4b:s24+s5], $0x80, v18, vm0, $0xb8;
	[tilespmem:$0x1E200] =	vst v63  }
0x570: {  	p1 =	sgt.s32 s3, s17  }
0x571: {  	s1 =	rddreg [dreg:$0xf];
	p0 =	sgt.s32 s3, s2;
	s0 =	simm.s32 @!p1 $0x0  }
0x572: {  	[hbm4b:s1+s0] =	stream.linear.scatter @!p1 [tilespmem:s0], [sflag:$0x3], $0x8000, $0x38;
	[tilespmem:$0x1E200] =	vst v63  }
0x573: {  	s0 =	simm.s32 @!p0 $0x0  }
0x574: {  	s1 =	rddreg [dreg:$0x10];
	s0 =	simm.s32 @p0 $0x1  }
0x575: {  	[smem:$0x7C7] =	sst s0;
	s0 =	simm.s32 @!p0 $0x0  }
0x576: {  	[hbm4b:s1+s0] =	stream.linear.scatter @!p0 [tilespmem:s0], [sflag:$0x3], $0x8000, $0x38;
	[tilespmem:$0x1E200] =	vst v63  }
0x577: {  	p0 =	sgt.s32 s3, s21  }
0x578: {  	s0 =	simm.s32 @!p0 $0x0  }
0x579: {  	s1 =	rddreg [dreg:$0x11];
	s0 =	simm.s32 @p0 $0x1  }
0x57a: {  	[smem:$0x7C8] =	sst s0;
	s0 =	simm.s32 @!p0 $0x0  }
0x57b: {  	[hbm4b:s1+s0] =	stream.linear.scatter @!p0 [tilespmem:s0], [sflag:$0x3], $0x8000, $0x38;
	[tilespmem:$0x1E200] =	vst v63  }
0x57c: {  	p0 =	sgt.s32 s3, s20  }
0x57d: {  	s0 =	simm.s32 @!p0 $0x0  }
0x57e: {  	s1 =	rddreg [dreg:$0x12];
	s0 =	simm.s32 @p0 $0x1  }
0x57f: {  	[smem:$0x7C9] =	sst s0;
	s0 =	simm.s32 @!p0 $0x0  }
0x580: {  	[hbm4b:s1+s0] =	stream.linear.scatter @!p0 [tilespmem:s0], [sflag:$0x3], $0x8000, $0x38;
	[tilespmem:$0x1E200] =	vst v63  }
0x581: {  	p0 =	sgt.s32 s3, s19  }
0x582: {  	s0 =	simm.s32 @!p0 $0x0  }
0x583: {  	s1 =	rddreg [dreg:$0x13];
	s0 =	simm.s32 @p0 $0x1  }
0x584: {  	[smem:$0x7CA] =	sst s0;
	s0 =	simm.s32 @!p0 $0x0  }
0x585: {  	[hbm4b:s1+s0] =	stream.linear.scatter @!p0 [tilespmem:s0], [sflag:$0x3], $0x8000, $0x38;
	[tilespmem:$0x1E200] =	vst v63  }
0x586: {  	p0 =	sgt.s32 s3, s18  }
0x587: {  	s0 =	simm.s32 @!p0 $0x0  }
0x588: {  	s1 =	rddreg [dreg:$0x14];
	s0 =	simm.s32 @p0 $0x1  }
0x589: {  	[smem:$0x7CB] =	sst s0;
	s0 =	simm.s32 @!p0 $0x0  }
0x58a: {  	[hbm4b:s1+s0] =	stream.linear.scatter @!p0 [tilespmem:s0], [sflag:$0x3], $0x8000, $0x38;
	[tilespmem:$0x1E200] =	vst v63  }
0x58b: {  	p0 =	sgt.s32 s3, s25  }
0x58c: {  	s0 =	simm.s32 @!p0 $0x0  }
0x58d: {  	s1 =	rddreg [dreg:$0x15];
	s0 =	simm.s32 @p0 $0x1  }
0x58e: {  	[smem:$0x7CC] =	sst s0;
	s0 =	simm.s32 @!p0 $0x0  }
0x58f: {  	[hbm4b:s1+s0] =	stream.linear.scatter @!p0 [tilespmem:s0], [sflag:$0x3], $0x8000, $0x38;
	[tilespmem:$0x1E200] =	vst v63  }
0x590: {  	p0 =	sgt.s32 s3, s23  }
0x591: {  	s0 =	simm.s32 @!p0 $0x0  }
0x592: {  	s1 =	rddreg [dreg:$0x16];
	s0 =	simm.s32 @p0 $0x1  }
0x593: {  	[smem:$0x7CD] =	sst s0;
	s0 =	simm.s32 @!p0 $0x0  }
0x594: {  	[hbm4b:s1+s0] =	stream.linear.scatter @!p0 [tilespmem:s0], [sflag:$0x3], $0x8000, $0x38;
	[tilespmem:$0x1E200] =	vst v63  }
0x595: {  	_ =	swait.ge [sflag:s8], $0x8000  }
0x596: {  	s7 =	sld [smem:$0x7E3];
	_ =	sdelay $0x2  }
0x597: {  	p0 =	sgt.s32 s7, s17  }
0x598: {  	[sflag:s8] =	ssyncset.done $0x0;
	s4 =	sld [smem:$0x7E4];
	s0 =	simm.s32 @!p0 $0x0  }
0x599: {  	[sflag:s8] =	ssyncadd.s32 $0xFFFF8000;
	s0 =	simm.s32 @p0 $0x1  }
0x59a: {  	s1 =	simm.s32 @!p0 $0x8000;
	[smem:$0x7CE] =	sst s0;
	s0 =	simm.s32 @!p0 $0x0  }
0x59b: {  	[hbm4b:s4+s0] =	stream.linear.scatter @!p0 [tilespmem:s1], [sflag:$0x3], $0x8000, $0x38;
	[tilespmem:$0x1E200] =	vst v63  }
0x59c: {  	p0 =	sgt.s32 s7, s2  }
0x59d: {  	s2 =	sld [smem:$0x7E5];
	s0 =	simm.s32 @!p0 $0x0  }
0x59e: {  	s0 =	simm.s32 @p0 $0x1  }
0x59f: {  	s1 =	simm.s32 @!p0 $0x8000;
	[smem:$0x7CF] =	sst s0;
	s0 =	simm.s32 @!p0 $0x0  }
0x5a0: {  	[hbm4b:s2+s0] =	stream.linear.scatter @!p0 [tilespmem:s1], [sflag:$0x3], $0x8000, $0x38;
	[tilespmem:$0x1E200] =	vst v63  }
0x5a1: {  	p0 =	sgt.s32 s7, s21  }
0x5a2: {  	s2 =	sld [smem:$0x7E6];
	s0 =	simm.s32 @!p0 $0x0  }
0x5a3: {  	s0 =	simm.s32 @p0 $0x1  }
0x5a4: {  	s1 =	simm.s32 @!p0 $0x8000;
	[smem:$0x7D0] =	sst s0;
	s0 =	simm.s32 @!p0 $0x0  }
0x5a5: {  	[hbm4b:s2+s0] =	stream.linear.scatter @!p0 [tilespmem:s1], [sflag:$0x3], $0x8000, $0x38;
	[tilespmem:$0x1E200] =	vst v63  }
0x5a6: {  	s2 =	sld [smem:$0x7E7]  }
0x5a7: {  	p6 =	sgt.s32 s7, s20  }
0x5a8: {  	s0 =	simm.s32 @!p6 $0x0;
	s1 =	simm.s32 @!p6 $0x8000  }
0x5a9: {  	[hbm4b:s2+s0] =	stream.linear.scatter @!p6 [tilespmem:s1], [sflag:$0x3], $0x8000, $0x38;
	[tilespmem:$0x1E200] =	vst v63  }
0x5aa: {  	s2 =	sld [smem:$0x7E8]  }
0x5ab: {  	p5 =	sgt.s32 s7, s19  }
0x5ac: {  	s0 =	simm.s32 @!p5 $0x0;
	s1 =	simm.s32 @!p5 $0x8000  }
0x5ad: {  	[hbm4b:s2+s0] =	stream.linear.scatter @!p5 [tilespmem:s1], [sflag:$0x3], $0x8000, $0x38;
	[tilespmem:$0x1E200] =	vst v63  }
0x5ae: {  	s2 =	sld [smem:$0x7E9]  }
0x5af: {  	p4 =	sgt.s32 s7, s18  }
0x5b0: {  	s0 =	simm.s32 @!p4 $0x0;
	s1 =	simm.s32 @!p4 $0x8000  }
0x5b1: {  	[hbm4b:s2+s0] =	stream.linear.scatter @!p4 [tilespmem:s1], [sflag:$0x3], $0x8000, $0x38;
	[tilespmem:$0x1E200] =	vst v63  }
0x5b2: {  	s2 =	sld [smem:$0x7EA]  }
0x5b3: {  	p2 =	sgt.s32 s7, s25  }
0x5b4: {  	s0 =	simm.s32 @!p2 $0x0;
	s1 =	simm.s32 @!p2 $0x8000  }
0x5b5: {  	[hbm4b:s2+s0] =	stream.linear.scatter @!p2 [tilespmem:s1], [sflag:$0x3], $0x8000, $0x38;
	[tilespmem:$0x1E200] =	vst v63  }
0x5b6: {  	s2 =	sld [smem:$0x7EB]  }
0x5b7: {  	p3 =	sgt.s32 s7, s23;
	s4 =	sld [smem:$0x7C7]  }
0x5b8: {  	s7 =	sld [smem:$0x7C8];
	s0 =	simm.s32 @!p3 $0x0;
	s1 =	simm.s32 @!p3 $0x8000  }
0x5b9: {  	[hbm4b:s2+s0] =	stream.linear.scatter @!p3 [tilespmem:s1], [sflag:$0x3], $0x8000, $0x38;
	[tilespmem:$0x1E200] =	vst v63  }
0x5ba: {  	s8 =	sld [smem:$0x7C9];
	p0 =	por p1, p1;
	s0 =	simm.s32 @!p1 $0x2  }
0x5bb: {  	p1 =	seq.s32 s4, $0x1;
	s0 =	simm.s32 @p0 $0x0;
	p0 =	seq.s32 s7, $0x1  }
0x5bc: {  	s17 =	sld [smem:$0x7CA];
	s1 =	simm.s32 @!p1 $0x2;
	s2 =	simm.s32 @!p0 $0x2  }
0x5bd: {  	s1 =	simm.s32 @p1 $0x0;
	s2 =	simm.s32 @p0 $0x0;
	p0 =	seq.s32 s8, $0x1  }
0x5be: {  	s18 =	sld [smem:$0x7CB];
	s0 =	sadd.s32 s0, s1;
	s1 =	simm.s32 @!p0 $0x2  }
0x5bf: {  	s1 =	simm.s32 @p0 $0x0;
	p0 =	seq.s32 s17, $0x1  }
0x5c0: {  	s19 =	sld [smem:$0x7CC];
	s0 =	sadd.s32 s2, s0;
	s2 =	simm.s32 @!p0 $0x2  }
0x5c1: {  	s2 =	simm.s32 @p0 $0x0;
	p0 =	seq.s32 s18, $0x1  }
0x5c2: {  	s20 =	sld [smem:$0x7CD];
	s0 =	sadd.s32 s1, s0;
	s1 =	simm.s32 @!p0 $0x2  }
0x5c3: {  	s1 =	simm.s32 @p0 $0x0;
	p0 =	seq.s32 s19, $0x1  }
0x5c4: {  	s21 =	sld [smem:$0x7CE];
	s0 =	sadd.s32 s2, s0;
	s2 =	simm.s32 @!p0 $0x2  }
0x5c5: {  	s2 =	simm.s32 @p0 $0x0;
	p0 =	seq.s32 s20, $0x1  }
0x5c6: {  	s23 =	sld [smem:$0x7CF];
	s0 =	sadd.s32 s1, s0;
	s1 =	simm.s32 @!p0 $0x2  }
0x5c7: {  	s1 =	simm.s32 @p0 $0x0;
	p0 =	seq.s32 s21, $0x1  }
0x5c8: {  	s25 =	sld [smem:$0x7D0];
	s0 =	sadd.s32 s2, s0;
	s2 =	simm.s32 @!p0 $0x2  }
0x5c9: {  	s2 =	simm.s32 @p0 $0x0;
	p0 =	seq.s32 s23, $0x1  }
0x5ca: {  	s0 =	sadd.s32 s1, s0;
	s1 =	simm.s32 @!p0 $0x2  }
0x5cb: {  	s1 =	simm.s32 @p0 $0x0;
	p0 =	seq.s32 s25, $0x1  }
0x5cc: {  	s0 =	sadd.s32 s2, s0;
	s2 =	simm.s32 @!p0 $0x2  }
0x5cd: {  	s0 =	sadd.s32 s1, s0;
	s1 =	simm.s32 @!p6 $0x2;
	s2 =	simm.s32 @p0 $0x0  }
0x5ce: {  	s1 =	simm.s32 @p6 $0x0;
	s0 =	sadd.s32 s2, s0;
	s2 =	simm.s32 @!p5 $0x2  }
0x5cf: {  	s2 =	simm.s32 @p5 $0x0;
	s0 =	sadd.s32 s1, s0;
	s1 =	simm.s32 @!p4 $0x2  }
0x5d0: {  	s1 =	simm.s32 @p4 $0x0;
	s0 =	sadd.s32 s2, s0;
	s2 =	simm.s32 @!p2 $0x2  }
0x5d1: {  	s2 =	simm.s32 @p2 $0x0;
	s0 =	sadd.s32 s1, s0;
	s1 =	simm.s32 @!p3 $0x2  }
0x5d2: {  	s0 =	sadd.s32 s2, s0;
	s1 =	simm.s32 @p3 $0x0  }
0x5d3: {  	s0 =	sadd.s32 s1, s0  }
0x5d4: {  	p0 =	sgt.s32 s0, $0x0  }
.Ltmp42:
0x5d5: {  	_ = 	snop;
	(pc) =	sbr.rel @!p0 .LBB2_58-.Ltmp42, $3  }
0x5d6: {  	_ =	sdelay $0x1  }
0x5d7: {  	s18 =	simm.s32 $0x1C000  }
0x5d8: {  	s19 =	simm.s32 $0x2;
	s20 =	simm.s32 $0x1D000;
	s1 =	simm.s32 $0x0  }
0x5d9: {  	s1 =	sadd.s32 $0x1, s1  }
0x5da: {  	p0 =	slt.u32 s1, s0  }
.Ltmp43:
0x5db: {  	_ = 	snop;
	(pc) =	sbr.rel @!p0 .LBB2_66-.Ltmp43, $3  }
0x5dc: {  	_ =	sdelay $0x1  }
0x5dd: {  	_ =	swait.ge [sflag:s16], $0x4000  }
0x5de: {  	[sflag:s16] =	ssyncset.done $0x0  }
.LBB2_65:
0x5df: {  	s1 =	sadd.s32 $0x1, s1  }
0x5e0: {  	[sflag:s16] =	ssyncadd.s32 $0xFFFFC000;
	p0 =	slt.u32 s1, s0  }
.Ltmp44:
0x5e1: {  	(pc) =	sbr.rel @p0 .LBB2_65-.Ltmp44, $3  }
0x5e2: {  	_ =	sdelay $0x1  }
0x5e3: {  	_ =	swait.ge [sflag:s16], $0x4000  }
0x5e4: {  	[sflag:s16] =	ssyncset.done $0x0  }
.LBB2_66:
0x5e5: {  	[sflag:s16] =	ssyncadd.s32 $0xFFFFC000  }
.LBB2_58:
0x5e6: {  	s0 =	sld [smem:$0x7DE];
	_ =	sdelay $0x2  }
0x5e7: {  	p0 =	seq.s32 s0, $0x1  }
.Ltmp45:
0x5e8: {  	_ = 	snop;
	(pc) =	sbr.rel @!p0 .LBB2_62-.Ltmp45, $2  }
0x5e9: {  	_ =	sdelay $0x2  }
0x5ea: {  	s1 =	sld [smem:$0x7E0]  }
0x5eb: {  	s0 =	sld [smem:$0x7DF];
	_ =	sdelay $0x2  }
0x5ec: {  	p0 =	sne.s32 s0, $0x1  }
.Ltmp46:
0x5ed: {  	_ = 	snop;
	(pc) =	sbr.rel @!p0 .LBB2_61-.Ltmp46, $3  }
0x5ee: {  	_ =	sdelay $0x1  }
0x5ef: {  	_ =	swait.ge [sflag:s22], $0x4000  }
0x5f0: {  	[sflag:s22] =	ssyncset.done $0x0;
	s0 =	sadd.s32 $0xFFFFFFFF, s0  }
.LBB2_60:
0x5f1: {  	p0 =	sne.s32 s0, $0x1;
	s0 =	sadd.s32 $0xFFFFFFFF, s0;
	[sflag:s22] =	ssyncadd.s32 $0xFFFFC000  }
.Ltmp47:
0x5f2: {  	(pc) =	sbr.rel @p0 .LBB2_60-.Ltmp47, $3  }
0x5f3: {  	_ =	sdelay $0x1  }
0x5f4: {  	_ =	swait.ge [sflag:s22], $0x4000  }
0x5f5: {  	[sflag:s22] =	ssyncset.done $0x0  }
.Ltmp48:
0x5f6: {  	_ = 	snop;
	(pc) =	sbr.rel .LBB2_61-.Ltmp48, $1  }
0x5f7: {  	_ =	sdelay $0x3  }
.LBB2_36:
.Ltmp49:
0x5f8: {  	p1 =	por $0x0, $0x0;
	(pc) =	sbr.rel .LBB2_39-.Ltmp49, $4  }
0x5f9: {  	s0 =	simm.s32 $0x1;
	p1 =	por @!p0 p1, p1  }
0x5fa: {  	s0 =	simm.s32 @p0 $0x1;
	s1 =	simm.s32 @!p1 $0x0  }
0x5fb: {  	[smem:$0x7DF] =	sst s0;
	s1 =	simm.s32 @p1 $0x1  }
0x5fc: {  	[smem:$0x7DE] =	sst s1  }
.LBB2_63:
0x5fd: {  	_ =	sfence.sel $0x180000  }
0x5fe: {  	[bflag:$0x0] =	sbarrier.arrive $0xFFFF  }
0x5ff: {  	_ =	strace $0x90000047  }
0x600: {  	s0 =	stileid.u32;
	[bflag:$0x2] =	sbarrier.arrive $0xFFFF  }
0x601: {  	p0 =	sne.s32 s0, $0x0;
	s0 =	rddreg [dreg:$0x3]  }
0x602: {  	s0 =	sadd.s32 @!p0 $0x100000, s0  }
0x603: {  	[sflag:s0] =	ssyncadd.tile.s32 @!p0 $0x1;
	_ =	shalt  }
.Lfunc_end2:
_tile_overlayer_lowered:
.L_overlay_start_2:
0x604: {  	(tag) =	ssettag $0x2  }
0x605: {  	s0 =	rddreg [dreg:$0x0];
	s2 =	stileid.u32  }
0x606: {  	s1 =	rddreg [dreg:$0x1];
	p0 =	sne.s32 s2, $0x0  }
0x607: {  	s3 =	rddreg [dreg:$0x2];
	[bflag:$0x3] =	sbarrier.arrive $0xFFFF;
	s2 =	simm.s32 @!p0 $0x1C06  }
0x608: {  	[timem:s3], [sflag:s2] =	dma.local @!p0 [hbm:s0], s1  }
0x609: {  	s0 =	simm.s32 @!p0 $0x6  }
0x60a: {  	_ =	swait.ge @!p0 [sflag:s0], s1  }
0x60b: {  	s1 =	ssub.s32 @!p0 $0x0, s1;
	[sflag:s0] =	ssyncset.done @!p0 $0x0  }
0x60c: {  	[sflag:s0] =	ssyncadd.s32 @!p0 s1  }
0x60d: {  	[bflag:$0x3] =	sbarrier.arrive $0xFFFF  }
0x60e: {  	_ =	shalt  }

</sc_bundles>
